<compile_context>
chip_gen: v7x
topology: tpu7x:2x2x1
jax: 0.10.2.dev20260603
libtpu: 0.0.44.dev20260713+nightly
codegen_flags: <defaults>
</compile_context>

<pallas_src>
import functools

import jax
import jax.numpy as jnp
from jax import lax
from jax.experimental import pallas as pl
from jax.experimental.pallas import tpu as pltpu
from jax.experimental.pallas import tpu_sc as plsc

N = 10000
D_IN = 128
D_HID = 128
D_OUT = 40
D_OUT_PAD = 64
E = 320000

NC = 2
NS = 16
NW = NC * NS
C = 80
NBUF = 5
ROWS_PW = N // NS
DEG_W = 16
DH1 = D_HID // 2
DH2 = D_OUT_PAD // 2

EPW = E // NW
NCHUNK = EPW // C
NCHUNK_F = E // NS // C

_mesh = plsc.VectorSubcoreMesh(core_axis_name="c", subcore_axis_name="s")
_sc_params = pltpu.CompilerParams(use_tc_tiling_on_sc=False)


NCHUNK_D = NCHUNK_F // NC


@functools.partial(
    pl.kernel,
    out_type=jax.ShapeDtypeStruct((NC, N, DEG_W), jnp.float32),
    mesh=_mesh,
    compiler_params=_sc_params,
    scratch_types=[
        pltpu.VMEM((NCHUNK_D, C), jnp.int32),
        pltpu.VMEM((C, DEG_W), jnp.float32),
        pltpu.VMEM_SHARED((N, DEG_W), jnp.float32),
        pltpu.SemaphoreType.DMA,
    ],
)
def _deg_kernel(ei_hbm, ones_hbm, out_hbm, dstv, onesv, acc, sem):
    c = lax.axis_index("c")
    s = lax.axis_index("s")
    base = s * (E // NS) + c * NCHUNK_D * C

    @pl.loop(0, NCHUNK_D)
    def _fill(j):
        pltpu.async_copy(ei_hbm.at[1, pl.ds(base + j * C, C)],
                         dstv.at[j], sem)

    @pl.loop(0, NCHUNK_D)
    def _drainf(j):
        pltpu.make_async_copy(ei_hbm.at[1, pl.ds(0, C)],
                              dstv.at[j], sem).wait()

    pltpu.sync_copy(ones_hbm.at[pl.ds(0, C)], onesv)
    pltpu.sync_copy(ones_hbm.at[pl.ds(s * ROWS_PW, ROWS_PW)],
                    acc.at[pl.ds(s * ROWS_PW, ROWS_PW)])
    plsc.subcore_barrier()

    @pl.loop(0, NCHUNK_D, step=NBUF)
    def _group(g):
        ds = [pltpu.async_copy(onesv, acc.at[dstv.at[g + b]], sem, add=True)
              for b in range(NBUF)]
        for d in ds:
            d.wait()

    plsc.subcore_barrier()
    pltpu.sync_copy(acc.at[pl.ds(s * ROWS_PW, ROWS_PW)],
                    out_hbm.at[c, pl.ds(s * ROWS_PW, ROWS_PW)])


def _make_agg(D):
    @functools.partial(
        pl.kernel,
        out_type=jax.ShapeDtypeStruct((NC, N, D), jnp.float32),
        mesh=_mesh,
        compiler_params=_sc_params,
        scratch_types=[
            pltpu.VMEM((E // NS,), jnp.int32),
            pltpu.VMEM((2, NBUF, C), jnp.int32),
            pltpu.VMEM((2, NBUF, C, D), jnp.float32),
            pltpu.VMEM_SHARED((N, D), jnp.float32),
            pltpu.SemaphoreType.DMA,
            pltpu.SemaphoreType.DMA,
            pltpu.SemaphoreType.DMA,
        ],
    )
    def _agg(hs0_hbm, hs1_hbm, ei_hbm, dummy_hbm, out_hbm,
             srcv, dring, rows2, acc, gsem, ssem, isem):
        c = lax.axis_index("c")
        s = lax.axis_index("s")
        ebase = s * (E // NS)
        pltpu.sync_copy(ei_hbm.at[0, pl.ds(ebase, E // NS)], srcv)

        def _half(hs_hbm):
            def fire_g(g, ph):
                for b in range(NBUF):
                    pltpu.async_copy(
                        ei_hbm.at[1, pl.ds(ebase + (g * NBUF + b) * C, C)],
                        dring.at[ph, b], isem)
                for b in range(NBUF):
                    pltpu.async_copy(
                        hs_hbm.at[srcv.at[pl.ds((g * NBUF + b) * C, C)]],
                        rows2.at[ph, b], gsem)

            def drain_g(g, ph):
                pltpu.make_async_copy(dummy_hbm, rows2.at[ph], gsem).wait()
                for b in range(NBUF):
                    pltpu.make_async_copy(ei_hbm.at[1, pl.ds(0, C)],
                                          dring.at[ph, b], isem).wait()

            def fire_s(g, ph):
                for b in range(NBUF):
                    pltpu.async_copy(rows2.at[ph, b],
                                     acc.at[dring.at[ph, b]], ssem,
                                     add=True)

            def drain_s(g, ph):
                pltpu.make_async_copy(dummy_hbm, rows2.at[ph], ssem).wait()

            G = NCHUNK_F // NBUF
            fire_g(0, 0)
            pltpu.sync_copy(hs_hbm.at[pl.ds(s * ROWS_PW, ROWS_PW)],
                            acc.at[pl.ds(s * ROWS_PW, ROWS_PW)])
            plsc.subcore_barrier()

            @pl.loop(0, G, step=2)
            def _pair(g):
                @pl.when(g >= 2)
                def _():
                    drain_s(g - 1, 1)

                drain_g(g, 0)
                fire_s(g, 0)
                fire_g(g + 1, 1)
                drain_g(g + 1, 1)
                drain_s(g, 0)
                fire_s(g + 1, 1)

                @pl.when(g + 2 < G)
                def _():
                    fire_g(g + 2, 0)

            drain_s(G - 1, 1)
            plsc.subcore_barrier()
            pltpu.sync_copy(acc.at[pl.ds(s * ROWS_PW, ROWS_PW)],
                            out_hbm.at[c, pl.ds(s * ROWS_PW, ROWS_PW)])

        @pl.when(c == 0)
        def _():
            _half(hs0_hbm)

        @pl.when(c == 1)
        def _():
            _half(hs1_hbm)

    return _agg


_agg_l1 = _make_agg(DH1)
C2 = 40
NCHUNK2 = EPW // C2
G2 = NCHUNK2 // NBUF


@functools.partial(
    pl.kernel,
    out_type=jax.ShapeDtypeStruct((NC, N, D_OUT_PAD), jnp.float32),
    mesh=_mesh,
    compiler_params=_sc_params,
    scratch_types=[
        pltpu.VMEM((EPW,), jnp.int32),
        pltpu.VMEM((2, NBUF, C2), jnp.int32),
        pltpu.VMEM((2, NBUF, C2, D_OUT_PAD), jnp.float32),
        pltpu.VMEM_SHARED((N, D_OUT_PAD), jnp.float32),
        pltpu.SemaphoreType.DMA,
        pltpu.SemaphoreType.DMA,
        pltpu.SemaphoreType.DMA,
    ],
)
def _agg_l2(hs_hbm, ei_hbm, dummy_hbm, out_hbm,
            srcv, dring, rows2, acc, gsem, ssem, isem):
    c = lax.axis_index("c")
    s = lax.axis_index("s")
    w = s * NC + c
    ebase = w * EPW
    pltpu.sync_copy(ei_hbm.at[0, pl.ds(ebase, EPW)], srcv)

    def fire_g(g, ph):
        for b in range(NBUF):
            pltpu.async_copy(
                ei_hbm.at[1, pl.ds(ebase + (g * NBUF + b) * C2, C2)],
                dring.at[ph, b], isem)
        for b in range(NBUF):
            pltpu.async_copy(
                hs_hbm.at[srcv.at[pl.ds((g * NBUF + b) * C2, C2)]],
                rows2.at[ph, b], gsem)

    def drain_g(g, ph):
        pltpu.make_async_copy(dummy_hbm, rows2.at[ph], gsem).wait()
        for b in range(NBUF):
            pltpu.make_async_copy(ei_hbm.at[1, pl.ds(0, C2)],
                                  dring.at[ph, b], isem).wait()

    def fire_s(g, ph):
        for b in range(NBUF):
            pltpu.async_copy(rows2.at[ph, b], acc.at[dring.at[ph, b]],
                             ssem, add=True)

    def drain_s(g, ph):
        pltpu.make_async_copy(dummy_hbm, rows2.at[ph], ssem).wait()

    fire_g(0, 0)
    pltpu.sync_copy(hs_hbm.at[pl.ds(s * ROWS_PW, ROWS_PW)],
                    acc.at[pl.ds(s * ROWS_PW, ROWS_PW)])
    plsc.subcore_barrier()

    @pl.loop(0, G2, step=2)
    def _pair(g):
        @pl.when(g >= 2)
        def _():
            drain_s(g - 1, 1)

        drain_g(g, 0)
        fire_s(g, 0)
        fire_g(g + 1, 1)
        drain_g(g + 1, 1)
        drain_s(g, 0)
        fire_s(g + 1, 1)

        @pl.when(g + 2 < G2)
        def _():
            fire_g(g + 2, 0)

    drain_s(G2 - 1, 1)
    plsc.subcore_barrier()
    pltpu.sync_copy(acc.at[pl.ds(s * ROWS_PW, ROWS_PW)],
                    out_hbm.at[c, pl.ds(s * ROWS_PW, ROWS_PW)])


_BLK = 2000
_GRID = N // _BLK


def _tc1_body(x_ref, w1_ref, deg_ref, hsa_ref, hsb_ref, dinv_ref):
    deg = deg_ref[0, :, 0:1] + deg_ref[1, :, 0:1] - 1.0
    dinv = lax.rsqrt(deg)
    h = jnp.dot(x_ref[...], w1_ref[...], preferred_element_type=jnp.float32)
    hs = h * dinv
    hsa_ref[...] = hs[:, :DH1]
    hsb_ref[...] = hs[:, DH1:]
    dinv_ref[...] = dinv


def _tc1(x, w1, degp):
    return pl.pallas_call(
        _tc1_body,
        grid=(_GRID,),
        in_specs=[
            pl.BlockSpec((_BLK, D_IN), lambda i: (i, 0)),
            pl.BlockSpec((D_IN, D_HID), lambda i: (0, 0)),
            pl.BlockSpec((NC, _BLK, DEG_W), lambda i: (0, i, 0)),
        ],
        out_specs=[
            pl.BlockSpec((_BLK, DH1), lambda i: (i, 0)),
            pl.BlockSpec((_BLK, DH1), lambda i: (i, 0)),
            pl.BlockSpec((_BLK, 1), lambda i: (i, 0)),
        ],
        out_shape=[
            jax.ShapeDtypeStruct((N, DH1), jnp.float32),
            jax.ShapeDtypeStruct((N, DH1), jnp.float32),
            jax.ShapeDtypeStruct((N, 1), jnp.float32),
        ],
    )(x, w1, degp)


def _tc2_body(acc_ref, dinv_ref, b1_ref, w2_ref, hs_ref):
    dinv = dinv_ref[...]
    cat = jnp.concatenate([acc_ref[0], acc_ref[1]], axis=1)
    z = dinv * cat + b1_ref[...]
    r = jnp.maximum(z, 0.0)
    hs_ref[...] = jnp.dot(
        r, w2_ref[...], preferred_element_type=jnp.float32) * dinv


def _tc2(accs1, dinv, b1, w2p):
    return pl.pallas_call(
        _tc2_body,
        grid=(_GRID,),
        in_specs=[
            pl.BlockSpec((NC, _BLK, DH1), lambda i: (0, i, 0)),
            pl.BlockSpec((_BLK, 1), lambda i: (i, 0)),
            pl.BlockSpec((1, D_HID), lambda i: (0, 0)),
            pl.BlockSpec((D_HID, D_OUT_PAD), lambda i: (0, 0)),
        ],
        out_specs=pl.BlockSpec((_BLK, D_OUT_PAD), lambda i: (i, 0)),
        out_shape=jax.ShapeDtypeStruct((N, D_OUT_PAD), jnp.float32),
    )(accs1, dinv, b1, w2p)


def _tc3_body(acc_ref, hs_ref, dinv_ref, b2_ref, out_ref):
    tot = acc_ref[0] + acc_ref[1] - hs_ref[...]
    out_ref[...] = (dinv_ref[...] * tot)[:, :D_OUT] + b2_ref[...]


def _tc3(accs2, hs2, dinv, b2):
    return pl.pallas_call(
        _tc3_body,
        grid=(_GRID,),
        in_specs=[
            pl.BlockSpec((NC, _BLK, D_OUT_PAD), lambda i: (0, i, 0)),
            pl.BlockSpec((_BLK, D_OUT_PAD), lambda i: (i, 0)),
            pl.BlockSpec((_BLK, 1), lambda i: (i, 0)),
            pl.BlockSpec((1, D_OUT), lambda i: (0, 0)),
        ],
        out_specs=pl.BlockSpec((_BLK, D_OUT), lambda i: (i, 0)),
        out_shape=jax.ShapeDtypeStruct((N, D_OUT), jnp.float32),
    )(accs2, hs2, dinv, b2)


@jax.jit
def _run(x, edge_index, W1, b1, W2, b2):
    ei = edge_index.astype(jnp.int32)
    ones = jnp.ones((N, DEG_W), jnp.float32)

    dummy1 = jnp.zeros((NBUF, C, DH1), jnp.float32)
    dummy2 = jnp.zeros((NBUF, C2, D_OUT_PAD), jnp.float32)

    degp = _deg_kernel(ei, ones)
    hs1a, hs1b, dinv = _tc1(x, W1, degp)
    accs1 = _agg_l1(hs1a, hs1b, ei, dummy1)

    w2p = jnp.pad(W2, ((0, 0), (0, D_OUT_PAD - D_OUT)))
    hs2 = _tc2(accs1, dinv, b1.reshape(1, D_HID), w2p)
    accs2 = _agg_l2(hs2, ei, dummy2)
    return _tc3(accs2, hs2, dinv, b2.reshape(1, D_OUT))


def kernel(x, edge_index, W1, b1, W2, b2):
    return _run(x, edge_index, W1, b1, W2, b2)

# --- scband reference (transcript-rebuilt; emitter-appended) ---
"""Pipeline reference for scband-gcn-21139829031083 (READ-ONLY COPY).

The authoritative reference and input builder live on the scoring server;
editing this copy changes nothing except your own understanding.
"""

import jax, jax.numpy as jnp
import numpy as np

N_NODES = 10000
D_IN = 128
D_HID = 128
D_OUT = 40
N_EDGES = 320000


def gcn_conv(x, src, dst, W, b, n):
    # PyG GCNConv with add_self_loops=True, normalize=True
    h = x @ W
    ones = jnp.ones((src.shape[0],), dtype=h.dtype)
    deg = jnp.zeros((n,), dtype=h.dtype).at[dst].add(ones) + 1.0  # +1 for self-loop
    dinv = jax.lax.rsqrt(deg)
    norm = dinv[src] * dinv[dst]
    msg = h[src] * norm[:, None]
    out = jnp.zeros((n, h.shape[1]), dtype=h.dtype).at[dst].add(msg)
    # self-loop contribution: norm_ii = dinv[i] * dinv[i]
    out = out + h * (dinv * dinv)[:, None]
    return out + b


def setup_inputs(seed: int = 0) -> dict:
    key = jax.random.key(seed)
    k1, k2, k3, k4, k5, k6 = jax.random.split(key, 6)
    x = jax.random.normal(k1, (N_NODES, D_IN), dtype=jnp.float32)
    edge_index = jax.random.randint(k2, (2, N_EDGES), 0, N_NODES, dtype=jnp.int64)
    W1 = jax.random.normal(k3, (D_IN, D_HID), dtype=jnp.float32) * (1.0 / np.sqrt(D_IN))
    b1 = jnp.zeros((D_HID,), dtype=jnp.float32)
    W2 = jax.random.normal(k4, (D_HID, D_OUT), dtype=jnp.float32) * (1.0 / np.sqrt(D_HID))
    b2 = jnp.zeros((D_OUT,), dtype=jnp.float32)
    return {"x": x, "edge_index": edge_index, "W1": W1, "b1": b1, "W2": W2, "b2": b2}


def reference(x, edge_index, W1, b1, W2, b2):
    src = edge_index[0]
    dst = edge_index[1]
    n = x.shape[0]
    h = gcn_conv(x, src, dst, W1, b1, n)
    h = jax.nn.relu(h)
    out = gcn_conv(h, src, dst, W2, b2, n)
    return out

if __name__ == "__main__":
    import jax
    _d = setup_inputs()
    print(jax.jit(kernel)(*tuple(_d.values())))

</pallas_src>

<mosaic_0001>
#map = affine_map<(d0, d1) -> (0, 0)>
#map1 = affine_map<(d0, d1) -> (0, 0, 0)>
module attributes {stable_mosaic.version = 14 : i64} {
  func.func @_agg(%arg0: i32, %arg1: i32, %arg2: memref<10000x64xf32, #tpu.memory_space<hbm>>, %arg3: memref<10000x64xf32, #tpu.memory_space<hbm>>, %arg4: memref<2x320000xi32, #tpu.memory_space<hbm>>, %arg5: memref<5x80x64xf32, #tpu.memory_space<hbm>>, %arg6: memref<2x10000x64xf32, #tpu.memory_space<hbm>>, %arg7: memref<20000xi32, #tpu.memory_space<vmem>>, %arg8: memref<2x5x80xi32, #tpu.memory_space<vmem>>, %arg9: memref<2x5x80x64xf32, #tpu.memory_space<vmem>>, %arg10: memref<10000x64xf32, #tpu.memory_space<vmem_shared>>, %arg11: memref<!tpu.dma_semaphore, #tpu.memory_space<semaphore_mem>>, %arg12: memref<!tpu.dma_semaphore, #tpu.memory_space<semaphore_mem>>, %arg13: memref<!tpu.dma_semaphore, #tpu.memory_space<semaphore_mem>>) attributes {dimension_semantics = [#tpu.dimension_semantics<core_parallel>, #tpu.dimension_semantics<subcore_parallel>], iteration_bounds = array<i64: 2, 16>, scalar_prefetch = 0 : i64, scratch_operands = 7 : i64, tpu.core_type = #tpu.core_type<sc_vector_subcore>, window_params = [{transform_indices = #map}, {transform_indices = #map}, {transform_indices = #map}, {transform_indices = #map1}, {transform_indices = #map1}]} {
    %mul3A = arith.constant 20000 : i32
    %mul3A_0 = arith.muli %arg1, %mul3A : i32
    %run_scoped3A = arith.constant 0 : i32
    "tpu.region"() ({
      %run_scoped3A_8 = tpu.sem_alloc : memref<!tpu.dma_semaphore, #tpu.memory_space<semaphore_mem>>
      %dma_start3A = tpu.memref_slice %arg4[%run_scoped3A, %mul3A_0] : memref<2x320000xi32, #tpu.memory_space<hbm>> -> memref<1x20000xi32, #tpu.memory_space<hbm>>
      %dma_start3A_9 = tpu.memref_squeeze %dma_start3A : memref<1x20000xi32, #tpu.memory_space<hbm>> -> memref<20000xi32, #tpu.memory_space<hbm>>
      %dma_start3A_10 = tpu.memref_slice %arg4[%run_scoped3A, %mul3A_0] : memref<2x320000xi32, #tpu.memory_space<hbm>> -> memref<1x20000xi32, #tpu.memory_space<hbm>>
      %dma_start3A_11 = tpu.memref_squeeze %dma_start3A_10 : memref<1x20000xi32, #tpu.memory_space<hbm>> -> memref<20000xi32, #tpu.memory_space<hbm>>
      tpu.enqueue_dma source(%dma_start3A_11 : memref<20000xi32, #tpu.memory_space<hbm>>) target(%arg7 : memref<20000xi32, #tpu.memory_space<vmem>>) target_semaphore(%run_scoped3A_8 : memref<!tpu.dma_semaphore, #tpu.memory_space<semaphore_mem>>)
      %dma_wait3A = tpu.memref_slice %arg4[%run_scoped3A, %mul3A_0] : memref<2x320000xi32, #tpu.memory_space<hbm>> -> memref<1x20000xi32, #tpu.memory_space<hbm>>
      %dma_wait3A_12 = tpu.memref_squeeze %dma_wait3A : memref<1x20000xi32, #tpu.memory_space<hbm>> -> memref<20000xi32, #tpu.memory_space<hbm>>
      %dma_wait3A_13 = tpu.memref_slice %arg4[%run_scoped3A, %mul3A_0] : memref<2x320000xi32, #tpu.memory_space<hbm>> -> memref<1x20000xi32, #tpu.memory_space<hbm>>
      %dma_wait3A_14 = tpu.memref_squeeze %dma_wait3A_13 : memref<1x20000xi32, #tpu.memory_space<hbm>> -> memref<20000xi32, #tpu.memory_space<hbm>>
      tpu.wait_dma2 semaphore(%run_scoped3A_8 : memref<!tpu.dma_semaphore, #tpu.memory_space<semaphore_mem>>) src(%dma_wait3A_14 : memref<20000xi32, #tpu.memory_space<hbm>>) dst(%arg7 : memref<20000xi32, #tpu.memory_space<vmem>>)
      tpu.yield
    }) : () -> ()
    %eq3A = arith.constant 0 : i32
    %eq3A_1 = arith.cmpi eq, %arg0, %eq3A : i32
    %convert_element_type3A = arith.extui %eq3A_1 : i1 to i32
    %cond3A = arith.constant 0 : i32
    %cond3A_2 = arith.cmpi ne, %convert_element_type3A, %cond3A : i32
    scf.if %cond3A_2 {
      %add3A = arith.constant 0 : i32
      %add3A_8 = arith.addi %mul3A_0, %add3A : i32
      %dma_start3A = arith.constant 1 : i32
      %dma_start3A_9 = arith.constant 0 : i32
      %dma_start3A_10 = arith.constant 0 : i32
      %dma_start3A_11 = arith.constant 0 : i32
      %dma_start3A_12 = tpu.memref_slice %arg8[%dma_start3A_9, %dma_start3A_10, %dma_start3A_11] : memref<2x5x80xi32, #tpu.memory_space<vmem>> -> memref<1x1x80xi32, #tpu.memory_space<vmem>>
      %dma_start3A_13 = tpu.memref_squeeze %dma_start3A_12 : memref<1x1x80xi32, #tpu.memory_space<vmem>> -> memref<80xi32, #tpu.memory_space<vmem>>
      %dma_start3A_14 = tpu.memref_slice %arg4[%dma_start3A, %add3A_8] : memref<2x320000xi32, #tpu.memory_space<hbm>> -> memref<1x80xi32, #tpu.memory_space<hbm>>
      %dma_start3A_15 = tpu.memref_squeeze %dma_start3A_14 : memref<1x80xi32, #tpu.memory_space<hbm>> -> memref<80xi32, #tpu.memory_space<hbm>>
      %dma_start3A_16 = arith.constant 0 : i32
      %dma_start3A_17 = tpu.memref_slice %arg8[%dma_start3A_9, %dma_start3A_10, %dma_start3A_16] : memref<2x5x80xi32, #tpu.memory_space<vmem>> -> memref<1x1x80xi32, #tpu.memory_space<vmem>>
      %dma_start3A_18 = tpu.memref_squeeze %dma_start3A_17 : memref<1x1x80xi32, #tpu.memory_space<vmem>> -> memref<80xi32, #tpu.memory_space<vmem>>
      %dma_start3A_19 = tpu.memref_slice %arg4[%dma_start3A, %add3A_8] : memref<2x320000xi32, #tpu.memory_space<hbm>> -> memref<1x80xi32, #tpu.memory_space<hbm>>
      %dma_start3A_20 = tpu.memref_squeeze %dma_start3A_19 : memref<1x80xi32, #tpu.memory_space<hbm>> -> memref<80xi32, #tpu.memory_space<hbm>>
      tpu.enqueue_dma source(%dma_start3A_20 : memref<80xi32, #tpu.memory_space<hbm>>) target(%dma_start3A_18 : memref<80xi32, #tpu.memory_space<vmem>>) target_semaphore(%arg13 : memref<!tpu.dma_semaphore, #tpu.memory_space<semaphore_mem>>)
      %add3A_21 = arith.constant 80 : i32
      %add3A_22 = arith.addi %mul3A_0, %add3A_21 : i32
      %dma_start3A_23 = arith.constant 1 : i32
      %dma_start3A_24 = arith.constant 0 : i32
      %dma_start3A_25 = arith.constant 1 : i32
      %dma_start3A_26 = arith.constant 0 : i32
      %dma_start3A_27 = tpu.memref_slice %arg8[%dma_start3A_24, %dma_start3A_25, %dma_start3A_26] : memref<2x5x80xi32, #tpu.memory_space<vmem>> -> memref<1x1x80xi32, #tpu.memory_space<vmem>>
      %dma_start3A_28 = tpu.memref_squeeze %dma_start3A_27 : memref<1x1x80xi32, #tpu.memory_space<vmem>> -> memref<80xi32, #tpu.memory_space<vmem>>
      %dma_start3A_29 = tpu.memref_slice %arg4[%dma_start3A_23, %add3A_22] : memref<2x320000xi32, #tpu.memory_space<hbm>> -> memref<1x80xi32, #tpu.memory_space<hbm>>
      %dma_start3A_30 = tpu.memref_squeeze %dma_start3A_29 : memref<1x80xi32, #tpu.memory_space<hbm>> -> memref<80xi32, #tpu.memory_space<hbm>>
      %dma_start3A_31 = arith.constant 0 : i32
      %dma_start3A_32 = tpu.memref_slice %arg8[%dma_start3A_24, %dma_start3A_25, %dma_start3A_31] : memref<2x5x80xi32, #tpu.memory_space<vmem>> -> memref<1x1x80xi32, #tpu.memory_space<vmem>>
      %dma_start3A_33 = tpu.memref_squeeze %dma_start3A_32 : memref<1x1x80xi32, #tpu.memory_space<vmem>> -> memref<80xi32, #tpu.memory_space<vmem>>
      %dma_start3A_34 = tpu.memref_slice %arg4[%dma_start3A_23, %add3A_22] : memref<2x320000xi32, #tpu.memory_space<hbm>> -> memref<1x80xi32, #tpu.memory_space<hbm>>
      %dma_start3A_35 = tpu.memref_squeeze %dma_start3A_34 : memref<1x80xi32, #tpu.memory_space<hbm>> -> memref<80xi32, #tpu.memory_space<hbm>>
      tpu.enqueue_dma source(%dma_start3A_35 : memref<80xi32, #tpu.memory_space<hbm>>) target(%dma_start3A_33 : memref<80xi32, #tpu.memory_space<vmem>>) target_semaphore(%arg13 : memref<!tpu.dma_semaphore, #tpu.memory_space<semaphore_mem>>)
      %add3A_36 = arith.constant 160 : i32
      %add3A_37 = arith.addi %mul3A_0, %add3A_36 : i32
      %dma_start3A_38 = arith.constant 1 : i32
      %dma_start3A_39 = arith.constant 0 : i32
      %dma_start3A_40 = arith.constant 2 : i32
      %dma_start3A_41 = arith.constant 0 : i32
      %dma_start3A_42 = tpu.memref_slice %arg8[%dma_start3A_39, %dma_start3A_40, %dma_start3A_41] : memref<2x5x80xi32, #tpu.memory_space<vmem>> -> memref<1x1x80xi32, #tpu.memory_space<vmem>>
      %dma_start3A_43 = tpu.memref_squeeze %dma_start3A_42 : memref<1x1x80xi32, #tpu.memory_space<vmem>> -> memref<80xi32, #tpu.memory_space<vmem>>
      %dma_start3A_44 = tpu.memref_slice %arg4[%dma_start3A_38, %add3A_37] : memref<2x320000xi32, #tpu.memory_space<hbm>> -> memref<1x80xi32, #tpu.memory_space<hbm>>
      %dma_start3A_45 = tpu.memref_squeeze %dma_start3A_44 : memref<1x80xi32, #tpu.memory_space<hbm>> -> memref<80xi32, #tpu.memory_space<hbm>>
      %dma_start3A_46 = arith.constant 0 : i32
      %dma_start3A_47 = tpu.memref_slice %arg8[%dma_start3A_39, %dma_start3A_40, %dma_start3A_46] : memref<2x5x80xi32, #tpu.memory_space<vmem>> -> memref<1x1x80xi32, #tpu.memory_space<vmem>>
      %dma_start3A_48 = tpu.memref_squeeze %dma_start3A_47 : memref<1x1x80xi32, #tpu.memory_space<vmem>> -> memref<80xi32, #tpu.memory_space<vmem>>
      %dma_start3A_49 = tpu.memref_slice %arg4[%dma_start3A_38, %add3A_37] : memref<2x320000xi32, #tpu.memory_space<hbm>> -> memref<1x80xi32, #tpu.memory_space<hbm>>
      %dma_start3A_50 = tpu.memref_squeeze %dma_start3A_49 : memref<1x80xi32, #tpu.memory_space<hbm>> -> memref<80xi32, #tpu.memory_space<hbm>>
      tpu.enqueue_dma source(%dma_start3A_50 : memref<80xi32, #tpu.memory_space<hbm>>) target(%dma_start3A_48 : memref<80xi32, #tpu.memory_space<vmem>>) target_semaphore(%arg13 : memref<!tpu.dma_semaphore, #tpu.memory_space<semaphore_mem>>)
      %add3A_51 = arith.constant 240 : i32
      %add3A_52 = arith.addi %mul3A_0, %add3A_51 : i32
      %dma_start3A_53 = arith.constant 1 : i32
      %dma_start3A_54 = arith.constant 0 : i32
      %dma_start3A_55 = arith.constant 3 : i32
      %dma_start3A_56 = arith.constant 0 : i32
      %dma_start3A_57 = tpu.memref_slice %arg8[%dma_start3A_54, %dma_start3A_55, %dma_start3A_56] : memref<2x5x80xi32, #tpu.memory_space<vmem>> -> memref<1x1x80xi32, #tpu.memory_space<vmem>>
      %dma_start3A_58 = tpu.memref_squeeze %dma_start3A_57 : memref<1x1x80xi32, #tpu.memory_space<vmem>> -> memref<80xi32, #tpu.memory_space<vmem>>
      %dma_start3A_59 = tpu.memref_slice %arg4[%dma_start3A_53, %add3A_52] : memref<2x320000xi32, #tpu.memory_space<hbm>> -> memref<1x80xi32, #tpu.memory_space<hbm>>
      %dma_start3A_60 = tpu.memref_squeeze %dma_start3A_59 : memref<1x80xi32, #tpu.memory_space<hbm>> -> memref<80xi32, #tpu.memory_space<hbm>>
      %dma_start3A_61 = arith.constant 0 : i32
      %dma_start3A_62 = tpu.memref_slice %arg8[%dma_start3A_54, %dma_start3A_55, %dma_start3A_61] : memref<2x5x80xi32, #tpu.memory_space<vmem>> -> memref<1x1x80xi32, #tpu.memory_space<vmem>>
      %dma_start3A_63 = tpu.memref_squeeze %dma_start3A_62 : memref<1x1x80xi32, #tpu.memory_space<vmem>> -> memref<80xi32, #tpu.memory_space<vmem>>
      %dma_start3A_64 = tpu.memref_slice %arg4[%dma_start3A_53, %add3A_52] : memref<2x320000xi32, #tpu.memory_space<hbm>> -> memref<1x80xi32, #tpu.memory_space<hbm>>
      %dma_start3A_65 = tpu.memref_squeeze %dma_start3A_64 : memref<1x80xi32, #tpu.memory_space<hbm>> -> memref<80xi32, #tpu.memory_space<hbm>>
      tpu.enqueue_dma source(%dma_start3A_65 : memref<80xi32, #tpu.memory_space<hbm>>) target(%dma_start3A_63 : memref<80xi32, #tpu.memory_space<vmem>>) target_semaphore(%arg13 : memref<!tpu.dma_semaphore, #tpu.memory_space<semaphore_mem>>)
      %add3A_66 = arith.constant 320 : i32
      %add3A_67 = arith.addi %mul3A_0, %add3A_66 : i32
      %dma_start3A_68 = arith.constant 1 : i32
      %dma_start3A_69 = arith.constant 0 : i32
      %dma_start3A_70 = arith.constant 4 : i32
      %dma_start3A_71 = arith.constant 0 : i32
      %dma_start3A_72 = tpu.memref_slice %arg8[%dma_start3A_69, %dma_start3A_70, %dma_start3A_71] : memref<2x5x80xi32, #tpu.memory_space<vmem>> -> memref<1x1x80xi32, #tpu.memory_space<vmem>>
      %dma_start3A_73 = tpu.memref_squeeze %dma_start3A_72 : memref<1x1x80xi32, #tpu.memory_space<vmem>> -> memref<80xi32, #tpu.memory_space<vmem>>
      %dma_start3A_74 = tpu.memref_slice %arg4[%dma_start3A_68, %add3A_67] : memref<2x320000xi32, #tpu.memory_space<hbm>> -> memref<1x80xi32, #tpu.memory_space<hbm>>
      %dma_start3A_75 = tpu.memref_squeeze %dma_start3A_74 : memref<1x80xi32, #tpu.memory_space<hbm>> -> memref<80xi32, #tpu.memory_space<hbm>>
      %dma_start3A_76 = arith.constant 0 : i32
      %dma_start3A_77 = tpu.memref_slice %arg8[%dma_start3A_69, %dma_start3A_70, %dma_start3A_76] : memref<2x5x80xi32, #tpu.memory_space<vmem>> -> memref<1x1x80xi32, #tpu.memory_space<vmem>>
      %dma_start3A_78 = tpu.memref_squeeze %dma_start3A_77 : memref<1x1x80xi32, #tpu.memory_space<vmem>> -> memref<80xi32, #tpu.memory_space<vmem>>
      %dma_start3A_79 = tpu.memref_slice %arg4[%dma_start3A_68, %add3A_67] : memref<2x320000xi32, #tpu.memory_space<hbm>> -> memref<1x80xi32, #tpu.memory_space<hbm>>
      %dma_start3A_80 = tpu.memref_squeeze %dma_start3A_79 : memref<1x80xi32, #tpu.memory_space<hbm>> -> memref<80xi32, #tpu.memory_space<hbm>>
      tpu.enqueue_dma source(%dma_start3A_80 : memref<80xi32, #tpu.memory_space<hbm>>) target(%dma_start3A_78 : memref<80xi32, #tpu.memory_space<vmem>>) target_semaphore(%arg13 : memref<!tpu.dma_semaphore, #tpu.memory_space<semaphore_mem>>)
      %dma_start3A_81 = arith.constant 0 : i32
      %dma_start3A_82 = arith.constant 0 : i32
      %dma_start3A_83 = arith.constant 0 : i32
      %dma_start3A_84 = arith.constant 0 : i32
      %dma_start3A_85 = tpu.memref_slice %arg9[%dma_start3A_81, %dma_start3A_82, %dma_start3A_83, %dma_start3A_84] : memref<2x5x80x64xf32, #tpu.memory_space<vmem>> -> memref<1x1x80x64xf32, #tpu.memory_space<vmem>>
      %dma_start3A_86 = tpu.memref_squeeze %dma_start3A_85 : memref<1x1x80x64xf32, #tpu.memory_space<vmem>> -> memref<80x64xf32, #tpu.memory_space<vmem>>
      %dma_start3A_87 = arith.constant 0 : i32
      %dma_start3A_88 = tpu.memref_slice %arg7[%dma_start3A_87] : memref<20000xi32, #tpu.memory_space<vmem>> -> memref<80xi32, #tpu.memory_space<vmem>>
      %dma_start3A_89 = arith.constant 0 : i32
      %dma_start3A_90 = arith.constant 0 : i32
      %dma_start3A_91 = tpu.memref_slice %arg2[%dma_start3A_89, %dma_start3A_90] : memref<10000x64xf32, #tpu.memory_space<hbm>> -> memref<10000x64xf32, #tpu.memory_space<hbm>>
      tpu.enqueue_indirect_dma source(%dma_start3A_91 : memref<10000x64xf32, #tpu.memory_space<hbm>>) target(%dma_start3A_86 : memref<80x64xf32, #tpu.memory_space<vmem>>) offsets(%dma_start3A_88 : memref<80xi32, #tpu.memory_space<vmem>>) semaphore(%arg11 : memref<!tpu.dma_semaphore, #tpu.memory_space<semaphore_mem>>)
      %dma_start3A_92 = arith.constant 0 : i32
      %dma_start3A_93 = arith.constant 1 : i32
      %dma_start3A_94 = arith.constant 0 : i32
      %dma_start3A_95 = arith.constant 0 : i32
      %dma_start3A_96 = tpu.memref_slice %arg9[%dma_start3A_92, %dma_start3A_93, %dma_start3A_94, %dma_start3A_95] : memref<2x5x80x64xf32, #tpu.memory_space<vmem>> -> memref<1x1x80x64xf32, #tpu.memory_space<vmem>>
      %dma_start3A_97 = tpu.memref_squeeze %dma_start3A_96 : memref<1x1x80x64xf32, #tpu.memory_space<vmem>> -> memref<80x64xf32, #tpu.memory_space<vmem>>
      %dma_start3A_98 = arith.constant 80 : i32
      %dma_start3A_99 = tpu.memref_slice %arg7[%dma_start3A_98] : memref<20000xi32, #tpu.memory_space<vmem>> -> memref<80xi32, #tpu.memory_space<vmem>>
      %dma_start3A_100 = arith.constant 0 : i32
      %dma_start3A_101 = arith.constant 0 : i32
      %dma_start3A_102 = tpu.memref_slice %arg2[%dma_start3A_100, %dma_start3A_101] : memref<10000x64xf32, #tpu.memory_space<hbm>> -> memref<10000x64xf32, #tpu.memory_space<hbm>>
      tpu.enqueue_indirect_dma source(%dma_start3A_102 : memref<10000x64xf32, #tpu.memory_space<hbm>>) target(%dma_start3A_97 : memref<80x64xf32, #tpu.memory_space<vmem>>) offsets(%dma_start3A_99 : memref<80xi32, #tpu.memory_space<vmem>>) semaphore(%arg11 : memref<!tpu.dma_semaphore, #tpu.memory_space<semaphore_mem>>)
      %dma_start3A_103 = arith.constant 0 : i32
      %dma_start3A_104 = arith.constant 2 : i32
      %dma_start3A_105 = arith.constant 0 : i32
      %dma_start3A_106 = arith.constant 0 : i32
      %dma_start3A_107 = tpu.memref_slice %arg9[%dma_start3A_103, %dma_start3A_104, %dma_start3A_105, %dma_start3A_106] : memref<2x5x80x64xf32, #tpu.memory_space<vmem>> -> memref<1x1x80x64xf32, #tpu.memory_space<vmem>>
      %dma_start3A_108 = tpu.memref_squeeze %dma_start3A_107 : memref<1x1x80x64xf32, #tpu.memory_space<vmem>> -> memref<80x64xf32, #tpu.memory_space<vmem>>
      %dma_start3A_109 = arith.constant 160 : i32
      %dma_start3A_110 = tpu.memref_slice %arg7[%dma_start3A_109] : memref<20000xi32, #tpu.memory_space<vmem>> -> memref<80xi32, #tpu.memory_space<vmem>>
      %dma_start3A_111 = arith.constant 0 : i32
      %dma_start3A_112 = arith.constant 0 : i32
      %dma_start3A_113 = tpu.memref_slice %arg2[%dma_start3A_111, %dma_start3A_112] : memref<10000x64xf32, #tpu.memory_space<hbm>> -> memref<10000x64xf32, #tpu.memory_space<hbm>>
      tpu.enqueue_indirect_dma source(%dma_start3A_113 : memref<10000x64xf32, #tpu.memory_space<hbm>>) target(%dma_start3A_108 : memref<80x64xf32, #tpu.memory_space<vmem>>) offsets(%dma_start3A_110 : memref<80xi32, #tpu.memory_space<vmem>>) semaphore(%arg11 : memref<!tpu.dma_semaphore, #tpu.memory_space<semaphore_mem>>)
      %dma_start3A_114 = arith.constant 0 : i32
      %dma_start3A_115 = arith.constant 3 : i32
      %dma_start3A_116 = arith.constant 0 : i32
      %dma_start3A_117 = arith.constant 0 : i32
      %dma_start3A_118 = tpu.memref_slice %arg9[%dma_start3A_114, %dma_start3A_115, %dma_start3A_116, %dma_start3A_117] : memref<2x5x80x64xf32, #tpu.memory_space<vmem>> -> memref<1x1x80x64xf32, #tpu.memory_space<vmem>>
      %dma_start3A_119 = tpu.memref_squeeze %dma_start3A_118 : memref<1x1x80x64xf32, #tpu.memory_space<vmem>> -> memref<80x64xf32, #tpu.memory_space<vmem>>
      %dma_start3A_120 = arith.constant 240 : i32
      %dma_start3A_121 = tpu.memref_slice %arg7[%dma_start3A_120] : memref<20000xi32, #tpu.memory_space<vmem>> -> memref<80xi32, #tpu.memory_space<vmem>>
      %dma_start3A_122 = arith.constant 0 : i32
      %dma_start3A_123 = arith.constant 0 : i32
      %dma_start3A_124 = tpu.memref_slice %arg2[%dma_start3A_122, %dma_start3A_123] : memref<10000x64xf32, #tpu.memory_space<hbm>> -> memref<10000x64xf32, #tpu.memory_space<hbm>>
      tpu.enqueue_indirect_dma source(%dma_start3A_124 : memref<10000x64xf32, #tpu.memory_space<hbm>>) target(%dma_start3A_119 : memref<80x64xf32, #tpu.memory_space<vmem>>) offsets(%dma_start3A_121 : memref<80xi32, #tpu.memory_space<vmem>>) semaphore(%arg11 : memref<!tpu.dma_semaphore, #tpu.memory_space<semaphore_mem>>)
      %dma_start3A_125 = arith.constant 0 : i32
      %dma_start3A_126 = arith.constant 4 : i32
      %dma_start3A_127 = arith.constant 0 : i32
      %dma_start3A_128 = arith.constant 0 : i32
      %dma_start3A_129 = tpu.memref_slice %arg9[%dma_start3A_125, %dma_start3A_126, %dma_start3A_127, %dma_start3A_128] : memref<2x5x80x64xf32, #tpu.memory_space<vmem>> -> memref<1x1x80x64xf32, #tpu.memory_space<vmem>>
      %dma_start3A_130 = tpu.memref_squeeze %dma_start3A_129 : memref<1x1x80x64xf32, #tpu.memory_space<vmem>> -> memref<80x64xf32, #tpu.memory_space<vmem>>
      %dma_start3A_131 = arith.constant 320 : i32
      %dma_start3A_132 = tpu.memref_slice %arg7[%dma_start3A_131] : memref<20000xi32, #tpu.memory_space<vmem>> -> memref<80xi32, #tpu.memory_space<vmem>>
      %dma_start3A_133 = arith.constant 0 : i32
      %dma_start3A_134 = arith.constant 0 : i32
      %dma_start3A_135 = tpu.memref_slice %arg2[%dma_start3A_133, %dma_start3A_134] : memref<10000x64xf32, #tpu.memory_space<hbm>> -> memref<10000x64xf32, #tpu.memory_space<hbm>>
      tpu.enqueue_indirect_dma source(%dma_start3A_135 : memref<10000x64xf32, #tpu.memory_space<hbm>>) target(%dma_start3A_130 : memref<80x64xf32, #tpu.memory_space<vmem>>) offsets(%dma_start3A_132 : memref<80xi32, #tpu.memory_space<vmem>>) semaphore(%arg11 : memref<!tpu.dma_semaphore, #tpu.memory_space<semaphore_mem>>)
      %mul3A_136 = arith.constant 625 : i32
      %mul3A_137 = arith.muli %arg1, %mul3A_136 : i32
      %mul3A_138 = arith.constant 625 : i32
      %mul3A_139 = arith.muli %arg1, %mul3A_138 : i32
      "tpu.region"() ({
        %run_scoped3A_159 = tpu.sem_alloc : memref<!tpu.dma_semaphore, #tpu.memory_space<semaphore_mem>>
        %dma_start3A_160 = arith.constant 0 : i32
        %dma_start3A_161 = tpu.memref_slice %arg10[%mul3A_139, %dma_start3A_160] : memref<10000x64xf32, #tpu.memory_space<vmem_shared>> -> memref<625x64xf32, #tpu.memory_space<vmem_shared>>
        %dma_start3A_162 = arith.constant 0 : i32
        %dma_start3A_163 = tpu.memref_slice %arg2[%mul3A_137, %dma_start3A_162] : memref<10000x64xf32, #tpu.memory_space<hbm>> -> memref<625x64xf32, #tpu.memory_space<hbm>>
        tpu.enqueue_dma source(%dma_start3A_163 : memref<625x64xf32, #tpu.memory_space<hbm>>) target(%dma_start3A_161 : memref<625x64xf32, #tpu.memory_space<vmem_shared>>) target_semaphore(%run_scoped3A_159 : memref<!tpu.dma_semaphore, #tpu.memory_space<semaphore_mem>>)
        %dma_wait3A_164 = arith.constant 0 : i32
        %dma_wait3A_165 = tpu.memref_slice %arg10[%mul3A_139, %dma_wait3A_164] : memref<10000x64xf32, #tpu.memory_space<vmem_shared>> -> memref<625x64xf32, #tpu.memory_space<vmem_shared>>
        %dma_wait3A_166 = arith.constant 0 : i32
        %dma_wait3A_167 = tpu.memref_slice %arg2[%mul3A_137, %dma_wait3A_166] : memref<10000x64xf32, #tpu.memory_space<hbm>> -> memref<625x64xf32, #tpu.memory_space<hbm>>
        tpu.wait_dma2 semaphore(%run_scoped3A_159 : memref<!tpu.dma_semaphore, #tpu.memory_space<semaphore_mem>>) src(%dma_wait3A_167 : memref<625x64xf32, #tpu.memory_space<hbm>>) dst(%dma_wait3A_165 : memref<625x64xf32, #tpu.memory_space<vmem_shared>>)
        tpu.yield
      }) : () -> ()
      %barrier3A = arith.constant 0 : index
      tpu.barrier barrier_id(%barrier3A)
      %scan3A = arith.constant 0 : i32
      %scan3A_140 = arith.constant 25 : i32
      %scan3A_141 = arith.addi %scan3A, %scan3A_140 : i32
      %scan3A_142 = arith.constant 1 : i32
      scf.for %scan3A_159 = %scan3A to %scan3A_141 step %scan3A_142  : i32 {
        %mul3A_160 = arith.constant 2 : i32
        %mul3A_161 = arith.muli %scan3A_159, %mul3A_160 : i32
        %add3A_162 = arith.constant 0 : i32
        %add3A_163 = arith.addi %add3A_162, %mul3A_161 : i32
        %ge3A = arith.constant 2 : i32
        %ge3A_164 = arith.cmpi sge, %add3A_163, %ge3A : i32
        %convert_element_type3A_165 = arith.extui %ge3A_164 : i1 to i32
        %cond3A_166 = arith.constant 0 : i32
        %cond3A_167 = arith.cmpi ne, %convert_element_type3A_165, %cond3A_166 : i32
        scf.if %cond3A_167 {
          %sub3A = arith.constant 1 : i32
          %sub3A_683 = arith.subi %add3A_163, %sub3A : i32
          %dma_wait3A_684 = arith.constant 1 : i32
          %dma_wait3A_685 = arith.constant 0 : i32
          %dma_wait3A_686 = arith.constant 0 : i32
          %dma_wait3A_687 = arith.constant 0 : i32
          %dma_wait3A_688 = tpu.memref_slice %arg9[%dma_wait3A_684, %dma_wait3A_685, %dma_wait3A_686, %dma_wait3A_687] : memref<2x5x80x64xf32, #tpu.memory_space<vmem>> -> memref<1x5x80x64xf32, #tpu.memory_space<vmem>>
          %dma_wait3A_689 = tpu.memref_squeeze %dma_wait3A_688 : memref<1x5x80x64xf32, #tpu.memory_space<vmem>> -> memref<5x80x64xf32, #tpu.memory_space<vmem>>
          %dma_wait3A_690 = arith.constant 0 : i32
          %dma_wait3A_691 = arith.constant 0 : i32
          %dma_wait3A_692 = arith.constant 0 : i32
          %dma_wait3A_693 = tpu.memref_slice %arg9[%dma_wait3A_684, %dma_wait3A_690, %dma_wait3A_691, %dma_wait3A_692] : memref<2x5x80x64xf32, #tpu.memory_space<vmem>> -> memref<1x5x80x64xf32, #tpu.memory_space<vmem>>
          %dma_wait3A_694 = tpu.memref_squeeze %dma_wait3A_693 : memref<1x5x80x64xf32, #tpu.memory_space<vmem>> -> memref<5x80x64xf32, #tpu.memory_space<vmem>>
          tpu.wait_dma2 semaphore(%arg12 : memref<!tpu.dma_semaphore, #tpu.memory_space<semaphore_mem>>) src(%arg5 : memref<5x80x64xf32, #tpu.memory_space<hbm>>) dst(%dma_wait3A_694 : memref<5x80x64xf32, #tpu.memory_space<vmem>>)
        } else {
        }
        %dma_wait3A_168 = arith.constant 0 : i32
        %dma_wait3A_169 = arith.constant 0 : i32
        %dma_wait3A_170 = arith.constant 0 : i32
        %dma_wait3A_171 = arith.constant 0 : i32
        %dma_wait3A_172 = tpu.memref_slice %arg9[%dma_wait3A_168, %dma_wait3A_169, %dma_wait3A_170, %dma_wait3A_171] : memref<2x5x80x64xf32, #tpu.memory_space<vmem>> -> memref<1x5x80x64xf32, #tpu.memory_space<vmem>>
        %dma_wait3A_173 = tpu.memref_squeeze %dma_wait3A_172 : memref<1x5x80x64xf32, #tpu.memory_space<vmem>> -> memref<5x80x64xf32, #tpu.memory_space<vmem>>
        %dma_wait3A_174 = arith.constant 0 : i32
        %dma_wait3A_175 = arith.constant 0 : i32
        %dma_wait3A_176 = arith.constant 0 : i32
        %dma_wait3A_177 = tpu.memref_slice %arg9[%dma_wait3A_168, %dma_wait3A_174, %dma_wait3A_175, %dma_wait3A_176] : memref<2x5x80x64xf32, #tpu.memory_space<vmem>> -> memref<1x5x80x64xf32, #tpu.memory_space<vmem>>
        %dma_wait3A_178 = tpu.memref_squeeze %dma_wait3A_177 : memref<1x5x80x64xf32, #tpu.memory_space<vmem>> -> memref<5x80x64xf32, #tpu.memory_space<vmem>>
        tpu.wait_dma2 semaphore(%arg11 : memref<!tpu.dma_semaphore, #tpu.memory_space<semaphore_mem>>) src(%arg5 : memref<5x80x64xf32, #tpu.memory_space<hbm>>) dst(%dma_wait3A_178 : memref<5x80x64xf32, #tpu.memory_space<vmem>>)
        %dma_wait3A_179 = arith.constant 1 : i32
        %dma_wait3A_180 = arith.constant 0 : i32
        %dma_wait3A_181 = arith.constant 0 : i32
        %dma_wait3A_182 = arith.constant 0 : i32
        %dma_wait3A_183 = tpu.memref_slice %arg8[%dma_wait3A_180, %dma_wait3A_181, %dma_wait3A_182] : memref<2x5x80xi32, #tpu.memory_space<vmem>> -> memref<1x1x80xi32, #tpu.memory_space<vmem>>
        %dma_wait3A_184 = tpu.memref_squeeze %dma_wait3A_183 : memref<1x1x80xi32, #tpu.memory_space<vmem>> -> memref<80xi32, #tpu.memory_space<vmem>>
        %dma_wait3A_185 = arith.constant 0 : i32
        %dma_wait3A_186 = tpu.memref_slice %arg4[%dma_wait3A_179, %dma_wait3A_185] : memref<2x320000xi32, #tpu.memory_space<hbm>> -> memref<1x80xi32, #tpu.memory_space<hbm>>
        %dma_wait3A_187 = tpu.memref_squeeze %dma_wait3A_186 : memref<1x80xi32, #tpu.memory_space<hbm>> -> memref<80xi32, #tpu.memory_space<hbm>>
        %dma_wait3A_188 = arith.constant 0 : i32
        %dma_wait3A_189 = tpu.memref_slice %arg8[%dma_wait3A_180, %dma_wait3A_181, %dma_wait3A_188] : memref<2x5x80xi32, #tpu.memory_space<vmem>> -> memref<1x1x80xi32, #tpu.memory_space<vmem>>
        %dma_wait3A_190 = tpu.memref_squeeze %dma_wait3A_189 : memref<1x1x80xi32, #tpu.memory_space<vmem>> -> memref<80xi32, #tpu.memory_space<vmem>>
        %dma_wait3A_191 = arith.constant 0 : i32
        %dma_wait3A_192 = tpu.memref_slice %arg4[%dma_wait3A_179, %dma_wait3A_191] : memref<2x320000xi32, #tpu.memory_space<hbm>> -> memref<1x80xi32, #tpu.memory_space<hbm>>
        %dma_wait3A_193 = tpu.memref_squeeze %dma_wait3A_192 : memref<1x80xi32, #tpu.memory_space<hbm>> -> memref<80xi32, #tpu.memory_space<hbm>>
        tpu.wait_dma2 semaphore(%arg13 : memref<!tpu.dma_semaphore, #tpu.memory_space<semaphore_mem>>) src(%dma_wait3A_193 : memref<80xi32, #tpu.memory_space<hbm>>) dst(%dma_wait3A_190 : memref<80xi32, #tpu.memory_space<vmem>>)
        %dma_wait3A_194 = arith.constant 1 : i32
        %dma_wait3A_195 = arith.constant 0 : i32
        %dma_wait3A_196 = arith.constant 1 : i32
        %dma_wait3A_197 = arith.constant 0 : i32
        %dma_wait3A_198 = tpu.memref_slice %arg8[%dma_wait3A_195, %dma_wait3A_196, %dma_wait3A_197] : memref<2x5x80xi32, #tpu.memory_space<vmem>> -> memref<1x1x80xi32, #tpu.memory_space<vmem>>
        %dma_wait3A_199 = tpu.memref_squeeze %dma_wait3A_198 : memref<1x1x80xi32, #tpu.memory_space<vmem>> -> memref<80xi32, #tpu.memory_space<vmem>>
        %dma_wait3A_200 = arith.constant 0 : i32
        %dma_wait3A_201 = tpu.memref_slice %arg4[%dma_wait3A_194, %dma_wait3A_200] : memref<2x320000xi32, #tpu.memory_space<hbm>> -> memref<1x80xi32, #tpu.memory_space<hbm>>
        %dma_wait3A_202 = tpu.memref_squeeze %dma_wait3A_201 : memref<1x80xi32, #tpu.memory_space<hbm>> -> memref<80xi32, #tpu.memory_space<hbm>>
        %dma_wait3A_203 = arith.constant 0 : i32
        %dma_wait3A_204 = tpu.memref_slice %arg8[%dma_wait3A_195, %dma_wait3A_196, %dma_wait3A_203] : memref<2x5x80xi32, #tpu.memory_space<vmem>> -> memref<1x1x80xi32, #tpu.memory_space<vmem>>
        %dma_wait3A_205 = tpu.memref_squeeze %dma_wait3A_204 : memref<1x1x80xi32, #tpu.memory_space<vmem>> -> memref<80xi32, #tpu.memory_space<vmem>>
        %dma_wait3A_206 = arith.constant 0 : i32
        %dma_wait3A_207 = tpu.memref_slice %arg4[%dma_wait3A_194, %dma_wait3A_206] : memref<2x320000xi32, #tpu.memory_space<hbm>> -> memref<1x80xi32, #tpu.memory_space<hbm>>
        %dma_wait3A_208 = tpu.memref_squeeze %dma_wait3A_207 : memref<1x80xi32, #tpu.memory_space<hbm>> -> memref<80xi32, #tpu.memory_space<hbm>>
        tpu.wait_dma2 semaphore(%arg13 : memref<!tpu.dma_semaphore, #tpu.memory_space<semaphore_mem>>) src(%dma_wait3A_208 : memref<80xi32, #tpu.memory_space<hbm>>) dst(%dma_wait3A_205 : memref<80xi32, #tpu.memory_space<vmem>>)
        %dma_wait3A_209 = arith.constant 1 : i32
        %dma_wait3A_210 = arith.constant 0 : i32
        %dma_wait3A_211 = arith.constant 2 : i32
        %dma_wait3A_212 = arith.constant 0 : i32
        %dma_wait3A_213 = tpu.memref_slice %arg8[%dma_wait3A_210, %dma_wait3A_211, %dma_wait3A_212] : memref<2x5x80xi32, #tpu.memory_space<vmem>> -> memref<1x1x80xi32, #tpu.memory_space<vmem>>
        %dma_wait3A_214 = tpu.memref_squeeze %dma_wait3A_213 : memref<1x1x80xi32, #tpu.memory_space<vmem>> -> memref<80xi32, #tpu.memory_space<vmem>>
        %dma_wait3A_215 = arith.constant 0 : i32
        %dma_wait3A_216 = tpu.memref_slice %arg4[%dma_wait3A_209, %dma_wait3A_215] : memref<2x320000xi32, #tpu.memory_space<hbm>> -> memref<1x80xi32, #tpu.memory_space<hbm>>
        %dma_wait3A_217 = tpu.memref_squeeze %dma_wait3A_216 : memref<1x80xi32, #tpu.memory_space<hbm>> -> memref<80xi32, #tpu.memory_space<hbm>>
        %dma_wait3A_218 = arith.constant 0 : i32
        %dma_wait3A_219 = tpu.memref_slice %arg8[%dma_wait3A_210, %dma_wait3A_211, %dma_wait3A_218] : memref<2x5x80xi32, #tpu.memory_space<vmem>> -> memref<1x1x80xi32, #tpu.memory_space<vmem>>
        %dma_wait3A_220 = tpu.memref_squeeze %dma_wait3A_219 : memref<1x1x80xi32, #tpu.memory_space<vmem>> -> memref<80xi32, #tpu.memory_space<vmem>>
        %dma_wait3A_221 = arith.constant 0 : i32
        %dma_wait3A_222 = tpu.memref_slice %arg4[%dma_wait3A_209, %dma_wait3A_221] : memref<2x320000xi32, #tpu.memory_space<hbm>> -> memref<1x80xi32, #tpu.memory_space<hbm>>
        %dma_wait3A_223 = tpu.memref_squeeze %dma_wait3A_222 : memref<1x80xi32, #tpu.memory_space<hbm>> -> memref<80xi32, #tpu.memory_space<hbm>>
        tpu.wait_dma2 semaphore(%arg13 : memref<!tpu.dma_semaphore, #tpu.memory_space<semaphore_mem>>) src(%dma_wait3A_223 : memref<80xi32, #tpu.memory_space<hbm>>) dst(%dma_wait3A_220 : memref<80xi32, #tpu.memory_space<vmem>>)
        %dma_wait3A_224 = arith.constant 1 : i32
        %dma_wait3A_225 = arith.constant 0 : i32
        %dma_wait3A_226 = arith.constant 3 : i32
        %dma_wait3A_227 = arith.constant 0 : i32
        %dma_wait3A_228 = tpu.memref_slice %arg8[%dma_wait3A_225, %dma_wait3A_226, %dma_wait3A_227] : memref<2x5x80xi32, #tpu.memory_space<vmem>> -> memref<1x1x80xi32, #tpu.memory_space<vmem>>
        %dma_wait3A_229 = tpu.memref_squeeze %dma_wait3A_228 : memref<1x1x80xi32, #tpu.memory_space<vmem>> -> memref<80xi32, #tpu.memory_space<vmem>>
        %dma_wait3A_230 = arith.constant 0 : i32
        %dma_wait3A_231 = tpu.memref_slice %arg4[%dma_wait3A_224, %dma_wait3A_230] : memref<2x320000xi32, #tpu.memory_space<hbm>> -> memref<1x80xi32, #tpu.memory_space<hbm>>
        %dma_wait3A_232 = tpu.memref_squeeze %dma_wait3A_231 : memref<1x80xi32, #tpu.memory_space<hbm>> -> memref<80xi32, #tpu.memory_space<hbm>>
        %dma_wait3A_233 = arith.constant 0 : i32
        %dma_wait3A_234 = tpu.memref_slice %arg8[%dma_wait3A_225, %dma_wait3A_226, %dma_wait3A_233] : memref<2x5x80xi32, #tpu.memory_space<vmem>> -> memref<1x1x80xi32, #tpu.memory_space<vmem>>
        %dma_wait3A_235 = tpu.memref_squeeze %dma_wait3A_234 : memref<1x1x80xi32, #tpu.memory_space<vmem>> -> memref<80xi32, #tpu.memory_space<vmem>>
        %dma_wait3A_236 = arith.constant 0 : i32
        %dma_wait3A_237 = tpu.memref_slice %arg4[%dma_wait3A_224, %dma_wait3A_236] : memref<2x320000xi32, #tpu.memory_space<hbm>> -> memref<1x80xi32, #tpu.memory_space<hbm>>
        %dma_wait3A_238 = tpu.memref_squeeze %dma_wait3A_237 : memref<1x80xi32, #tpu.memory_space<hbm>> -> memref<80xi32, #tpu.memory_space<hbm>>
        tpu.wait_dma2 semaphore(%arg13 : memref<!tpu.dma_semaphore, #tpu.memory_space<semaphore_mem>>) src(%dma_wait3A_238 : memref<80xi32, #tpu.memory_space<hbm>>) dst(%dma_wait3A_235 : memref<80xi32, #tpu.memory_space<vmem>>)
        %dma_wait3A_239 = arith.constant 1 : i32
        %dma_wait3A_240 = arith.constant 0 : i32
        %dma_wait3A_241 = arith.constant 4 : i32
        %dma_wait3A_242 = arith.constant 0 : i32
        %dma_wait3A_243 = tpu.memref_slice %arg8[%dma_wait3A_240, %dma_wait3A_241, %dma_wait3A_242] : memref<2x5x80xi32, #tpu.memory_space<vmem>> -> memref<1x1x80xi32, #tpu.memory_space<vmem>>
        %dma_wait3A_244 = tpu.memref_squeeze %dma_wait3A_243 : memref<1x1x80xi32, #tpu.memory_space<vmem>> -> memref<80xi32, #tpu.memory_space<vmem>>
        %dma_wait3A_245 = arith.constant 0 : i32
        %dma_wait3A_246 = tpu.memref_slice %arg4[%dma_wait3A_239, %dma_wait3A_245] : memref<2x320000xi32, #tpu.memory_space<hbm>> -> memref<1x80xi32, #tpu.memory_space<hbm>>
        %dma_wait3A_247 = tpu.memref_squeeze %dma_wait3A_246 : memref<1x80xi32, #tpu.memory_space<hbm>> -> memref<80xi32, #tpu.memory_space<hbm>>
        %dma_wait3A_248 = arith.constant 0 : i32
        %dma_wait3A_249 = tpu.memref_slice %arg8[%dma_wait3A_240, %dma_wait3A_241, %dma_wait3A_248] : memref<2x5x80xi32, #tpu.memory_space<vmem>> -> memref<1x1x80xi32, #tpu.memory_space<vmem>>
        %dma_wait3A_250 = tpu.memref_squeeze %dma_wait3A_249 : memref<1x1x80xi32, #tpu.memory_space<vmem>> -> memref<80xi32, #tpu.memory_space<vmem>>
        %dma_wait3A_251 = arith.constant 0 : i32
        %dma_wait3A_252 = tpu.memref_slice %arg4[%dma_wait3A_239, %dma_wait3A_251] : memref<2x320000xi32, #tpu.memory_space<hbm>> -> memref<1x80xi32, #tpu.memory_space<hbm>>
        %dma_wait3A_253 = tpu.memref_squeeze %dma_wait3A_252 : memref<1x80xi32, #tpu.memory_space<hbm>> -> memref<80xi32, #tpu.memory_space<hbm>>
        tpu.wait_dma2 semaphore(%arg13 : memref<!tpu.dma_semaphore, #tpu.memory_space<semaphore_mem>>) src(%dma_wait3A_253 : memref<80xi32, #tpu.memory_space<hbm>>) dst(%dma_wait3A_250 : memref<80xi32, #tpu.memory_space<vmem>>)
        %dma_start3A_254 = arith.constant 0 : i32
        %dma_start3A_255 = arith.constant 0 : i32
        %dma_start3A_256 = arith.constant 0 : i32
        %dma_start3A_257 = arith.constant 0 : i32
        %dma_start3A_258 = arith.constant 0 : i32
        %dma_start3A_259 = arith.constant 0 : i32
        %dma_start3A_260 = tpu.memref_slice %arg9[%dma_start3A_254, %dma_start3A_255, %dma_start3A_258, %dma_start3A_259] : memref<2x5x80x64xf32, #tpu.memory_space<vmem>> -> memref<1x1x80x64xf32, #tpu.memory_space<vmem>>
        %dma_start3A_261 = tpu.memref_squeeze %dma_start3A_260 : memref<1x1x80x64xf32, #tpu.memory_space<vmem>> -> memref<80x64xf32, #tpu.memory_space<vmem>>
        %dma_start3A_262 = arith.constant 0 : i32
        %dma_start3A_263 = tpu.memref_slice %arg8[%dma_start3A_256, %dma_start3A_257, %dma_start3A_262] : memref<2x5x80xi32, #tpu.memory_space<vmem>> -> memref<1x1x80xi32, #tpu.memory_space<vmem>>
        %dma_start3A_264 = tpu.memref_squeeze %dma_start3A_263 : memref<1x1x80xi32, #tpu.memory_space<vmem>> -> memref<80xi32, #tpu.memory_space<vmem>>
        %dma_start3A_265 = arith.constant 0 : i32
        %dma_start3A_266 = arith.constant 0 : i32
        %dma_start3A_267 = tpu.memref_slice %arg10[%dma_start3A_265, %dma_start3A_266] : memref<10000x64xf32, #tpu.memory_space<vmem_shared>> -> memref<10000x64xf32, #tpu.memory_space<vmem_shared>>
        tpu.enqueue_indirect_dma source(%dma_start3A_261 : memref<80x64xf32, #tpu.memory_space<vmem>>) target(%dma_start3A_267 : memref<10000x64xf32, #tpu.memory_space<vmem_shared>>) offsets(%dma_start3A_264 : memref<80xi32, #tpu.memory_space<vmem>>) semaphore(%arg12 : memref<!tpu.dma_semaphore, #tpu.memory_space<semaphore_mem>>) {add = true}
        %dma_start3A_268 = arith.constant 0 : i32
        %dma_start3A_269 = arith.constant 1 : i32
        %dma_start3A_270 = arith.constant 0 : i32
        %dma_start3A_271 = arith.constant 1 : i32
        %dma_start3A_272 = arith.constant 0 : i32
        %dma_start3A_273 = arith.constant 0 : i32
        %dma_start3A_274 = tpu.memref_slice %arg9[%dma_start3A_268, %dma_start3A_269, %dma_start3A_272, %dma_start3A_273] : memref<2x5x80x64xf32, #tpu.memory_space<vmem>> -> memref<1x1x80x64xf32, #tpu.memory_space<vmem>>
        %dma_start3A_275 = tpu.memref_squeeze %dma_start3A_274 : memref<1x1x80x64xf32, #tpu.memory_space<vmem>> -> memref<80x64xf32, #tpu.memory_space<vmem>>
        %dma_start3A_276 = arith.constant 0 : i32
        %dma_start3A_277 = tpu.memref_slice %arg8[%dma_start3A_270, %dma_start3A_271, %dma_start3A_276] : memref<2x5x80xi32, #tpu.memory_space<vmem>> -> memref<1x1x80xi32, #tpu.memory_space<vmem>>
        %dma_start3A_278 = tpu.memref_squeeze %dma_start3A_277 : memref<1x1x80xi32, #tpu.memory_space<vmem>> -> memref<80xi32, #tpu.memory_space<vmem>>
        %dma_start3A_279 = arith.constant 0 : i32
        %dma_start3A_280 = arith.constant 0 : i32
        %dma_start3A_281 = tpu.memref_slice %arg10[%dma_start3A_279, %dma_start3A_280] : memref<10000x64xf32, #tpu.memory_space<vmem_shared>> -> memref<10000x64xf32, #tpu.memory_space<vmem_shared>>
        tpu.enqueue_indirect_dma source(%dma_start3A_275 : memref<80x64xf32, #tpu.memory_space<vmem>>) target(%dma_start3A_281 : memref<10000x64xf32, #tpu.memory_space<vmem_shared>>) offsets(%dma_start3A_278 : memref<80xi32, #tpu.memory_space<vmem>>) semaphore(%arg12 : memref<!tpu.dma_semaphore, #tpu.memory_space<semaphore_mem>>) {add = true}
        %dma_start3A_282 = arith.constant 0 : i32
        %dma_start3A_283 = arith.constant 2 : i32
        %dma_start3A_284 = arith.constant 0 : i32
        %dma_start3A_285 = arith.constant 2 : i32
        %dma_start3A_286 = arith.constant 0 : i32
        %dma_start3A_287 = arith.constant 0 : i32
        %dma_start3A_288 = tpu.memref_slice %arg9[%dma_start3A_282, %dma_start3A_283, %dma_start3A_286, %dma_start3A_287] : memref<2x5x80x64xf32, #tpu.memory_space<vmem>> -> memref<1x1x80x64xf32, #tpu.memory_space<vmem>>
        %dma_start3A_289 = tpu.memref_squeeze %dma_start3A_288 : memref<1x1x80x64xf32, #tpu.memory_space<vmem>> -> memref<80x64xf32, #tpu.memory_space<vmem>>
        %dma_start3A_290 = arith.constant 0 : i32
        %dma_start3A_291 = tpu.memref_slice %arg8[%dma_start3A_284, %dma_start3A_285, %dma_start3A_290] : memref<2x5x80xi32, #tpu.memory_space<vmem>> -> memref<1x1x80xi32, #tpu.memory_space<vmem>>
        %dma_start3A_292 = tpu.memref_squeeze %dma_start3A_291 : memref<1x1x80xi32, #tpu.memory_space<vmem>> -> memref<80xi32, #tpu.memory_space<vmem>>
        %dma_start3A_293 = arith.constant 0 : i32
        %dma_start3A_294 = arith.constant 0 : i32
        %dma_start3A_295 = tpu.memref_slice %arg10[%dma_start3A_293, %dma_start3A_294] : memref<10000x64xf32, #tpu.memory_space<vmem_shared>> -> memref<10000x64xf32, #tpu.memory_space<vmem_shared>>
        tpu.enqueue_indirect_dma source(%dma_start3A_289 : memref<80x64xf32, #tpu.memory_space<vmem>>) target(%dma_start3A_295 : memref<10000x64xf32, #tpu.memory_space<vmem_shared>>) offsets(%dma_start3A_292 : memref<80xi32, #tpu.memory_space<vmem>>) semaphore(%arg12 : memref<!tpu.dma_semaphore, #tpu.memory_space<semaphore_mem>>) {add = true}
        %dma_start3A_296 = arith.constant 0 : i32
        %dma_start3A_297 = arith.constant 3 : i32
        %dma_start3A_298 = arith.constant 0 : i32
        %dma_start3A_299 = arith.constant 3 : i32
        %dma_start3A_300 = arith.constant 0 : i32
        %dma_start3A_301 = arith.constant 0 : i32
        %dma_start3A_302 = tpu.memref_slice %arg9[%dma_start3A_296, %dma_start3A_297, %dma_start3A_300, %dma_start3A_301] : memref<2x5x80x64xf32, #tpu.memory_space<vmem>> -> memref<1x1x80x64xf32, #tpu.memory_space<vmem>>
        %dma_start3A_303 = tpu.memref_squeeze %dma_start3A_302 : memref<1x1x80x64xf32, #tpu.memory_space<vmem>> -> memref<80x64xf32, #tpu.memory_space<vmem>>
        %dma_start3A_304 = arith.constant 0 : i32
        %dma_start3A_305 = tpu.memref_slice %arg8[%dma_start3A_298, %dma_start3A_299, %dma_start3A_304] : memref<2x5x80xi32, #tpu.memory_space<vmem>> -> memref<1x1x80xi32, #tpu.memory_space<vmem>>
        %dma_start3A_306 = tpu.memref_squeeze %dma_start3A_305 : memref<1x1x80xi32, #tpu.memory_space<vmem>> -> memref<80xi32, #tpu.memory_space<vmem>>
        %dma_start3A_307 = arith.constant 0 : i32
        %dma_start3A_308 = arith.constant 0 : i32
        %dma_start3A_309 = tpu.memref_slice %arg10[%dma_start3A_307, %dma_start3A_308] : memref<10000x64xf32, #tpu.memory_space<vmem_shared>> -> memref<10000x64xf32, #tpu.memory_space<vmem_shared>>
        tpu.enqueue_indirect_dma source(%dma_start3A_303 : memref<80x64xf32, #tpu.memory_space<vmem>>) target(%dma_start3A_309 : memref<10000x64xf32, #tpu.memory_space<vmem_shared>>) offsets(%dma_start3A_306 : memref<80xi32, #tpu.memory_space<vmem>>) semaphore(%arg12 : memref<!tpu.dma_semaphore, #tpu.memory_space<semaphore_mem>>) {add = true}
        %dma_start3A_310 = arith.constant 0 : i32
        %dma_start3A_311 = arith.constant 4 : i32
        %dma_start3A_312 = arith.constant 0 : i32
        %dma_start3A_313 = arith.constant 4 : i32
        %dma_start3A_314 = arith.constant 0 : i32
        %dma_start3A_315 = arith.constant 0 : i32
        %dma_start3A_316 = tpu.memref_slice %arg9[%dma_start3A_310, %dma_start3A_311, %dma_start3A_314, %dma_start3A_315] : memref<2x5x80x64xf32, #tpu.memory_space<vmem>> -> memref<1x1x80x64xf32, #tpu.memory_space<vmem>>
        %dma_start3A_317 = tpu.memref_squeeze %dma_start3A_316 : memref<1x1x80x64xf32, #tpu.memory_space<vmem>> -> memref<80x64xf32, #tpu.memory_space<vmem>>
        %dma_start3A_318 = arith.constant 0 : i32
        %dma_start3A_319 = tpu.memref_slice %arg8[%dma_start3A_312, %dma_start3A_313, %dma_start3A_318] : memref<2x5x80xi32, #tpu.memory_space<vmem>> -> memref<1x1x80xi32, #tpu.memory_space<vmem>>
        %dma_start3A_320 = tpu.memref_squeeze %dma_start3A_319 : memref<1x1x80xi32, #tpu.memory_space<vmem>> -> memref<80xi32, #tpu.memory_space<vmem>>
        %dma_start3A_321 = arith.constant 0 : i32
        %dma_start3A_322 = arith.constant 0 : i32
        %dma_start3A_323 = tpu.memref_slice %arg10[%dma_start3A_321, %dma_start3A_322] : memref<10000x64xf32, #tpu.memory_space<vmem_shared>> -> memref<10000x64xf32, #tpu.memory_space<vmem_shared>>
        tpu.enqueue_indirect_dma source(%dma_start3A_317 : memref<80x64xf32, #tpu.memory_space<vmem>>) target(%dma_start3A_323 : memref<10000x64xf32, #tpu.memory_space<vmem_shared>>) offsets(%dma_start3A_320 : memref<80xi32, #tpu.memory_space<vmem>>) semaphore(%arg12 : memref<!tpu.dma_semaphore, #tpu.memory_space<semaphore_mem>>) {add = true}
        %add3A_324 = arith.constant 1 : i32
        %add3A_325 = arith.addi %add3A_163, %add3A_324 : i32
        %mul3A_326 = arith.constant 5 : i32
        %mul3A_327 = arith.muli %add3A_325, %mul3A_326 : i32
        %add3A_328 = arith.constant 0 : i32
        %add3A_329 = arith.addi %mul3A_327, %add3A_328 : i32
        %mul3A_330 = arith.constant 80 : i32
        %mul3A_331 = arith.muli %add3A_329, %mul3A_330 : i32
        %add3A_332 = arith.addi %mul3A_0, %mul3A_331 : i32
        %dma_start3A_333 = arith.constant 1 : i32
        %dma_start3A_334 = arith.constant 1 : i32
        %dma_start3A_335 = arith.constant 0 : i32
        %dma_start3A_336 = arith.constant 0 : i32
        %dma_start3A_337 = tpu.memref_slice %arg8[%dma_start3A_334, %dma_start3A_335, %dma_start3A_336] : memref<2x5x80xi32, #tpu.memory_space<vmem>> -> memref<1x1x80xi32, #tpu.memory_space<vmem>>
        %dma_start3A_338 = tpu.memref_squeeze %dma_start3A_337 : memref<1x1x80xi32, #tpu.memory_space<vmem>> -> memref<80xi32, #tpu.memory_space<vmem>>
        %dma_start3A_339 = tpu.memref_slice %arg4[%dma_start3A_333, %add3A_332] : memref<2x320000xi32, #tpu.memory_space<hbm>> -> memref<1x80xi32, #tpu.memory_space<hbm>>
        %dma_start3A_340 = tpu.memref_squeeze %dma_start3A_339 : memref<1x80xi32, #tpu.memory_space<hbm>> -> memref<80xi32, #tpu.memory_space<hbm>>
        %dma_start3A_341 = arith.constant 0 : i32
        %dma_start3A_342 = tpu.memref_slice %arg8[%dma_start3A_334, %dma_start3A_335, %dma_start3A_341] : memref<2x5x80xi32, #tpu.memory_space<vmem>> -> memref<1x1x80xi32, #tpu.memory_space<vmem>>
        %dma_start3A_343 = tpu.memref_squeeze %dma_start3A_342 : memref<1x1x80xi32, #tpu.memory_space<vmem>> -> memref<80xi32, #tpu.memory_space<vmem>>
        %dma_start3A_344 = tpu.memref_slice %arg4[%dma_start3A_333, %add3A_332] : memref<2x320000xi32, #tpu.memory_space<hbm>> -> memref<1x80xi32, #tpu.memory_space<hbm>>
        %dma_start3A_345 = tpu.memref_squeeze %dma_start3A_344 : memref<1x80xi32, #tpu.memory_space<hbm>> -> memref<80xi32, #tpu.memory_space<hbm>>
        tpu.enqueue_dma source(%dma_start3A_345 : memref<80xi32, #tpu.memory_space<hbm>>) target(%dma_start3A_343 : memref<80xi32, #tpu.memory_space<vmem>>) target_semaphore(%arg13 : memref<!tpu.dma_semaphore, #tpu.memory_space<semaphore_mem>>)
        %mul3A_346 = arith.constant 5 : i32
        %mul3A_347 = arith.muli %add3A_325, %mul3A_346 : i32
        %add3A_348 = arith.constant 1 : i32
        %add3A_349 = arith.addi %mul3A_347, %add3A_348 : i32
        %mul3A_350 = arith.constant 80 : i32
        %mul3A_351 = arith.muli %add3A_349, %mul3A_350 : i32
        %add3A_352 = arith.addi %mul3A_0, %mul3A_351 : i32
        %dma_start3A_353 = arith.constant 1 : i32
        %dma_start3A_354 = arith.constant 1 : i32
        %dma_start3A_355 = arith.constant 1 : i32
        %dma_start3A_356 = arith.constant 0 : i32
        %dma_start3A_357 = tpu.memref_slice %arg8[%dma_start3A_354, %dma_start3A_355, %dma_start3A_356] : memref<2x5x80xi32, #tpu.memory_space<vmem>> -> memref<1x1x80xi32, #tpu.memory_space<vmem>>
        %dma_start3A_358 = tpu.memref_squeeze %dma_start3A_357 : memref<1x1x80xi32, #tpu.memory_space<vmem>> -> memref<80xi32, #tpu.memory_space<vmem>>
        %dma_start3A_359 = tpu.memref_slice %arg4[%dma_start3A_353, %add3A_352] : memref<2x320000xi32, #tpu.memory_space<hbm>> -> memref<1x80xi32, #tpu.memory_space<hbm>>
        %dma_start3A_360 = tpu.memref_squeeze %dma_start3A_359 : memref<1x80xi32, #tpu.memory_space<hbm>> -> memref<80xi32, #tpu.memory_space<hbm>>
        %dma_start3A_361 = arith.constant 0 : i32
        %dma_start3A_362 = tpu.memref_slice %arg8[%dma_start3A_354, %dma_start3A_355, %dma_start3A_361] : memref<2x5x80xi32, #tpu.memory_space<vmem>> -> memref<1x1x80xi32, #tpu.memory_space<vmem>>
        %dma_start3A_363 = tpu.memref_squeeze %dma_start3A_362 : memref<1x1x80xi32, #tpu.memory_space<vmem>> -> memref<80xi32, #tpu.memory_space<vmem>>
        %dma_start3A_364 = tpu.memref_slice %arg4[%dma_start3A_353, %add3A_352] : memref<2x320000xi32, #tpu.memory_space<hbm>> -> memref<1x80xi32, #tpu.memory_space<hbm>>
        %dma_start3A_365 = tpu.memref_squeeze %dma_start3A_364 : memref<1x80xi32, #tpu.memory_space<hbm>> -> memref<80xi32, #tpu.memory_space<hbm>>
        tpu.enqueue_dma source(%dma_start3A_365 : memref<80xi32, #tpu.memory_space<hbm>>) target(%dma_start3A_363 : memref<80xi32, #tpu.memory_space<vmem>>) target_semaphore(%arg13 : memref<!tpu.dma_semaphore, #tpu.memory_space<semaphore_mem>>)
        %mul3A_366 = arith.constant 5 : i32
        %mul3A_367 = arith.muli %add3A_325, %mul3A_366 : i32
        %add3A_368 = arith.constant 2 : i32
        %add3A_369 = arith.addi %mul3A_367, %add3A_368 : i32
        %mul3A_370 = arith.constant 80 : i32
        %mul3A_371 = arith.muli %add3A_369, %mul3A_370 : i32
        %add3A_372 = arith.addi %mul3A_0, %mul3A_371 : i32
        %dma_start3A_373 = arith.constant 1 : i32
        %dma_start3A_374 = arith.constant 1 : i32
        %dma_start3A_375 = arith.constant 2 : i32
        %dma_start3A_376 = arith.constant 0 : i32
        %dma_start3A_377 = tpu.memref_slice %arg8[%dma_start3A_374, %dma_start3A_375, %dma_start3A_376] : memref<2x5x80xi32, #tpu.memory_space<vmem>> -> memref<1x1x80xi32, #tpu.memory_space<vmem>>
        %dma_start3A_378 = tpu.memref_squeeze %dma_start3A_377 : memref<1x1x80xi32, #tpu.memory_space<vmem>> -> memref<80xi32, #tpu.memory_space<vmem>>
        %dma_start3A_379 = tpu.memref_slice %arg4[%dma_start3A_373, %add3A_372] : memref<2x320000xi32, #tpu.memory_space<hbm>> -> memref<1x80xi32, #tpu.memory_space<hbm>>
        %dma_start3A_380 = tpu.memref_squeeze %dma_start3A_379 : memref<1x80xi32, #tpu.memory_space<hbm>> -> memref<80xi32, #tpu.memory_space<hbm>>
        %dma_start3A_381 = arith.constant 0 : i32
        %dma_start3A_382 = tpu.memref_slice %arg8[%dma_start3A_374, %dma_start3A_375, %dma_start3A_381] : memref<2x5x80xi32, #tpu.memory_space<vmem>> -> memref<1x1x80xi32, #tpu.memory_space<vmem>>
        %dma_start3A_383 = tpu.memref_squeeze %dma_start3A_382 : memref<1x1x80xi32, #tpu.memory_space<vmem>> -> memref<80xi32, #tpu.memory_space<vmem>>
        %dma_start3A_384 = tpu.memref_slice %arg4[%dma_start3A_373, %add3A_372] : memref<2x320000xi32, #tpu.memory_space<hbm>> -> memref<1x80xi32, #tpu.memory_space<hbm>>
        %dma_start3A_385 = tpu.memref_squeeze %dma_start3A_384 : memref<1x80xi32, #tpu.memory_space<hbm>> -> memref<80xi32, #tpu.memory_space<hbm>>
        tpu.enqueue_dma source(%dma_start3A_385 : memref<80xi32, #tpu.memory_space<hbm>>) target(%dma_start3A_383 : memref<80xi32, #tpu.memory_space<vmem>>) target_semaphore(%arg13 : memref<!tpu.dma_semaphore, #tpu.memory_space<semaphore_mem>>)
        %mul3A_386 = arith.constant 5 : i32
        %mul3A_387 = arith.muli %add3A_325, %mul3A_386 : i32
        %add3A_388 = arith.constant 3 : i32
        %add3A_389 = arith.addi %mul3A_387, %add3A_388 : i32
        %mul3A_390 = arith.constant 80 : i32
        %mul3A_391 = arith.muli %add3A_389, %mul3A_390 : i32
        %add3A_392 = arith.addi %mul3A_0, %mul3A_391 : i32
        %dma_start3A_393 = arith.constant 1 : i32
        %dma_start3A_394 = arith.constant 1 : i32
        %dma_start3A_395 = arith.constant 3 : i32
        %dma_start3A_396 = arith.constant 0 : i32
        %dma_start3A_397 = tpu.memref_slice %arg8[%dma_start3A_394, %dma_start3A_395, %dma_start3A_396] : memref<2x5x80xi32, #tpu.memory_space<vmem>> -> memref<1x1x80xi32, #tpu.memory_space<vmem>>
        %dma_start3A_398 = tpu.memref_squeeze %dma_start3A_397 : memref<1x1x80xi32, #tpu.memory_space<vmem>> -> memref<80xi32, #tpu.memory_space<vmem>>
        %dma_start3A_399 = tpu.memref_slice %arg4[%dma_start3A_393, %add3A_392] : memref<2x320000xi32, #tpu.memory_space<hbm>> -> memref<1x80xi32, #tpu.memory_space<hbm>>
        %dma_start3A_400 = tpu.memref_squeeze %dma_start3A_399 : memref<1x80xi32, #tpu.memory_space<hbm>> -> memref<80xi32, #tpu.memory_space<hbm>>
        %dma_start3A_401 = arith.constant 0 : i32
        %dma_start3A_402 = tpu.memref_slice %arg8[%dma_start3A_394, %dma_start3A_395, %dma_start3A_401] : memref<2x5x80xi32, #tpu.memory_space<vmem>> -> memref<1x1x80xi32, #tpu.memory_space<vmem>>
        %dma_start3A_403 = tpu.memref_squeeze %dma_start3A_402 : memref<1x1x80xi32, #tpu.memory_space<vmem>> -> memref<80xi32, #tpu.memory_space<vmem>>
        %dma_start3A_404 = tpu.memref_slice %arg4[%dma_start3A_393, %add3A_392] : memref<2x320000xi32, #tpu.memory_space<hbm>> -> memref<1x80xi32, #tpu.memory_space<hbm>>
        %dma_start3A_405 = tpu.memref_squeeze %dma_start3A_404 : memref<1x80xi32, #tpu.memory_space<hbm>> -> memref<80xi32, #tpu.memory_space<hbm>>
        tpu.enqueue_dma source(%dma_start3A_405 : memref<80xi32, #tpu.memory_space<hbm>>) target(%dma_start3A_403 : memref<80xi32, #tpu.memory_space<vmem>>) target_semaphore(%arg13 : memref<!tpu.dma_semaphore, #tpu.memory_space<semaphore_mem>>)
        %mul3A_406 = arith.constant 5 : i32
        %mul3A_407 = arith.muli %add3A_325, %mul3A_406 : i32
        %add3A_408 = arith.constant 4 : i32
        %add3A_409 = arith.addi %mul3A_407, %add3A_408 : i32
        %mul3A_410 = arith.constant 80 : i32
        %mul3A_411 = arith.muli %add3A_409, %mul3A_410 : i32
        %add3A_412 = arith.addi %mul3A_0, %mul3A_411 : i32
        %dma_start3A_413 = arith.constant 1 : i32
        %dma_start3A_414 = arith.constant 1 : i32
        %dma_start3A_415 = arith.constant 4 : i32
        %dma_start3A_416 = arith.constant 0 : i32
        %dma_start3A_417 = tpu.memref_slice %arg8[%dma_start3A_414, %dma_start3A_415, %dma_start3A_416] : memref<2x5x80xi32, #tpu.memory_space<vmem>> -> memref<1x1x80xi32, #tpu.memory_space<vmem>>
        %dma_start3A_418 = tpu.memref_squeeze %dma_start3A_417 : memref<1x1x80xi32, #tpu.memory_space<vmem>> -> memref<80xi32, #tpu.memory_space<vmem>>
        %dma_start3A_419 = tpu.memref_slice %arg4[%dma_start3A_413, %add3A_412] : memref<2x320000xi32, #tpu.memory_space<hbm>> -> memref<1x80xi32, #tpu.memory_space<hbm>>
        %dma_start3A_420 = tpu.memref_squeeze %dma_start3A_419 : memref<1x80xi32, #tpu.memory_space<hbm>> -> memref<80xi32, #tpu.memory_space<hbm>>
        %dma_start3A_421 = arith.constant 0 : i32
        %dma_start3A_422 = tpu.memref_slice %arg8[%dma_start3A_414, %dma_start3A_415, %dma_start3A_421] : memref<2x5x80xi32, #tpu.memory_space<vmem>> -> memref<1x1x80xi32, #tpu.memory_space<vmem>>
        %dma_start3A_423 = tpu.memref_squeeze %dma_start3A_422 : memref<1x1x80xi32, #tpu.memory_space<vmem>> -> memref<80xi32, #tpu.memory_space<vmem>>
        %dma_start3A_424 = tpu.memref_slice %arg4[%dma_start3A_413, %add3A_412] : memref<2x320000xi32, #tpu.memory_space<hbm>> -> memref<1x80xi32, #tpu.memory_space<hbm>>
        %dma_start3A_425 = tpu.memref_squeeze %dma_start3A_424 : memref<1x80xi32, #tpu.memory_space<hbm>> -> memref<80xi32, #tpu.memory_space<hbm>>
        tpu.enqueue_dma source(%dma_start3A_425 : memref<80xi32, #tpu.memory_space<hbm>>) target(%dma_start3A_423 : memref<80xi32, #tpu.memory_space<vmem>>) target_semaphore(%arg13 : memref<!tpu.dma_semaphore, #tpu.memory_space<semaphore_mem>>)
        %mul3A_426 = arith.constant 5 : i32
        %mul3A_427 = arith.muli %add3A_325, %mul3A_426 : i32
        %add3A_428 = arith.constant 0 : i32
        %add3A_429 = arith.addi %mul3A_427, %add3A_428 : i32
        %mul3A_430 = arith.constant 80 : i32
        %mul3A_431 = arith.muli %add3A_429, %mul3A_430 : i32
        %dma_start3A_432 = arith.constant 1 : i32
        %dma_start3A_433 = arith.constant 0 : i32
        %dma_start3A_434 = arith.constant 0 : i32
        %dma_start3A_435 = arith.constant 0 : i32
        %dma_start3A_436 = tpu.memref_slice %arg9[%dma_start3A_432, %dma_start3A_433, %dma_start3A_434, %dma_start3A_435] : memref<2x5x80x64xf32, #tpu.memory_space<vmem>> -> memref<1x1x80x64xf32, #tpu.memory_space<vmem>>
        %dma_start3A_437 = tpu.memref_squeeze %dma_start3A_436 : memref<1x1x80x64xf32, #tpu.memory_space<vmem>> -> memref<80x64xf32, #tpu.memory_space<vmem>>
        %dma_start3A_438 = tpu.memref_slice %arg7[%mul3A_431] : memref<20000xi32, #tpu.memory_space<vmem>> -> memref<80xi32, #tpu.memory_space<vmem>>
        %dma_start3A_439 = arith.constant 0 : i32
        %dma_start3A_440 = arith.constant 0 : i32
        %dma_start3A_441 = tpu.memref_slice %arg2[%dma_start3A_439, %dma_start3A_440] : memref<10000x64xf32, #tpu.memory_space<hbm>> -> memref<10000x64xf32, #tpu.memory_space<hbm>>
        tpu.enqueue_indirect_dma source(%dma_start3A_441 : memref<10000x64xf32, #tpu.memory_space<hbm>>) target(%dma_start3A_437 : memref<80x64xf32, #tpu.memory_space<vmem>>) offsets(%dma_start3A_438 : memref<80xi32, #tpu.memory_space<vmem>>) semaphore(%arg11 : memref<!tpu.dma_semaphore, #tpu.memory_space<semaphore_mem>>)
        %mul3A_442 = arith.constant 5 : i32
        %mul3A_443 = arith.muli %add3A_325, %mul3A_442 : i32
        %add3A_444 = arith.constant 1 : i32
        %add3A_445 = arith.addi %mul3A_443, %add3A_444 : i32
        %mul3A_446 = arith.constant 80 : i32
        %mul3A_447 = arith.muli %add3A_445, %mul3A_446 : i32
        %dma_start3A_448 = arith.constant 1 : i32
        %dma_start3A_449 = arith.constant 1 : i32
        %dma_start3A_450 = arith.constant 0 : i32
        %dma_start3A_451 = arith.constant 0 : i32
        %dma_start3A_452 = tpu.memref_slice %arg9[%dma_start3A_448, %dma_start3A_449, %dma_start3A_450, %dma_start3A_451] : memref<2x5x80x64xf32, #tpu.memory_space<vmem>> -> memref<1x1x80x64xf32, #tpu.memory_space<vmem>>
        %dma_start3A_453 = tpu.memref_squeeze %dma_start3A_452 : memref<1x1x80x64xf32, #tpu.memory_space<vmem>> -> memref<80x64xf32, #tpu.memory_space<vmem>>
        %dma_start3A_454 = tpu.memref_slice %arg7[%mul3A_447] : memref<20000xi32, #tpu.memory_space<vmem>> -> memref<80xi32, #tpu.memory_space<vmem>>
        %dma_start3A_455 = arith.constant 0 : i32
        %dma_start3A_456 = arith.constant 0 : i32
        %dma_start3A_457 = tpu.memref_slice %arg2[%dma_start3A_455, %dma_start3A_456] : memref<10000x64xf32, #tpu.memory_space<hbm>> -> memref<10000x64xf32, #tpu.memory_space<hbm>>
        tpu.enqueue_indirect_dma source(%dma_start3A_457 : memref<10000x64xf32, #tpu.memory_space<hbm>>) target(%dma_start3A_453 : memref<80x64xf32, #tpu.memory_space<vmem>>) offsets(%dma_start3A_454 : memref<80xi32, #tpu.memory_space<vmem>>) semaphore(%arg11 : memref<!tpu.dma_semaphore, #tpu.memory_space<semaphore_mem>>)
        %mul3A_458 = arith.constant 5 : i32
        %mul3A_459 = arith.muli %add3A_325, %mul3A_458 : i32
        %add3A_460 = arith.constant 2 : i32
        %add3A_461 = arith.addi %mul3A_459, %add3A_460 : i32
        %mul3A_462 = arith.constant 80 : i32
        %mul3A_463 = arith.muli %add3A_461, %mul3A_462 : i32
        %dma_start3A_464 = arith.constant 1 : i32
        %dma_start3A_465 = arith.constant 2 : i32
        %dma_start3A_466 = arith.constant 0 : i32
        %dma_start3A_467 = arith.constant 0 : i32
        %dma_start3A_468 = tpu.memref_slice %arg9[%dma_start3A_464, %dma_start3A_465, %dma_start3A_466, %dma_start3A_467] : memref<2x5x80x64xf32, #tpu.memory_space<vmem>> -> memref<1x1x80x64xf32, #tpu.memory_space<vmem>>
        %dma_start3A_469 = tpu.memref_squeeze %dma_start3A_468 : memref<1x1x80x64xf32, #tpu.memory_space<vmem>> -> memref<80x64xf32, #tpu.memory_space<vmem>>
        %dma_start3A_470 = tpu.memref_slice %arg7[%mul3A_463] : memref<20000xi32, #tpu.memory_space<vmem>> -> memref<80xi32, #tpu.memory_space<vmem>>
        %dma_start3A_471 = arith.constant 0 : i32
        %dma_start3A_472 = arith.constant 0 : i32
        %dma_start3A_473 = tpu.memref_slice %arg2[%dma_start3A_471, %dma_start3A_472] : memref<10000x64xf32, #tpu.memory_space<hbm>> -> memref<10000x64xf32, #tpu.memory_space<hbm>>
        tpu.enqueue_indirect_dma source(%dma_start3A_473 : memref<10000x64xf32, #tpu.memory_space<hbm>>) target(%dma_start3A_469 : memref<80x64xf32, #tpu.memory_space<vmem>>) offsets(%dma_start3A_470 : memref<80xi32, #tpu.memory_space<vmem>>) semaphore(%arg11 : memref<!tpu.dma_semaphore, #tpu.memory_space<semaphore_mem>>)
        %mul3A_474 = arith.constant 5 : i32
        %mul3A_475 = arith.muli %add3A_325, %mul3A_474 : i32
        %add3A_476 = arith.constant 3 : i32
        %add3A_477 = arith.addi %mul3A_475, %add3A_476 : i32
        %mul3A_478 = arith.constant 80 : i32
        %mul3A_479 = arith.muli %add3A_477, %mul3A_478 : i32
        %dma_start3A_480 = arith.constant 1 : i32
        %dma_start3A_481 = arith.constant 3 : i32
        %dma_start3A_482 = arith.constant 0 : i32
        %dma_start3A_483 = arith.constant 0 : i32
        %dma_start3A_484 = tpu.memref_slice %arg9[%dma_start3A_480, %dma_start3A_481, %dma_start3A_482, %dma_start3A_483] : memref<2x5x80x64xf32, #tpu.memory_space<vmem>> -> memref<1x1x80x64xf32, #tpu.memory_space<vmem>>
        %dma_start3A_485 = tpu.memref_squeeze %dma_start3A_484 : memref<1x1x80x64xf32, #tpu.memory_space<vmem>> -> memref<80x64xf32, #tpu.memory_space<vmem>>
        %dma_start3A_486 = tpu.memref_slice %arg7[%mul3A_479] : memref<20000xi32, #tpu.memory_space<vmem>> -> memref<80xi32, #tpu.memory_space<vmem>>
        %dma_start3A_487 = arith.constant 0 : i32
        %dma_start3A_488 = arith.constant 0 : i32
        %dma_start3A_489 = tpu.memref_slice %arg2[%dma_start3A_487, %dma_start3A_488] : memref<10000x64xf32, #tpu.memory_space<hbm>> -> memref<10000x64xf32, #tpu.memory_space<hbm>>
        tpu.enqueue_indirect_dma source(%dma_start3A_489 : memref<10000x64xf32, #tpu.memory_space<hbm>>) target(%dma_start3A_485 : memref<80x64xf32, #tpu.memory_space<vmem>>) offsets(%dma_start3A_486 : memref<80xi32, #tpu.memory_space<vmem>>) semaphore(%arg11 : memref<!tpu.dma_semaphore, #tpu.memory_space<semaphore_mem>>)
        %mul3A_490 = arith.constant 5 : i32
        %mul3A_491 = arith.muli %add3A_325, %mul3A_490 : i32
        %add3A_492 = arith.constant 4 : i32
        %add3A_493 = arith.addi %mul3A_491, %add3A_492 : i32
        %mul3A_494 = arith.constant 80 : i32
        %mul3A_495 = arith.muli %add3A_493, %mul3A_494 : i32
        %dma_start3A_496 = arith.constant 1 : i32
        %dma_start3A_497 = arith.constant 4 : i32
        %dma_start3A_498 = arith.constant 0 : i32
        %dma_start3A_499 = arith.constant 0 : i32
        %dma_start3A_500 = tpu.memref_slice %arg9[%dma_start3A_496, %dma_start3A_497, %dma_start3A_498, %dma_start3A_499] : memref<2x5x80x64xf32, #tpu.memory_space<vmem>> -> memref<1x1x80x64xf32, #tpu.memory_space<vmem>>
        %dma_start3A_501 = tpu.memref_squeeze %dma_start3A_500 : memref<1x1x80x64xf32, #tpu.memory_space<vmem>> -> memref<80x64xf32, #tpu.memory_space<vmem>>
        %dma_start3A_502 = tpu.memref_slice %arg7[%mul3A_495] : memref<20000xi32, #tpu.memory_space<vmem>> -> memref<80xi32, #tpu.memory_space<vmem>>
        %dma_start3A_503 = arith.constant 0 : i32
        %dma_start3A_504 = arith.constant 0 : i32
        %dma_start3A_505 = tpu.memref_slice %arg2[%dma_start3A_503, %dma_start3A_504] : memref<10000x64xf32, #tpu.memory_space<hbm>> -> memref<10000x64xf32, #tpu.memory_space<hbm>>
        tpu.enqueue_indirect_dma source(%dma_start3A_505 : memref<10000x64xf32, #tpu.memory_space<hbm>>) target(%dma_start3A_501 : memref<80x64xf32, #tpu.memory_space<vmem>>) offsets(%dma_start3A_502 : memref<80xi32, #tpu.memory_space<vmem>>) semaphore(%arg11 : memref<!tpu.dma_semaphore, #tpu.memory_space<semaphore_mem>>)
        %add3A_506 = arith.constant 1 : i32
        %add3A_507 = arith.addi %add3A_163, %add3A_506 : i32
        %dma_wait3A_508 = arith.constant 1 : i32
        %dma_wait3A_509 = arith.constant 0 : i32
        %dma_wait3A_510 = arith.constant 0 : i32
        %dma_wait3A_511 = arith.constant 0 : i32
        %dma_wait3A_512 = tpu.memref_slice %arg9[%dma_wait3A_508, %dma_wait3A_509, %dma_wait3A_510, %dma_wait3A_511] : memref<2x5x80x64xf32, #tpu.memory_space<vmem>> -> memref<1x5x80x64xf32, #tpu.memory_space<vmem>>
        %dma_wait3A_513 = tpu.memref_squeeze %dma_wait3A_512 : memref<1x5x80x64xf32, #tpu.memory_space<vmem>> -> memref<5x80x64xf32, #tpu.memory_space<vmem>>
        %dma_wait3A_514 = arith.constant 0 : i32
        %dma_wait3A_515 = arith.constant 0 : i32
        %dma_wait3A_516 = arith.constant 0 : i32
        %dma_wait3A_517 = tpu.memref_slice %arg9[%dma_wait3A_508, %dma_wait3A_514, %dma_wait3A_515, %dma_wait3A_516] : memref<2x5x80x64xf32, #tpu.memory_space<vmem>> -> memref<1x5x80x64xf32, #tpu.memory_space<vmem>>
        %dma_wait3A_518 = tpu.memref_squeeze %dma_wait3A_517 : memref<1x5x80x64xf32, #tpu.memory_space<vmem>> -> memref<5x80x64xf32, #tpu.memory_space<vmem>>
        tpu.wait_dma2 semaphore(%arg11 : memref<!tpu.dma_semaphore, #tpu.memory_space<semaphore_mem>>) src(%arg5 : memref<5x80x64xf32, #tpu.memory_space<hbm>>) dst(%dma_wait3A_518 : memref<5x80x64xf32, #tpu.memory_space<vmem>>)
        %dma_wait3A_519 = arith.constant 1 : i32
        %dma_wait3A_520 = arith.constant 1 : i32
        %dma_wait3A_521 = arith.constant 0 : i32
        %dma_wait3A_522 = arith.constant 0 : i32
        %dma_wait3A_523 = tpu.memref_slice %arg8[%dma_wait3A_520, %dma_wait3A_521, %dma_wait3A_522] : memref<2x5x80xi32, #tpu.memory_space<vmem>> -> memref<1x1x80xi32, #tpu.memory_space<vmem>>
        %dma_wait3A_524 = tpu.memref_squeeze %dma_wait3A_523 : memref<1x1x80xi32, #tpu.memory_space<vmem>> -> memref<80xi32, #tpu.memory_space<vmem>>
        %dma_wait3A_525 = arith.constant 0 : i32
        %dma_wait3A_526 = tpu.memref_slice %arg4[%dma_wait3A_519, %dma_wait3A_525] : memref<2x320000xi32, #tpu.memory_space<hbm>> -> memref<1x80xi32, #tpu.memory_space<hbm>>
        %dma_wait3A_527 = tpu.memref_squeeze %dma_wait3A_526 : memref<1x80xi32, #tpu.memory_space<hbm>> -> memref<80xi32, #tpu.memory_space<hbm>>
        %dma_wait3A_528 = arith.constant 0 : i32
        %dma_wait3A_529 = tpu.memref_slice %arg8[%dma_wait3A_520, %dma_wait3A_521, %dma_wait3A_528] : memref<2x5x80xi32, #tpu.memory_space<vmem>> -> memref<1x1x80xi32, #tpu.memory_space<vmem>>
        %dma_wait3A_530 = tpu.memref_squeeze %dma_wait3A_529 : memref<1x1x80xi32, #tpu.memory_space<vmem>> -> memref<80xi32, #tpu.memory_space<vmem>>
        %dma_wait3A_531 = arith.constant 0 : i32
        %dma_wait3A_532 = tpu.memref_slice %arg4[%dma_wait3A_519, %dma_wait3A_531] : memref<2x320000xi32, #tpu.memory_space<hbm>> -> memref<1x80xi32, #tpu.memory_space<hbm>>
        %dma_wait3A_533 = tpu.memref_squeeze %dma_wait3A_532 : memref<1x80xi32, #tpu.memory_space<hbm>> -> memref<80xi32, #tpu.memory_space<hbm>>
        tpu.wait_dma2 semaphore(%arg13 : memref<!tpu.dma_semaphore, #tpu.memory_space<semaphore_mem>>) src(%dma_wait3A_533 : memref<80xi32, #tpu.memory_space<hbm>>) dst(%dma_wait3A_530 : memref<80xi32, #tpu.memory_space<vmem>>)
        %dma_wait3A_534 = arith.constant 1 : i32
        %dma_wait3A_535 = arith.constant 1 : i32
        %dma_wait3A_536 = arith.constant 1 : i32
        %dma_wait3A_537 = arith.constant 0 : i32
        %dma_wait3A_538 = tpu.memref_slice %arg8[%dma_wait3A_535, %dma_wait3A_536, %dma_wait3A_537] : memref<2x5x80xi32, #tpu.memory_space<vmem>> -> memref<1x1x80xi32, #tpu.memory_space<vmem>>
        %dma_wait3A_539 = tpu.memref_squeeze %dma_wait3A_538 : memref<1x1x80xi32, #tpu.memory_space<vmem>> -> memref<80xi32, #tpu.memory_space<vmem>>
        %dma_wait3A_540 = arith.constant 0 : i32
        %dma_wait3A_541 = tpu.memref_slice %arg4[%dma_wait3A_534, %dma_wait3A_540] : memref<2x320000xi32, #tpu.memory_space<hbm>> -> memref<1x80xi32, #tpu.memory_space<hbm>>
        %dma_wait3A_542 = tpu.memref_squeeze %dma_wait3A_541 : memref<1x80xi32, #tpu.memory_space<hbm>> -> memref<80xi32, #tpu.memory_space<hbm>>
        %dma_wait3A_543 = arith.constant 0 : i32
        %dma_wait3A_544 = tpu.memref_slice %arg8[%dma_wait3A_535, %dma_wait3A_536, %dma_wait3A_543] : memref<2x5x80xi32, #tpu.memory_space<vmem>> -> memref<1x1x80xi32, #tpu.memory_space<vmem>>
        %dma_wait3A_545 = tpu.memref_squeeze %dma_wait3A_544 : memref<1x1x80xi32, #tpu.memory_space<vmem>> -> memref<80xi32, #tpu.memory_space<vmem>>
        %dma_wait3A_546 = arith.constant 0 : i32
        %dma_wait3A_547 = tpu.memref_slice %arg4[%dma_wait3A_534, %dma_wait3A_546] : memref<2x320000xi32, #tpu.memory_space<hbm>> -> memref<1x80xi32, #tpu.memory_space<hbm>>
        %dma_wait3A_548 = tpu.memref_squeeze %dma_wait3A_547 : memref<1x80xi32, #tpu.memory_space<hbm>> -> memref<80xi32, #tpu.memory_space<hbm>>
        tpu.wait_dma2 semaphore(%arg13 : memref<!tpu.dma_semaphore, #tpu.memory_space<semaphore_mem>>) src(%dma_wait3A_548 : memref<80xi32, #tpu.memory_space<hbm>>) dst(%dma_wait3A_545 : memref<80xi32, #tpu.memory_space<vmem>>)
        %dma_wait3A_549 = arith.constant 1 : i32
        %dma_wait3A_550 = arith.constant 1 : i32
        %dma_wait3A_551 = arith.constant 2 : i32
        %dma_wait3A_552 = arith.constant 0 : i32
        %dma_wait3A_553 = tpu.memref_slice %arg8[%dma_wait3A_550, %dma_wait3A_551, %dma_wait3A_552] : memref<2x5x80xi32, #tpu.memory_space<vmem>> -> memref<1x1x80xi32, #tpu.memory_space<vmem>>
        %dma_wait3A_554 = tpu.memref_squeeze %dma_wait3A_553 : memref<1x1x80xi32, #tpu.memory_space<vmem>> -> memref<80xi32, #tpu.memory_space<vmem>>
        %dma_wait3A_555 = arith.constant 0 : i32
        %dma_wait3A_556 = tpu.memref_slice %arg4[%dma_wait3A_549, %dma_wait3A_555] : memref<2x320000xi32, #tpu.memory_space<hbm>> -> memref<1x80xi32, #tpu.memory_space<hbm>>
        %dma_wait3A_557 = tpu.memref_squeeze %dma_wait3A_556 : memref<1x80xi32, #tpu.memory_space<hbm>> -> memref<80xi32, #tpu.memory_space<hbm>>
        %dma_wait3A_558 = arith.constant 0 : i32
        %dma_wait3A_559 = tpu.memref_slice %arg8[%dma_wait3A_550, %dma_wait3A_551, %dma_wait3A_558] : memref<2x5x80xi32, #tpu.memory_space<vmem>> -> memref<1x1x80xi32, #tpu.memory_space<vmem>>
        %dma_wait3A_560 = tpu.memref_squeeze %dma_wait3A_559 : memref<1x1x80xi32, #tpu.memory_space<vmem>> -> memref<80xi32, #tpu.memory_space<vmem>>
        %dma_wait3A_561 = arith.constant 0 : i32
        %dma_wait3A_562 = tpu.memref_slice %arg4[%dma_wait3A_549, %dma_wait3A_561] : memref<2x320000xi32, #tpu.memory_space<hbm>> -> memref<1x80xi32, #tpu.memory_space<hbm>>
        %dma_wait3A_563 = tpu.memref_squeeze %dma_wait3A_562 : memref<1x80xi32, #tpu.memory_space<hbm>> -> memref<80xi32, #tpu.memory_space<hbm>>
        tpu.wait_dma2 semaphore(%arg13 : memref<!tpu.dma_semaphore, #tpu.memory_space<semaphore_mem>>) src(%dma_wait3A_563 : memref<80xi32, #tpu.memory_space<hbm>>) dst(%dma_wait3A_560 : memref<80xi32, #tpu.memory_space<vmem>>)
        %dma_wait3A_564 = arith.constant 1 : i32
        %dma_wait3A_565 = arith.constant 1 : i32
        %dma_wait3A_566 = arith.constant 3 : i32
        %dma_wait3A_567 = arith.constant 0 : i32
        %dma_wait3A_568 = tpu.memref_slice %arg8[%dma_wait3A_565, %dma_wait3A_566, %dma_wait3A_567] : memref<2x5x80xi32, #tpu.memory_space<vmem>> -> memref<1x1x80xi32, #tpu.memory_space<vmem>>
        %dma_wait3A_569 = tpu.memref_squeeze %dma_wait3A_568 : memref<1x1x80xi32, #tpu.memory_space<vmem>> -> memref<80xi32, #tpu.memory_space<vmem>>
        %dma_wait3A_570 = arith.constant 0 : i32
        %dma_wait3A_571 = tpu.memref_slice %arg4[%dma_wait3A_564, %dma_wait3A_570] : memref<2x320000xi32, #tpu.memory_space<hbm>> -> memref<1x80xi32, #tpu.memory_space<hbm>>
        %dma_wait3A_572 = tpu.memref_squeeze %dma_wait3A_571 : memref<1x80xi32, #tpu.memory_space<hbm>> -> memref<80xi32, #tpu.memory_space<hbm>>
        %dma_wait3A_573 = arith.constant 0 : i32
        %dma_wait3A_574 = tpu.memref_slice %arg8[%dma_wait3A_565, %dma_wait3A_566, %dma_wait3A_573] : memref<2x5x80xi32, #tpu.memory_space<vmem>> -> memref<1x1x80xi32, #tpu.memory_space<vmem>>
        %dma_wait3A_575 = tpu.memref_squeeze %dma_wait3A_574 : memref<1x1x80xi32, #tpu.memory_space<vmem>> -> memref<80xi32, #tpu.memory_space<vmem>>
        %dma_wait3A_576 = arith.constant 0 : i32
        %dma_wait3A_577 = tpu.memref_slice %arg4[%dma_wait3A_564, %dma_wait3A_576] : memref<2x320000xi32, #tpu.memory_space<hbm>> -> memref<1x80xi32, #tpu.memory_space<hbm>>
        %dma_wait3A_578 = tpu.memref_squeeze %dma_wait3A_577 : memref<1x80xi32, #tpu.memory_space<hbm>> -> memref<80xi32, #tpu.memory_space<hbm>>
        tpu.wait_dma2 semaphore(%arg13 : memref<!tpu.dma_semaphore, #tpu.memory_space<semaphore_mem>>) src(%dma_wait3A_578 : memref<80xi32, #tpu.memory_space<hbm>>) dst(%dma_wait3A_575 : memref<80xi32, #tpu.memory_space<vmem>>)
        %dma_wait3A_579 = arith.constant 1 : i32
        %dma_wait3A_580 = arith.constant 1 : i32
        %dma_wait3A_581 = arith.constant 4 : i32
        %dma_wait3A_582 = arith.constant 0 : i32
        %dma_wait3A_583 = tpu.memref_slice %arg8[%dma_wait3A_580, %dma_wait3A_581, %dma_wait3A_582] : memref<2x5x80xi32, #tpu.memory_space<vmem>> -> memref<1x1x80xi32, #tpu.memory_space<vmem>>
        %dma_wait3A_584 = tpu.memref_squeeze %dma_wait3A_583 : memref<1x1x80xi32, #tpu.memory_space<vmem>> -> memref<80xi32, #tpu.memory_space<vmem>>
        %dma_wait3A_585 = arith.constant 0 : i32
        %dma_wait3A_586 = tpu.memref_slice %arg4[%dma_wait3A_579, %dma_wait3A_585] : memref<2x320000xi32, #tpu.memory_space<hbm>> -> memref<1x80xi32, #tpu.memory_space<hbm>>
        %dma_wait3A_587 = tpu.memref_squeeze %dma_wait3A_586 : memref<1x80xi32, #tpu.memory_space<hbm>> -> memref<80xi32, #tpu.memory_space<hbm>>
        %dma_wait3A_588 = arith.constant 0 : i32
        %dma_wait3A_589 = tpu.memref_slice %arg8[%dma_wait3A_580, %dma_wait3A_581, %dma_wait3A_588] : memref<2x5x80xi32, #tpu.memory_space<vmem>> -> memref<1x1x80xi32, #tpu.memory_space<vmem>>
        %dma_wait3A_590 = tpu.memref_squeeze %dma_wait3A_589 : memref<1x1x80xi32, #tpu.memory_space<vmem>> -> memref<80xi32, #tpu.memory_space<vmem>>
        %dma_wait3A_591 = arith.constant 0 : i32
        %dma_wait3A_592 = tpu.memref_slice %arg4[%dma_wait3A_579, %dma_wait3A_591] : memref<2x320000xi32, #tpu.memory_space<hbm>> -> memref<1x80xi32, #tpu.memory_space<hbm>>
        %dma_wait3A_593 = tpu.memref_squeeze %dma_wait3A_592 : memref<1x80xi32, #tpu.memory_space<hbm>> -> memref<80xi32, #tpu.memory_space<hbm>>
        tpu.wait_dma2 semaphore(%arg13 : memref<!tpu.dma_semaphore, #tpu.memory_space<semaphore_mem>>) src(%dma_wait3A_593 : memref<80xi32, #tpu.memory_space<hbm>>) dst(%dma_wait3A_590 : memref<80xi32, #tpu.memory_space<vmem>>)
        %dma_wait3A_594 = arith.constant 0 : i32
        %dma_wait3A_595 = arith.constant 0 : i32
        %dma_wait3A_596 = arith.constant 0 : i32
        %dma_wait3A_597 = arith.constant 0 : i32
        %dma_wait3A_598 = tpu.memref_slice %arg9[%dma_wait3A_594, %dma_wait3A_595, %dma_wait3A_596, %dma_wait3A_597] : memref<2x5x80x64xf32, #tpu.memory_space<vmem>> -> memref<1x5x80x64xf32, #tpu.memory_space<vmem>>
        %dma_wait3A_599 = tpu.memref_squeeze %dma_wait3A_598 : memref<1x5x80x64xf32, #tpu.memory_space<vmem>> -> memref<5x80x64xf32, #tpu.memory_space<vmem>>
        %dma_wait3A_600 = arith.constant 0 : i32
        %dma_wait3A_601 = arith.constant 0 : i32
        %dma_wait3A_602 = arith.constant 0 : i32
        %dma_wait3A_603 = tpu.memref_slice %arg9[%dma_wait3A_594, %dma_wait3A_600, %dma_wait3A_601, %dma_wait3A_602] : memref<2x5x80x64xf32, #tpu.memory_space<vmem>> -> memref<1x5x80x64xf32, #tpu.memory_space<vmem>>
        %dma_wait3A_604 = tpu.memref_squeeze %dma_wait3A_603 : memref<1x5x80x64xf32, #tpu.memory_space<vmem>> -> memref<5x80x64xf32, #tpu.memory_space<vmem>>
        tpu.wait_dma2 semaphore(%arg12 : memref<!tpu.dma_semaphore, #tpu.memory_space<semaphore_mem>>) src(%arg5 : memref<5x80x64xf32, #tpu.memory_space<hbm>>) dst(%dma_wait3A_604 : memref<5x80x64xf32, #tpu.memory_space<vmem>>)
        %add3A_605 = arith.constant 1 : i32
        %add3A_606 = arith.addi %add3A_163, %add3A_605 : i32
        %dma_start3A_607 = arith.constant 1 : i32
        %dma_start3A_608 = arith.constant 0 : i32
        %dma_start3A_609 = arith.constant 1 : i32
        %dma_start3A_610 = arith.constant 0 : i32
        %dma_start3A_611 = arith.constant 0 : i32
        %dma_start3A_612 = arith.constant 0 : i32
        %dma_start3A_613 = tpu.memref_slice %arg9[%dma_start3A_607, %dma_start3A_608, %dma_start3A_611, %dma_start3A_612] : memref<2x5x80x64xf32, #tpu.memory_space<vmem>> -> memref<1x1x80x64xf32, #tpu.memory_space<vmem>>
        %dma_start3A_614 = tpu.memref_squeeze %dma_start3A_613 : memref<1x1x80x64xf32, #tpu.memory_space<vmem>> -> memref<80x64xf32, #tpu.memory_space<vmem>>
        %dma_start3A_615 = arith.constant 0 : i32
        %dma_start3A_616 = tpu.memref_slice %arg8[%dma_start3A_609, %dma_start3A_610, %dma_start3A_615] : memref<2x5x80xi32, #tpu.memory_space<vmem>> -> memref<1x1x80xi32, #tpu.memory_space<vmem>>
        %dma_start3A_617 = tpu.memref_squeeze %dma_start3A_616 : memref<1x1x80xi32, #tpu.memory_space<vmem>> -> memref<80xi32, #tpu.memory_space<vmem>>
        %dma_start3A_618 = arith.constant 0 : i32
        %dma_start3A_619 = arith.constant 0 : i32
        %dma_start3A_620 = tpu.memref_slice %arg10[%dma_start3A_618, %dma_start3A_619] : memref<10000x64xf32, #tpu.memory_space<vmem_shared>> -> memref<10000x64xf32, #tpu.memory_space<vmem_shared>>
        tpu.enqueue_indirect_dma source(%dma_start3A_614 : memref<80x64xf32, #tpu.memory_space<vmem>>) target(%dma_start3A_620 : memref<10000x64xf32, #tpu.memory_space<vmem_shared>>) offsets(%dma_start3A_617 : memref<80xi32, #tpu.memory_space<vmem>>) semaphore(%arg12 : memref<!tpu.dma_semaphore, #tpu.memory_space<semaphore_mem>>) {add = true}
        %dma_start3A_621 = arith.constant 1 : i32
        %dma_start3A_622 = arith.constant 1 : i32
        %dma_start3A_623 = arith.constant 1 : i32
        %dma_start3A_624 = arith.constant 1 : i32
        %dma_start3A_625 = arith.constant 0 : i32
        %dma_start3A_626 = arith.constant 0 : i32
        %dma_start3A_627 = tpu.memref_slice %arg9[%dma_start3A_621, %dma_start3A_622, %dma_start3A_625, %dma_start3A_626] : memref<2x5x80x64xf32, #tpu.memory_space<vmem>> -> memref<1x1x80x64xf32, #tpu.memory_space<vmem>>
        %dma_start3A_628 = tpu.memref_squeeze %dma_start3A_627 : memref<1x1x80x64xf32, #tpu.memory_space<vmem>> -> memref<80x64xf32, #tpu.memory_space<vmem>>
        %dma_start3A_629 = arith.constant 0 : i32
        %dma_start3A_630 = tpu.memref_slice %arg8[%dma_start3A_623, %dma_start3A_624, %dma_start3A_629] : memref<2x5x80xi32, #tpu.memory_space<vmem>> -> memref<1x1x80xi32, #tpu.memory_space<vmem>>
        %dma_start3A_631 = tpu.memref_squeeze %dma_start3A_630 : memref<1x1x80xi32, #tpu.memory_space<vmem>> -> memref<80xi32, #tpu.memory_space<vmem>>
        %dma_start3A_632 = arith.constant 0 : i32
        %dma_start3A_633 = arith.constant 0 : i32
        %dma_start3A_634 = tpu.memref_slice %arg10[%dma_start3A_632, %dma_start3A_633] : memref<10000x64xf32, #tpu.memory_space<vmem_shared>> -> memref<10000x64xf32, #tpu.memory_space<vmem_shared>>
        tpu.enqueue_indirect_dma source(%dma_start3A_628 : memref<80x64xf32, #tpu.memory_space<vmem>>) target(%dma_start3A_634 : memref<10000x64xf32, #tpu.memory_space<vmem_shared>>) offsets(%dma_start3A_631 : memref<80xi32, #tpu.memory_space<vmem>>) semaphore(%arg12 : memref<!tpu.dma_semaphore, #tpu.memory_space<semaphore_mem>>) {add = true}
        %dma_start3A_635 = arith.constant 1 : i32
        %dma_start3A_636 = arith.constant 2 : i32
        %dma_start3A_637 = arith.constant 1 : i32
        %dma_start3A_638 = arith.constant 2 : i32
        %dma_start3A_639 = arith.constant 0 : i32
        %dma_start3A_640 = arith.constant 0 : i32
        %dma_start3A_641 = tpu.memref_slice %arg9[%dma_start3A_635, %dma_start3A_636, %dma_start3A_639, %dma_start3A_640] : memref<2x5x80x64xf32, #tpu.memory_space<vmem>> -> memref<1x1x80x64xf32, #tpu.memory_space<vmem>>
        %dma_start3A_642 = tpu.memref_squeeze %dma_start3A_641 : memref<1x1x80x64xf32, #tpu.memory_space<vmem>> -> memref<80x64xf32, #tpu.memory_space<vmem>>
        %dma_start3A_643 = arith.constant 0 : i32
        %dma_start3A_644 = tpu.memref_slice %arg8[%dma_start3A_637, %dma_start3A_638, %dma_start3A_643] : memref<2x5x80xi32, #tpu.memory_space<vmem>> -> memref<1x1x80xi32, #tpu.memory_space<vmem>>
        %dma_start3A_645 = tpu.memref_squeeze %dma_start3A_644 : memref<1x1x80xi32, #tpu.memory_space<vmem>> -> memref<80xi32, #tpu.memory_space<vmem>>
        %dma_start3A_646 = arith.constant 0 : i32
        %dma_start3A_647 = arith.constant 0 : i32
        %dma_start3A_648 = tpu.memref_slice %arg10[%dma_start3A_646, %dma_start3A_647] : memref<10000x64xf32, #tpu.memory_space<vmem_shared>> -> memref<10000x64xf32, #tpu.memory_space<vmem_shared>>
        tpu.enqueue_indirect_dma source(%dma_start3A_642 : memref<80x64xf32, #tpu.memory_space<vmem>>) target(%dma_start3A_648 : memref<10000x64xf32, #tpu.memory_space<vmem_shared>>) offsets(%dma_start3A_645 : memref<80xi32, #tpu.memory_space<vmem>>) semaphore(%arg12 : memref<!tpu.dma_semaphore, #tpu.memory_space<semaphore_mem>>) {add = true}
        %dma_start3A_649 = arith.constant 1 : i32
        %dma_start3A_650 = arith.constant 3 : i32
        %dma_start3A_651 = arith.constant 1 : i32
        %dma_start3A_652 = arith.constant 3 : i32
        %dma_start3A_653 = arith.constant 0 : i32
        %dma_start3A_654 = arith.constant 0 : i32
        %dma_start3A_655 = tpu.memref_slice %arg9[%dma_start3A_649, %dma_start3A_650, %dma_start3A_653, %dma_start3A_654] : memref<2x5x80x64xf32, #tpu.memory_space<vmem>> -> memref<1x1x80x64xf32, #tpu.memory_space<vmem>>
        %dma_start3A_656 = tpu.memref_squeeze %dma_start3A_655 : memref<1x1x80x64xf32, #tpu.memory_space<vmem>> -> memref<80x64xf32, #tpu.memory_space<vmem>>
        %dma_start3A_657 = arith.constant 0 : i32
        %dma_start3A_658 = tpu.memref_slice %arg8[%dma_start3A_651, %dma_start3A_652, %dma_start3A_657] : memref<2x5x80xi32, #tpu.memory_space<vmem>> -> memref<1x1x80xi32, #tpu.memory_space<vmem>>
        %dma_start3A_659 = tpu.memref_squeeze %dma_start3A_658 : memref<1x1x80xi32, #tpu.memory_space<vmem>> -> memref<80xi32, #tpu.memory_space<vmem>>
        %dma_start3A_660 = arith.constant 0 : i32
        %dma_start3A_661 = arith.constant 0 : i32
        %dma_start3A_662 = tpu.memref_slice %arg10[%dma_start3A_660, %dma_start3A_661] : memref<10000x64xf32, #tpu.memory_space<vmem_shared>> -> memref<10000x64xf32, #tpu.memory_space<vmem_shared>>
        tpu.enqueue_indirect_dma source(%dma_start3A_656 : memref<80x64xf32, #tpu.memory_space<vmem>>) target(%dma_start3A_662 : memref<10000x64xf32, #tpu.memory_space<vmem_shared>>) offsets(%dma_start3A_659 : memref<80xi32, #tpu.memory_space<vmem>>) semaphore(%arg12 : memref<!tpu.dma_semaphore, #tpu.memory_space<semaphore_mem>>) {add = true}
        %dma_start3A_663 = arith.constant 1 : i32
        %dma_start3A_664 = arith.constant 4 : i32
        %dma_start3A_665 = arith.constant 1 : i32
        %dma_start3A_666 = arith.constant 4 : i32
        %dma_start3A_667 = arith.constant 0 : i32
        %dma_start3A_668 = arith.constant 0 : i32
        %dma_start3A_669 = tpu.memref_slice %arg9[%dma_start3A_663, %dma_start3A_664, %dma_start3A_667, %dma_start3A_668] : memref<2x5x80x64xf32, #tpu.memory_space<vmem>> -> memref<1x1x80x64xf32, #tpu.memory_space<vmem>>
        %dma_start3A_670 = tpu.memref_squeeze %dma_start3A_669 : memref<1x1x80x64xf32, #tpu.memory_space<vmem>> -> memref<80x64xf32, #tpu.memory_space<vmem>>
        %dma_start3A_671 = arith.constant 0 : i32
        %dma_start3A_672 = tpu.memref_slice %arg8[%dma_start3A_665, %dma_start3A_666, %dma_start3A_671] : memref<2x5x80xi32, #tpu.memory_space<vmem>> -> memref<1x1x80xi32, #tpu.memory_space<vmem>>
        %dma_start3A_673 = tpu.memref_squeeze %dma_start3A_672 : memref<1x1x80xi32, #tpu.memory_space<vmem>> -> memref<80xi32, #tpu.memory_space<vmem>>
        %dma_start3A_674 = arith.constant 0 : i32
        %dma_start3A_675 = arith.constant 0 : i32
        %dma_start3A_676 = tpu.memref_slice %arg10[%dma_start3A_674, %dma_start3A_675] : memref<10000x64xf32, #tpu.memory_space<vmem_shared>> -> memref<10000x64xf32, #tpu.memory_space<vmem_shared>>
        tpu.enqueue_indirect_dma source(%dma_start3A_670 : memref<80x64xf32, #tpu.memory_space<vmem>>) target(%dma_start3A_676 : memref<10000x64xf32, #tpu.memory_space<vmem_shared>>) offsets(%dma_start3A_673 : memref<80xi32, #tpu.memory_space<vmem>>) semaphore(%arg12 : memref<!tpu.dma_semaphore, #tpu.memory_space<semaphore_mem>>) {add = true}
        %add3A_677 = arith.constant 2 : i32
        %add3A_678 = arith.addi %add3A_163, %add3A_677 : i32
        %lt3A = arith.constant 50 : i32
        %lt3A_679 = arith.cmpi slt, %add3A_678, %lt3A : i32
        %convert_element_type3A_680 = arith.extui %lt3A_679 : i1 to i32
        %cond3A_681 = arith.constant 0 : i32
        %cond3A_682 = arith.cmpi ne, %convert_element_type3A_680, %cond3A_681 : i32
        scf.if %cond3A_682 {
          %add3A_683 = arith.constant 2 : i32
          %add3A_684 = arith.addi %add3A_163, %add3A_683 : i32
          %mul3A_685 = arith.constant 5 : i32
          %mul3A_686 = arith.muli %add3A_684, %mul3A_685 : i32
          %add3A_687 = arith.constant 0 : i32
          %add3A_688 = arith.addi %mul3A_686, %add3A_687 : i32
          %mul3A_689 = arith.constant 80 : i32
          %mul3A_690 = arith.muli %add3A_688, %mul3A_689 : i32
          %add3A_691 = arith.addi %mul3A_0, %mul3A_690 : i32
          %dma_start3A_692 = arith.constant 1 : i32
          %dma_start3A_693 = arith.constant 0 : i32
          %dma_start3A_694 = arith.constant 0 : i32
          %dma_start3A_695 = arith.constant 0 : i32
          %dma_start3A_696 = tpu.memref_slice %arg8[%dma_start3A_693, %dma_start3A_694, %dma_start3A_695] : memref<2x5x80xi32, #tpu.memory_space<vmem>> -> memref<1x1x80xi32, #tpu.memory_space<vmem>>
          %dma_start3A_697 = tpu.memref_squeeze %dma_start3A_696 : memref<1x1x80xi32, #tpu.memory_space<vmem>> -> memref<80xi32, #tpu.memory_space<vmem>>
          %dma_start3A_698 = tpu.memref_slice %arg4[%dma_start3A_692, %add3A_691] : memref<2x320000xi32, #tpu.memory_space<hbm>> -> memref<1x80xi32, #tpu.memory_space<hbm>>
          %dma_start3A_699 = tpu.memref_squeeze %dma_start3A_698 : memref<1x80xi32, #tpu.memory_space<hbm>> -> memref<80xi32, #tpu.memory_space<hbm>>
          %dma_start3A_700 = arith.constant 0 : i32
          %dma_start3A_701 = tpu.memref_slice %arg8[%dma_start3A_693, %dma_start3A_694, %dma_start3A_700] : memref<2x5x80xi32, #tpu.memory_space<vmem>> -> memref<1x1x80xi32, #tpu.memory_space<vmem>>
          %dma_start3A_702 = tpu.memref_squeeze %dma_start3A_701 : memref<1x1x80xi32, #tpu.memory_space<vmem>> -> memref<80xi32, #tpu.memory_space<vmem>>
          %dma_start3A_703 = tpu.memref_slice %arg4[%dma_start3A_692, %add3A_691] : memref<2x320000xi32, #tpu.memory_space<hbm>> -> memref<1x80xi32, #tpu.memory_space<hbm>>
          %dma_start3A_704 = tpu.memref_squeeze %dma_start3A_703 : memref<1x80xi32, #tpu.memory_space<hbm>> -> memref<80xi32, #tpu.memory_space<hbm>>
          tpu.enqueue_dma source(%dma_start3A_704 : memref<80xi32, #tpu.memory_space<hbm>>) target(%dma_start3A_702 : memref<80xi32, #tpu.memory_space<vmem>>) target_semaphore(%arg13 : memref<!tpu.dma_semaphore, #tpu.memory_space<semaphore_mem>>)
          %mul3A_705 = arith.constant 5 : i32
          %mul3A_706 = arith.muli %add3A_684, %mul3A_705 : i32
          %add3A_707 = arith.constant 1 : i32
          %add3A_708 = arith.addi %mul3A_706, %add3A_707 : i32
          %mul3A_709 = arith.constant 80 : i32
          %mul3A_710 = arith.muli %add3A_708, %mul3A_709 : i32
          %add3A_711 = arith.addi %mul3A_0, %mul3A_710 : i32
          %dma_start3A_712 = arith.constant 1 : i32
          %dma_start3A_713 = arith.constant 0 : i32
          %dma_start3A_714 = arith.constant 1 : i32
          %dma_start3A_715 = arith.constant 0 : i32
          %dma_start3A_716 = tpu.memref_slice %arg8[%dma_start3A_713, %dma_start3A_714, %dma_start3A_715] : memref<2x5x80xi32, #tpu.memory_space<vmem>> -> memref<1x1x80xi32, #tpu.memory_space<vmem>>
          %dma_start3A_717 = tpu.memref_squeeze %dma_start3A_716 : memref<1x1x80xi32, #tpu.memory_space<vmem>> -> memref<80xi32, #tpu.memory_space<vmem>>
          %dma_start3A_718 = tpu.memref_slice %arg4[%dma_start3A_712, %add3A_711] : memref<2x320000xi32, #tpu.memory_space<hbm>> -> memref<1x80xi32, #tpu.memory_space<hbm>>
          %dma_start3A_719 = tpu.memref_squeeze %dma_start3A_718 : memref<1x80xi32, #tpu.memory_space<hbm>> -> memref<80xi32, #tpu.memory_space<hbm>>
          %dma_start3A_720 = arith.constant 0 : i32
          %dma_start3A_721 = tpu.memref_slice %arg8[%dma_start3A_713, %dma_start3A_714, %dma_start3A_720] : memref<2x5x80xi32, #tpu.memory_space<vmem>> -> memref<1x1x80xi32, #tpu.memory_space<vmem>>
          %dma_start3A_722 = tpu.memref_squeeze %dma_start3A_721 : memref<1x1x80xi32, #tpu.memory_space<vmem>> -> memref<80xi32, #tpu.memory_space<vmem>>
          %dma_start3A_723 = tpu.memref_slice %arg4[%dma_start3A_712, %add3A_711] : memref<2x320000xi32, #tpu.memory_space<hbm>> -> memref<1x80xi32, #tpu.memory_space<hbm>>
          %dma_start3A_724 = tpu.memref_squeeze %dma_start3A_723 : memref<1x80xi32, #tpu.memory_space<hbm>> -> memref<80xi32, #tpu.memory_space<hbm>>
          tpu.enqueue_dma source(%dma_start3A_724 : memref<80xi32, #tpu.memory_space<hbm>>) target(%dma_start3A_722 : memref<80xi32, #tpu.memory_space<vmem>>) target_semaphore(%arg13 : memref<!tpu.dma_semaphore, #tpu.memory_space<semaphore_mem>>)
          %mul3A_725 = arith.constant 5 : i32
          %mul3A_726 = arith.muli %add3A_684, %mul3A_725 : i32
          %add3A_727 = arith.constant 2 : i32
          %add3A_728 = arith.addi %mul3A_726, %add3A_727 : i32
          %mul3A_729 = arith.constant 80 : i32
          %mul3A_730 = arith.muli %add3A_728, %mul3A_729 : i32
          %add3A_731 = arith.addi %mul3A_0, %mul3A_730 : i32
          %dma_start3A_732 = arith.constant 1 : i32
          %dma_start3A_733 = arith.constant 0 : i32
          %dma_start3A_734 = arith.constant 2 : i32
          %dma_start3A_735 = arith.constant 0 : i32
          %dma_start3A_736 = tpu.memref_slice %arg8[%dma_start3A_733, %dma_start3A_734, %dma_start3A_735] : memref<2x5x80xi32, #tpu.memory_space<vmem>> -> memref<1x1x80xi32, #tpu.memory_space<vmem>>
          %dma_start3A_737 = tpu.memref_squeeze %dma_start3A_736 : memref<1x1x80xi32, #tpu.memory_space<vmem>> -> memref<80xi32, #tpu.memory_space<vmem>>
          %dma_start3A_738 = tpu.memref_slice %arg4[%dma_start3A_732, %add3A_731] : memref<2x320000xi32, #tpu.memory_space<hbm>> -> memref<1x80xi32, #tpu.memory_space<hbm>>
          %dma_start3A_739 = tpu.memref_squeeze %dma_start3A_738 : memref<1x80xi32, #tpu.memory_space<hbm>> -> memref<80xi32, #tpu.memory_space<hbm>>
          %dma_start3A_740 = arith.constant 0 : i32
          %dma_start3A_741 = tpu.memref_slice %arg8[%dma_start3A_733, %dma_start3A_734, %dma_start3A_740] : memref<2x5x80xi32, #tpu.memory_space<vmem>> -> memref<1x1x80xi32, #tpu.memory_space<vmem>>
          %dma_start3A_742 = tpu.memref_squeeze %dma_start3A_741 : memref<1x1x80xi32, #tpu.memory_space<vmem>> -> memref<80xi32, #tpu.memory_space<vmem>>
          %dma_start3A_743 = tpu.memref_slice %arg4[%dma_start3A_732, %add3A_731] : memref<2x320000xi32, #tpu.memory_space<hbm>> -> memref<1x80xi32, #tpu.memory_space<hbm>>
          %dma_start3A_744 = tpu.memref_squeeze %dma_start3A_743 : memref<1x80xi32, #tpu.memory_space<hbm>> -> memref<80xi32, #tpu.memory_space<hbm>>
          tpu.enqueue_dma source(%dma_start3A_744 : memref<80xi32, #tpu.memory_space<hbm>>) target(%dma_start3A_742 : memref<80xi32, #tpu.memory_space<vmem>>) target_semaphore(%arg13 : memref<!tpu.dma_semaphore, #tpu.memory_space<semaphore_mem>>)
          %mul3A_745 = arith.constant 5 : i32
          %mul3A_746 = arith.muli %add3A_684, %mul3A_745 : i32
          %add3A_747 = arith.constant 3 : i32
          %add3A_748 = arith.addi %mul3A_746, %add3A_747 : i32
          %mul3A_749 = arith.constant 80 : i32
          %mul3A_750 = arith.muli %add3A_748, %mul3A_749 : i32
          %add3A_751 = arith.addi %mul3A_0, %mul3A_750 : i32
          %dma_start3A_752 = arith.constant 1 : i32
          %dma_start3A_753 = arith.constant 0 : i32
          %dma_start3A_754 = arith.constant 3 : i32
          %dma_start3A_755 = arith.constant 0 : i32
          %dma_start3A_756 = tpu.memref_slice %arg8[%dma_start3A_753, %dma_start3A_754, %dma_start3A_755] : memref<2x5x80xi32, #tpu.memory_space<vmem>> -> memref<1x1x80xi32, #tpu.memory_space<vmem>>
          %dma_start3A_757 = tpu.memref_squeeze %dma_start3A_756 : memref<1x1x80xi32, #tpu.memory_space<vmem>> -> memref<80xi32, #tpu.memory_space<vmem>>
          %dma_start3A_758 = tpu.memref_slice %arg4[%dma_start3A_752, %add3A_751] : memref<2x320000xi32, #tpu.memory_space<hbm>> -> memref<1x80xi32, #tpu.memory_space<hbm>>
          %dma_start3A_759 = tpu.memref_squeeze %dma_start3A_758 : memref<1x80xi32, #tpu.memory_space<hbm>> -> memref<80xi32, #tpu.memory_space<hbm>>
          %dma_start3A_760 = arith.constant 0 : i32
          %dma_start3A_761 = tpu.memref_slice %arg8[%dma_start3A_753, %dma_start3A_754, %dma_start3A_760] : memref<2x5x80xi32, #tpu.memory_space<vmem>> -> memref<1x1x80xi32, #tpu.memory_space<vmem>>
          %dma_start3A_762 = tpu.memref_squeeze %dma_start3A_761 : memref<1x1x80xi32, #tpu.memory_space<vmem>> -> memref<80xi32, #tpu.memory_space<vmem>>
          %dma_start3A_763 = tpu.memref_slice %arg4[%dma_start3A_752, %add3A_751] : memref<2x320000xi32, #tpu.memory_space<hbm>> -> memref<1x80xi32, #tpu.memory_space<hbm>>
          %dma_start3A_764 = tpu.memref_squeeze %dma_start3A_763 : memref<1x80xi32, #tpu.memory_space<hbm>> -> memref<80xi32, #tpu.memory_space<hbm>>
          tpu.enqueue_dma source(%dma_start3A_764 : memref<80xi32, #tpu.memory_space<hbm>>) target(%dma_start3A_762 : memref<80xi32, #tpu.memory_space<vmem>>) target_semaphore(%arg13 : memref<!tpu.dma_semaphore, #tpu.memory_space<semaphore_mem>>)
          %mul3A_765 = arith.constant 5 : i32
          %mul3A_766 = arith.muli %add3A_684, %mul3A_765 : i32
          %add3A_767 = arith.constant 4 : i32
          %add3A_768 = arith.addi %mul3A_766, %add3A_767 : i32
          %mul3A_769 = arith.constant 80 : i32
          %mul3A_770 = arith.muli %add3A_768, %mul3A_769 : i32
          %add3A_771 = arith.addi %mul3A_0, %mul3A_770 : i32
          %dma_start3A_772 = arith.constant 1 : i32
          %dma_start3A_773 = arith.constant 0 : i32
          %dma_start3A_774 = arith.constant 4 : i32
          %dma_start3A_775 = arith.constant 0 : i32
          %dma_start3A_776 = tpu.memref_slice %arg8[%dma_start3A_773, %dma_start3A_774, %dma_start3A_775] : memref<2x5x80xi32, #tpu.memory_space<vmem>> -> memref<1x1x80xi32, #tpu.memory_space<vmem>>
          %dma_start3A_777 = tpu.memref_squeeze %dma_start3A_776 : memref<1x1x80xi32, #tpu.memory_space<vmem>> -> memref<80xi32, #tpu.memory_space<vmem>>
          %dma_start3A_778 = tpu.memref_slice %arg4[%dma_start3A_772, %add3A_771] : memref<2x320000xi32, #tpu.memory_space<hbm>> -> memref<1x80xi32, #tpu.memory_space<hbm>>
          %dma_start3A_779 = tpu.memref_squeeze %dma_start3A_778 : memref<1x80xi32, #tpu.memory_space<hbm>> -> memref<80xi32, #tpu.memory_space<hbm>>
          %dma_start3A_780 = arith.constant 0 : i32
          %dma_start3A_781 = tpu.memref_slice %arg8[%dma_start3A_773, %dma_start3A_774, %dma_start3A_780] : memref<2x5x80xi32, #tpu.memory_space<vmem>> -> memref<1x1x80xi32, #tpu.memory_space<vmem>>
          %dma_start3A_782 = tpu.memref_squeeze %dma_start3A_781 : memref<1x1x80xi32, #tpu.memory_space<vmem>> -> memref<80xi32, #tpu.memory_space<vmem>>
          %dma_start3A_783 = tpu.memref_slice %arg4[%dma_start3A_772, %add3A_771] : memref<2x320000xi32, #tpu.memory_space<hbm>> -> memref<1x80xi32, #tpu.memory_space<hbm>>
          %dma_start3A_784 = tpu.memref_squeeze %dma_start3A_783 : memref<1x80xi32, #tpu.memory_space<hbm>> -> memref<80xi32, #tpu.memory_space<hbm>>
          tpu.enqueue_dma source(%dma_start3A_784 : memref<80xi32, #tpu.memory_space<hbm>>) target(%dma_start3A_782 : memref<80xi32, #tpu.memory_space<vmem>>) target_semaphore(%arg13 : memref<!tpu.dma_semaphore, #tpu.memory_space<semaphore_mem>>)
          %mul3A_785 = arith.constant 5 : i32
          %mul3A_786 = arith.muli %add3A_684, %mul3A_785 : i32
          %add3A_787 = arith.constant 0 : i32
          %add3A_788 = arith.addi %mul3A_786, %add3A_787 : i32
          %mul3A_789 = arith.constant 80 : i32
          %mul3A_790 = arith.muli %add3A_788, %mul3A_789 : i32
          %dma_start3A_791 = arith.constant 0 : i32
          %dma_start3A_792 = arith.constant 0 : i32
          %dma_start3A_793 = arith.constant 0 : i32
          %dma_start3A_794 = arith.constant 0 : i32
          %dma_start3A_795 = tpu.memref_slice %arg9[%dma_start3A_791, %dma_start3A_792, %dma_start3A_793, %dma_start3A_794] : memref<2x5x80x64xf32, #tpu.memory_space<vmem>> -> memref<1x1x80x64xf32, #tpu.memory_space<vmem>>
          %dma_start3A_796 = tpu.memref_squeeze %dma_start3A_795 : memref<1x1x80x64xf32, #tpu.memory_space<vmem>> -> memref<80x64xf32, #tpu.memory_space<vmem>>
          %dma_start3A_797 = tpu.memref_slice %arg7[%mul3A_790] : memref<20000xi32, #tpu.memory_space<vmem>> -> memref<80xi32, #tpu.memory_space<vmem>>
          %dma_start3A_798 = arith.constant 0 : i32
          %dma_start3A_799 = arith.constant 0 : i32
          %dma_start3A_800 = tpu.memref_slice %arg2[%dma_start3A_798, %dma_start3A_799] : memref<10000x64xf32, #tpu.memory_space<hbm>> -> memref<10000x64xf32, #tpu.memory_space<hbm>>
          tpu.enqueue_indirect_dma source(%dma_start3A_800 : memref<10000x64xf32, #tpu.memory_space<hbm>>) target(%dma_start3A_796 : memref<80x64xf32, #tpu.memory_space<vmem>>) offsets(%dma_start3A_797 : memref<80xi32, #tpu.memory_space<vmem>>) semaphore(%arg11 : memref<!tpu.dma_semaphore, #tpu.memory_space<semaphore_mem>>)
          %mul3A_801 = arith.constant 5 : i32
          %mul3A_802 = arith.muli %add3A_684, %mul3A_801 : i32
          %add3A_803 = arith.constant 1 : i32
          %add3A_804 = arith.addi %mul3A_802, %add3A_803 : i32
          %mul3A_805 = arith.constant 80 : i32
          %mul3A_806 = arith.muli %add3A_804, %mul3A_805 : i32
          %dma_start3A_807 = arith.constant 0 : i32
          %dma_start3A_808 = arith.constant 1 : i32
          %dma_start3A_809 = arith.constant 0 : i32
          %dma_start3A_810 = arith.constant 0 : i32
          %dma_start3A_811 = tpu.memref_slice %arg9[%dma_start3A_807, %dma_start3A_808, %dma_start3A_809, %dma_start3A_810] : memref<2x5x80x64xf32, #tpu.memory_space<vmem>> -> memref<1x1x80x64xf32, #tpu.memory_space<vmem>>
          %dma_start3A_812 = tpu.memref_squeeze %dma_start3A_811 : memref<1x1x80x64xf32, #tpu.memory_space<vmem>> -> memref<80x64xf32, #tpu.memory_space<vmem>>
          %dma_start3A_813 = tpu.memref_slice %arg7[%mul3A_806] : memref<20000xi32, #tpu.memory_space<vmem>> -> memref<80xi32, #tpu.memory_space<vmem>>
          %dma_start3A_814 = arith.constant 0 : i32
          %dma_start3A_815 = arith.constant 0 : i32
          %dma_start3A_816 = tpu.memref_slice %arg2[%dma_start3A_814, %dma_start3A_815] : memref<10000x64xf32, #tpu.memory_space<hbm>> -> memref<10000x64xf32, #tpu.memory_space<hbm>>
          tpu.enqueue_indirect_dma source(%dma_start3A_816 : memref<10000x64xf32, #tpu.memory_space<hbm>>) target(%dma_start3A_812 : memref<80x64xf32, #tpu.memory_space<vmem>>) offsets(%dma_start3A_813 : memref<80xi32, #tpu.memory_space<vmem>>) semaphore(%arg11 : memref<!tpu.dma_semaphore, #tpu.memory_space<semaphore_mem>>)
          %mul3A_817 = arith.constant 5 : i32
          %mul3A_818 = arith.muli %add3A_684, %mul3A_817 : i32
          %add3A_819 = arith.constant 2 : i32
          %add3A_820 = arith.addi %mul3A_818, %add3A_819 : i32
          %mul3A_821 = arith.constant 80 : i32
          %mul3A_822 = arith.muli %add3A_820, %mul3A_821 : i32
          %dma_start3A_823 = arith.constant 0 : i32
          %dma_start3A_824 = arith.constant 2 : i32
          %dma_start3A_825 = arith.constant 0 : i32
          %dma_start3A_826 = arith.constant 0 : i32
          %dma_start3A_827 = tpu.memref_slice %arg9[%dma_start3A_823, %dma_start3A_824, %dma_start3A_825, %dma_start3A_826] : memref<2x5x80x64xf32, #tpu.memory_space<vmem>> -> memref<1x1x80x64xf32, #tpu.memory_space<vmem>>
          %dma_start3A_828 = tpu.memref_squeeze %dma_start3A_827 : memref<1x1x80x64xf32, #tpu.memory_space<vmem>> -> memref<80x64xf32, #tpu.memory_space<vmem>>
          %dma_start3A_829 = tpu.memref_slice %arg7[%mul3A_822] : memref<20000xi32, #tpu.memory_space<vmem>> -> memref<80xi32, #tpu.memory_space<vmem>>
          %dma_start3A_830 = arith.constant 0 : i32
          %dma_start3A_831 = arith.constant 0 : i32
          %dma_start3A_832 = tpu.memref_slice %arg2[%dma_start3A_830, %dma_start3A_831] : memref<10000x64xf32, #tpu.memory_space<hbm>> -> memref<10000x64xf32, #tpu.memory_space<hbm>>
          tpu.enqueue_indirect_dma source(%dma_start3A_832 : memref<10000x64xf32, #tpu.memory_space<hbm>>) target(%dma_start3A_828 : memref<80x64xf32, #tpu.memory_space<vmem>>) offsets(%dma_start3A_829 : memref<80xi32, #tpu.memory_space<vmem>>) semaphore(%arg11 : memref<!tpu.dma_semaphore, #tpu.memory_space<semaphore_mem>>)
          %mul3A_833 = arith.constant 5 : i32
          %mul3A_834 = arith.muli %add3A_684, %mul3A_833 : i32
          %add3A_835 = arith.constant 3 : i32
          %add3A_836 = arith.addi %mul3A_834, %add3A_835 : i32
          %mul3A_837 = arith.constant 80 : i32
          %mul3A_838 = arith.muli %add3A_836, %mul3A_837 : i32
          %dma_start3A_839 = arith.constant 0 : i32
          %dma_start3A_840 = arith.constant 3 : i32
          %dma_start3A_841 = arith.constant 0 : i32
          %dma_start3A_842 = arith.constant 0 : i32
          %dma_start3A_843 = tpu.memref_slice %arg9[%dma_start3A_839, %dma_start3A_840, %dma_start3A_841, %dma_start3A_842] : memref<2x5x80x64xf32, #tpu.memory_space<vmem>> -> memref<1x1x80x64xf32, #tpu.memory_space<vmem>>
          %dma_start3A_844 = tpu.memref_squeeze %dma_start3A_843 : memref<1x1x80x64xf32, #tpu.memory_space<vmem>> -> memref<80x64xf32, #tpu.memory_space<vmem>>
          %dma_start3A_845 = tpu.memref_slice %arg7[%mul3A_838] : memref<20000xi32, #tpu.memory_space<vmem>> -> memref<80xi32, #tpu.memory_space<vmem>>
          %dma_start3A_846 = arith.constant 0 : i32
          %dma_start3A_847 = arith.constant 0 : i32
          %dma_start3A_848 = tpu.memref_slice %arg2[%dma_start3A_846, %dma_start3A_847] : memref<10000x64xf32, #tpu.memory_space<hbm>> -> memref<10000x64xf32, #tpu.memory_space<hbm>>
          tpu.enqueue_indirect_dma source(%dma_start3A_848 : memref<10000x64xf32, #tpu.memory_space<hbm>>) target(%dma_start3A_844 : memref<80x64xf32, #tpu.memory_space<vmem>>) offsets(%dma_start3A_845 : memref<80xi32, #tpu.memory_space<vmem>>) semaphore(%arg11 : memref<!tpu.dma_semaphore, #tpu.memory_space<semaphore_mem>>)
          %mul3A_849 = arith.constant 5 : i32
          %mul3A_850 = arith.muli %add3A_684, %mul3A_849 : i32
          %add3A_851 = arith.constant 4 : i32
          %add3A_852 = arith.addi %mul3A_850, %add3A_851 : i32
          %mul3A_853 = arith.constant 80 : i32
          %mul3A_854 = arith.muli %add3A_852, %mul3A_853 : i32
          %dma_start3A_855 = arith.constant 0 : i32
          %dma_start3A_856 = arith.constant 4 : i32
          %dma_start3A_857 = arith.constant 0 : i32
          %dma_start3A_858 = arith.constant 0 : i32
          %dma_start3A_859 = tpu.memref_slice %arg9[%dma_start3A_855, %dma_start3A_856, %dma_start3A_857, %dma_start3A_858] : memref<2x5x80x64xf32, #tpu.memory_space<vmem>> -> memref<1x1x80x64xf32, #tpu.memory_space<vmem>>
          %dma_start3A_860 = tpu.memref_squeeze %dma_start3A_859 : memref<1x1x80x64xf32, #tpu.memory_space<vmem>> -> memref<80x64xf32, #tpu.memory_space<vmem>>
          %dma_start3A_861 = tpu.memref_slice %arg7[%mul3A_854] : memref<20000xi32, #tpu.memory_space<vmem>> -> memref<80xi32, #tpu.memory_space<vmem>>
          %dma_start3A_862 = arith.constant 0 : i32
          %dma_start3A_863 = arith.constant 0 : i32
          %dma_start3A_864 = tpu.memref_slice %arg2[%dma_start3A_862, %dma_start3A_863] : memref<10000x64xf32, #tpu.memory_space<hbm>> -> memref<10000x64xf32, #tpu.memory_space<hbm>>
          tpu.enqueue_indirect_dma source(%dma_start3A_864 : memref<10000x64xf32, #tpu.memory_space<hbm>>) target(%dma_start3A_860 : memref<80x64xf32, #tpu.memory_space<vmem>>) offsets(%dma_start3A_861 : memref<80xi32, #tpu.memory_space<vmem>>) semaphore(%arg11 : memref<!tpu.dma_semaphore, #tpu.memory_space<semaphore_mem>>)
        } else {
        }
      }
      %scan3A_143 = arith.constant 25 : i32
      %dma_wait3A = arith.constant 1 : i32
      %dma_wait3A_144 = arith.constant 0 : i32
      %dma_wait3A_145 = arith.constant 0 : i32
      %dma_wait3A_146 = arith.constant 0 : i32
      %dma_wait3A_147 = tpu.memref_slice %arg9[%dma_wait3A, %dma_wait3A_144, %dma_wait3A_145, %dma_wait3A_146] : memref<2x5x80x64xf32, #tpu.memory_space<vmem>> -> memref<1x5x80x64xf32, #tpu.memory_space<vmem>>
      %dma_wait3A_148 = tpu.memref_squeeze %dma_wait3A_147 : memref<1x5x80x64xf32, #tpu.memory_space<vmem>> -> memref<5x80x64xf32, #tpu.memory_space<vmem>>
      %dma_wait3A_149 = arith.constant 0 : i32
      %dma_wait3A_150 = arith.constant 0 : i32
      %dma_wait3A_151 = arith.constant 0 : i32
      %dma_wait3A_152 = tpu.memref_slice %arg9[%dma_wait3A, %dma_wait3A_149, %dma_wait3A_150, %dma_wait3A_151] : memref<2x5x80x64xf32, #tpu.memory_space<vmem>> -> memref<1x5x80x64xf32, #tpu.memory_space<vmem>>
      %dma_wait3A_153 = tpu.memref_squeeze %dma_wait3A_152 : memref<1x5x80x64xf32, #tpu.memory_space<vmem>> -> memref<5x80x64xf32, #tpu.memory_space<vmem>>
      tpu.wait_dma2 semaphore(%arg12 : memref<!tpu.dma_semaphore, #tpu.memory_space<semaphore_mem>>) src(%arg5 : memref<5x80x64xf32, #tpu.memory_space<hbm>>) dst(%dma_wait3A_153 : memref<5x80x64xf32, #tpu.memory_space<vmem>>)
      %barrier3A_154 = arith.constant 0 : index
      tpu.barrier barrier_id(%barrier3A_154)
      %mul3A_155 = arith.constant 625 : i32
      %mul3A_156 = arith.muli %arg1, %mul3A_155 : i32
      %mul3A_157 = arith.constant 625 : i32
      %mul3A_158 = arith.muli %arg1, %mul3A_157 : i32
      "tpu.region"() ({
        %run_scoped3A_159 = tpu.sem_alloc : memref<!tpu.dma_semaphore, #tpu.memory_space<semaphore_mem>>
        %dma_start3A_160 = arith.constant 0 : i32
        %dma_start3A_161 = tpu.memref_slice %arg6[%arg0, %mul3A_158, %dma_start3A_160] : memref<2x10000x64xf32, #tpu.memory_space<hbm>> -> memref<1x625x64xf32, #tpu.memory_space<hbm>>
        %dma_start3A_162 = tpu.memref_squeeze %dma_start3A_161 : memref<1x625x64xf32, #tpu.memory_space<hbm>> -> memref<625x64xf32, #tpu.memory_space<hbm>>
        %dma_start3A_163 = arith.constant 0 : i32
        %dma_start3A_164 = tpu.memref_slice %arg10[%mul3A_156, %dma_start3A_163] : memref<10000x64xf32, #tpu.memory_space<vmem_shared>> -> memref<625x64xf32, #tpu.memory_space<vmem_shared>>
        tpu.enqueue_dma source(%dma_start3A_164 : memref<625x64xf32, #tpu.memory_space<vmem_shared>>) target(%dma_start3A_162 : memref<625x64xf32, #tpu.memory_space<hbm>>) target_semaphore(%run_scoped3A_159 : memref<!tpu.dma_semaphore, #tpu.memory_space<semaphore_mem>>)
        %dma_wait3A_165 = arith.constant 0 : i32
        %dma_wait3A_166 = tpu.memref_slice %arg6[%arg0, %mul3A_158, %dma_wait3A_165] : memref<2x10000x64xf32, #tpu.memory_space<hbm>> -> memref<1x625x64xf32, #tpu.memory_space<hbm>>
        %dma_wait3A_167 = tpu.memref_squeeze %dma_wait3A_166 : memref<1x625x64xf32, #tpu.memory_space<hbm>> -> memref<625x64xf32, #tpu.memory_space<hbm>>
        %dma_wait3A_168 = arith.constant 0 : i32
        %dma_wait3A_169 = tpu.memref_slice %arg10[%mul3A_156, %dma_wait3A_168] : memref<10000x64xf32, #tpu.memory_space<vmem_shared>> -> memref<625x64xf32, #tpu.memory_space<vmem_shared>>
        tpu.wait_dma2 semaphore(%run_scoped3A_159 : memref<!tpu.dma_semaphore, #tpu.memory_space<semaphore_mem>>) src(%dma_wait3A_169 : memref<625x64xf32, #tpu.memory_space<vmem_shared>>) dst(%dma_wait3A_167 : memref<625x64xf32, #tpu.memory_space<hbm>>)
        tpu.yield
      }) : () -> ()
    } else {
    }
    %eq3A_3 = arith.constant 1 : i32
    %eq3A_4 = arith.cmpi eq, %arg0, %eq3A_3 : i32
    %convert_element_type3A_5 = arith.extui %eq3A_4 : i1 to i32
    %cond3A_6 = arith.constant 0 : i32
    %cond3A_7 = arith.cmpi ne, %convert_element_type3A_5, %cond3A_6 : i32
    scf.if %cond3A_7 {
      %add3A = arith.constant 0 : i32
      %add3A_8 = arith.addi %mul3A_0, %add3A : i32
      %dma_start3A = arith.constant 1 : i32
      %dma_start3A_9 = arith.constant 0 : i32
      %dma_start3A_10 = arith.constant 0 : i32
      %dma_start3A_11 = arith.constant 0 : i32
      %dma_start3A_12 = tpu.memref_slice %arg8[%dma_start3A_9, %dma_start3A_10, %dma_start3A_11] : memref<2x5x80xi32, #tpu.memory_space<vmem>> -> memref<1x1x80xi32, #tpu.memory_space<vmem>>
      %dma_start3A_13 = tpu.memref_squeeze %dma_start3A_12 : memref<1x1x80xi32, #tpu.memory_space<vmem>> -> memref<80xi32, #tpu.memory_space<vmem>>
      %dma_start3A_14 = tpu.memref_slice %arg4[%dma_start3A, %add3A_8] : memref<2x320000xi32, #tpu.memory_space<hbm>> -> memref<1x80xi32, #tpu.memory_space<hbm>>
      %dma_start3A_15 = tpu.memref_squeeze %dma_start3A_14 : memref<1x80xi32, #tpu.memory_space<hbm>> -> memref<80xi32, #tpu.memory_space<hbm>>
      %dma_start3A_16 = arith.constant 0 : i32
      %dma_start3A_17 = tpu.memref_slice %arg8[%dma_start3A_9, %dma_start3A_10, %dma_start3A_16] : memref<2x5x80xi32, #tpu.memory_space<vmem>> -> memref<1x1x80xi32, #tpu.memory_space<vmem>>
      %dma_start3A_18 = tpu.memref_squeeze %dma_start3A_17 : memref<1x1x80xi32, #tpu.memory_space<vmem>> -> memref<80xi32, #tpu.memory_space<vmem>>
      %dma_start3A_19 = tpu.memref_slice %arg4[%dma_start3A, %add3A_8] : memref<2x320000xi32, #tpu.memory_space<hbm>> -> memref<1x80xi32, #tpu.memory_space<hbm>>
      %dma_start3A_20 = tpu.memref_squeeze %dma_start3A_19 : memref<1x80xi32, #tpu.memory_space<hbm>> -> memref<80xi32, #tpu.memory_space<hbm>>
      tpu.enqueue_dma source(%dma_start3A_20 : memref<80xi32, #tpu.memory_space<hbm>>) target(%dma_start3A_18 : memref<80xi32, #tpu.memory_space<vmem>>) target_semaphore(%arg13 : memref<!tpu.dma_semaphore, #tpu.memory_space<semaphore_mem>>)
      %add3A_21 = arith.constant 80 : i32
      %add3A_22 = arith.addi %mul3A_0, %add3A_21 : i32
      %dma_start3A_23 = arith.constant 1 : i32
      %dma_start3A_24 = arith.constant 0 : i32
      %dma_start3A_25 = arith.constant 1 : i32
      %dma_start3A_26 = arith.constant 0 : i32
      %dma_start3A_27 = tpu.memref_slice %arg8[%dma_start3A_24, %dma_start3A_25, %dma_start3A_26] : memref<2x5x80xi32, #tpu.memory_space<vmem>> -> memref<1x1x80xi32, #tpu.memory_space<vmem>>
      %dma_start3A_28 = tpu.memref_squeeze %dma_start3A_27 : memref<1x1x80xi32, #tpu.memory_space<vmem>> -> memref<80xi32, #tpu.memory_space<vmem>>
      %dma_start3A_29 = tpu.memref_slice %arg4[%dma_start3A_23, %add3A_22] : memref<2x320000xi32, #tpu.memory_space<hbm>> -> memref<1x80xi32, #tpu.memory_space<hbm>>
      %dma_start3A_30 = tpu.memref_squeeze %dma_start3A_29 : memref<1x80xi32, #tpu.memory_space<hbm>> -> memref<80xi32, #tpu.memory_space<hbm>>
      %dma_start3A_31 = arith.constant 0 : i32
      %dma_start3A_32 = tpu.memref_slice %arg8[%dma_start3A_24, %dma_start3A_25, %dma_start3A_31] : memref<2x5x80xi32, #tpu.memory_space<vmem>> -> memref<1x1x80xi32, #tpu.memory_space<vmem>>
      %dma_start3A_33 = tpu.memref_squeeze %dma_start3A_32 : memref<1x1x80xi32, #tpu.memory_space<vmem>> -> memref<80xi32, #tpu.memory_space<vmem>>
      %dma_start3A_34 = tpu.memref_slice %arg4[%dma_start3A_23, %add3A_22] : memref<2x320000xi32, #tpu.memory_space<hbm>> -> memref<1x80xi32, #tpu.memory_space<hbm>>
      %dma_start3A_35 = tpu.memref_squeeze %dma_start3A_34 : memref<1x80xi32, #tpu.memory_space<hbm>> -> memref<80xi32, #tpu.memory_space<hbm>>
      tpu.enqueue_dma source(%dma_start3A_35 : memref<80xi32, #tpu.memory_space<hbm>>) target(%dma_start3A_33 : memref<80xi32, #tpu.memory_space<vmem>>) target_semaphore(%arg13 : memref<!tpu.dma_semaphore, #tpu.memory_space<semaphore_mem>>)
      %add3A_36 = arith.constant 160 : i32
      %add3A_37 = arith.addi %mul3A_0, %add3A_36 : i32
      %dma_start3A_38 = arith.constant 1 : i32
      %dma_start3A_39 = arith.constant 0 : i32
      %dma_start3A_40 = arith.constant 2 : i32
      %dma_start3A_41 = arith.constant 0 : i32
      %dma_start3A_42 = tpu.memref_slice %arg8[%dma_start3A_39, %dma_start3A_40, %dma_start3A_41] : memref<2x5x80xi32, #tpu.memory_space<vmem>> -> memref<1x1x80xi32, #tpu.memory_space<vmem>>
      %dma_start3A_43 = tpu.memref_squeeze %dma_start3A_42 : memref<1x1x80xi32, #tpu.memory_space<vmem>> -> memref<80xi32, #tpu.memory_space<vmem>>
      %dma_start3A_44 = tpu.memref_slice %arg4[%dma_start3A_38, %add3A_37] : memref<2x320000xi32, #tpu.memory_space<hbm>> -> memref<1x80xi32, #tpu.memory_space<hbm>>
      %dma_start3A_45 = tpu.memref_squeeze %dma_start3A_44 : memref<1x80xi32, #tpu.memory_space<hbm>> -> memref<80xi32, #tpu.memory_space<hbm>>
      %dma_start3A_46 = arith.constant 0 : i32
      %dma_start3A_47 = tpu.memref_slice %arg8[%dma_start3A_39, %dma_start3A_40, %dma_start3A_46] : memref<2x5x80xi32, #tpu.memory_space<vmem>> -> memref<1x1x80xi32, #tpu.memory_space<vmem>>
      %dma_start3A_48 = tpu.memref_squeeze %dma_start3A_47 : memref<1x1x80xi32, #tpu.memory_space<vmem>> -> memref<80xi32, #tpu.memory_space<vmem>>
      %dma_start3A_49 = tpu.memref_slice %arg4[%dma_start3A_38, %add3A_37] : memref<2x320000xi32, #tpu.memory_space<hbm>> -> memref<1x80xi32, #tpu.memory_space<hbm>>
      %dma_start3A_50 = tpu.memref_squeeze %dma_start3A_49 : memref<1x80xi32, #tpu.memory_space<hbm>> -> memref<80xi32, #tpu.memory_space<hbm>>
      tpu.enqueue_dma source(%dma_start3A_50 : memref<80xi32, #tpu.memory_space<hbm>>) target(%dma_start3A_48 : memref<80xi32, #tpu.memory_space<vmem>>) target_semaphore(%arg13 : memref<!tpu.dma_semaphore, #tpu.memory_space<semaphore_mem>>)
      %add3A_51 = arith.constant 240 : i32
      %add3A_52 = arith.addi %mul3A_0, %add3A_51 : i32
      %dma_start3A_53 = arith.constant 1 : i32
      %dma_start3A_54 = arith.constant 0 : i32
      %dma_start3A_55 = arith.constant 3 : i32
      %dma_start3A_56 = arith.constant 0 : i32
      %dma_start3A_57 = tpu.memref_slice %arg8[%dma_start3A_54, %dma_start3A_55, %dma_start3A_56] : memref<2x5x80xi32, #tpu.memory_space<vmem>> -> memref<1x1x80xi32, #tpu.memory_space<vmem>>
      %dma_start3A_58 = tpu.memref_squeeze %dma_start3A_57 : memref<1x1x80xi32, #tpu.memory_space<vmem>> -> memref<80xi32, #tpu.memory_space<vmem>>
      %dma_start3A_59 = tpu.memref_slice %arg4[%dma_start3A_53, %add3A_52] : memref<2x320000xi32, #tpu.memory_space<hbm>> -> memref<1x80xi32, #tpu.memory_space<hbm>>
      %dma_start3A_60 = tpu.memref_squeeze %dma_start3A_59 : memref<1x80xi32, #tpu.memory_space<hbm>> -> memref<80xi32, #tpu.memory_space<hbm>>
      %dma_start3A_61 = arith.constant 0 : i32
      %dma_start3A_62 = tpu.memref_slice %arg8[%dma_start3A_54, %dma_start3A_55, %dma_start3A_61] : memref<2x5x80xi32, #tpu.memory_space<vmem>> -> memref<1x1x80xi32, #tpu.memory_space<vmem>>
      %dma_start3A_63 = tpu.memref_squeeze %dma_start3A_62 : memref<1x1x80xi32, #tpu.memory_space<vmem>> -> memref<80xi32, #tpu.memory_space<vmem>>
      %dma_start3A_64 = tpu.memref_slice %arg4[%dma_start3A_53, %add3A_52] : memref<2x320000xi32, #tpu.memory_space<hbm>> -> memref<1x80xi32, #tpu.memory_space<hbm>>
      %dma_start3A_65 = tpu.memref_squeeze %dma_start3A_64 : memref<1x80xi32, #tpu.memory_space<hbm>> -> memref<80xi32, #tpu.memory_space<hbm>>
      tpu.enqueue_dma source(%dma_start3A_65 : memref<80xi32, #tpu.memory_space<hbm>>) target(%dma_start3A_63 : memref<80xi32, #tpu.memory_space<vmem>>) target_semaphore(%arg13 : memref<!tpu.dma_semaphore, #tpu.memory_space<semaphore_mem>>)
      %add3A_66 = arith.constant 320 : i32
      %add3A_67 = arith.addi %mul3A_0, %add3A_66 : i32
      %dma_start3A_68 = arith.constant 1 : i32
      %dma_start3A_69 = arith.constant 0 : i32
      %dma_start3A_70 = arith.constant 4 : i32
      %dma_start3A_71 = arith.constant 0 : i32
      %dma_start3A_72 = tpu.memref_slice %arg8[%dma_start3A_69, %dma_start3A_70, %dma_start3A_71] : memref<2x5x80xi32, #tpu.memory_space<vmem>> -> memref<1x1x80xi32, #tpu.memory_space<vmem>>
      %dma_start3A_73 = tpu.memref_squeeze %dma_start3A_72 : memref<1x1x80xi32, #tpu.memory_space<vmem>> -> memref<80xi32, #tpu.memory_space<vmem>>
      %dma_start3A_74 = tpu.memref_slice %arg4[%dma_start3A_68, %add3A_67] : memref<2x320000xi32, #tpu.memory_space<hbm>> -> memref<1x80xi32, #tpu.memory_space<hbm>>
      %dma_start3A_75 = tpu.memref_squeeze %dma_start3A_74 : memref<1x80xi32, #tpu.memory_space<hbm>> -> memref<80xi32, #tpu.memory_space<hbm>>
      %dma_start3A_76 = arith.constant 0 : i32
      %dma_start3A_77 = tpu.memref_slice %arg8[%dma_start3A_69, %dma_start3A_70, %dma_start3A_76] : memref<2x5x80xi32, #tpu.memory_space<vmem>> -> memref<1x1x80xi32, #tpu.memory_space<vmem>>
      %dma_start3A_78 = tpu.memref_squeeze %dma_start3A_77 : memref<1x1x80xi32, #tpu.memory_space<vmem>> -> memref<80xi32, #tpu.memory_space<vmem>>
      %dma_start3A_79 = tpu.memref_slice %arg4[%dma_start3A_68, %add3A_67] : memref<2x320000xi32, #tpu.memory_space<hbm>> -> memref<1x80xi32, #tpu.memory_space<hbm>>
      %dma_start3A_80 = tpu.memref_squeeze %dma_start3A_79 : memref<1x80xi32, #tpu.memory_space<hbm>> -> memref<80xi32, #tpu.memory_space<hbm>>
      tpu.enqueue_dma source(%dma_start3A_80 : memref<80xi32, #tpu.memory_space<hbm>>) target(%dma_start3A_78 : memref<80xi32, #tpu.memory_space<vmem>>) target_semaphore(%arg13 : memref<!tpu.dma_semaphore, #tpu.memory_space<semaphore_mem>>)
      %dma_start3A_81 = arith.constant 0 : i32
      %dma_start3A_82 = arith.constant 0 : i32
      %dma_start3A_83 = arith.constant 0 : i32
      %dma_start3A_84 = arith.constant 0 : i32
      %dma_start3A_85 = tpu.memref_slice %arg9[%dma_start3A_81, %dma_start3A_82, %dma_start3A_83, %dma_start3A_84] : memref<2x5x80x64xf32, #tpu.memory_space<vmem>> -> memref<1x1x80x64xf32, #tpu.memory_space<vmem>>
      %dma_start3A_86 = tpu.memref_squeeze %dma_start3A_85 : memref<1x1x80x64xf32, #tpu.memory_space<vmem>> -> memref<80x64xf32, #tpu.memory_space<vmem>>
      %dma_start3A_87 = arith.constant 0 : i32
      %dma_start3A_88 = tpu.memref_slice %arg7[%dma_start3A_87] : memref<20000xi32, #tpu.memory_space<vmem>> -> memref<80xi32, #tpu.memory_space<vmem>>
      %dma_start3A_89 = arith.constant 0 : i32
      %dma_start3A_90 = arith.constant 0 : i32
      %dma_start3A_91 = tpu.memref_slice %arg3[%dma_start3A_89, %dma_start3A_90] : memref<10000x64xf32, #tpu.memory_space<hbm>> -> memref<10000x64xf32, #tpu.memory_space<hbm>>
      tpu.enqueue_indirect_dma source(%dma_start3A_91 : memref<10000x64xf32, #tpu.memory_space<hbm>>) target(%dma_start3A_86 : memref<80x64xf32, #tpu.memory_space<vmem>>) offsets(%dma_start3A_88 : memref<80xi32, #tpu.memory_space<vmem>>) semaphore(%arg11 : memref<!tpu.dma_semaphore, #tpu.memory_space<semaphore_mem>>)
      %dma_start3A_92 = arith.constant 0 : i32
      %dma_start3A_93 = arith.constant 1 : i32
      %dma_start3A_94 = arith.constant 0 : i32
      %dma_start3A_95 = arith.constant 0 : i32
      %dma_start3A_96 = tpu.memref_slice %arg9[%dma_start3A_92, %dma_start3A_93, %dma_start3A_94, %dma_start3A_95] : memref<2x5x80x64xf32, #tpu.memory_space<vmem>> -> memref<1x1x80x64xf32, #tpu.memory_space<vmem>>
      %dma_start3A_97 = tpu.memref_squeeze %dma_start3A_96 : memref<1x1x80x64xf32, #tpu.memory_space<vmem>> -> memref<80x64xf32, #tpu.memory_space<vmem>>
      %dma_start3A_98 = arith.constant 80 : i32
      %dma_start3A_99 = tpu.memref_slice %arg7[%dma_start3A_98] : memref<20000xi32, #tpu.memory_space<vmem>> -> memref<80xi32, #tpu.memory_space<vmem>>
      %dma_start3A_100 = arith.constant 0 : i32
      %dma_start3A_101 = arith.constant 0 : i32
      %dma_start3A_102 = tpu.memref_slice %arg3[%dma_start3A_100, %dma_start3A_101] : memref<10000x64xf32, #tpu.memory_space<hbm>> -> memref<10000x64xf32, #tpu.memory_space<hbm>>
      tpu.enqueue_indirect_dma source(%dma_start3A_102 : memref<10000x64xf32, #tpu.memory_space<hbm>>) target(%dma_start3A_97 : memref<80x64xf32, #tpu.memory_space<vmem>>) offsets(%dma_start3A_99 : memref<80xi32, #tpu.memory_space<vmem>>) semaphore(%arg11 : memref<!tpu.dma_semaphore, #tpu.memory_space<semaphore_mem>>)
      %dma_start3A_103 = arith.constant 0 : i32
      %dma_start3A_104 = arith.constant 2 : i32
      %dma_start3A_105 = arith.constant 0 : i32
      %dma_start3A_106 = arith.constant 0 : i32
      %dma_start3A_107 = tpu.memref_slice %arg9[%dma_start3A_103, %dma_start3A_104, %dma_start3A_105, %dma_start3A_106] : memref<2x5x80x64xf32, #tpu.memory_space<vmem>> -> memref<1x1x80x64xf32, #tpu.memory_space<vmem>>
      %dma_start3A_108 = tpu.memref_squeeze %dma_start3A_107 : memref<1x1x80x64xf32, #tpu.memory_space<vmem>> -> memref<80x64xf32, #tpu.memory_space<vmem>>
      %dma_start3A_109 = arith.constant 160 : i32
      %dma_start3A_110 = tpu.memref_slice %arg7[%dma_start3A_109] : memref<20000xi32, #tpu.memory_space<vmem>> -> memref<80xi32, #tpu.memory_space<vmem>>
      %dma_start3A_111 = arith.constant 0 : i32
      %dma_start3A_112 = arith.constant 0 : i32
      %dma_start3A_113 = tpu.memref_slice %arg3[%dma_start3A_111, %dma_start3A_112] : memref<10000x64xf32, #tpu.memory_space<hbm>> -> memref<10000x64xf32, #tpu.memory_space<hbm>>
      tpu.enqueue_indirect_dma source(%dma_start3A_113 : memref<10000x64xf32, #tpu.memory_space<hbm>>) target(%dma_start3A_108 : memref<80x64xf32, #tpu.memory_space<vmem>>) offsets(%dma_start3A_110 : memref<80xi32, #tpu.memory_space<vmem>>) semaphore(%arg11 : memref<!tpu.dma_semaphore, #tpu.memory_space<semaphore_mem>>)
      %dma_start3A_114 = arith.constant 0 : i32
      %dma_start3A_115 = arith.constant 3 : i32
      %dma_start3A_116 = arith.constant 0 : i32
      %dma_start3A_117 = arith.constant 0 : i32
      %dma_start3A_118 = tpu.memref_slice %arg9[%dma_start3A_114, %dma_start3A_115, %dma_start3A_116, %dma_start3A_117] : memref<2x5x80x64xf32, #tpu.memory_space<vmem>> -> memref<1x1x80x64xf32, #tpu.memory_space<vmem>>
      %dma_start3A_119 = tpu.memref_squeeze %dma_start3A_118 : memref<1x1x80x64xf32, #tpu.memory_space<vmem>> -> memref<80x64xf32, #tpu.memory_space<vmem>>
      %dma_start3A_120 = arith.constant 240 : i32
      %dma_start3A_121 = tpu.memref_slice %arg7[%dma_start3A_120] : memref<20000xi32, #tpu.memory_space<vmem>> -> memref<80xi32, #tpu.memory_space<vmem>>
      %dma_start3A_122 = arith.constant 0 : i32
      %dma_start3A_123 = arith.constant 0 : i32
      %dma_start3A_124 = tpu.memref_slice %arg3[%dma_start3A_122, %dma_start3A_123] : memref<10000x64xf32, #tpu.memory_space<hbm>> -> memref<10000x64xf32, #tpu.memory_space<hbm>>
      tpu.enqueue_indirect_dma source(%dma_start3A_124 : memref<10000x64xf32, #tpu.memory_space<hbm>>) target(%dma_start3A_119 : memref<80x64xf32, #tpu.memory_space<vmem>>) offsets(%dma_start3A_121 : memref<80xi32, #tpu.memory_space<vmem>>) semaphore(%arg11 : memref<!tpu.dma_semaphore, #tpu.memory_space<semaphore_mem>>)
      %dma_start3A_125 = arith.constant 0 : i32
      %dma_start3A_126 = arith.constant 4 : i32
      %dma_start3A_127 = arith.constant 0 : i32
      %dma_start3A_128 = arith.constant 0 : i32
      %dma_start3A_129 = tpu.memref_slice %arg9[%dma_start3A_125, %dma_start3A_126, %dma_start3A_127, %dma_start3A_128] : memref<2x5x80x64xf32, #tpu.memory_space<vmem>> -> memref<1x1x80x64xf32, #tpu.memory_space<vmem>>
      %dma_start3A_130 = tpu.memref_squeeze %dma_start3A_129 : memref<1x1x80x64xf32, #tpu.memory_space<vmem>> -> memref<80x64xf32, #tpu.memory_space<vmem>>
      %dma_start3A_131 = arith.constant 320 : i32
      %dma_start3A_132 = tpu.memref_slice %arg7[%dma_start3A_131] : memref<20000xi32, #tpu.memory_space<vmem>> -> memref<80xi32, #tpu.memory_space<vmem>>
      %dma_start3A_133 = arith.constant 0 : i32
      %dma_start3A_134 = arith.constant 0 : i32
      %dma_start3A_135 = tpu.memref_slice %arg3[%dma_start3A_133, %dma_start3A_134] : memref<10000x64xf32, #tpu.memory_space<hbm>> -> memref<10000x64xf32, #tpu.memory_space<hbm>>
      tpu.enqueue_indirect_dma source(%dma_start3A_135 : memref<10000x64xf32, #tpu.memory_space<hbm>>) target(%dma_start3A_130 : memref<80x64xf32, #tpu.memory_space<vmem>>) offsets(%dma_start3A_132 : memref<80xi32, #tpu.memory_space<vmem>>) semaphore(%arg11 : memref<!tpu.dma_semaphore, #tpu.memory_space<semaphore_mem>>)
      %mul3A_136 = arith.constant 625 : i32
      %mul3A_137 = arith.muli %arg1, %mul3A_136 : i32
      %mul3A_138 = arith.constant 625 : i32
      %mul3A_139 = arith.muli %arg1, %mul3A_138 : i32
      "tpu.region"() ({
        %run_scoped3A_159 = tpu.sem_alloc : memref<!tpu.dma_semaphore, #tpu.memory_space<semaphore_mem>>
        %dma_start3A_160 = arith.constant 0 : i32
        %dma_start3A_161 = tpu.memref_slice %arg10[%mul3A_139, %dma_start3A_160] : memref<10000x64xf32, #tpu.memory_space<vmem_shared>> -> memref<625x64xf32, #tpu.memory_space<vmem_shared>>
        %dma_start3A_162 = arith.constant 0 : i32
        %dma_start3A_163 = tpu.memref_slice %arg3[%mul3A_137, %dma_start3A_162] : memref<10000x64xf32, #tpu.memory_space<hbm>> -> memref<625x64xf32, #tpu.memory_space<hbm>>
        tpu.enqueue_dma source(%dma_start3A_163 : memref<625x64xf32, #tpu.memory_space<hbm>>) target(%dma_start3A_161 : memref<625x64xf32, #tpu.memory_space<vmem_shared>>) target_semaphore(%run_scoped3A_159 : memref<!tpu.dma_semaphore, #tpu.memory_space<semaphore_mem>>)
        %dma_wait3A_164 = arith.constant 0 : i32
        %dma_wait3A_165 = tpu.memref_slice %arg10[%mul3A_139, %dma_wait3A_164] : memref<10000x64xf32, #tpu.memory_space<vmem_shared>> -> memref<625x64xf32, #tpu.memory_space<vmem_shared>>
        %dma_wait3A_166 = arith.constant 0 : i32
        %dma_wait3A_167 = tpu.memref_slice %arg3[%mul3A_137, %dma_wait3A_166] : memref<10000x64xf32, #tpu.memory_space<hbm>> -> memref<625x64xf32, #tpu.memory_space<hbm>>
        tpu.wait_dma2 semaphore(%run_scoped3A_159 : memref<!tpu.dma_semaphore, #tpu.memory_space<semaphore_mem>>) src(%dma_wait3A_167 : memref<625x64xf32, #tpu.memory_space<hbm>>) dst(%dma_wait3A_165 : memref<625x64xf32, #tpu.memory_space<vmem_shared>>)
        tpu.yield
      }) : () -> ()
      %barrier3A = arith.constant 0 : index
      tpu.barrier barrier_id(%barrier3A)
      %scan3A = arith.constant 0 : i32
      %scan3A_140 = arith.constant 25 : i32
      %scan3A_141 = arith.addi %scan3A, %scan3A_140 : i32
      %scan3A_142 = arith.constant 1 : i32
      scf.for %scan3A_159 = %scan3A to %scan3A_141 step %scan3A_142  : i32 {
        %mul3A_160 = arith.constant 2 : i32
        %mul3A_161 = arith.muli %scan3A_159, %mul3A_160 : i32
        %add3A_162 = arith.constant 0 : i32
        %add3A_163 = arith.addi %add3A_162, %mul3A_161 : i32
        %ge3A = arith.constant 2 : i32
        %ge3A_164 = arith.cmpi sge, %add3A_163, %ge3A : i32
        %convert_element_type3A_165 = arith.extui %ge3A_164 : i1 to i32
        %cond3A_166 = arith.constant 0 : i32
        %cond3A_167 = arith.cmpi ne, %convert_element_type3A_165, %cond3A_166 : i32
        scf.if %cond3A_167 {
          %sub3A = arith.constant 1 : i32
          %sub3A_683 = arith.subi %add3A_163, %sub3A : i32
          %dma_wait3A_684 = arith.constant 1 : i32
          %dma_wait3A_685 = arith.constant 0 : i32
          %dma_wait3A_686 = arith.constant 0 : i32
          %dma_wait3A_687 = arith.constant 0 : i32
          %dma_wait3A_688 = tpu.memref_slice %arg9[%dma_wait3A_684, %dma_wait3A_685, %dma_wait3A_686, %dma_wait3A_687] : memref<2x5x80x64xf32, #tpu.memory_space<vmem>> -> memref<1x5x80x64xf32, #tpu.memory_space<vmem>>
          %dma_wait3A_689 = tpu.memref_squeeze %dma_wait3A_688 : memref<1x5x80x64xf32, #tpu.memory_space<vmem>> -> memref<5x80x64xf32, #tpu.memory_space<vmem>>
          %dma_wait3A_690 = arith.constant 0 : i32
          %dma_wait3A_691 = arith.constant 0 : i32
          %dma_wait3A_692 = arith.constant 0 : i32
          %dma_wait3A_693 = tpu.memref_slice %arg9[%dma_wait3A_684, %dma_wait3A_690, %dma_wait3A_691, %dma_wait3A_692] : memref<2x5x80x64xf32, #tpu.memory_space<vmem>> -> memref<1x5x80x64xf32, #tpu.memory_space<vmem>>
          %dma_wait3A_694 = tpu.memref_squeeze %dma_wait3A_693 : memref<1x5x80x64xf32, #tpu.memory_space<vmem>> -> memref<5x80x64xf32, #tpu.memory_space<vmem>>
          tpu.wait_dma2 semaphore(%arg12 : memref<!tpu.dma_semaphore, #tpu.memory_space<semaphore_mem>>) src(%arg5 : memref<5x80x64xf32, #tpu.memory_space<hbm>>) dst(%dma_wait3A_694 : memref<5x80x64xf32, #tpu.memory_space<vmem>>)
        } else {
        }
        %dma_wait3A_168 = arith.constant 0 : i32
        %dma_wait3A_169 = arith.constant 0 : i32
        %dma_wait3A_170 = arith.constant 0 : i32
        %dma_wait3A_171 = arith.constant 0 : i32
        %dma_wait3A_172 = tpu.memref_slice %arg9[%dma_wait3A_168, %dma_wait3A_169, %dma_wait3A_170, %dma_wait3A_171] : memref<2x5x80x64xf32, #tpu.memory_space<vmem>> -> memref<1x5x80x64xf32, #tpu.memory_space<vmem>>
        %dma_wait3A_173 = tpu.memref_squeeze %dma_wait3A_172 : memref<1x5x80x64xf32, #tpu.memory_space<vmem>> -> memref<5x80x64xf32, #tpu.memory_space<vmem>>
        %dma_wait3A_174 = arith.constant 0 : i32
        %dma_wait3A_175 = arith.constant 0 : i32
        %dma_wait3A_176 = arith.constant 0 : i32
        %dma_wait3A_177 = tpu.memref_slice %arg9[%dma_wait3A_168, %dma_wait3A_174, %dma_wait3A_175, %dma_wait3A_176] : memref<2x5x80x64xf32, #tpu.memory_space<vmem>> -> memref<1x5x80x64xf32, #tpu.memory_space<vmem>>
        %dma_wait3A_178 = tpu.memref_squeeze %dma_wait3A_177 : memref<1x5x80x64xf32, #tpu.memory_space<vmem>> -> memref<5x80x64xf32, #tpu.memory_space<vmem>>
        tpu.wait_dma2 semaphore(%arg11 : memref<!tpu.dma_semaphore, #tpu.memory_space<semaphore_mem>>) src(%arg5 : memref<5x80x64xf32, #tpu.memory_space<hbm>>) dst(%dma_wait3A_178 : memref<5x80x64xf32, #tpu.memory_space<vmem>>)
        %dma_wait3A_179 = arith.constant 1 : i32
        %dma_wait3A_180 = arith.constant 0 : i32
        %dma_wait3A_181 = arith.constant 0 : i32
        %dma_wait3A_182 = arith.constant 0 : i32
        %dma_wait3A_183 = tpu.memref_slice %arg8[%dma_wait3A_180, %dma_wait3A_181, %dma_wait3A_182] : memref<2x5x80xi32, #tpu.memory_space<vmem>> -> memref<1x1x80xi32, #tpu.memory_space<vmem>>
        %dma_wait3A_184 = tpu.memref_squeeze %dma_wait3A_183 : memref<1x1x80xi32, #tpu.memory_space<vmem>> -> memref<80xi32, #tpu.memory_space<vmem>>
        %dma_wait3A_185 = arith.constant 0 : i32
        %dma_wait3A_186 = tpu.memref_slice %arg4[%dma_wait3A_179, %dma_wait3A_185] : memref<2x320000xi32, #tpu.memory_space<hbm>> -> memref<1x80xi32, #tpu.memory_space<hbm>>
        %dma_wait3A_187 = tpu.memref_squeeze %dma_wait3A_186 : memref<1x80xi32, #tpu.memory_space<hbm>> -> memref<80xi32, #tpu.memory_space<hbm>>
        %dma_wait3A_188 = arith.constant 0 : i32
        %dma_wait3A_189 = tpu.memref_slice %arg8[%dma_wait3A_180, %dma_wait3A_181, %dma_wait3A_188] : memref<2x5x80xi32, #tpu.memory_space<vmem>> -> memref<1x1x80xi32, #tpu.memory_space<vmem>>
        %dma_wait3A_190 = tpu.memref_squeeze %dma_wait3A_189 : memref<1x1x80xi32, #tpu.memory_space<vmem>> -> memref<80xi32, #tpu.memory_space<vmem>>
        %dma_wait3A_191 = arith.constant 0 : i32
        %dma_wait3A_192 = tpu.memref_slice %arg4[%dma_wait3A_179, %dma_wait3A_191] : memref<2x320000xi32, #tpu.memory_space<hbm>> -> memref<1x80xi32, #tpu.memory_space<hbm>>
        %dma_wait3A_193 = tpu.memref_squeeze %dma_wait3A_192 : memref<1x80xi32, #tpu.memory_space<hbm>> -> memref<80xi32, #tpu.memory_space<hbm>>
        tpu.wait_dma2 semaphore(%arg13 : memref<!tpu.dma_semaphore, #tpu.memory_space<semaphore_mem>>) src(%dma_wait3A_193 : memref<80xi32, #tpu.memory_space<hbm>>) dst(%dma_wait3A_190 : memref<80xi32, #tpu.memory_space<vmem>>)
        %dma_wait3A_194 = arith.constant 1 : i32
        %dma_wait3A_195 = arith.constant 0 : i32
        %dma_wait3A_196 = arith.constant 1 : i32
        %dma_wait3A_197 = arith.constant 0 : i32
        %dma_wait3A_198 = tpu.memref_slice %arg8[%dma_wait3A_195, %dma_wait3A_196, %dma_wait3A_197] : memref<2x5x80xi32, #tpu.memory_space<vmem>> -> memref<1x1x80xi32, #tpu.memory_space<vmem>>
        %dma_wait3A_199 = tpu.memref_squeeze %dma_wait3A_198 : memref<1x1x80xi32, #tpu.memory_space<vmem>> -> memref<80xi32, #tpu.memory_space<vmem>>
        %dma_wait3A_200 = arith.constant 0 : i32
        %dma_wait3A_201 = tpu.memref_slice %arg4[%dma_wait3A_194, %dma_wait3A_200] : memref<2x320000xi32, #tpu.memory_space<hbm>> -> memref<1x80xi32, #tpu.memory_space<hbm>>
        %dma_wait3A_202 = tpu.memref_squeeze %dma_wait3A_201 : memref<1x80xi32, #tpu.memory_space<hbm>> -> memref<80xi32, #tpu.memory_space<hbm>>
        %dma_wait3A_203 = arith.constant 0 : i32
        %dma_wait3A_204 = tpu.memref_slice %arg8[%dma_wait3A_195, %dma_wait3A_196, %dma_wait3A_203] : memref<2x5x80xi32, #tpu.memory_space<vmem>> -> memref<1x1x80xi32, #tpu.memory_space<vmem>>
        %dma_wait3A_205 = tpu.memref_squeeze %dma_wait3A_204 : memref<1x1x80xi32, #tpu.memory_space<vmem>> -> memref<80xi32, #tpu.memory_space<vmem>>
        %dma_wait3A_206 = arith.constant 0 : i32
        %dma_wait3A_207 = tpu.memref_slice %arg4[%dma_wait3A_194, %dma_wait3A_206] : memref<2x320000xi32, #tpu.memory_space<hbm>> -> memref<1x80xi32, #tpu.memory_space<hbm>>
        %dma_wait3A_208 = tpu.memref_squeeze %dma_wait3A_207 : memref<1x80xi32, #tpu.memory_space<hbm>> -> memref<80xi32, #tpu.memory_space<hbm>>
        tpu.wait_dma2 semaphore(%arg13 : memref<!tpu.dma_semaphore, #tpu.memory_space<semaphore_mem>>) src(%dma_wait3A_208 : memref<80xi32, #tpu.memory_space<hbm>>) dst(%dma_wait3A_205 : memref<80xi32, #tpu.memory_space<vmem>>)
        %dma_wait3A_209 = arith.constant 1 : i32
        %dma_wait3A_210 = arith.constant 0 : i32
        %dma_wait3A_211 = arith.constant 2 : i32
        %dma_wait3A_212 = arith.constant 0 : i32
        %dma_wait3A_213 = tpu.memref_slice %arg8[%dma_wait3A_210, %dma_wait3A_211, %dma_wait3A_212] : memref<2x5x80xi32, #tpu.memory_space<vmem>> -> memref<1x1x80xi32, #tpu.memory_space<vmem>>
        %dma_wait3A_214 = tpu.memref_squeeze %dma_wait3A_213 : memref<1x1x80xi32, #tpu.memory_space<vmem>> -> memref<80xi32, #tpu.memory_space<vmem>>
        %dma_wait3A_215 = arith.constant 0 : i32
        %dma_wait3A_216 = tpu.memref_slice %arg4[%dma_wait3A_209, %dma_wait3A_215] : memref<2x320000xi32, #tpu.memory_space<hbm>> -> memref<1x80xi32, #tpu.memory_space<hbm>>
        %dma_wait3A_217 = tpu.memref_squeeze %dma_wait3A_216 : memref<1x80xi32, #tpu.memory_space<hbm>> -> memref<80xi32, #tpu.memory_space<hbm>>
        %dma_wait3A_218 = arith.constant 0 : i32
        %dma_wait3A_219 = tpu.memref_slice %arg8[%dma_wait3A_210, %dma_wait3A_211, %dma_wait3A_218] : memref<2x5x80xi32, #tpu.memory_space<vmem>> -> memref<1x1x80xi32, #tpu.memory_space<vmem>>
        %dma_wait3A_220 = tpu.memref_squeeze %dma_wait3A_219 : memref<1x1x80xi32, #tpu.memory_space<vmem>> -> memref<80xi32, #tpu.memory_space<vmem>>
        %dma_wait3A_221 = arith.constant 0 : i32
        %dma_wait3A_222 = tpu.memref_slice %arg4[%dma_wait3A_209, %dma_wait3A_221] : memref<2x320000xi32, #tpu.memory_space<hbm>> -> memref<1x80xi32, #tpu.memory_space<hbm>>
        %dma_wait3A_223 = tpu.memref_squeeze %dma_wait3A_222 : memref<1x80xi32, #tpu.memory_space<hbm>> -> memref<80xi32, #tpu.memory_space<hbm>>
        tpu.wait_dma2 semaphore(%arg13 : memref<!tpu.dma_semaphore, #tpu.memory_space<semaphore_mem>>) src(%dma_wait3A_223 : memref<80xi32, #tpu.memory_space<hbm>>) dst(%dma_wait3A_220 : memref<80xi32, #tpu.memory_space<vmem>>)
        %dma_wait3A_224 = arith.constant 1 : i32
        %dma_wait3A_225 = arith.constant 0 : i32
        %dma_wait3A_226 = arith.constant 3 : i32
        %dma_wait3A_227 = arith.constant 0 : i32
        %dma_wait3A_228 = tpu.memref_slice %arg8[%dma_wait3A_225, %dma_wait3A_226, %dma_wait3A_227] : memref<2x5x80xi32, #tpu.memory_space<vmem>> -> memref<1x1x80xi32, #tpu.memory_space<vmem>>
        %dma_wait3A_229 = tpu.memref_squeeze %dma_wait3A_228 : memref<1x1x80xi32, #tpu.memory_space<vmem>> -> memref<80xi32, #tpu.memory_space<vmem>>
        %dma_wait3A_230 = arith.constant 0 : i32
        %dma_wait3A_231 = tpu.memref_slice %arg4[%dma_wait3A_224, %dma_wait3A_230] : memref<2x320000xi32, #tpu.memory_space<hbm>> -> memref<1x80xi32, #tpu.memory_space<hbm>>
        %dma_wait3A_232 = tpu.memref_squeeze %dma_wait3A_231 : memref<1x80xi32, #tpu.memory_space<hbm>> -> memref<80xi32, #tpu.memory_space<hbm>>
        %dma_wait3A_233 = arith.constant 0 : i32
        %dma_wait3A_234 = tpu.memref_slice %arg8[%dma_wait3A_225, %dma_wait3A_226, %dma_wait3A_233] : memref<2x5x80xi32, #tpu.memory_space<vmem>> -> memref<1x1x80xi32, #tpu.memory_space<vmem>>
        %dma_wait3A_235 = tpu.memref_squeeze %dma_wait3A_234 : memref<1x1x80xi32, #tpu.memory_space<vmem>> -> memref<80xi32, #tpu.memory_space<vmem>>
        %dma_wait3A_236 = arith.constant 0 : i32
        %dma_wait3A_237 = tpu.memref_slice %arg4[%dma_wait3A_224, %dma_wait3A_236] : memref<2x320000xi32, #tpu.memory_space<hbm>> -> memref<1x80xi32, #tpu.memory_space<hbm>>
        %dma_wait3A_238 = tpu.memref_squeeze %dma_wait3A_237 : memref<1x80xi32, #tpu.memory_space<hbm>> -> memref<80xi32, #tpu.memory_space<hbm>>
        tpu.wait_dma2 semaphore(%arg13 : memref<!tpu.dma_semaphore, #tpu.memory_space<semaphore_mem>>) src(%dma_wait3A_238 : memref<80xi32, #tpu.memory_space<hbm>>) dst(%dma_wait3A_235 : memref<80xi32, #tpu.memory_space<vmem>>)
        %dma_wait3A_239 = arith.constant 1 : i32
        %dma_wait3A_240 = arith.constant 0 : i32
        %dma_wait3A_241 = arith.constant 4 : i32
        %dma_wait3A_242 = arith.constant 0 : i32
        %dma_wait3A_243 = tpu.memref_slice %arg8[%dma_wait3A_240, %dma_wait3A_241, %dma_wait3A_242] : memref<2x5x80xi32, #tpu.memory_space<vmem>> -> memref<1x1x80xi32, #tpu.memory_space<vmem>>
        %dma_wait3A_244 = tpu.memref_squeeze %dma_wait3A_243 : memref<1x1x80xi32, #tpu.memory_space<vmem>> -> memref<80xi32, #tpu.memory_space<vmem>>
        %dma_wait3A_245 = arith.constant 0 : i32
        %dma_wait3A_246 = tpu.memref_slice %arg4[%dma_wait3A_239, %dma_wait3A_245] : memref<2x320000xi32, #tpu.memory_space<hbm>> -> memref<1x80xi32, #tpu.memory_space<hbm>>
        %dma_wait3A_247 = tpu.memref_squeeze %dma_wait3A_246 : memref<1x80xi32, #tpu.memory_space<hbm>> -> memref<80xi32, #tpu.memory_space<hbm>>
        %dma_wait3A_248 = arith.constant 0 : i32
        %dma_wait3A_249 = tpu.memref_slice %arg8[%dma_wait3A_240, %dma_wait3A_241, %dma_wait3A_248] : memref<2x5x80xi32, #tpu.memory_space<vmem>> -> memref<1x1x80xi32, #tpu.memory_space<vmem>>
        %dma_wait3A_250 = tpu.memref_squeeze %dma_wait3A_249 : memref<1x1x80xi32, #tpu.memory_space<vmem>> -> memref<80xi32, #tpu.memory_space<vmem>>
        %dma_wait3A_251 = arith.constant 0 : i32
        %dma_wait3A_252 = tpu.memref_slice %arg4[%dma_wait3A_239, %dma_wait3A_251] : memref<2x320000xi32, #tpu.memory_space<hbm>> -> memref<1x80xi32, #tpu.memory_space<hbm>>
        %dma_wait3A_253 = tpu.memref_squeeze %dma_wait3A_252 : memref<1x80xi32, #tpu.memory_space<hbm>> -> memref<80xi32, #tpu.memory_space<hbm>>
        tpu.wait_dma2 semaphore(%arg13 : memref<!tpu.dma_semaphore, #tpu.memory_space<semaphore_mem>>) src(%dma_wait3A_253 : memref<80xi32, #tpu.memory_space<hbm>>) dst(%dma_wait3A_250 : memref<80xi32, #tpu.memory_space<vmem>>)
        %dma_start3A_254 = arith.constant 0 : i32
        %dma_start3A_255 = arith.constant 0 : i32
        %dma_start3A_256 = arith.constant 0 : i32
        %dma_start3A_257 = arith.constant 0 : i32
        %dma_start3A_258 = arith.constant 0 : i32
        %dma_start3A_259 = arith.constant 0 : i32
        %dma_start3A_260 = tpu.memref_slice %arg9[%dma_start3A_254, %dma_start3A_255, %dma_start3A_258, %dma_start3A_259] : memref<2x5x80x64xf32, #tpu.memory_space<vmem>> -> memref<1x1x80x64xf32, #tpu.memory_space<vmem>>
        %dma_start3A_261 = tpu.memref_squeeze %dma_start3A_260 : memref<1x1x80x64xf32, #tpu.memory_space<vmem>> -> memref<80x64xf32, #tpu.memory_space<vmem>>
        %dma_start3A_262 = arith.constant 0 : i32
        %dma_start3A_263 = tpu.memref_slice %arg8[%dma_start3A_256, %dma_start3A_257, %dma_start3A_262] : memref<2x5x80xi32, #tpu.memory_space<vmem>> -> memref<1x1x80xi32, #tpu.memory_space<vmem>>
        %dma_start3A_264 = tpu.memref_squeeze %dma_start3A_263 : memref<1x1x80xi32, #tpu.memory_space<vmem>> -> memref<80xi32, #tpu.memory_space<vmem>>
        %dma_start3A_265 = arith.constant 0 : i32
        %dma_start3A_266 = arith.constant 0 : i32
        %dma_start3A_267 = tpu.memref_slice %arg10[%dma_start3A_265, %dma_start3A_266] : memref<10000x64xf32, #tpu.memory_space<vmem_shared>> -> memref<10000x64xf32, #tpu.memory_space<vmem_shared>>
        tpu.enqueue_indirect_dma source(%dma_start3A_261 : memref<80x64xf32, #tpu.memory_space<vmem>>) target(%dma_start3A_267 : memref<10000x64xf32, #tpu.memory_space<vmem_shared>>) offsets(%dma_start3A_264 : memref<80xi32, #tpu.memory_space<vmem>>) semaphore(%arg12 : memref<!tpu.dma_semaphore, #tpu.memory_space<semaphore_mem>>) {add = true}
        %dma_start3A_268 = arith.constant 0 : i32
        %dma_start3A_269 = arith.constant 1 : i32
        %dma_start3A_270 = arith.constant 0 : i32
        %dma_start3A_271 = arith.constant 1 : i32
        %dma_start3A_272 = arith.constant 0 : i32
        %dma_start3A_273 = arith.constant 0 : i32
        %dma_start3A_274 = tpu.memref_slice %arg9[%dma_start3A_268, %dma_start3A_269, %dma_start3A_272, %dma_start3A_273] : memref<2x5x80x64xf32, #tpu.memory_space<vmem>> -> memref<1x1x80x64xf32, #tpu.memory_space<vmem>>
        %dma_start3A_275 = tpu.memref_squeeze %dma_start3A_274 : memref<1x1x80x64xf32, #tpu.memory_space<vmem>> -> memref<80x64xf32, #tpu.memory_space<vmem>>
        %dma_start3A_276 = arith.constant 0 : i32
        %dma_start3A_277 = tpu.memref_slice %arg8[%dma_start3A_270, %dma_start3A_271, %dma_start3A_276] : memref<2x5x80xi32, #tpu.memory_space<vmem>> -> memref<1x1x80xi32, #tpu.memory_space<vmem>>
        %dma_start3A_278 = tpu.memref_squeeze %dma_start3A_277 : memref<1x1x80xi32, #tpu.memory_space<vmem>> -> memref<80xi32, #tpu.memory_space<vmem>>
        %dma_start3A_279 = arith.constant 0 : i32
        %dma_start3A_280 = arith.constant 0 : i32
        %dma_start3A_281 = tpu.memref_slice %arg10[%dma_start3A_279, %dma_start3A_280] : memref<10000x64xf32, #tpu.memory_space<vmem_shared>> -> memref<10000x64xf32, #tpu.memory_space<vmem_shared>>
        tpu.enqueue_indirect_dma source(%dma_start3A_275 : memref<80x64xf32, #tpu.memory_space<vmem>>) target(%dma_start3A_281 : memref<10000x64xf32, #tpu.memory_space<vmem_shared>>) offsets(%dma_start3A_278 : memref<80xi32, #tpu.memory_space<vmem>>) semaphore(%arg12 : memref<!tpu.dma_semaphore, #tpu.memory_space<semaphore_mem>>) {add = true}
        %dma_start3A_282 = arith.constant 0 : i32
        %dma_start3A_283 = arith.constant 2 : i32
        %dma_start3A_284 = arith.constant 0 : i32
        %dma_start3A_285 = arith.constant 2 : i32
        %dma_start3A_286 = arith.constant 0 : i32
        %dma_start3A_287 = arith.constant 0 : i32
        %dma_start3A_288 = tpu.memref_slice %arg9[%dma_start3A_282, %dma_start3A_283, %dma_start3A_286, %dma_start3A_287] : memref<2x5x80x64xf32, #tpu.memory_space<vmem>> -> memref<1x1x80x64xf32, #tpu.memory_space<vmem>>
        %dma_start3A_289 = tpu.memref_squeeze %dma_start3A_288 : memref<1x1x80x64xf32, #tpu.memory_space<vmem>> -> memref<80x64xf32, #tpu.memory_space<vmem>>
        %dma_start3A_290 = arith.constant 0 : i32
        %dma_start3A_291 = tpu.memref_slice %arg8[%dma_start3A_284, %dma_start3A_285, %dma_start3A_290] : memref<2x5x80xi32, #tpu.memory_space<vmem>> -> memref<1x1x80xi32, #tpu.memory_space<vmem>>
        %dma_start3A_292 = tpu.memref_squeeze %dma_start3A_291 : memref<1x1x80xi32, #tpu.memory_space<vmem>> -> memref<80xi32, #tpu.memory_space<vmem>>
        %dma_start3A_293 = arith.constant 0 : i32
        %dma_start3A_294 = arith.constant 0 : i32
        %dma_start3A_295 = tpu.memref_slice %arg10[%dma_start3A_293, %dma_start3A_294] : memref<10000x64xf32, #tpu.memory_space<vmem_shared>> -> memref<10000x64xf32, #tpu.memory_space<vmem_shared>>
        tpu.enqueue_indirect_dma source(%dma_start3A_289 : memref<80x64xf32, #tpu.memory_space<vmem>>) target(%dma_start3A_295 : memref<10000x64xf32, #tpu.memory_space<vmem_shared>>) offsets(%dma_start3A_292 : memref<80xi32, #tpu.memory_space<vmem>>) semaphore(%arg12 : memref<!tpu.dma_semaphore, #tpu.memory_space<semaphore_mem>>) {add = true}
        %dma_start3A_296 = arith.constant 0 : i32
        %dma_start3A_297 = arith.constant 3 : i32
        %dma_start3A_298 = arith.constant 0 : i32
        %dma_start3A_299 = arith.constant 3 : i32
        %dma_start3A_300 = arith.constant 0 : i32
        %dma_start3A_301 = arith.constant 0 : i32
        %dma_start3A_302 = tpu.memref_slice %arg9[%dma_start3A_296, %dma_start3A_297, %dma_start3A_300, %dma_start3A_301] : memref<2x5x80x64xf32, #tpu.memory_space<vmem>> -> memref<1x1x80x64xf32, #tpu.memory_space<vmem>>
        %dma_start3A_303 = tpu.memref_squeeze %dma_start3A_302 : memref<1x1x80x64xf32, #tpu.memory_space<vmem>> -> memref<80x64xf32, #tpu.memory_space<vmem>>
        %dma_start3A_304 = arith.constant 0 : i32
        %dma_start3A_305 = tpu.memref_slice %arg8[%dma_start3A_298, %dma_start3A_299, %dma_start3A_304] : memref<2x5x80xi32, #tpu.memory_space<vmem>> -> memref<1x1x80xi32, #tpu.memory_space<vmem>>
        %dma_start3A_306 = tpu.memref_squeeze %dma_start3A_305 : memref<1x1x80xi32, #tpu.memory_space<vmem>> -> memref<80xi32, #tpu.memory_space<vmem>>
        %dma_start3A_307 = arith.constant 0 : i32
        %dma_start3A_308 = arith.constant 0 : i32
        %dma_start3A_309 = tpu.memref_slice %arg10[%dma_start3A_307, %dma_start3A_308] : memref<10000x64xf32, #tpu.memory_space<vmem_shared>> -> memref<10000x64xf32, #tpu.memory_space<vmem_shared>>
        tpu.enqueue_indirect_dma source(%dma_start3A_303 : memref<80x64xf32, #tpu.memory_space<vmem>>) target(%dma_start3A_309 : memref<10000x64xf32, #tpu.memory_space<vmem_shared>>) offsets(%dma_start3A_306 : memref<80xi32, #tpu.memory_space<vmem>>) semaphore(%arg12 : memref<!tpu.dma_semaphore, #tpu.memory_space<semaphore_mem>>) {add = true}
        %dma_start3A_310 = arith.constant 0 : i32
        %dma_start3A_311 = arith.constant 4 : i32
        %dma_start3A_312 = arith.constant 0 : i32
        %dma_start3A_313 = arith.constant 4 : i32
        %dma_start3A_314 = arith.constant 0 : i32
        %dma_start3A_315 = arith.constant 0 : i32
        %dma_start3A_316 = tpu.memref_slice %arg9[%dma_start3A_310, %dma_start3A_311, %dma_start3A_314, %dma_start3A_315] : memref<2x5x80x64xf32, #tpu.memory_space<vmem>> -> memref<1x1x80x64xf32, #tpu.memory_space<vmem>>
        %dma_start3A_317 = tpu.memref_squeeze %dma_start3A_316 : memref<1x1x80x64xf32, #tpu.memory_space<vmem>> -> memref<80x64xf32, #tpu.memory_space<vmem>>
        %dma_start3A_318 = arith.constant 0 : i32
        %dma_start3A_319 = tpu.memref_slice %arg8[%dma_start3A_312, %dma_start3A_313, %dma_start3A_318] : memref<2x5x80xi32, #tpu.memory_space<vmem>> -> memref<1x1x80xi32, #tpu.memory_space<vmem>>
        %dma_start3A_320 = tpu.memref_squeeze %dma_start3A_319 : memref<1x1x80xi32, #tpu.memory_space<vmem>> -> memref<80xi32, #tpu.memory_space<vmem>>
        %dma_start3A_321 = arith.constant 0 : i32
        %dma_start3A_322 = arith.constant 0 : i32
        %dma_start3A_323 = tpu.memref_slice %arg10[%dma_start3A_321, %dma_start3A_322] : memref<10000x64xf32, #tpu.memory_space<vmem_shared>> -> memref<10000x64xf32, #tpu.memory_space<vmem_shared>>
        tpu.enqueue_indirect_dma source(%dma_start3A_317 : memref<80x64xf32, #tpu.memory_space<vmem>>) target(%dma_start3A_323 : memref<10000x64xf32, #tpu.memory_space<vmem_shared>>) offsets(%dma_start3A_320 : memref<80xi32, #tpu.memory_space<vmem>>) semaphore(%arg12 : memref<!tpu.dma_semaphore, #tpu.memory_space<semaphore_mem>>) {add = true}
        %add3A_324 = arith.constant 1 : i32
        %add3A_325 = arith.addi %add3A_163, %add3A_324 : i32
        %mul3A_326 = arith.constant 5 : i32
        %mul3A_327 = arith.muli %add3A_325, %mul3A_326 : i32
        %add3A_328 = arith.constant 0 : i32
        %add3A_329 = arith.addi %mul3A_327, %add3A_328 : i32
        %mul3A_330 = arith.constant 80 : i32
        %mul3A_331 = arith.muli %add3A_329, %mul3A_330 : i32
        %add3A_332 = arith.addi %mul3A_0, %mul3A_331 : i32
        %dma_start3A_333 = arith.constant 1 : i32
        %dma_start3A_334 = arith.constant 1 : i32
        %dma_start3A_335 = arith.constant 0 : i32
        %dma_start3A_336 = arith.constant 0 : i32
        %dma_start3A_337 = tpu.memref_slice %arg8[%dma_start3A_334, %dma_start3A_335, %dma_start3A_336] : memref<2x5x80xi32, #tpu.memory_space<vmem>> -> memref<1x1x80xi32, #tpu.memory_space<vmem>>
        %dma_start3A_338 = tpu.memref_squeeze %dma_start3A_337 : memref<1x1x80xi32, #tpu.memory_space<vmem>> -> memref<80xi32, #tpu.memory_space<vmem>>
        %dma_start3A_339 = tpu.memref_slice %arg4[%dma_start3A_333, %add3A_332] : memref<2x320000xi32, #tpu.memory_space<hbm>> -> memref<1x80xi32, #tpu.memory_space<hbm>>
        %dma_start3A_340 = tpu.memref_squeeze %dma_start3A_339 : memref<1x80xi32, #tpu.memory_space<hbm>> -> memref<80xi32, #tpu.memory_space<hbm>>
        %dma_start3A_341 = arith.constant 0 : i32
        %dma_start3A_342 = tpu.memref_slice %arg8[%dma_start3A_334, %dma_start3A_335, %dma_start3A_341] : memref<2x5x80xi32, #tpu.memory_space<vmem>> -> memref<1x1x80xi32, #tpu.memory_space<vmem>>
        %dma_start3A_343 = tpu.memref_squeeze %dma_start3A_342 : memref<1x1x80xi32, #tpu.memory_space<vmem>> -> memref<80xi32, #tpu.memory_space<vmem>>
        %dma_start3A_344 = tpu.memref_slice %arg4[%dma_start3A_333, %add3A_332] : memref<2x320000xi32, #tpu.memory_space<hbm>> -> memref<1x80xi32, #tpu.memory_space<hbm>>
        %dma_start3A_345 = tpu.memref_squeeze %dma_start3A_344 : memref<1x80xi32, #tpu.memory_space<hbm>> -> memref<80xi32, #tpu.memory_space<hbm>>
        tpu.enqueue_dma source(%dma_start3A_345 : memref<80xi32, #tpu.memory_space<hbm>>) target(%dma_start3A_343 : memref<80xi32, #tpu.memory_space<vmem>>) target_semaphore(%arg13 : memref<!tpu.dma_semaphore, #tpu.memory_space<semaphore_mem>>)
        %mul3A_346 = arith.constant 5 : i32
        %mul3A_347 = arith.muli %add3A_325, %mul3A_346 : i32
        %add3A_348 = arith.constant 1 : i32
        %add3A_349 = arith.addi %mul3A_347, %add3A_348 : i32
        %mul3A_350 = arith.constant 80 : i32
        %mul3A_351 = arith.muli %add3A_349, %mul3A_350 : i32
        %add3A_352 = arith.addi %mul3A_0, %mul3A_351 : i32
        %dma_start3A_353 = arith.constant 1 : i32
        %dma_start3A_354 = arith.constant 1 : i32
        %dma_start3A_355 = arith.constant 1 : i32
        %dma_start3A_356 = arith.constant 0 : i32
        %dma_start3A_357 = tpu.memref_slice %arg8[%dma_start3A_354, %dma_start3A_355, %dma_start3A_356] : memref<2x5x80xi32, #tpu.memory_space<vmem>> -> memref<1x1x80xi32, #tpu.memory_space<vmem>>
        %dma_start3A_358 = tpu.memref_squeeze %dma_start3A_357 : memref<1x1x80xi32, #tpu.memory_space<vmem>> -> memref<80xi32, #tpu.memory_space<vmem>>
        %dma_start3A_359 = tpu.memref_slice %arg4[%dma_start3A_353, %add3A_352] : memref<2x320000xi32, #tpu.memory_space<hbm>> -> memref<1x80xi32, #tpu.memory_space<hbm>>
        %dma_start3A_360 = tpu.memref_squeeze %dma_start3A_359 : memref<1x80xi32, #tpu.memory_space<hbm>> -> memref<80xi32, #tpu.memory_space<hbm>>
        %dma_start3A_361 = arith.constant 0 : i32
        %dma_start3A_362 = tpu.memref_slice %arg8[%dma_start3A_354, %dma_start3A_355, %dma_start3A_361] : memref<2x5x80xi32, #tpu.memory_space<vmem>> -> memref<1x1x80xi32, #tpu.memory_space<vmem>>
        %dma_start3A_363 = tpu.memref_squeeze %dma_start3A_362 : memref<1x1x80xi32, #tpu.memory_space<vmem>> -> memref<80xi32, #tpu.memory_space<vmem>>
        %dma_start3A_364 = tpu.memref_slice %arg4[%dma_start3A_353, %add3A_352] : memref<2x320000xi32, #tpu.memory_space<hbm>> -> memref<1x80xi32, #tpu.memory_space<hbm>>
        %dma_start3A_365 = tpu.memref_squeeze %dma_start3A_364 : memref<1x80xi32, #tpu.memory_space<hbm>> -> memref<80xi32, #tpu.memory_space<hbm>>
        tpu.enqueue_dma source(%dma_start3A_365 : memref<80xi32, #tpu.memory_space<hbm>>) target(%dma_start3A_363 : memref<80xi32, #tpu.memory_space<vmem>>) target_semaphore(%arg13 : memref<!tpu.dma_semaphore, #tpu.memory_space<semaphore_mem>>)
        %mul3A_366 = arith.constant 5 : i32
        %mul3A_367 = arith.muli %add3A_325, %mul3A_366 : i32
        %add3A_368 = arith.constant 2 : i32
        %add3A_369 = arith.addi %mul3A_367, %add3A_368 : i32
        %mul3A_370 = arith.constant 80 : i32
        %mul3A_371 = arith.muli %add3A_369, %mul3A_370 : i32
        %add3A_372 = arith.addi %mul3A_0, %mul3A_371 : i32
        %dma_start3A_373 = arith.constant 1 : i32
        %dma_start3A_374 = arith.constant 1 : i32
        %dma_start3A_375 = arith.constant 2 : i32
        %dma_start3A_376 = arith.constant 0 : i32
        %dma_start3A_377 = tpu.memref_slice %arg8[%dma_start3A_374, %dma_start3A_375, %dma_start3A_376] : memref<2x5x80xi32, #tpu.memory_space<vmem>> -> memref<1x1x80xi32, #tpu.memory_space<vmem>>
        %dma_start3A_378 = tpu.memref_squeeze %dma_start3A_377 : memref<1x1x80xi32, #tpu.memory_space<vmem>> -> memref<80xi32, #tpu.memory_space<vmem>>
        %dma_start3A_379 = tpu.memref_slice %arg4[%dma_start3A_373, %add3A_372] : memref<2x320000xi32, #tpu.memory_space<hbm>> -> memref<1x80xi32, #tpu.memory_space<hbm>>
        %dma_start3A_380 = tpu.memref_squeeze %dma_start3A_379 : memref<1x80xi32, #tpu.memory_space<hbm>> -> memref<80xi32, #tpu.memory_space<hbm>>
        %dma_start3A_381 = arith.constant 0 : i32
        %dma_start3A_382 = tpu.memref_slice %arg8[%dma_start3A_374, %dma_start3A_375, %dma_start3A_381] : memref<2x5x80xi32, #tpu.memory_space<vmem>> -> memref<1x1x80xi32, #tpu.memory_space<vmem>>
        %dma_start3A_383 = tpu.memref_squeeze %dma_start3A_382 : memref<1x1x80xi32, #tpu.memory_space<vmem>> -> memref<80xi32, #tpu.memory_space<vmem>>
        %dma_start3A_384 = tpu.memref_slice %arg4[%dma_start3A_373, %add3A_372] : memref<2x320000xi32, #tpu.memory_space<hbm>> -> memref<1x80xi32, #tpu.memory_space<hbm>>
        %dma_start3A_385 = tpu.memref_squeeze %dma_start3A_384 : memref<1x80xi32, #tpu.memory_space<hbm>> -> memref<80xi32, #tpu.memory_space<hbm>>
        tpu.enqueue_dma source(%dma_start3A_385 : memref<80xi32, #tpu.memory_space<hbm>>) target(%dma_start3A_383 : memref<80xi32, #tpu.memory_space<vmem>>) target_semaphore(%arg13 : memref<!tpu.dma_semaphore, #tpu.memory_space<semaphore_mem>>)
        %mul3A_386 = arith.constant 5 : i32
        %mul3A_387 = arith.muli %add3A_325, %mul3A_386 : i32
        %add3A_388 = arith.constant 3 : i32
        %add3A_389 = arith.addi %mul3A_387, %add3A_388 : i32
        %mul3A_390 = arith.constant 80 : i32
        %mul3A_391 = arith.muli %add3A_389, %mul3A_390 : i32
        %add3A_392 = arith.addi %mul3A_0, %mul3A_391 : i32
        %dma_start3A_393 = arith.constant 1 : i32
        %dma_start3A_394 = arith.constant 1 : i32
        %dma_start3A_395 = arith.constant 3 : i32
        %dma_start3A_396 = arith.constant 0 : i32
        %dma_start3A_397 = tpu.memref_slice %arg8[%dma_start3A_394, %dma_start3A_395, %dma_start3A_396] : memref<2x5x80xi32, #tpu.memory_space<vmem>> -> memref<1x1x80xi32, #tpu.memory_space<vmem>>
        %dma_start3A_398 = tpu.memref_squeeze %dma_start3A_397 : memref<1x1x80xi32, #tpu.memory_space<vmem>> -> memref<80xi32, #tpu.memory_space<vmem>>
        %dma_start3A_399 = tpu.memref_slice %arg4[%dma_start3A_393, %add3A_392] : memref<2x320000xi32, #tpu.memory_space<hbm>> -> memref<1x80xi32, #tpu.memory_space<hbm>>
        %dma_start3A_400 = tpu.memref_squeeze %dma_start3A_399 : memref<1x80xi32, #tpu.memory_space<hbm>> -> memref<80xi32, #tpu.memory_space<hbm>>
        %dma_start3A_401 = arith.constant 0 : i32
        %dma_start3A_402 = tpu.memref_slice %arg8[%dma_start3A_394, %dma_start3A_395, %dma_start3A_401] : memref<2x5x80xi32, #tpu.memory_space<vmem>> -> memref<1x1x80xi32, #tpu.memory_space<vmem>>
        %dma_start3A_403 = tpu.memref_squeeze %dma_start3A_402 : memref<1x1x80xi32, #tpu.memory_space<vmem>> -> memref<80xi32, #tpu.memory_space<vmem>>
        %dma_start3A_404 = tpu.memref_slice %arg4[%dma_start3A_393, %add3A_392] : memref<2x320000xi32, #tpu.memory_space<hbm>> -> memref<1x80xi32, #tpu.memory_space<hbm>>
        %dma_start3A_405 = tpu.memref_squeeze %dma_start3A_404 : memref<1x80xi32, #tpu.memory_space<hbm>> -> memref<80xi32, #tpu.memory_space<hbm>>
        tpu.enqueue_dma source(%dma_start3A_405 : memref<80xi32, #tpu.memory_space<hbm>>) target(%dma_start3A_403 : memref<80xi32, #tpu.memory_space<vmem>>) target_semaphore(%arg13 : memref<!tpu.dma_semaphore, #tpu.memory_space<semaphore_mem>>)
        %mul3A_406 = arith.constant 5 : i32
        %mul3A_407 = arith.muli %add3A_325, %mul3A_406 : i32
        %add3A_408 = arith.constant 4 : i32
        %add3A_409 = arith.addi %mul3A_407, %add3A_408 : i32
        %mul3A_410 = arith.constant 80 : i32
        %mul3A_411 = arith.muli %add3A_409, %mul3A_410 : i32
        %add3A_412 = arith.addi %mul3A_0, %mul3A_411 : i32
        %dma_start3A_413 = arith.constant 1 : i32
        %dma_start3A_414 = arith.constant 1 : i32
        %dma_start3A_415 = arith.constant 4 : i32
        %dma_start3A_416 = arith.constant 0 : i32
        %dma_start3A_417 = tpu.memref_slice %arg8[%dma_start3A_414, %dma_start3A_415, %dma_start3A_416] : memref<2x5x80xi32, #tpu.memory_space<vmem>> -> memref<1x1x80xi32, #tpu.memory_space<vmem>>
        %dma_start3A_418 = tpu.memref_squeeze %dma_start3A_417 : memref<1x1x80xi32, #tpu.memory_space<vmem>> -> memref<80xi32, #tpu.memory_space<vmem>>
        %dma_start3A_419 = tpu.memref_slice %arg4[%dma_start3A_413, %add3A_412] : memref<2x320000xi32, #tpu.memory_space<hbm>> -> memref<1x80xi32, #tpu.memory_space<hbm>>
        %dma_start3A_420 = tpu.memref_squeeze %dma_start3A_419 : memref<1x80xi32, #tpu.memory_space<hbm>> -> memref<80xi32, #tpu.memory_space<hbm>>
        %dma_start3A_421 = arith.constant 0 : i32
        %dma_start3A_422 = tpu.memref_slice %arg8[%dma_start3A_414, %dma_start3A_415, %dma_start3A_421] : memref<2x5x80xi32, #tpu.memory_space<vmem>> -> memref<1x1x80xi32, #tpu.memory_space<vmem>>
        %dma_start3A_423 = tpu.memref_squeeze %dma_start3A_422 : memref<1x1x80xi32, #tpu.memory_space<vmem>> -> memref<80xi32, #tpu.memory_space<vmem>>
        %dma_start3A_424 = tpu.memref_slice %arg4[%dma_start3A_413, %add3A_412] : memref<2x320000xi32, #tpu.memory_space<hbm>> -> memref<1x80xi32, #tpu.memory_space<hbm>>
        %dma_start3A_425 = tpu.memref_squeeze %dma_start3A_424 : memref<1x80xi32, #tpu.memory_space<hbm>> -> memref<80xi32, #tpu.memory_space<hbm>>
        tpu.enqueue_dma source(%dma_start3A_425 : memref<80xi32, #tpu.memory_space<hbm>>) target(%dma_start3A_423 : memref<80xi32, #tpu.memory_space<vmem>>) target_semaphore(%arg13 : memref<!tpu.dma_semaphore, #tpu.memory_space<semaphore_mem>>)
        %mul3A_426 = arith.constant 5 : i32
        %mul3A_427 = arith.muli %add3A_325, %mul3A_426 : i32
        %add3A_428 = arith.constant 0 : i32
        %add3A_429 = arith.addi %mul3A_427, %add3A_428 : i32
        %mul3A_430 = arith.constant 80 : i32
        %mul3A_431 = arith.muli %add3A_429, %mul3A_430 : i32
        %dma_start3A_432 = arith.constant 1 : i32
        %dma_start3A_433 = arith.constant 0 : i32
        %dma_start3A_434 = arith.constant 0 : i32
        %dma_start3A_435 = arith.constant 0 : i32
        %dma_start3A_436 = tpu.memref_slice %arg9[%dma_start3A_432, %dma_start3A_433, %dma_start3A_434, %dma_start3A_435] : memref<2x5x80x64xf32, #tpu.memory_space<vmem>> -> memref<1x1x80x64xf32, #tpu.memory_space<vmem>>
        %dma_start3A_437 = tpu.memref_squeeze %dma_start3A_436 : memref<1x1x80x64xf32, #tpu.memory_space<vmem>> -> memref<80x64xf32, #tpu.memory_space<vmem>>
        %dma_start3A_438 = tpu.memref_slice %arg7[%mul3A_431] : memref<20000xi32, #tpu.memory_space<vmem>> -> memref<80xi32, #tpu.memory_space<vmem>>
        %dma_start3A_439 = arith.constant 0 : i32
        %dma_start3A_440 = arith.constant 0 : i32
        %dma_start3A_441 = tpu.memref_slice %arg3[%dma_start3A_439, %dma_start3A_440] : memref<10000x64xf32, #tpu.memory_space<hbm>> -> memref<10000x64xf32, #tpu.memory_space<hbm>>
        tpu.enqueue_indirect_dma source(%dma_start3A_441 : memref<10000x64xf32, #tpu.memory_space<hbm>>) target(%dma_start3A_437 : memref<80x64xf32, #tpu.memory_space<vmem>>) offsets(%dma_start3A_438 : memref<80xi32, #tpu.memory_space<vmem>>) semaphore(%arg11 : memref<!tpu.dma_semaphore, #tpu.memory_space<semaphore_mem>>)
        %mul3A_442 = arith.constant 5 : i32
        %mul3A_443 = arith.muli %add3A_325, %mul3A_442 : i32
        %add3A_444 = arith.constant 1 : i32
        %add3A_445 = arith.addi %mul3A_443, %add3A_444 : i32
        %mul3A_446 = arith.constant 80 : i32
        %mul3A_447 = arith.muli %add3A_445, %mul3A_446 : i32
        %dma_start3A_448 = arith.constant 1 : i32
        %dma_start3A_449 = arith.constant 1 : i32
        %dma_start3A_450 = arith.constant 0 : i32
        %dma_start3A_451 = arith.constant 0 : i32
        %dma_start3A_452 = tpu.memref_slice %arg9[%dma_start3A_448, %dma_start3A_449, %dma_start3A_450, %dma_start3A_451] : memref<2x5x80x64xf32, #tpu.memory_space<vmem>> -> memref<1x1x80x64xf32, #tpu.memory_space<vmem>>
        %dma_start3A_453 = tpu.memref_squeeze %dma_start3A_452 : memref<1x1x80x64xf32, #tpu.memory_space<vmem>> -> memref<80x64xf32, #tpu.memory_space<vmem>>
        %dma_start3A_454 = tpu.memref_slice %arg7[%mul3A_447] : memref<20000xi32, #tpu.memory_space<vmem>> -> memref<80xi32, #tpu.memory_space<vmem>>
        %dma_start3A_455 = arith.constant 0 : i32
        %dma_start3A_456 = arith.constant 0 : i32
        %dma_start3A_457 = tpu.memref_slice %arg3[%dma_start3A_455, %dma_start3A_456] : memref<10000x64xf32, #tpu.memory_space<hbm>> -> memref<10000x64xf32, #tpu.memory_space<hbm>>
        tpu.enqueue_indirect_dma source(%dma_start3A_457 : memref<10000x64xf32, #tpu.memory_space<hbm>>) target(%dma_start3A_453 : memref<80x64xf32, #tpu.memory_space<vmem>>) offsets(%dma_start3A_454 : memref<80xi32, #tpu.memory_space<vmem>>) semaphore(%arg11 : memref<!tpu.dma_semaphore, #tpu.memory_space<semaphore_mem>>)
        %mul3A_458 = arith.constant 5 : i32
        %mul3A_459 = arith.muli %add3A_325, %mul3A_458 : i32
        %add3A_460 = arith.constant 2 : i32
        %add3A_461 = arith.addi %mul3A_459, %add3A_460 : i32
        %mul3A_462 = arith.constant 80 : i32
        %mul3A_463 = arith.muli %add3A_461, %mul3A_462 : i32
        %dma_start3A_464 = arith.constant 1 : i32
        %dma_start3A_465 = arith.constant 2 : i32
        %dma_start3A_466 = arith.constant 0 : i32
        %dma_start3A_467 = arith.constant 0 : i32
        %dma_start3A_468 = tpu.memref_slice %arg9[%dma_start3A_464, %dma_start3A_465, %dma_start3A_466, %dma_start3A_467] : memref<2x5x80x64xf32, #tpu.memory_space<vmem>> -> memref<1x1x80x64xf32, #tpu.memory_space<vmem>>
        %dma_start3A_469 = tpu.memref_squeeze %dma_start3A_468 : memref<1x1x80x64xf32, #tpu.memory_space<vmem>> -> memref<80x64xf32, #tpu.memory_space<vmem>>
        %dma_start3A_470 = tpu.memref_slice %arg7[%mul3A_463] : memref<20000xi32, #tpu.memory_space<vmem>> -> memref<80xi32, #tpu.memory_space<vmem>>
        %dma_start3A_471 = arith.constant 0 : i32
        %dma_start3A_472 = arith.constant 0 : i32
        %dma_start3A_473 = tpu.memref_slice %arg3[%dma_start3A_471, %dma_start3A_472] : memref<10000x64xf32, #tpu.memory_space<hbm>> -> memref<10000x64xf32, #tpu.memory_space<hbm>>
        tpu.enqueue_indirect_dma source(%dma_start3A_473 : memref<10000x64xf32, #tpu.memory_space<hbm>>) target(%dma_start3A_469 : memref<80x64xf32, #tpu.memory_space<vmem>>) offsets(%dma_start3A_470 : memref<80xi32, #tpu.memory_space<vmem>>) semaphore(%arg11 : memref<!tpu.dma_semaphore, #tpu.memory_space<semaphore_mem>>)
        %mul3A_474 = arith.constant 5 : i32
        %mul3A_475 = arith.muli %add3A_325, %mul3A_474 : i32
        %add3A_476 = arith.constant 3 : i32
        %add3A_477 = arith.addi %mul3A_475, %add3A_476 : i32
        %mul3A_478 = arith.constant 80 : i32
        %mul3A_479 = arith.muli %add3A_477, %mul3A_478 : i32
        %dma_start3A_480 = arith.constant 1 : i32
        %dma_start3A_481 = arith.constant 3 : i32
        %dma_start3A_482 = arith.constant 0 : i32
        %dma_start3A_483 = arith.constant 0 : i32
        %dma_start3A_484 = tpu.memref_slice %arg9[%dma_start3A_480, %dma_start3A_481, %dma_start3A_482, %dma_start3A_483] : memref<2x5x80x64xf32, #tpu.memory_space<vmem>> -> memref<1x1x80x64xf32, #tpu.memory_space<vmem>>
        %dma_start3A_485 = tpu.memref_squeeze %dma_start3A_484 : memref<1x1x80x64xf32, #tpu.memory_space<vmem>> -> memref<80x64xf32, #tpu.memory_space<vmem>>
        %dma_start3A_486 = tpu.memref_slice %arg7[%mul3A_479] : memref<20000xi32, #tpu.memory_space<vmem>> -> memref<80xi32, #tpu.memory_space<vmem>>
        %dma_start3A_487 = arith.constant 0 : i32
        %dma_start3A_488 = arith.constant 0 : i32
        %dma_start3A_489 = tpu.memref_slice %arg3[%dma_start3A_487, %dma_start3A_488] : memref<10000x64xf32, #tpu.memory_space<hbm>> -> memref<10000x64xf32, #tpu.memory_space<hbm>>
        tpu.enqueue_indirect_dma source(%dma_start3A_489 : memref<10000x64xf32, #tpu.memory_space<hbm>>) target(%dma_start3A_485 : memref<80x64xf32, #tpu.memory_space<vmem>>) offsets(%dma_start3A_486 : memref<80xi32, #tpu.memory_space<vmem>>) semaphore(%arg11 : memref<!tpu.dma_semaphore, #tpu.memory_space<semaphore_mem>>)
        %mul3A_490 = arith.constant 5 : i32
        %mul3A_491 = arith.muli %add3A_325, %mul3A_490 : i32
        %add3A_492 = arith.constant 4 : i32
        %add3A_493 = arith.addi %mul3A_491, %add3A_492 : i32
        %mul3A_494 = arith.constant 80 : i32
        %mul3A_495 = arith.muli %add3A_493, %mul3A_494 : i32
        %dma_start3A_496 = arith.constant 1 : i32
        %dma_start3A_497 = arith.constant 4 : i32
        %dma_start3A_498 = arith.constant 0 : i32
        %dma_start3A_499 = arith.constant 0 : i32
        %dma_start3A_500 = tpu.memref_slice %arg9[%dma_start3A_496, %dma_start3A_497, %dma_start3A_498, %dma_start3A_499] : memref<2x5x80x64xf32, #tpu.memory_space<vmem>> -> memref<1x1x80x64xf32, #tpu.memory_space<vmem>>
        %dma_start3A_501 = tpu.memref_squeeze %dma_start3A_500 : memref<1x1x80x64xf32, #tpu.memory_space<vmem>> -> memref<80x64xf32, #tpu.memory_space<vmem>>
        %dma_start3A_502 = tpu.memref_slice %arg7[%mul3A_495] : memref<20000xi32, #tpu.memory_space<vmem>> -> memref<80xi32, #tpu.memory_space<vmem>>
        %dma_start3A_503 = arith.constant 0 : i32
        %dma_start3A_504 = arith.constant 0 : i32
        %dma_start3A_505 = tpu.memref_slice %arg3[%dma_start3A_503, %dma_start3A_504] : memref<10000x64xf32, #tpu.memory_space<hbm>> -> memref<10000x64xf32, #tpu.memory_space<hbm>>
        tpu.enqueue_indirect_dma source(%dma_start3A_505 : memref<10000x64xf32, #tpu.memory_space<hbm>>) target(%dma_start3A_501 : memref<80x64xf32, #tpu.memory_space<vmem>>) offsets(%dma_start3A_502 : memref<80xi32, #tpu.memory_space<vmem>>) semaphore(%arg11 : memref<!tpu.dma_semaphore, #tpu.memory_space<semaphore_mem>>)
        %add3A_506 = arith.constant 1 : i32
        %add3A_507 = arith.addi %add3A_163, %add3A_506 : i32
        %dma_wait3A_508 = arith.constant 1 : i32
        %dma_wait3A_509 = arith.constant 0 : i32
        %dma_wait3A_510 = arith.constant 0 : i32
        %dma_wait3A_511 = arith.constant 0 : i32
        %dma_wait3A_512 = tpu.memref_slice %arg9[%dma_wait3A_508, %dma_wait3A_509, %dma_wait3A_510, %dma_wait3A_511] : memref<2x5x80x64xf32, #tpu.memory_space<vmem>> -> memref<1x5x80x64xf32, #tpu.memory_space<vmem>>
        %dma_wait3A_513 = tpu.memref_squeeze %dma_wait3A_512 : memref<1x5x80x64xf32, #tpu.memory_space<vmem>> -> memref<5x80x64xf32, #tpu.memory_space<vmem>>
        %dma_wait3A_514 = arith.constant 0 : i32
        %dma_wait3A_515 = arith.constant 0 : i32
        %dma_wait3A_516 = arith.constant 0 : i32
        %dma_wait3A_517 = tpu.memref_slice %arg9[%dma_wait3A_508, %dma_wait3A_514, %dma_wait3A_515, %dma_wait3A_516] : memref<2x5x80x64xf32, #tpu.memory_space<vmem>> -> memref<1x5x80x64xf32, #tpu.memory_space<vmem>>
        %dma_wait3A_518 = tpu.memref_squeeze %dma_wait3A_517 : memref<1x5x80x64xf32, #tpu.memory_space<vmem>> -> memref<5x80x64xf32, #tpu.memory_space<vmem>>
        tpu.wait_dma2 semaphore(%arg11 : memref<!tpu.dma_semaphore, #tpu.memory_space<semaphore_mem>>) src(%arg5 : memref<5x80x64xf32, #tpu.memory_space<hbm>>) dst(%dma_wait3A_518 : memref<5x80x64xf32, #tpu.memory_space<vmem>>)
        %dma_wait3A_519 = arith.constant 1 : i32
        %dma_wait3A_520 = arith.constant 1 : i32
        %dma_wait3A_521 = arith.constant 0 : i32
        %dma_wait3A_522 = arith.constant 0 : i32
        %dma_wait3A_523 = tpu.memref_slice %arg8[%dma_wait3A_520, %dma_wait3A_521, %dma_wait3A_522] : memref<2x5x80xi32, #tpu.memory_space<vmem>> -> memref<1x1x80xi32, #tpu.memory_space<vmem>>
        %dma_wait3A_524 = tpu.memref_squeeze %dma_wait3A_523 : memref<1x1x80xi32, #tpu.memory_space<vmem>> -> memref<80xi32, #tpu.memory_space<vmem>>
        %dma_wait3A_525 = arith.constant 0 : i32
        %dma_wait3A_526 = tpu.memref_slice %arg4[%dma_wait3A_519, %dma_wait3A_525] : memref<2x320000xi32, #tpu.memory_space<hbm>> -> memref<1x80xi32, #tpu.memory_space<hbm>>
        %dma_wait3A_527 = tpu.memref_squeeze %dma_wait3A_526 : memref<1x80xi32, #tpu.memory_space<hbm>> -> memref<80xi32, #tpu.memory_space<hbm>>
        %dma_wait3A_528 = arith.constant 0 : i32
        %dma_wait3A_529 = tpu.memref_slice %arg8[%dma_wait3A_520, %dma_wait3A_521, %dma_wait3A_528] : memref<2x5x80xi32, #tpu.memory_space<vmem>> -> memref<1x1x80xi32, #tpu.memory_space<vmem>>
        %dma_wait3A_530 = tpu.memref_squeeze %dma_wait3A_529 : memref<1x1x80xi32, #tpu.memory_space<vmem>> -> memref<80xi32, #tpu.memory_space<vmem>>
        %dma_wait3A_531 = arith.constant 0 : i32
        %dma_wait3A_532 = tpu.memref_slice %arg4[%dma_wait3A_519, %dma_wait3A_531] : memref<2x320000xi32, #tpu.memory_space<hbm>> -> memref<1x80xi32, #tpu.memory_space<hbm>>
        %dma_wait3A_533 = tpu.memref_squeeze %dma_wait3A_532 : memref<1x80xi32, #tpu.memory_space<hbm>> -> memref<80xi32, #tpu.memory_space<hbm>>
        tpu.wait_dma2 semaphore(%arg13 : memref<!tpu.dma_semaphore, #tpu.memory_space<semaphore_mem>>) src(%dma_wait3A_533 : memref<80xi32, #tpu.memory_space<hbm>>) dst(%dma_wait3A_530 : memref<80xi32, #tpu.memory_space<vmem>>)
        %dma_wait3A_534 = arith.constant 1 : i32
        %dma_wait3A_535 = arith.constant 1 : i32
        %dma_wait3A_536 = arith.constant 1 : i32
        %dma_wait3A_537 = arith.constant 0 : i32
        %dma_wait3A_538 = tpu.memref_slice %arg8[%dma_wait3A_535, %dma_wait3A_536, %dma_wait3A_537] : memref<2x5x80xi32, #tpu.memory_space<vmem>> -> memref<1x1x80xi32, #tpu.memory_space<vmem>>
        %dma_wait3A_539 = tpu.memref_squeeze %dma_wait3A_538 : memref<1x1x80xi32, #tpu.memory_space<vmem>> -> memref<80xi32, #tpu.memory_space<vmem>>
        %dma_wait3A_540 = arith.constant 0 : i32
        %dma_wait3A_541 = tpu.memref_slice %arg4[%dma_wait3A_534, %dma_wait3A_540] : memref<2x320000xi32, #tpu.memory_space<hbm>> -> memref<1x80xi32, #tpu.memory_space<hbm>>
        %dma_wait3A_542 = tpu.memref_squeeze %dma_wait3A_541 : memref<1x80xi32, #tpu.memory_space<hbm>> -> memref<80xi32, #tpu.memory_space<hbm>>
        %dma_wait3A_543 = arith.constant 0 : i32
        %dma_wait3A_544 = tpu.memref_slice %arg8[%dma_wait3A_535, %dma_wait3A_536, %dma_wait3A_543] : memref<2x5x80xi32, #tpu.memory_space<vmem>> -> memref<1x1x80xi32, #tpu.memory_space<vmem>>
        %dma_wait3A_545 = tpu.memref_squeeze %dma_wait3A_544 : memref<1x1x80xi32, #tpu.memory_space<vmem>> -> memref<80xi32, #tpu.memory_space<vmem>>
        %dma_wait3A_546 = arith.constant 0 : i32
        %dma_wait3A_547 = tpu.memref_slice %arg4[%dma_wait3A_534, %dma_wait3A_546] : memref<2x320000xi32, #tpu.memory_space<hbm>> -> memref<1x80xi32, #tpu.memory_space<hbm>>
        %dma_wait3A_548 = tpu.memref_squeeze %dma_wait3A_547 : memref<1x80xi32, #tpu.memory_space<hbm>> -> memref<80xi32, #tpu.memory_space<hbm>>
        tpu.wait_dma2 semaphore(%arg13 : memref<!tpu.dma_semaphore, #tpu.memory_space<semaphore_mem>>) src(%dma_wait3A_548 : memref<80xi32, #tpu.memory_space<hbm>>) dst(%dma_wait3A_545 : memref<80xi32, #tpu.memory_space<vmem>>)
        %dma_wait3A_549 = arith.constant 1 : i32
        %dma_wait3A_550 = arith.constant 1 : i32
        %dma_wait3A_551 = arith.constant 2 : i32
        %dma_wait3A_552 = arith.constant 0 : i32
        %dma_wait3A_553 = tpu.memref_slice %arg8[%dma_wait3A_550, %dma_wait3A_551, %dma_wait3A_552] : memref<2x5x80xi32, #tpu.memory_space<vmem>> -> memref<1x1x80xi32, #tpu.memory_space<vmem>>
        %dma_wait3A_554 = tpu.memref_squeeze %dma_wait3A_553 : memref<1x1x80xi32, #tpu.memory_space<vmem>> -> memref<80xi32, #tpu.memory_space<vmem>>
        %dma_wait3A_555 = arith.constant 0 : i32
        %dma_wait3A_556 = tpu.memref_slice %arg4[%dma_wait3A_549, %dma_wait3A_555] : memref<2x320000xi32, #tpu.memory_space<hbm>> -> memref<1x80xi32, #tpu.memory_space<hbm>>
        %dma_wait3A_557 = tpu.memref_squeeze %dma_wait3A_556 : memref<1x80xi32, #tpu.memory_space<hbm>> -> memref<80xi32, #tpu.memory_space<hbm>>
        %dma_wait3A_558 = arith.constant 0 : i32
        %dma_wait3A_559 = tpu.memref_slice %arg8[%dma_wait3A_550, %dma_wait3A_551, %dma_wait3A_558] : memref<2x5x80xi32, #tpu.memory_space<vmem>> -> memref<1x1x80xi32, #tpu.memory_space<vmem>>
        %dma_wait3A_560 = tpu.memref_squeeze %dma_wait3A_559 : memref<1x1x80xi32, #tpu.memory_space<vmem>> -> memref<80xi32, #tpu.memory_space<vmem>>
        %dma_wait3A_561 = arith.constant 0 : i32
        %dma_wait3A_562 = tpu.memref_slice %arg4[%dma_wait3A_549, %dma_wait3A_561] : memref<2x320000xi32, #tpu.memory_space<hbm>> -> memref<1x80xi32, #tpu.memory_space<hbm>>
        %dma_wait3A_563 = tpu.memref_squeeze %dma_wait3A_562 : memref<1x80xi32, #tpu.memory_space<hbm>> -> memref<80xi32, #tpu.memory_space<hbm>>
        tpu.wait_dma2 semaphore(%arg13 : memref<!tpu.dma_semaphore, #tpu.memory_space<semaphore_mem>>) src(%dma_wait3A_563 : memref<80xi32, #tpu.memory_space<hbm>>) dst(%dma_wait3A_560 : memref<80xi32, #tpu.memory_space<vmem>>)
        %dma_wait3A_564 = arith.constant 1 : i32
        %dma_wait3A_565 = arith.constant 1 : i32
        %dma_wait3A_566 = arith.constant 3 : i32
        %dma_wait3A_567 = arith.constant 0 : i32
        %dma_wait3A_568 = tpu.memref_slice %arg8[%dma_wait3A_565, %dma_wait3A_566, %dma_wait3A_567] : memref<2x5x80xi32, #tpu.memory_space<vmem>> -> memref<1x1x80xi32, #tpu.memory_space<vmem>>
        %dma_wait3A_569 = tpu.memref_squeeze %dma_wait3A_568 : memref<1x1x80xi32, #tpu.memory_space<vmem>> -> memref<80xi32, #tpu.memory_space<vmem>>
        %dma_wait3A_570 = arith.constant 0 : i32
        %dma_wait3A_571 = tpu.memref_slice %arg4[%dma_wait3A_564, %dma_wait3A_570] : memref<2x320000xi32, #tpu.memory_space<hbm>> -> memref<1x80xi32, #tpu.memory_space<hbm>>
        %dma_wait3A_572 = tpu.memref_squeeze %dma_wait3A_571 : memref<1x80xi32, #tpu.memory_space<hbm>> -> memref<80xi32, #tpu.memory_space<hbm>>
        %dma_wait3A_573 = arith.constant 0 : i32
        %dma_wait3A_574 = tpu.memref_slice %arg8[%dma_wait3A_565, %dma_wait3A_566, %dma_wait3A_573] : memref<2x5x80xi32, #tpu.memory_space<vmem>> -> memref<1x1x80xi32, #tpu.memory_space<vmem>>
        %dma_wait3A_575 = tpu.memref_squeeze %dma_wait3A_574 : memref<1x1x80xi32, #tpu.memory_space<vmem>> -> memref<80xi32, #tpu.memory_space<vmem>>
        %dma_wait3A_576 = arith.constant 0 : i32
        %dma_wait3A_577 = tpu.memref_slice %arg4[%dma_wait3A_564, %dma_wait3A_576] : memref<2x320000xi32, #tpu.memory_space<hbm>> -> memref<1x80xi32, #tpu.memory_space<hbm>>
        %dma_wait3A_578 = tpu.memref_squeeze %dma_wait3A_577 : memref<1x80xi32, #tpu.memory_space<hbm>> -> memref<80xi32, #tpu.memory_space<hbm>>
        tpu.wait_dma2 semaphore(%arg13 : memref<!tpu.dma_semaphore, #tpu.memory_space<semaphore_mem>>) src(%dma_wait3A_578 : memref<80xi32, #tpu.memory_space<hbm>>) dst(%dma_wait3A_575 : memref<80xi32, #tpu.memory_space<vmem>>)
        %dma_wait3A_579 = arith.constant 1 : i32
        %dma_wait3A_580 = arith.constant 1 : i32
        %dma_wait3A_581 = arith.constant 4 : i32
        %dma_wait3A_582 = arith.constant 0 : i32
        %dma_wait3A_583 = tpu.memref_slice %arg8[%dma_wait3A_580, %dma_wait3A_581, %dma_wait3A_582] : memref<2x5x80xi32, #tpu.memory_space<vmem>> -> memref<1x1x80xi32, #tpu.memory_space<vmem>>
        %dma_wait3A_584 = tpu.memref_squeeze %dma_wait3A_583 : memref<1x1x80xi32, #tpu.memory_space<vmem>> -> memref<80xi32, #tpu.memory_space<vmem>>
        %dma_wait3A_585 = arith.constant 0 : i32
        %dma_wait3A_586 = tpu.memref_slice %arg4[%dma_wait3A_579, %dma_wait3A_585] : memref<2x320000xi32, #tpu.memory_space<hbm>> -> memref<1x80xi32, #tpu.memory_space<hbm>>
        %dma_wait3A_587 = tpu.memref_squeeze %dma_wait3A_586 : memref<1x80xi32, #tpu.memory_space<hbm>> -> memref<80xi32, #tpu.memory_space<hbm>>
        %dma_wait3A_588 = arith.constant 0 : i32
        %dma_wait3A_589 = tpu.memref_slice %arg8[%dma_wait3A_580, %dma_wait3A_581, %dma_wait3A_588] : memref<2x5x80xi32, #tpu.memory_space<vmem>> -> memref<1x1x80xi32, #tpu.memory_space<vmem>>
        %dma_wait3A_590 = tpu.memref_squeeze %dma_wait3A_589 : memref<1x1x80xi32, #tpu.memory_space<vmem>> -> memref<80xi32, #tpu.memory_space<vmem>>
        %dma_wait3A_591 = arith.constant 0 : i32
        %dma_wait3A_592 = tpu.memref_slice %arg4[%dma_wait3A_579, %dma_wait3A_591] : memref<2x320000xi32, #tpu.memory_space<hbm>> -> memref<1x80xi32, #tpu.memory_space<hbm>>
        %dma_wait3A_593 = tpu.memref_squeeze %dma_wait3A_592 : memref<1x80xi32, #tpu.memory_space<hbm>> -> memref<80xi32, #tpu.memory_space<hbm>>
        tpu.wait_dma2 semaphore(%arg13 : memref<!tpu.dma_semaphore, #tpu.memory_space<semaphore_mem>>) src(%dma_wait3A_593 : memref<80xi32, #tpu.memory_space<hbm>>) dst(%dma_wait3A_590 : memref<80xi32, #tpu.memory_space<vmem>>)
        %dma_wait3A_594 = arith.constant 0 : i32
        %dma_wait3A_595 = arith.constant 0 : i32
        %dma_wait3A_596 = arith.constant 0 : i32
        %dma_wait3A_597 = arith.constant 0 : i32
        %dma_wait3A_598 = tpu.memref_slice %arg9[%dma_wait3A_594, %dma_wait3A_595, %dma_wait3A_596, %dma_wait3A_597] : memref<2x5x80x64xf32, #tpu.memory_space<vmem>> -> memref<1x5x80x64xf32, #tpu.memory_space<vmem>>
        %dma_wait3A_599 = tpu.memref_squeeze %dma_wait3A_598 : memref<1x5x80x64xf32, #tpu.memory_space<vmem>> -> memref<5x80x64xf32, #tpu.memory_space<vmem>>
        %dma_wait3A_600 = arith.constant 0 : i32
        %dma_wait3A_601 = arith.constant 0 : i32
        %dma_wait3A_602 = arith.constant 0 : i32
        %dma_wait3A_603 = tpu.memref_slice %arg9[%dma_wait3A_594, %dma_wait3A_600, %dma_wait3A_601, %dma_wait3A_602] : memref<2x5x80x64xf32, #tpu.memory_space<vmem>> -> memref<1x5x80x64xf32, #tpu.memory_space<vmem>>
        %dma_wait3A_604 = tpu.memref_squeeze %dma_wait3A_603 : memref<1x5x80x64xf32, #tpu.memory_space<vmem>> -> memref<5x80x64xf32, #tpu.memory_space<vmem>>
        tpu.wait_dma2 semaphore(%arg12 : memref<!tpu.dma_semaphore, #tpu.memory_space<semaphore_mem>>) src(%arg5 : memref<5x80x64xf32, #tpu.memory_space<hbm>>) dst(%dma_wait3A_604 : memref<5x80x64xf32, #tpu.memory_space<vmem>>)
        %add3A_605 = arith.constant 1 : i32
        %add3A_606 = arith.addi %add3A_163, %add3A_605 : i32
        %dma_start3A_607 = arith.constant 1 : i32
        %dma_start3A_608 = arith.constant 0 : i32
        %dma_start3A_609 = arith.constant 1 : i32
        %dma_start3A_610 = arith.constant 0 : i32
        %dma_start3A_611 = arith.constant 0 : i32
        %dma_start3A_612 = arith.constant 0 : i32
        %dma_start3A_613 = tpu.memref_slice %arg9[%dma_start3A_607, %dma_start3A_608, %dma_start3A_611, %dma_start3A_612] : memref<2x5x80x64xf32, #tpu.memory_space<vmem>> -> memref<1x1x80x64xf32, #tpu.memory_space<vmem>>
        %dma_start3A_614 = tpu.memref_squeeze %dma_start3A_613 : memref<1x1x80x64xf32, #tpu.memory_space<vmem>> -> memref<80x64xf32, #tpu.memory_space<vmem>>
        %dma_start3A_615 = arith.constant 0 : i32
        %dma_start3A_616 = tpu.memref_slice %arg8[%dma_start3A_609, %dma_start3A_610, %dma_start3A_615] : memref<2x5x80xi32, #tpu.memory_space<vmem>> -> memref<1x1x80xi32, #tpu.memory_space<vmem>>
        %dma_start3A_617 = tpu.memref_squeeze %dma_start3A_616 : memref<1x1x80xi32, #tpu.memory_space<vmem>> -> memref<80xi32, #tpu.memory_space<vmem>>
        %dma_start3A_618 = arith.constant 0 : i32
        %dma_start3A_619 = arith.constant 0 : i32
        %dma_start3A_620 = tpu.memref_slice %arg10[%dma_start3A_618, %dma_start3A_619] : memref<10000x64xf32, #tpu.memory_space<vmem_shared>> -> memref<10000x64xf32, #tpu.memory_space<vmem_shared>>
        tpu.enqueue_indirect_dma source(%dma_start3A_614 : memref<80x64xf32, #tpu.memory_space<vmem>>) target(%dma_start3A_620 : memref<10000x64xf32, #tpu.memory_space<vmem_shared>>) offsets(%dma_start3A_617 : memref<80xi32, #tpu.memory_space<vmem>>) semaphore(%arg12 : memref<!tpu.dma_semaphore, #tpu.memory_space<semaphore_mem>>) {add = true}
        %dma_start3A_621 = arith.constant 1 : i32
        %dma_start3A_622 = arith.constant 1 : i32
        %dma_start3A_623 = arith.constant 1 : i32
        %dma_start3A_624 = arith.constant 1 : i32
        %dma_start3A_625 = arith.constant 0 : i32
        %dma_start3A_626 = arith.constant 0 : i32
        %dma_start3A_627 = tpu.memref_slice %arg9[%dma_start3A_621, %dma_start3A_622, %dma_start3A_625, %dma_start3A_626] : memref<2x5x80x64xf32, #tpu.memory_space<vmem>> -> memref<1x1x80x64xf32, #tpu.memory_space<vmem>>
        %dma_start3A_628 = tpu.memref_squeeze %dma_start3A_627 : memref<1x1x80x64xf32, #tpu.memory_space<vmem>> -> memref<80x64xf32, #tpu.memory_space<vmem>>
        %dma_start3A_629 = arith.constant 0 : i32
        %dma_start3A_630 = tpu.memref_slice %arg8[%dma_start3A_623, %dma_start3A_624, %dma_start3A_629] : memref<2x5x80xi32, #tpu.memory_space<vmem>> -> memref<1x1x80xi32, #tpu.memory_space<vmem>>
        %dma_start3A_631 = tpu.memref_squeeze %dma_start3A_630 : memref<1x1x80xi32, #tpu.memory_space<vmem>> -> memref<80xi32, #tpu.memory_space<vmem>>
        %dma_start3A_632 = arith.constant 0 : i32
        %dma_start3A_633 = arith.constant 0 : i32
        %dma_start3A_634 = tpu.memref_slice %arg10[%dma_start3A_632, %dma_start3A_633] : memref<10000x64xf32, #tpu.memory_space<vmem_shared>> -> memref<10000x64xf32, #tpu.memory_space<vmem_shared>>
        tpu.enqueue_indirect_dma source(%dma_start3A_628 : memref<80x64xf32, #tpu.memory_space<vmem>>) target(%dma_start3A_634 : memref<10000x64xf32, #tpu.memory_space<vmem_shared>>) offsets(%dma_start3A_631 : memref<80xi32, #tpu.memory_space<vmem>>) semaphore(%arg12 : memref<!tpu.dma_semaphore, #tpu.memory_space<semaphore_mem>>) {add = true}
        %dma_start3A_635 = arith.constant 1 : i32
        %dma_start3A_636 = arith.constant 2 : i32
        %dma_start3A_637 = arith.constant 1 : i32
        %dma_start3A_638 = arith.constant 2 : i32
        %dma_start3A_639 = arith.constant 0 : i32
        %dma_start3A_640 = arith.constant 0 : i32
        %dma_start3A_641 = tpu.memref_slice %arg9[%dma_start3A_635, %dma_start3A_636, %dma_start3A_639, %dma_start3A_640] : memref<2x5x80x64xf32, #tpu.memory_space<vmem>> -> memref<1x1x80x64xf32, #tpu.memory_space<vmem>>
        %dma_start3A_642 = tpu.memref_squeeze %dma_start3A_641 : memref<1x1x80x64xf32, #tpu.memory_space<vmem>> -> memref<80x64xf32, #tpu.memory_space<vmem>>
        %dma_start3A_643 = arith.constant 0 : i32
        %dma_start3A_644 = tpu.memref_slice %arg8[%dma_start3A_637, %dma_start3A_638, %dma_start3A_643] : memref<2x5x80xi32, #tpu.memory_space<vmem>> -> memref<1x1x80xi32, #tpu.memory_space<vmem>>
        %dma_start3A_645 = tpu.memref_squeeze %dma_start3A_644 : memref<1x1x80xi32, #tpu.memory_space<vmem>> -> memref<80xi32, #tpu.memory_space<vmem>>
        %dma_start3A_646 = arith.constant 0 : i32
        %dma_start3A_647 = arith.constant 0 : i32
        %dma_start3A_648 = tpu.memref_slice %arg10[%dma_start3A_646, %dma_start3A_647] : memref<10000x64xf32, #tpu.memory_space<vmem_shared>> -> memref<10000x64xf32, #tpu.memory_space<vmem_shared>>
        tpu.enqueue_indirect_dma source(%dma_start3A_642 : memref<80x64xf32, #tpu.memory_space<vmem>>) target(%dma_start3A_648 : memref<10000x64xf32, #tpu.memory_space<vmem_shared>>) offsets(%dma_start3A_645 : memref<80xi32, #tpu.memory_space<vmem>>) semaphore(%arg12 : memref<!tpu.dma_semaphore, #tpu.memory_space<semaphore_mem>>) {add = true}
        %dma_start3A_649 = arith.constant 1 : i32
        %dma_start3A_650 = arith.constant 3 : i32
        %dma_start3A_651 = arith.constant 1 : i32
        %dma_start3A_652 = arith.constant 3 : i32
        %dma_start3A_653 = arith.constant 0 : i32
        %dma_start3A_654 = arith.constant 0 : i32
        %dma_start3A_655 = tpu.memref_slice %arg9[%dma_start3A_649, %dma_start3A_650, %dma_start3A_653, %dma_start3A_654] : memref<2x5x80x64xf32, #tpu.memory_space<vmem>> -> memref<1x1x80x64xf32, #tpu.memory_space<vmem>>
        %dma_start3A_656 = tpu.memref_squeeze %dma_start3A_655 : memref<1x1x80x64xf32, #tpu.memory_space<vmem>> -> memref<80x64xf32, #tpu.memory_space<vmem>>
        %dma_start3A_657 = arith.constant 0 : i32
        %dma_start3A_658 = tpu.memref_slice %arg8[%dma_start3A_651, %dma_start3A_652, %dma_start3A_657] : memref<2x5x80xi32, #tpu.memory_space<vmem>> -> memref<1x1x80xi32, #tpu.memory_space<vmem>>
        %dma_start3A_659 = tpu.memref_squeeze %dma_start3A_658 : memref<1x1x80xi32, #tpu.memory_space<vmem>> -> memref<80xi32, #tpu.memory_space<vmem>>
        %dma_start3A_660 = arith.constant 0 : i32
        %dma_start3A_661 = arith.constant 0 : i32
        %dma_start3A_662 = tpu.memref_slice %arg10[%dma_start3A_660, %dma_start3A_661] : memref<10000x64xf32, #tpu.memory_space<vmem_shared>> -> memref<10000x64xf32, #tpu.memory_space<vmem_shared>>
        tpu.enqueue_indirect_dma source(%dma_start3A_656 : memref<80x64xf32, #tpu.memory_space<vmem>>) target(%dma_start3A_662 : memref<10000x64xf32, #tpu.memory_space<vmem_shared>>) offsets(%dma_start3A_659 : memref<80xi32, #tpu.memory_space<vmem>>) semaphore(%arg12 : memref<!tpu.dma_semaphore, #tpu.memory_space<semaphore_mem>>) {add = true}
        %dma_start3A_663 = arith.constant 1 : i32
        %dma_start3A_664 = arith.constant 4 : i32
        %dma_start3A_665 = arith.constant 1 : i32
        %dma_start3A_666 = arith.constant 4 : i32
        %dma_start3A_667 = arith.constant 0 : i32
        %dma_start3A_668 = arith.constant 0 : i32
        %dma_start3A_669 = tpu.memref_slice %arg9[%dma_start3A_663, %dma_start3A_664, %dma_start3A_667, %dma_start3A_668] : memref<2x5x80x64xf32, #tpu.memory_space<vmem>> -> memref<1x1x80x64xf32, #tpu.memory_space<vmem>>
        %dma_start3A_670 = tpu.memref_squeeze %dma_start3A_669 : memref<1x1x80x64xf32, #tpu.memory_space<vmem>> -> memref<80x64xf32, #tpu.memory_space<vmem>>
        %dma_start3A_671 = arith.constant 0 : i32
        %dma_start3A_672 = tpu.memref_slice %arg8[%dma_start3A_665, %dma_start3A_666, %dma_start3A_671] : memref<2x5x80xi32, #tpu.memory_space<vmem>> -> memref<1x1x80xi32, #tpu.memory_space<vmem>>
        %dma_start3A_673 = tpu.memref_squeeze %dma_start3A_672 : memref<1x1x80xi32, #tpu.memory_space<vmem>> -> memref<80xi32, #tpu.memory_space<vmem>>
        %dma_start3A_674 = arith.constant 0 : i32
        %dma_start3A_675 = arith.constant 0 : i32
        %dma_start3A_676 = tpu.memref_slice %arg10[%dma_start3A_674, %dma_start3A_675] : memref<10000x64xf32, #tpu.memory_space<vmem_shared>> -> memref<10000x64xf32, #tpu.memory_space<vmem_shared>>
        tpu.enqueue_indirect_dma source(%dma_start3A_670 : memref<80x64xf32, #tpu.memory_space<vmem>>) target(%dma_start3A_676 : memref<10000x64xf32, #tpu.memory_space<vmem_shared>>) offsets(%dma_start3A_673 : memref<80xi32, #tpu.memory_space<vmem>>) semaphore(%arg12 : memref<!tpu.dma_semaphore, #tpu.memory_space<semaphore_mem>>) {add = true}
        %add3A_677 = arith.constant 2 : i32
        %add3A_678 = arith.addi %add3A_163, %add3A_677 : i32
        %lt3A = arith.constant 50 : i32
        %lt3A_679 = arith.cmpi slt, %add3A_678, %lt3A : i32
        %convert_element_type3A_680 = arith.extui %lt3A_679 : i1 to i32
        %cond3A_681 = arith.constant 0 : i32
        %cond3A_682 = arith.cmpi ne, %convert_element_type3A_680, %cond3A_681 : i32
        scf.if %cond3A_682 {
          %add3A_683 = arith.constant 2 : i32
          %add3A_684 = arith.addi %add3A_163, %add3A_683 : i32
          %mul3A_685 = arith.constant 5 : i32
          %mul3A_686 = arith.muli %add3A_684, %mul3A_685 : i32
          %add3A_687 = arith.constant 0 : i32
          %add3A_688 = arith.addi %mul3A_686, %add3A_687 : i32
          %mul3A_689 = arith.constant 80 : i32
          %mul3A_690 = arith.muli %add3A_688, %mul3A_689 : i32
          %add3A_691 = arith.addi %mul3A_0, %mul3A_690 : i32
          %dma_start3A_692 = arith.constant 1 : i32
          %dma_start3A_693 = arith.constant 0 : i32
          %dma_start3A_694 = arith.constant 0 : i32
          %dma_start3A_695 = arith.constant 0 : i32
          %dma_start3A_696 = tpu.memref_slice %arg8[%dma_start3A_693, %dma_start3A_694, %dma_start3A_695] : memref<2x5x80xi32, #tpu.memory_space<vmem>> -> memref<1x1x80xi32, #tpu.memory_space<vmem>>
          %dma_start3A_697 = tpu.memref_squeeze %dma_start3A_696 : memref<1x1x80xi32, #tpu.memory_space<vmem>> -> memref<80xi32, #tpu.memory_space<vmem>>
          %dma_start3A_698 = tpu.memref_slice %arg4[%dma_start3A_692, %add3A_691] : memref<2x320000xi32, #tpu.memory_space<hbm>> -> memref<1x80xi32, #tpu.memory_space<hbm>>
          %dma_start3A_699 = tpu.memref_squeeze %dma_start3A_698 : memref<1x80xi32, #tpu.memory_space<hbm>> -> memref<80xi32, #tpu.memory_space<hbm>>
          %dma_start3A_700 = arith.constant 0 : i32
          %dma_start3A_701 = tpu.memref_slice %arg8[%dma_start3A_693, %dma_start3A_694, %dma_start3A_700] : memref<2x5x80xi32, #tpu.memory_space<vmem>> -> memref<1x1x80xi32, #tpu.memory_space<vmem>>
          %dma_start3A_702 = tpu.memref_squeeze %dma_start3A_701 : memref<1x1x80xi32, #tpu.memory_space<vmem>> -> memref<80xi32, #tpu.memory_space<vmem>>
          %dma_start3A_703 = tpu.memref_slice %arg4[%dma_start3A_692, %add3A_691] : memref<2x320000xi32, #tpu.memory_space<hbm>> -> memref<1x80xi32, #tpu.memory_space<hbm>>
          %dma_start3A_704 = tpu.memref_squeeze %dma_start3A_703 : memref<1x80xi32, #tpu.memory_space<hbm>> -> memref<80xi32, #tpu.memory_space<hbm>>
          tpu.enqueue_dma source(%dma_start3A_704 : memref<80xi32, #tpu.memory_space<hbm>>) target(%dma_start3A_702 : memref<80xi32, #tpu.memory_space<vmem>>) target_semaphore(%arg13 : memref<!tpu.dma_semaphore, #tpu.memory_space<semaphore_mem>>)
          %mul3A_705 = arith.constant 5 : i32
          %mul3A_706 = arith.muli %add3A_684, %mul3A_705 : i32
          %add3A_707 = arith.constant 1 : i32
          %add3A_708 = arith.addi %mul3A_706, %add3A_707 : i32
          %mul3A_709 = arith.constant 80 : i32
          %mul3A_710 = arith.muli %add3A_708, %mul3A_709 : i32
          %add3A_711 = arith.addi %mul3A_0, %mul3A_710 : i32
          %dma_start3A_712 = arith.constant 1 : i32
          %dma_start3A_713 = arith.constant 0 : i32
          %dma_start3A_714 = arith.constant 1 : i32
          %dma_start3A_715 = arith.constant 0 : i32
          %dma_start3A_716 = tpu.memref_slice %arg8[%dma_start3A_713, %dma_start3A_714, %dma_start3A_715] : memref<2x5x80xi32, #tpu.memory_space<vmem>> -> memref<1x1x80xi32, #tpu.memory_space<vmem>>
          %dma_start3A_717 = tpu.memref_squeeze %dma_start3A_716 : memref<1x1x80xi32, #tpu.memory_space<vmem>> -> memref<80xi32, #tpu.memory_space<vmem>>
          %dma_start3A_718 = tpu.memref_slice %arg4[%dma_start3A_712, %add3A_711] : memref<2x320000xi32, #tpu.memory_space<hbm>> -> memref<1x80xi32, #tpu.memory_space<hbm>>
          %dma_start3A_719 = tpu.memref_squeeze %dma_start3A_718 : memref<1x80xi32, #tpu.memory_space<hbm>> -> memref<80xi32, #tpu.memory_space<hbm>>
          %dma_start3A_720 = arith.constant 0 : i32
          %dma_start3A_721 = tpu.memref_slice %arg8[%dma_start3A_713, %dma_start3A_714, %dma_start3A_720] : memref<2x5x80xi32, #tpu.memory_space<vmem>> -> memref<1x1x80xi32, #tpu.memory_space<vmem>>
          %dma_start3A_722 = tpu.memref_squeeze %dma_start3A_721 : memref<1x1x80xi32, #tpu.memory_space<vmem>> -> memref<80xi32, #tpu.memory_space<vmem>>
          %dma_start3A_723 = tpu.memref_slice %arg4[%dma_start3A_712, %add3A_711] : memref<2x320000xi32, #tpu.memory_space<hbm>> -> memref<1x80xi32, #tpu.memory_space<hbm>>
          %dma_start3A_724 = tpu.memref_squeeze %dma_start3A_723 : memref<1x80xi32, #tpu.memory_space<hbm>> -> memref<80xi32, #tpu.memory_space<hbm>>
          tpu.enqueue_dma source(%dma_start3A_724 : memref<80xi32, #tpu.memory_space<hbm>>) target(%dma_start3A_722 : memref<80xi32, #tpu.memory_space<vmem>>) target_semaphore(%arg13 : memref<!tpu.dma_semaphore, #tpu.memory_space<semaphore_mem>>)
          %mul3A_725 = arith.constant 5 : i32
          %mul3A_726 = arith.muli %add3A_684, %mul3A_725 : i32
          %add3A_727 = arith.constant 2 : i32
          %add3A_728 = arith.addi %mul3A_726, %add3A_727 : i32
          %mul3A_729 = arith.constant 80 : i32
          %mul3A_730 = arith.muli %add3A_728, %mul3A_729 : i32
          %add3A_731 = arith.addi %mul3A_0, %mul3A_730 : i32
          %dma_start3A_732 = arith.constant 1 : i32
          %dma_start3A_733 = arith.constant 0 : i32
          %dma_start3A_734 = arith.constant 2 : i32
          %dma_start3A_735 = arith.constant 0 : i32
          %dma_start3A_736 = tpu.memref_slice %arg8[%dma_start3A_733, %dma_start3A_734, %dma_start3A_735] : memref<2x5x80xi32, #tpu.memory_space<vmem>> -> memref<1x1x80xi32, #tpu.memory_space<vmem>>
          %dma_start3A_737 = tpu.memref_squeeze %dma_start3A_736 : memref<1x1x80xi32, #tpu.memory_space<vmem>> -> memref<80xi32, #tpu.memory_space<vmem>>
          %dma_start3A_738 = tpu.memref_slice %arg4[%dma_start3A_732, %add3A_731] : memref<2x320000xi32, #tpu.memory_space<hbm>> -> memref<1x80xi32, #tpu.memory_space<hbm>>
          %dma_start3A_739 = tpu.memref_squeeze %dma_start3A_738 : memref<1x80xi32, #tpu.memory_space<hbm>> -> memref<80xi32, #tpu.memory_space<hbm>>
          %dma_start3A_740 = arith.constant 0 : i32
          %dma_start3A_741 = tpu.memref_slice %arg8[%dma_start3A_733, %dma_start3A_734, %dma_start3A_740] : memref<2x5x80xi32, #tpu.memory_space<vmem>> -> memref<1x1x80xi32, #tpu.memory_space<vmem>>
          %dma_start3A_742 = tpu.memref_squeeze %dma_start3A_741 : memref<1x1x80xi32, #tpu.memory_space<vmem>> -> memref<80xi32, #tpu.memory_space<vmem>>
          %dma_start3A_743 = tpu.memref_slice %arg4[%dma_start3A_732, %add3A_731] : memref<2x320000xi32, #tpu.memory_space<hbm>> -> memref<1x80xi32, #tpu.memory_space<hbm>>
          %dma_start3A_744 = tpu.memref_squeeze %dma_start3A_743 : memref<1x80xi32, #tpu.memory_space<hbm>> -> memref<80xi32, #tpu.memory_space<hbm>>
          tpu.enqueue_dma source(%dma_start3A_744 : memref<80xi32, #tpu.memory_space<hbm>>) target(%dma_start3A_742 : memref<80xi32, #tpu.memory_space<vmem>>) target_semaphore(%arg13 : memref<!tpu.dma_semaphore, #tpu.memory_space<semaphore_mem>>)
          %mul3A_745 = arith.constant 5 : i32
          %mul3A_746 = arith.muli %add3A_684, %mul3A_745 : i32
          %add3A_747 = arith.constant 3 : i32
          %add3A_748 = arith.addi %mul3A_746, %add3A_747 : i32
          %mul3A_749 = arith.constant 80 : i32
          %mul3A_750 = arith.muli %add3A_748, %mul3A_749 : i32
          %add3A_751 = arith.addi %mul3A_0, %mul3A_750 : i32
          %dma_start3A_752 = arith.constant 1 : i32
          %dma_start3A_753 = arith.constant 0 : i32
          %dma_start3A_754 = arith.constant 3 : i32
          %dma_start3A_755 = arith.constant 0 : i32
          %dma_start3A_756 = tpu.memref_slice %arg8[%dma_start3A_753, %dma_start3A_754, %dma_start3A_755] : memref<2x5x80xi32, #tpu.memory_space<vmem>> -> memref<1x1x80xi32, #tpu.memory_space<vmem>>
          %dma_start3A_757 = tpu.memref_squeeze %dma_start3A_756 : memref<1x1x80xi32, #tpu.memory_space<vmem>> -> memref<80xi32, #tpu.memory_space<vmem>>
          %dma_start3A_758 = tpu.memref_slice %arg4[%dma_start3A_752, %add3A_751] : memref<2x320000xi32, #tpu.memory_space<hbm>> -> memref<1x80xi32, #tpu.memory_space<hbm>>
          %dma_start3A_759 = tpu.memref_squeeze %dma_start3A_758 : memref<1x80xi32, #tpu.memory_space<hbm>> -> memref<80xi32, #tpu.memory_space<hbm>>
          %dma_start3A_760 = arith.constant 0 : i32
          %dma_start3A_761 = tpu.memref_slice %arg8[%dma_start3A_753, %dma_start3A_754, %dma_start3A_760] : memref<2x5x80xi32, #tpu.memory_space<vmem>> -> memref<1x1x80xi32, #tpu.memory_space<vmem>>
          %dma_start3A_762 = tpu.memref_squeeze %dma_start3A_761 : memref<1x1x80xi32, #tpu.memory_space<vmem>> -> memref<80xi32, #tpu.memory_space<vmem>>
          %dma_start3A_763 = tpu.memref_slice %arg4[%dma_start3A_752, %add3A_751] : memref<2x320000xi32, #tpu.memory_space<hbm>> -> memref<1x80xi32, #tpu.memory_space<hbm>>
          %dma_start3A_764 = tpu.memref_squeeze %dma_start3A_763 : memref<1x80xi32, #tpu.memory_space<hbm>> -> memref<80xi32, #tpu.memory_space<hbm>>
          tpu.enqueue_dma source(%dma_start3A_764 : memref<80xi32, #tpu.memory_space<hbm>>) target(%dma_start3A_762 : memref<80xi32, #tpu.memory_space<vmem>>) target_semaphore(%arg13 : memref<!tpu.dma_semaphore, #tpu.memory_space<semaphore_mem>>)
          %mul3A_765 = arith.constant 5 : i32
          %mul3A_766 = arith.muli %add3A_684, %mul3A_765 : i32
          %add3A_767 = arith.constant 4 : i32
          %add3A_768 = arith.addi %mul3A_766, %add3A_767 : i32
          %mul3A_769 = arith.constant 80 : i32
          %mul3A_770 = arith.muli %add3A_768, %mul3A_769 : i32
          %add3A_771 = arith.addi %mul3A_0, %mul3A_770 : i32
          %dma_start3A_772 = arith.constant 1 : i32
          %dma_start3A_773 = arith.constant 0 : i32
          %dma_start3A_774 = arith.constant 4 : i32
          %dma_start3A_775 = arith.constant 0 : i32
          %dma_start3A_776 = tpu.memref_slice %arg8[%dma_start3A_773, %dma_start3A_774, %dma_start3A_775] : memref<2x5x80xi32, #tpu.memory_space<vmem>> -> memref<1x1x80xi32, #tpu.memory_space<vmem>>
          %dma_start3A_777 = tpu.memref_squeeze %dma_start3A_776 : memref<1x1x80xi32, #tpu.memory_space<vmem>> -> memref<80xi32, #tpu.memory_space<vmem>>
          %dma_start3A_778 = tpu.memref_slice %arg4[%dma_start3A_772, %add3A_771] : memref<2x320000xi32, #tpu.memory_space<hbm>> -> memref<1x80xi32, #tpu.memory_space<hbm>>
          %dma_start3A_779 = tpu.memref_squeeze %dma_start3A_778 : memref<1x80xi32, #tpu.memory_space<hbm>> -> memref<80xi32, #tpu.memory_space<hbm>>
          %dma_start3A_780 = arith.constant 0 : i32
          %dma_start3A_781 = tpu.memref_slice %arg8[%dma_start3A_773, %dma_start3A_774, %dma_start3A_780] : memref<2x5x80xi32, #tpu.memory_space<vmem>> -> memref<1x1x80xi32, #tpu.memory_space<vmem>>
          %dma_start3A_782 = tpu.memref_squeeze %dma_start3A_781 : memref<1x1x80xi32, #tpu.memory_space<vmem>> -> memref<80xi32, #tpu.memory_space<vmem>>
          %dma_start3A_783 = tpu.memref_slice %arg4[%dma_start3A_772, %add3A_771] : memref<2x320000xi32, #tpu.memory_space<hbm>> -> memref<1x80xi32, #tpu.memory_space<hbm>>
          %dma_start3A_784 = tpu.memref_squeeze %dma_start3A_783 : memref<1x80xi32, #tpu.memory_space<hbm>> -> memref<80xi32, #tpu.memory_space<hbm>>
          tpu.enqueue_dma source(%dma_start3A_784 : memref<80xi32, #tpu.memory_space<hbm>>) target(%dma_start3A_782 : memref<80xi32, #tpu.memory_space<vmem>>) target_semaphore(%arg13 : memref<!tpu.dma_semaphore, #tpu.memory_space<semaphore_mem>>)
          %mul3A_785 = arith.constant 5 : i32
          %mul3A_786 = arith.muli %add3A_684, %mul3A_785 : i32
          %add3A_787 = arith.constant 0 : i32
          %add3A_788 = arith.addi %mul3A_786, %add3A_787 : i32
          %mul3A_789 = arith.constant 80 : i32
          %mul3A_790 = arith.muli %add3A_788, %mul3A_789 : i32
          %dma_start3A_791 = arith.constant 0 : i32
          %dma_start3A_792 = arith.constant 0 : i32
          %dma_start3A_793 = arith.constant 0 : i32
          %dma_start3A_794 = arith.constant 0 : i32
          %dma_start3A_795 = tpu.memref_slice %arg9[%dma_start3A_791, %dma_start3A_792, %dma_start3A_793, %dma_start3A_794] : memref<2x5x80x64xf32, #tpu.memory_space<vmem>> -> memref<1x1x80x64xf32, #tpu.memory_space<vmem>>
          %dma_start3A_796 = tpu.memref_squeeze %dma_start3A_795 : memref<1x1x80x64xf32, #tpu.memory_space<vmem>> -> memref<80x64xf32, #tpu.memory_space<vmem>>
          %dma_start3A_797 = tpu.memref_slice %arg7[%mul3A_790] : memref<20000xi32, #tpu.memory_space<vmem>> -> memref<80xi32, #tpu.memory_space<vmem>>
          %dma_start3A_798 = arith.constant 0 : i32
          %dma_start3A_799 = arith.constant 0 : i32
          %dma_start3A_800 = tpu.memref_slice %arg3[%dma_start3A_798, %dma_start3A_799] : memref<10000x64xf32, #tpu.memory_space<hbm>> -> memref<10000x64xf32, #tpu.memory_space<hbm>>
          tpu.enqueue_indirect_dma source(%dma_start3A_800 : memref<10000x64xf32, #tpu.memory_space<hbm>>) target(%dma_start3A_796 : memref<80x64xf32, #tpu.memory_space<vmem>>) offsets(%dma_start3A_797 : memref<80xi32, #tpu.memory_space<vmem>>) semaphore(%arg11 : memref<!tpu.dma_semaphore, #tpu.memory_space<semaphore_mem>>)
          %mul3A_801 = arith.constant 5 : i32
          %mul3A_802 = arith.muli %add3A_684, %mul3A_801 : i32
          %add3A_803 = arith.constant 1 : i32
          %add3A_804 = arith.addi %mul3A_802, %add3A_803 : i32
          %mul3A_805 = arith.constant 80 : i32
          %mul3A_806 = arith.muli %add3A_804, %mul3A_805 : i32
          %dma_start3A_807 = arith.constant 0 : i32
          %dma_start3A_808 = arith.constant 1 : i32
          %dma_start3A_809 = arith.constant 0 : i32
          %dma_start3A_810 = arith.constant 0 : i32
          %dma_start3A_811 = tpu.memref_slice %arg9[%dma_start3A_807, %dma_start3A_808, %dma_start3A_809, %dma_start3A_810] : memref<2x5x80x64xf32, #tpu.memory_space<vmem>> -> memref<1x1x80x64xf32, #tpu.memory_space<vmem>>
          %dma_start3A_812 = tpu.memref_squeeze %dma_start3A_811 : memref<1x1x80x64xf32, #tpu.memory_space<vmem>> -> memref<80x64xf32, #tpu.memory_space<vmem>>
          %dma_start3A_813 = tpu.memref_slice %arg7[%mul3A_806] : memref<20000xi32, #tpu.memory_space<vmem>> -> memref<80xi32, #tpu.memory_space<vmem>>
          %dma_start3A_814 = arith.constant 0 : i32
          %dma_start3A_815 = arith.constant 0 : i32
          %dma_start3A_816 = tpu.memref_slice %arg3[%dma_start3A_814, %dma_start3A_815] : memref<10000x64xf32, #tpu.memory_space<hbm>> -> memref<10000x64xf32, #tpu.memory_space<hbm>>
          tpu.enqueue_indirect_dma source(%dma_start3A_816 : memref<10000x64xf32, #tpu.memory_space<hbm>>) target(%dma_start3A_812 : memref<80x64xf32, #tpu.memory_space<vmem>>) offsets(%dma_start3A_813 : memref<80xi32, #tpu.memory_space<vmem>>) semaphore(%arg11 : memref<!tpu.dma_semaphore, #tpu.memory_space<semaphore_mem>>)
          %mul3A_817 = arith.constant 5 : i32
          %mul3A_818 = arith.muli %add3A_684, %mul3A_817 : i32
          %add3A_819 = arith.constant 2 : i32
          %add3A_820 = arith.addi %mul3A_818, %add3A_819 : i32
          %mul3A_821 = arith.constant 80 : i32
          %mul3A_822 = arith.muli %add3A_820, %mul3A_821 : i32
          %dma_start3A_823 = arith.constant 0 : i32
          %dma_start3A_824 = arith.constant 2 : i32
          %dma_start3A_825 = arith.constant 0 : i32
          %dma_start3A_826 = arith.constant 0 : i32
          %dma_start3A_827 = tpu.memref_slice %arg9[%dma_start3A_823, %dma_start3A_824, %dma_start3A_825, %dma_start3A_826] : memref<2x5x80x64xf32, #tpu.memory_space<vmem>> -> memref<1x1x80x64xf32, #tpu.memory_space<vmem>>
          %dma_start3A_828 = tpu.memref_squeeze %dma_start3A_827 : memref<1x1x80x64xf32, #tpu.memory_space<vmem>> -> memref<80x64xf32, #tpu.memory_space<vmem>>
          %dma_start3A_829 = tpu.memref_slice %arg7[%mul3A_822] : memref<20000xi32, #tpu.memory_space<vmem>> -> memref<80xi32, #tpu.memory_space<vmem>>
          %dma_start3A_830 = arith.constant 0 : i32
          %dma_start3A_831 = arith.constant 0 : i32
          %dma_start3A_832 = tpu.memref_slice %arg3[%dma_start3A_830, %dma_start3A_831] : memref<10000x64xf32, #tpu.memory_space<hbm>> -> memref<10000x64xf32, #tpu.memory_space<hbm>>
          tpu.enqueue_indirect_dma source(%dma_start3A_832 : memref<10000x64xf32, #tpu.memory_space<hbm>>) target(%dma_start3A_828 : memref<80x64xf32, #tpu.memory_space<vmem>>) offsets(%dma_start3A_829 : memref<80xi32, #tpu.memory_space<vmem>>) semaphore(%arg11 : memref<!tpu.dma_semaphore, #tpu.memory_space<semaphore_mem>>)
          %mul3A_833 = arith.constant 5 : i32
          %mul3A_834 = arith.muli %add3A_684, %mul3A_833 : i32
          %add3A_835 = arith.constant 3 : i32
          %add3A_836 = arith.addi %mul3A_834, %add3A_835 : i32
          %mul3A_837 = arith.constant 80 : i32
          %mul3A_838 = arith.muli %add3A_836, %mul3A_837 : i32
          %dma_start3A_839 = arith.constant 0 : i32
          %dma_start3A_840 = arith.constant 3 : i32
          %dma_start3A_841 = arith.constant 0 : i32
          %dma_start3A_842 = arith.constant 0 : i32
          %dma_start3A_843 = tpu.memref_slice %arg9[%dma_start3A_839, %dma_start3A_840, %dma_start3A_841, %dma_start3A_842] : memref<2x5x80x64xf32, #tpu.memory_space<vmem>> -> memref<1x1x80x64xf32, #tpu.memory_space<vmem>>
          %dma_start3A_844 = tpu.memref_squeeze %dma_start3A_843 : memref<1x1x80x64xf32, #tpu.memory_space<vmem>> -> memref<80x64xf32, #tpu.memory_space<vmem>>
          %dma_start3A_845 = tpu.memref_slice %arg7[%mul3A_838] : memref<20000xi32, #tpu.memory_space<vmem>> -> memref<80xi32, #tpu.memory_space<vmem>>
          %dma_start3A_846 = arith.constant 0 : i32
          %dma_start3A_847 = arith.constant 0 : i32
          %dma_start3A_848 = tpu.memref_slice %arg3[%dma_start3A_846, %dma_start3A_847] : memref<10000x64xf32, #tpu.memory_space<hbm>> -> memref<10000x64xf32, #tpu.memory_space<hbm>>
          tpu.enqueue_indirect_dma source(%dma_start3A_848 : memref<10000x64xf32, #tpu.memory_space<hbm>>) target(%dma_start3A_844 : memref<80x64xf32, #tpu.memory_space<vmem>>) offsets(%dma_start3A_845 : memref<80xi32, #tpu.memory_space<vmem>>) semaphore(%arg11 : memref<!tpu.dma_semaphore, #tpu.memory_space<semaphore_mem>>)
          %mul3A_849 = arith.constant 5 : i32
          %mul3A_850 = arith.muli %add3A_684, %mul3A_849 : i32
          %add3A_851 = arith.constant 4 : i32
          %add3A_852 = arith.addi %mul3A_850, %add3A_851 : i32
          %mul3A_853 = arith.constant 80 : i32
          %mul3A_854 = arith.muli %add3A_852, %mul3A_853 : i32
          %dma_start3A_855 = arith.constant 0 : i32
          %dma_start3A_856 = arith.constant 4 : i32
          %dma_start3A_857 = arith.constant 0 : i32
          %dma_start3A_858 = arith.constant 0 : i32
          %dma_start3A_859 = tpu.memref_slice %arg9[%dma_start3A_855, %dma_start3A_856, %dma_start3A_857, %dma_start3A_858] : memref<2x5x80x64xf32, #tpu.memory_space<vmem>> -> memref<1x1x80x64xf32, #tpu.memory_space<vmem>>
          %dma_start3A_860 = tpu.memref_squeeze %dma_start3A_859 : memref<1x1x80x64xf32, #tpu.memory_space<vmem>> -> memref<80x64xf32, #tpu.memory_space<vmem>>
          %dma_start3A_861 = tpu.memref_slice %arg7[%mul3A_854] : memref<20000xi32, #tpu.memory_space<vmem>> -> memref<80xi32, #tpu.memory_space<vmem>>
          %dma_start3A_862 = arith.constant 0 : i32
          %dma_start3A_863 = arith.constant 0 : i32
          %dma_start3A_864 = tpu.memref_slice %arg3[%dma_start3A_862, %dma_start3A_863] : memref<10000x64xf32, #tpu.memory_space<hbm>> -> memref<10000x64xf32, #tpu.memory_space<hbm>>
          tpu.enqueue_indirect_dma source(%dma_start3A_864 : memref<10000x64xf32, #tpu.memory_space<hbm>>) target(%dma_start3A_860 : memref<80x64xf32, #tpu.memory_space<vmem>>) offsets(%dma_start3A_861 : memref<80xi32, #tpu.memory_space<vmem>>) semaphore(%arg11 : memref<!tpu.dma_semaphore, #tpu.memory_space<semaphore_mem>>)
        } else {
        }
      }
      %scan3A_143 = arith.constant 25 : i32
      %dma_wait3A = arith.constant 1 : i32
      %dma_wait3A_144 = arith.constant 0 : i32
      %dma_wait3A_145 = arith.constant 0 : i32
      %dma_wait3A_146 = arith.constant 0 : i32
      %dma_wait3A_147 = tpu.memref_slice %arg9[%dma_wait3A, %dma_wait3A_144, %dma_wait3A_145, %dma_wait3A_146] : memref<2x5x80x64xf32, #tpu.memory_space<vmem>> -> memref<1x5x80x64xf32, #tpu.memory_space<vmem>>
      %dma_wait3A_148 = tpu.memref_squeeze %dma_wait3A_147 : memref<1x5x80x64xf32, #tpu.memory_space<vmem>> -> memref<5x80x64xf32, #tpu.memory_space<vmem>>
      %dma_wait3A_149 = arith.constant 0 : i32
      %dma_wait3A_150 = arith.constant 0 : i32
      %dma_wait3A_151 = arith.constant 0 : i32
      %dma_wait3A_152 = tpu.memref_slice %arg9[%dma_wait3A, %dma_wait3A_149, %dma_wait3A_150, %dma_wait3A_151] : memref<2x5x80x64xf32, #tpu.memory_space<vmem>> -> memref<1x5x80x64xf32, #tpu.memory_space<vmem>>
      %dma_wait3A_153 = tpu.memref_squeeze %dma_wait3A_152 : memref<1x5x80x64xf32, #tpu.memory_space<vmem>> -> memref<5x80x64xf32, #tpu.memory_space<vmem>>
      tpu.wait_dma2 semaphore(%arg12 : memref<!tpu.dma_semaphore, #tpu.memory_space<semaphore_mem>>) src(%arg5 : memref<5x80x64xf32, #tpu.memory_space<hbm>>) dst(%dma_wait3A_153 : memref<5x80x64xf32, #tpu.memory_space<vmem>>)
      %barrier3A_154 = arith.constant 0 : index
      tpu.barrier barrier_id(%barrier3A_154)
      %mul3A_155 = arith.constant 625 : i32
      %mul3A_156 = arith.muli %arg1, %mul3A_155 : i32
      %mul3A_157 = arith.constant 625 : i32
      %mul3A_158 = arith.muli %arg1, %mul3A_157 : i32
      "tpu.region"() ({
        %run_scoped3A_159 = tpu.sem_alloc : memref<!tpu.dma_semaphore, #tpu.memory_space<semaphore_mem>>
        %dma_start3A_160 = arith.constant 0 : i32
        %dma_start3A_161 = tpu.memref_slice %arg6[%arg0, %mul3A_158, %dma_start3A_160] : memref<2x10000x64xf32, #tpu.memory_space<hbm>> -> memref<1x625x64xf32, #tpu.memory_space<hbm>>
        %dma_start3A_162 = tpu.memref_squeeze %dma_start3A_161 : memref<1x625x64xf32, #tpu.memory_space<hbm>> -> memref<625x64xf32, #tpu.memory_space<hbm>>
        %dma_start3A_163 = arith.constant 0 : i32
        %dma_start3A_164 = tpu.memref_slice %arg10[%mul3A_156, %dma_start3A_163] : memref<10000x64xf32, #tpu.memory_space<vmem_shared>> -> memref<625x64xf32, #tpu.memory_space<vmem_shared>>
        tpu.enqueue_dma source(%dma_start3A_164 : memref<625x64xf32, #tpu.memory_space<vmem_shared>>) target(%dma_start3A_162 : memref<625x64xf32, #tpu.memory_space<hbm>>) target_semaphore(%run_scoped3A_159 : memref<!tpu.dma_semaphore, #tpu.memory_space<semaphore_mem>>)
        %dma_wait3A_165 = arith.constant 0 : i32
        %dma_wait3A_166 = tpu.memref_slice %arg6[%arg0, %mul3A_158, %dma_wait3A_165] : memref<2x10000x64xf32, #tpu.memory_space<hbm>> -> memref<1x625x64xf32, #tpu.memory_space<hbm>>
        %dma_wait3A_167 = tpu.memref_squeeze %dma_wait3A_166 : memref<1x625x64xf32, #tpu.memory_space<hbm>> -> memref<625x64xf32, #tpu.memory_space<hbm>>
        %dma_wait3A_168 = arith.constant 0 : i32
        %dma_wait3A_169 = tpu.memref_slice %arg10[%mul3A_156, %dma_wait3A_168] : memref<10000x64xf32, #tpu.memory_space<vmem_shared>> -> memref<625x64xf32, #tpu.memory_space<vmem_shared>>
        tpu.wait_dma2 semaphore(%run_scoped3A_159 : memref<!tpu.dma_semaphore, #tpu.memory_space<semaphore_mem>>) src(%dma_wait3A_169 : memref<625x64xf32, #tpu.memory_space<vmem_shared>>) dst(%dma_wait3A_167 : memref<625x64xf32, #tpu.memory_space<hbm>>)
        tpu.yield
      }) : () -> ()
    } else {
    }
    return
  }
}

#map = affine_map<(d0, d1) -> (0, 0)>
#map1 = affine_map<(d0, d1) -> (0, 0, 0)>
module attributes {stable_mosaic.version = 14 : i64} {
  func.func @_deg_kernel(%arg0: i32, %arg1: i32, %arg2: memref<2x320000xi32, #tpu.memory_space<hbm>>, %arg3: memref<10000x16xf32, #tpu.memory_space<hbm>>, %arg4: memref<2x10000x16xf32, #tpu.memory_space<hbm>>, %arg5: memref<125x80xi32, #tpu.memory_space<vmem>>, %arg6: memref<80x16xf32, #tpu.memory_space<vmem>>, %arg7: memref<10000x16xf32, #tpu.memory_space<vmem_shared>>, %arg8: memref<!tpu.dma_semaphore, #tpu.memory_space<semaphore_mem>>) attributes {dimension_semantics = [#tpu.dimension_semantics<core_parallel>, #tpu.dimension_semantics<subcore_parallel>], iteration_bounds = array<i64: 2, 16>, scalar_prefetch = 0 : i64, scratch_operands = 4 : i64, tpu.core_type = #tpu.core_type<sc_vector_subcore>, window_params = [{transform_indices = #map}, {transform_indices = #map}, {transform_indices = #map1}]} {
    %mul3A = arith.constant 20000 : i32
    %mul3A_0 = arith.muli %arg1, %mul3A : i32
    %mul3A_1 = arith.constant 125 : i32
    %mul3A_2 = arith.muli %arg0, %mul3A_1 : i32
    %mul3A_3 = arith.constant 80 : i32
    %mul3A_4 = arith.muli %mul3A_2, %mul3A_3 : i32
    %add3A = arith.addi %mul3A_0, %mul3A_4 : i32
    %scan3A = arith.constant 0 : i32
    %scan3A_5 = arith.constant 125 : i32
    %scan3A_6 = arith.addi %scan3A, %scan3A_5 : i32
    %scan3A_7 = arith.constant 1 : i32
    scf.for %scan3A_28 = %scan3A to %scan3A_6 step %scan3A_7  : i32 {
      %mul3A_29 = arith.constant 1 : i32
      %mul3A_30 = arith.muli %scan3A_28, %mul3A_29 : i32
      %add3A_31 = arith.constant 0 : i32
      %add3A_32 = arith.addi %add3A_31, %mul3A_30 : i32
      %mul3A_33 = arith.constant 80 : i32
      %mul3A_34 = arith.muli %add3A_32, %mul3A_33 : i32
      %add3A_35 = arith.addi %add3A, %mul3A_34 : i32
      %dma_start3A = arith.constant 1 : i32
      %dma_start3A_36 = arith.constant 0 : i32
      %dma_start3A_37 = tpu.memref_slice %arg5[%add3A_32, %dma_start3A_36] : memref<125x80xi32, #tpu.memory_space<vmem>> -> memref<1x80xi32, #tpu.memory_space<vmem>>
      %dma_start3A_38 = tpu.memref_squeeze %dma_start3A_37 : memref<1x80xi32, #tpu.memory_space<vmem>> -> memref<80xi32, #tpu.memory_space<vmem>>
      %dma_start3A_39 = tpu.memref_slice %arg2[%dma_start3A, %add3A_35] : memref<2x320000xi32, #tpu.memory_space<hbm>> -> memref<1x80xi32, #tpu.memory_space<hbm>>
      %dma_start3A_40 = tpu.memref_squeeze %dma_start3A_39 : memref<1x80xi32, #tpu.memory_space<hbm>> -> memref<80xi32, #tpu.memory_space<hbm>>
      %dma_start3A_41 = arith.constant 0 : i32
      %dma_start3A_42 = tpu.memref_slice %arg5[%add3A_32, %dma_start3A_41] : memref<125x80xi32, #tpu.memory_space<vmem>> -> memref<1x80xi32, #tpu.memory_space<vmem>>
      %dma_start3A_43 = tpu.memref_squeeze %dma_start3A_42 : memref<1x80xi32, #tpu.memory_space<vmem>> -> memref<80xi32, #tpu.memory_space<vmem>>
      %dma_start3A_44 = tpu.memref_slice %arg2[%dma_start3A, %add3A_35] : memref<2x320000xi32, #tpu.memory_space<hbm>> -> memref<1x80xi32, #tpu.memory_space<hbm>>
      %dma_start3A_45 = tpu.memref_squeeze %dma_start3A_44 : memref<1x80xi32, #tpu.memory_space<hbm>> -> memref<80xi32, #tpu.memory_space<hbm>>
      tpu.enqueue_dma source(%dma_start3A_45 : memref<80xi32, #tpu.memory_space<hbm>>) target(%dma_start3A_43 : memref<80xi32, #tpu.memory_space<vmem>>) target_semaphore(%arg8 : memref<!tpu.dma_semaphore, #tpu.memory_space<semaphore_mem>>)
    }
    %scan3A_8 = arith.constant 125 : i32
    %scan3A_9 = arith.constant 0 : i32
    %scan3A_10 = arith.constant 125 : i32
    %scan3A_11 = arith.addi %scan3A_9, %scan3A_10 : i32
    %scan3A_12 = arith.constant 1 : i32
    scf.for %scan3A_28 = %scan3A_9 to %scan3A_11 step %scan3A_12  : i32 {
      %mul3A_29 = arith.constant 1 : i32
      %mul3A_30 = arith.muli %scan3A_28, %mul3A_29 : i32
      %add3A_31 = arith.constant 0 : i32
      %add3A_32 = arith.addi %add3A_31, %mul3A_30 : i32
      %dma_wait3A = arith.constant 1 : i32
      %dma_wait3A_33 = arith.constant 0 : i32
      %dma_wait3A_34 = tpu.memref_slice %arg5[%add3A_32, %dma_wait3A_33] : memref<125x80xi32, #tpu.memory_space<vmem>> -> memref<1x80xi32, #tpu.memory_space<vmem>>
      %dma_wait3A_35 = tpu.memref_squeeze %dma_wait3A_34 : memref<1x80xi32, #tpu.memory_space<vmem>> -> memref<80xi32, #tpu.memory_space<vmem>>
      %dma_wait3A_36 = arith.constant 0 : i32
      %dma_wait3A_37 = tpu.memref_slice %arg2[%dma_wait3A, %dma_wait3A_36] : memref<2x320000xi32, #tpu.memory_space<hbm>> -> memref<1x80xi32, #tpu.memory_space<hbm>>
      %dma_wait3A_38 = tpu.memref_squeeze %dma_wait3A_37 : memref<1x80xi32, #tpu.memory_space<hbm>> -> memref<80xi32, #tpu.memory_space<hbm>>
      %dma_wait3A_39 = arith.constant 0 : i32
      %dma_wait3A_40 = tpu.memref_slice %arg5[%add3A_32, %dma_wait3A_39] : memref<125x80xi32, #tpu.memory_space<vmem>> -> memref<1x80xi32, #tpu.memory_space<vmem>>
      %dma_wait3A_41 = tpu.memref_squeeze %dma_wait3A_40 : memref<1x80xi32, #tpu.memory_space<vmem>> -> memref<80xi32, #tpu.memory_space<vmem>>
      %dma_wait3A_42 = arith.constant 0 : i32
      %dma_wait3A_43 = tpu.memref_slice %arg2[%dma_wait3A, %dma_wait3A_42] : memref<2x320000xi32, #tpu.memory_space<hbm>> -> memref<1x80xi32, #tpu.memory_space<hbm>>
      %dma_wait3A_44 = tpu.memref_squeeze %dma_wait3A_43 : memref<1x80xi32, #tpu.memory_space<hbm>> -> memref<80xi32, #tpu.memory_space<hbm>>
      tpu.wait_dma2 semaphore(%arg8 : memref<!tpu.dma_semaphore, #tpu.memory_space<semaphore_mem>>) src(%dma_wait3A_44 : memref<80xi32, #tpu.memory_space<hbm>>) dst(%dma_wait3A_41 : memref<80xi32, #tpu.memory_space<vmem>>)
    }
    %scan3A_13 = arith.constant 125 : i32
    "tpu.region"() ({
      %run_scoped3A = tpu.sem_alloc : memref<!tpu.dma_semaphore, #tpu.memory_space<semaphore_mem>>
      %dma_start3A = arith.constant 0 : i32
      %dma_start3A_28 = arith.constant 0 : i32
      %dma_start3A_29 = tpu.memref_slice %arg3[%dma_start3A, %dma_start3A_28] : memref<10000x16xf32, #tpu.memory_space<hbm>> -> memref<80x16xf32, #tpu.memory_space<hbm>>
      %dma_start3A_30 = arith.constant 0 : i32
      %dma_start3A_31 = arith.constant 0 : i32
      %dma_start3A_32 = tpu.memref_slice %arg3[%dma_start3A_30, %dma_start3A_31] : memref<10000x16xf32, #tpu.memory_space<hbm>> -> memref<80x16xf32, #tpu.memory_space<hbm>>
      tpu.enqueue_dma source(%dma_start3A_32 : memref<80x16xf32, #tpu.memory_space<hbm>>) target(%arg6 : memref<80x16xf32, #tpu.memory_space<vmem>>) target_semaphore(%run_scoped3A : memref<!tpu.dma_semaphore, #tpu.memory_space<semaphore_mem>>)
      %dma_wait3A = arith.constant 0 : i32
      %dma_wait3A_33 = arith.constant 0 : i32
      %dma_wait3A_34 = tpu.memref_slice %arg3[%dma_wait3A, %dma_wait3A_33] : memref<10000x16xf32, #tpu.memory_space<hbm>> -> memref<80x16xf32, #tpu.memory_space<hbm>>
      %dma_wait3A_35 = arith.constant 0 : i32
      %dma_wait3A_36 = arith.constant 0 : i32
      %dma_wait3A_37 = tpu.memref_slice %arg3[%dma_wait3A_35, %dma_wait3A_36] : memref<10000x16xf32, #tpu.memory_space<hbm>> -> memref<80x16xf32, #tpu.memory_space<hbm>>
      tpu.wait_dma2 semaphore(%run_scoped3A : memref<!tpu.dma_semaphore, #tpu.memory_space<semaphore_mem>>) src(%dma_wait3A_37 : memref<80x16xf32, #tpu.memory_space<hbm>>) dst(%arg6 : memref<80x16xf32, #tpu.memory_space<vmem>>)
      tpu.yield
    }) : () -> ()
    %mul3A_14 = arith.constant 625 : i32
    %mul3A_15 = arith.muli %arg1, %mul3A_14 : i32
    %mul3A_16 = arith.constant 625 : i32
    %mul3A_17 = arith.muli %arg1, %mul3A_16 : i32
    "tpu.region"() ({
      %run_scoped3A = tpu.sem_alloc : memref<!tpu.dma_semaphore, #tpu.memory_space<semaphore_mem>>
      %dma_start3A = arith.constant 0 : i32
      %dma_start3A_28 = tpu.memref_slice %arg7[%mul3A_17, %dma_start3A] : memref<10000x16xf32, #tpu.memory_space<vmem_shared>> -> memref<625x16xf32, #tpu.memory_space<vmem_shared>>
      %dma_start3A_29 = arith.constant 0 : i32
      %dma_start3A_30 = tpu.memref_slice %arg3[%mul3A_15, %dma_start3A_29] : memref<10000x16xf32, #tpu.memory_space<hbm>> -> memref<625x16xf32, #tpu.memory_space<hbm>>
      tpu.enqueue_dma source(%dma_start3A_30 : memref<625x16xf32, #tpu.memory_space<hbm>>) target(%dma_start3A_28 : memref<625x16xf32, #tpu.memory_space<vmem_shared>>) target_semaphore(%run_scoped3A : memref<!tpu.dma_semaphore, #tpu.memory_space<semaphore_mem>>)
      %dma_wait3A = arith.constant 0 : i32
      %dma_wait3A_31 = tpu.memref_slice %arg7[%mul3A_17, %dma_wait3A] : memref<10000x16xf32, #tpu.memory_space<vmem_shared>> -> memref<625x16xf32, #tpu.memory_space<vmem_shared>>
      %dma_wait3A_32 = arith.constant 0 : i32
      %dma_wait3A_33 = tpu.memref_slice %arg3[%mul3A_15, %dma_wait3A_32] : memref<10000x16xf32, #tpu.memory_space<hbm>> -> memref<625x16xf32, #tpu.memory_space<hbm>>
      tpu.wait_dma2 semaphore(%run_scoped3A : memref<!tpu.dma_semaphore, #tpu.memory_space<semaphore_mem>>) src(%dma_wait3A_33 : memref<625x16xf32, #tpu.memory_space<hbm>>) dst(%dma_wait3A_31 : memref<625x16xf32, #tpu.memory_space<vmem_shared>>)
      tpu.yield
    }) : () -> ()
    %barrier3A = arith.constant 0 : index
    tpu.barrier barrier_id(%barrier3A)
    %scan3A_18 = arith.constant 0 : i32
    %scan3A_19 = arith.constant 25 : i32
    %scan3A_20 = arith.addi %scan3A_18, %scan3A_19 : i32
    %scan3A_21 = arith.constant 1 : i32
    scf.for %scan3A_28 = %scan3A_18 to %scan3A_20 step %scan3A_21  : i32 {
      %mul3A_29 = arith.constant 5 : i32
      %mul3A_30 = arith.muli %scan3A_28, %mul3A_29 : i32
      %add3A_31 = arith.constant 0 : i32
      %add3A_32 = arith.addi %add3A_31, %mul3A_30 : i32
      %add3A_33 = arith.constant 0 : i32
      %add3A_34 = arith.addi %add3A_32, %add3A_33 : i32
      %dma_start3A = arith.constant 0 : i32
      %dma_start3A_35 = tpu.memref_slice %arg5[%add3A_34, %dma_start3A] : memref<125x80xi32, #tpu.memory_space<vmem>> -> memref<1x80xi32, #tpu.memory_space<vmem>>
      %dma_start3A_36 = tpu.memref_squeeze %dma_start3A_35 : memref<1x80xi32, #tpu.memory_space<vmem>> -> memref<80xi32, #tpu.memory_space<vmem>>
      %dma_start3A_37 = arith.constant 0 : i32
      %dma_start3A_38 = arith.constant 0 : i32
      %dma_start3A_39 = tpu.memref_slice %arg7[%dma_start3A_37, %dma_start3A_38] : memref<10000x16xf32, #tpu.memory_space<vmem_shared>> -> memref<10000x16xf32, #tpu.memory_space<vmem_shared>>
      tpu.enqueue_indirect_dma source(%arg6 : memref<80x16xf32, #tpu.memory_space<vmem>>) target(%dma_start3A_39 : memref<10000x16xf32, #tpu.memory_space<vmem_shared>>) offsets(%dma_start3A_36 : memref<80xi32, #tpu.memory_space<vmem>>) semaphore(%arg8 : memref<!tpu.dma_semaphore, #tpu.memory_space<semaphore_mem>>) {add = true}
      %add3A_40 = arith.constant 1 : i32
      %add3A_41 = arith.addi %add3A_32, %add3A_40 : i32
      %dma_start3A_42 = arith.constant 0 : i32
      %dma_start3A_43 = tpu.memref_slice %arg5[%add3A_41, %dma_start3A_42] : memref<125x80xi32, #tpu.memory_space<vmem>> -> memref<1x80xi32, #tpu.memory_space<vmem>>
      %dma_start3A_44 = tpu.memref_squeeze %dma_start3A_43 : memref<1x80xi32, #tpu.memory_space<vmem>> -> memref<80xi32, #tpu.memory_space<vmem>>
      %dma_start3A_45 = arith.constant 0 : i32
      %dma_start3A_46 = arith.constant 0 : i32
      %dma_start3A_47 = tpu.memref_slice %arg7[%dma_start3A_45, %dma_start3A_46] : memref<10000x16xf32, #tpu.memory_space<vmem_shared>> -> memref<10000x16xf32, #tpu.memory_space<vmem_shared>>
      tpu.enqueue_indirect_dma source(%arg6 : memref<80x16xf32, #tpu.memory_space<vmem>>) target(%dma_start3A_47 : memref<10000x16xf32, #tpu.memory_space<vmem_shared>>) offsets(%dma_start3A_44 : memref<80xi32, #tpu.memory_space<vmem>>) semaphore(%arg8 : memref<!tpu.dma_semaphore, #tpu.memory_space<semaphore_mem>>) {add = true}
      %add3A_48 = arith.constant 2 : i32
      %add3A_49 = arith.addi %add3A_32, %add3A_48 : i32
      %dma_start3A_50 = arith.constant 0 : i32
      %dma_start3A_51 = tpu.memref_slice %arg5[%add3A_49, %dma_start3A_50] : memref<125x80xi32, #tpu.memory_space<vmem>> -> memref<1x80xi32, #tpu.memory_space<vmem>>
      %dma_start3A_52 = tpu.memref_squeeze %dma_start3A_51 : memref<1x80xi32, #tpu.memory_space<vmem>> -> memref<80xi32, #tpu.memory_space<vmem>>
      %dma_start3A_53 = arith.constant 0 : i32
      %dma_start3A_54 = arith.constant 0 : i32
      %dma_start3A_55 = tpu.memref_slice %arg7[%dma_start3A_53, %dma_start3A_54] : memref<10000x16xf32, #tpu.memory_space<vmem_shared>> -> memref<10000x16xf32, #tpu.memory_space<vmem_shared>>
      tpu.enqueue_indirect_dma source(%arg6 : memref<80x16xf32, #tpu.memory_space<vmem>>) target(%dma_start3A_55 : memref<10000x16xf32, #tpu.memory_space<vmem_shared>>) offsets(%dma_start3A_52 : memref<80xi32, #tpu.memory_space<vmem>>) semaphore(%arg8 : memref<!tpu.dma_semaphore, #tpu.memory_space<semaphore_mem>>) {add = true}
      %add3A_56 = arith.constant 3 : i32
      %add3A_57 = arith.addi %add3A_32, %add3A_56 : i32
      %dma_start3A_58 = arith.constant 0 : i32
      %dma_start3A_59 = tpu.memref_slice %arg5[%add3A_57, %dma_start3A_58] : memref<125x80xi32, #tpu.memory_space<vmem>> -> memref<1x80xi32, #tpu.memory_space<vmem>>
      %dma_start3A_60 = tpu.memref_squeeze %dma_start3A_59 : memref<1x80xi32, #tpu.memory_space<vmem>> -> memref<80xi32, #tpu.memory_space<vmem>>
      %dma_start3A_61 = arith.constant 0 : i32
      %dma_start3A_62 = arith.constant 0 : i32
      %dma_start3A_63 = tpu.memref_slice %arg7[%dma_start3A_61, %dma_start3A_62] : memref<10000x16xf32, #tpu.memory_space<vmem_shared>> -> memref<10000x16xf32, #tpu.memory_space<vmem_shared>>
      tpu.enqueue_indirect_dma source(%arg6 : memref<80x16xf32, #tpu.memory_space<vmem>>) target(%dma_start3A_63 : memref<10000x16xf32, #tpu.memory_space<vmem_shared>>) offsets(%dma_start3A_60 : memref<80xi32, #tpu.memory_space<vmem>>) semaphore(%arg8 : memref<!tpu.dma_semaphore, #tpu.memory_space<semaphore_mem>>) {add = true}
      %add3A_64 = arith.constant 4 : i32
      %add3A_65 = arith.addi %add3A_32, %add3A_64 : i32
      %dma_start3A_66 = arith.constant 0 : i32
      %dma_start3A_67 = tpu.memref_slice %arg5[%add3A_65, %dma_start3A_66] : memref<125x80xi32, #tpu.memory_space<vmem>> -> memref<1x80xi32, #tpu.memory_space<vmem>>
      %dma_start3A_68 = tpu.memref_squeeze %dma_start3A_67 : memref<1x80xi32, #tpu.memory_space<vmem>> -> memref<80xi32, #tpu.memory_space<vmem>>
      %dma_start3A_69 = arith.constant 0 : i32
      %dma_start3A_70 = arith.constant 0 : i32
      %dma_start3A_71 = tpu.memref_slice %arg7[%dma_start3A_69, %dma_start3A_70] : memref<10000x16xf32, #tpu.memory_space<vmem_shared>> -> memref<10000x16xf32, #tpu.memory_space<vmem_shared>>
      tpu.enqueue_indirect_dma source(%arg6 : memref<80x16xf32, #tpu.memory_space<vmem>>) target(%dma_start3A_71 : memref<10000x16xf32, #tpu.memory_space<vmem_shared>>) offsets(%dma_start3A_68 : memref<80xi32, #tpu.memory_space<vmem>>) semaphore(%arg8 : memref<!tpu.dma_semaphore, #tpu.memory_space<semaphore_mem>>) {add = true}
      %dma_wait3A = arith.constant 0 : i32
      %dma_wait3A_72 = tpu.memref_slice %arg5[%add3A_34, %dma_wait3A] : memref<125x80xi32, #tpu.memory_space<vmem>> -> memref<1x80xi32, #tpu.memory_space<vmem>>
      %dma_wait3A_73 = tpu.memref_squeeze %dma_wait3A_72 : memref<1x80xi32, #tpu.memory_space<vmem>> -> memref<80xi32, #tpu.memory_space<vmem>>
      %dma_wait3A_74 = arith.constant 0 : i32
      %dma_wait3A_75 = arith.constant 0 : i32
      %dma_wait3A_76 = tpu.memref_slice %arg7[%dma_wait3A_74, %dma_wait3A_75] : memref<10000x16xf32, #tpu.memory_space<vmem_shared>> -> memref<10000x16xf32, #tpu.memory_space<vmem_shared>>
      tpu.wait_indirect_dma semaphore(%arg8 : memref<!tpu.dma_semaphore, #tpu.memory_space<semaphore_mem>>) src(%arg6 : memref<80x16xf32, #tpu.memory_space<vmem>>) dst(%dma_wait3A_76 : memref<10000x16xf32, #tpu.memory_space<vmem_shared>>)
      %dma_wait3A_77 = arith.constant 0 : i32
      %dma_wait3A_78 = tpu.memref_slice %arg5[%add3A_41, %dma_wait3A_77] : memref<125x80xi32, #tpu.memory_space<vmem>> -> memref<1x80xi32, #tpu.memory_space<vmem>>
      %dma_wait3A_79 = tpu.memref_squeeze %dma_wait3A_78 : memref<1x80xi32, #tpu.memory_space<vmem>> -> memref<80xi32, #tpu.memory_space<vmem>>
      %dma_wait3A_80 = arith.constant 0 : i32
      %dma_wait3A_81 = arith.constant 0 : i32
      %dma_wait3A_82 = tpu.memref_slice %arg7[%dma_wait3A_80, %dma_wait3A_81] : memref<10000x16xf32, #tpu.memory_space<vmem_shared>> -> memref<10000x16xf32, #tpu.memory_space<vmem_shared>>
      tpu.wait_indirect_dma semaphore(%arg8 : memref<!tpu.dma_semaphore, #tpu.memory_space<semaphore_mem>>) src(%arg6 : memref<80x16xf32, #tpu.memory_space<vmem>>) dst(%dma_wait3A_82 : memref<10000x16xf32, #tpu.memory_space<vmem_shared>>)
      %dma_wait3A_83 = arith.constant 0 : i32
      %dma_wait3A_84 = tpu.memref_slice %arg5[%add3A_49, %dma_wait3A_83] : memref<125x80xi32, #tpu.memory_space<vmem>> -> memref<1x80xi32, #tpu.memory_space<vmem>>
      %dma_wait3A_85 = tpu.memref_squeeze %dma_wait3A_84 : memref<1x80xi32, #tpu.memory_space<vmem>> -> memref<80xi32, #tpu.memory_space<vmem>>
      %dma_wait3A_86 = arith.constant 0 : i32
      %dma_wait3A_87 = arith.constant 0 : i32
      %dma_wait3A_88 = tpu.memref_slice %arg7[%dma_wait3A_86, %dma_wait3A_87] : memref<10000x16xf32, #tpu.memory_space<vmem_shared>> -> memref<10000x16xf32, #tpu.memory_space<vmem_shared>>
      tpu.wait_indirect_dma semaphore(%arg8 : memref<!tpu.dma_semaphore, #tpu.memory_space<semaphore_mem>>) src(%arg6 : memref<80x16xf32, #tpu.memory_space<vmem>>) dst(%dma_wait3A_88 : memref<10000x16xf32, #tpu.memory_space<vmem_shared>>)
      %dma_wait3A_89 = arith.constant 0 : i32
      %dma_wait3A_90 = tpu.memref_slice %arg5[%add3A_57, %dma_wait3A_89] : memref<125x80xi32, #tpu.memory_space<vmem>> -> memref<1x80xi32, #tpu.memory_space<vmem>>
      %dma_wait3A_91 = tpu.memref_squeeze %dma_wait3A_90 : memref<1x80xi32, #tpu.memory_space<vmem>> -> memref<80xi32, #tpu.memory_space<vmem>>
      %dma_wait3A_92 = arith.constant 0 : i32
      %dma_wait3A_93 = arith.constant 0 : i32
      %dma_wait3A_94 = tpu.memref_slice %arg7[%dma_wait3A_92, %dma_wait3A_93] : memref<10000x16xf32, #tpu.memory_space<vmem_shared>> -> memref<10000x16xf32, #tpu.memory_space<vmem_shared>>
      tpu.wait_indirect_dma semaphore(%arg8 : memref<!tpu.dma_semaphore, #tpu.memory_space<semaphore_mem>>) src(%arg6 : memref<80x16xf32, #tpu.memory_space<vmem>>) dst(%dma_wait3A_94 : memref<10000x16xf32, #tpu.memory_space<vmem_shared>>)
      %dma_wait3A_95 = arith.constant 0 : i32
      %dma_wait3A_96 = tpu.memref_slice %arg5[%add3A_65, %dma_wait3A_95] : memref<125x80xi32, #tpu.memory_space<vmem>> -> memref<1x80xi32, #tpu.memory_space<vmem>>
      %dma_wait3A_97 = tpu.memref_squeeze %dma_wait3A_96 : memref<1x80xi32, #tpu.memory_space<vmem>> -> memref<80xi32, #tpu.memory_space<vmem>>
      %dma_wait3A_98 = arith.constant 0 : i32
      %dma_wait3A_99 = arith.constant 0 : i32
      %dma_wait3A_100 = tpu.memref_slice %arg7[%dma_wait3A_98, %dma_wait3A_99] : memref<10000x16xf32, #tpu.memory_space<vmem_shared>> -> memref<10000x16xf32, #tpu.memory_space<vmem_shared>>
      tpu.wait_indirect_dma semaphore(%arg8 : memref<!tpu.dma_semaphore, #tpu.memory_space<semaphore_mem>>) src(%arg6 : memref<80x16xf32, #tpu.memory_space<vmem>>) dst(%dma_wait3A_100 : memref<10000x16xf32, #tpu.memory_space<vmem_shared>>)
    }
    %scan3A_22 = arith.constant 25 : i32
    %barrier3A_23 = arith.constant 0 : index
    tpu.barrier barrier_id(%barrier3A_23)
    %mul3A_24 = arith.constant 625 : i32
    %mul3A_25 = arith.muli %arg1, %mul3A_24 : i32
    %mul3A_26 = arith.constant 625 : i32
    %mul3A_27 = arith.muli %arg1, %mul3A_26 : i32
    "tpu.region"() ({
      %run_scoped3A = tpu.sem_alloc : memref<!tpu.dma_semaphore, #tpu.memory_space<semaphore_mem>>
      %dma_start3A = arith.constant 0 : i32
      %dma_start3A_28 = tpu.memref_slice %arg4[%arg0, %mul3A_27, %dma_start3A] : memref<2x10000x16xf32, #tpu.memory_space<hbm>> -> memref<1x625x16xf32, #tpu.memory_space<hbm>>
      %dma_start3A_29 = tpu.memref_squeeze %dma_start3A_28 : memref<1x625x16xf32, #tpu.memory_space<hbm>> -> memref<625x16xf32, #tpu.memory_space<hbm>>
      %dma_start3A_30 = arith.constant 0 : i32
      %dma_start3A_31 = tpu.memref_slice %arg7[%mul3A_25, %dma_start3A_30] : memref<10000x16xf32, #tpu.memory_space<vmem_shared>> -> memref<625x16xf32, #tpu.memory_space<vmem_shared>>
      tpu.enqueue_dma source(%dma_start3A_31 : memref<625x16xf32, #tpu.memory_space<vmem_shared>>) target(%dma_start3A_29 : memref<625x16xf32, #tpu.memory_space<hbm>>) target_semaphore(%run_scoped3A : memref<!tpu.dma_semaphore, #tpu.memory_space<semaphore_mem>>)
      %dma_wait3A = arith.constant 0 : i32
      %dma_wait3A_32 = tpu.memref_slice %arg4[%arg0, %mul3A_27, %dma_wait3A] : memref<2x10000x16xf32, #tpu.memory_space<hbm>> -> memref<1x625x16xf32, #tpu.memory_space<hbm>>
      %dma_wait3A_33 = tpu.memref_squeeze %dma_wait3A_32 : memref<1x625x16xf32, #tpu.memory_space<hbm>> -> memref<625x16xf32, #tpu.memory_space<hbm>>
      %dma_wait3A_34 = arith.constant 0 : i32
      %dma_wait3A_35 = tpu.memref_slice %arg7[%mul3A_25, %dma_wait3A_34] : memref<10000x16xf32, #tpu.memory_space<vmem_shared>> -> memref<625x16xf32, #tpu.memory_space<vmem_shared>>
      tpu.wait_dma2 semaphore(%run_scoped3A : memref<!tpu.dma_semaphore, #tpu.memory_space<semaphore_mem>>) src(%dma_wait3A_35 : memref<625x16xf32, #tpu.memory_space<vmem_shared>>) dst(%dma_wait3A_33 : memref<625x16xf32, #tpu.memory_space<hbm>>)
      tpu.yield
    }) : () -> ()
    return
  }
}

#map = affine_map<(d0, d1) -> (0, 0)>
#map1 = affine_map<(d0, d1) -> (0, 0, 0)>
module attributes {stable_mosaic.version = 14 : i64} {
  func.func @_agg_l2(%arg0: i32, %arg1: i32, %arg2: memref<10000x64xf32, #tpu.memory_space<hbm>>, %arg3: memref<2x320000xi32, #tpu.memory_space<hbm>>, %arg4: memref<5x40x64xf32, #tpu.memory_space<hbm>>, %arg5: memref<2x10000x64xf32, #tpu.memory_space<hbm>>, %arg6: memref<10000xi32, #tpu.memory_space<vmem>>, %arg7: memref<2x5x40xi32, #tpu.memory_space<vmem>>, %arg8: memref<2x5x40x64xf32, #tpu.memory_space<vmem>>, %arg9: memref<10000x64xf32, #tpu.memory_space<vmem_shared>>, %arg10: memref<!tpu.dma_semaphore, #tpu.memory_space<semaphore_mem>>, %arg11: memref<!tpu.dma_semaphore, #tpu.memory_space<semaphore_mem>>, %arg12: memref<!tpu.dma_semaphore, #tpu.memory_space<semaphore_mem>>) attributes {dimension_semantics = [#tpu.dimension_semantics<core_parallel>, #tpu.dimension_semantics<subcore_parallel>], iteration_bounds = array<i64: 2, 16>, scalar_prefetch = 0 : i64, scratch_operands = 7 : i64, tpu.core_type = #tpu.core_type<sc_vector_subcore>, window_params = [{transform_indices = #map}, {transform_indices = #map}, {transform_indices = #map1}, {transform_indices = #map1}]} {
    %mul3A = arith.constant 2 : i32
    %mul3A_0 = arith.muli %arg1, %mul3A : i32
    %add3A = arith.addi %mul3A_0, %arg0 : i32
    %mul3A_1 = arith.constant 10000 : i32
    %mul3A_2 = arith.muli %add3A, %mul3A_1 : i32
    %run_scoped3A = arith.constant 0 : i32
    "tpu.region"() ({
      %run_scoped3A_155 = tpu.sem_alloc : memref<!tpu.dma_semaphore, #tpu.memory_space<semaphore_mem>>
      %dma_start3A_156 = tpu.memref_slice %arg3[%run_scoped3A, %mul3A_2] : memref<2x320000xi32, #tpu.memory_space<hbm>> -> memref<1x10000xi32, #tpu.memory_space<hbm>>
      %dma_start3A_157 = tpu.memref_squeeze %dma_start3A_156 : memref<1x10000xi32, #tpu.memory_space<hbm>> -> memref<10000xi32, #tpu.memory_space<hbm>>
      %dma_start3A_158 = tpu.memref_slice %arg3[%run_scoped3A, %mul3A_2] : memref<2x320000xi32, #tpu.memory_space<hbm>> -> memref<1x10000xi32, #tpu.memory_space<hbm>>
      %dma_start3A_159 = tpu.memref_squeeze %dma_start3A_158 : memref<1x10000xi32, #tpu.memory_space<hbm>> -> memref<10000xi32, #tpu.memory_space<hbm>>
      tpu.enqueue_dma source(%dma_start3A_159 : memref<10000xi32, #tpu.memory_space<hbm>>) target(%arg6 : memref<10000xi32, #tpu.memory_space<vmem>>) target_semaphore(%run_scoped3A_155 : memref<!tpu.dma_semaphore, #tpu.memory_space<semaphore_mem>>)
      %dma_wait3A_160 = tpu.memref_slice %arg3[%run_scoped3A, %mul3A_2] : memref<2x320000xi32, #tpu.memory_space<hbm>> -> memref<1x10000xi32, #tpu.memory_space<hbm>>
      %dma_wait3A_161 = tpu.memref_squeeze %dma_wait3A_160 : memref<1x10000xi32, #tpu.memory_space<hbm>> -> memref<10000xi32, #tpu.memory_space<hbm>>
      %dma_wait3A_162 = tpu.memref_slice %arg3[%run_scoped3A, %mul3A_2] : memref<2x320000xi32, #tpu.memory_space<hbm>> -> memref<1x10000xi32, #tpu.memory_space<hbm>>
      %dma_wait3A_163 = tpu.memref_squeeze %dma_wait3A_162 : memref<1x10000xi32, #tpu.memory_space<hbm>> -> memref<10000xi32, #tpu.memory_space<hbm>>
      tpu.wait_dma2 semaphore(%run_scoped3A_155 : memref<!tpu.dma_semaphore, #tpu.memory_space<semaphore_mem>>) src(%dma_wait3A_163 : memref<10000xi32, #tpu.memory_space<hbm>>) dst(%arg6 : memref<10000xi32, #tpu.memory_space<vmem>>)
      tpu.yield
    }) : () -> ()
    %add3A_3 = arith.constant 0 : i32
    %add3A_4 = arith.addi %mul3A_2, %add3A_3 : i32
    %dma_start3A = arith.constant 1 : i32
    %dma_start3A_5 = arith.constant 0 : i32
    %dma_start3A_6 = arith.constant 0 : i32
    %dma_start3A_7 = arith.constant 0 : i32
    %dma_start3A_8 = tpu.memref_slice %arg7[%dma_start3A_5, %dma_start3A_6, %dma_start3A_7] : memref<2x5x40xi32, #tpu.memory_space<vmem>> -> memref<1x1x40xi32, #tpu.memory_space<vmem>>
    %dma_start3A_9 = tpu.memref_squeeze %dma_start3A_8 : memref<1x1x40xi32, #tpu.memory_space<vmem>> -> memref<40xi32, #tpu.memory_space<vmem>>
    %dma_start3A_10 = tpu.memref_slice %arg3[%dma_start3A, %add3A_4] : memref<2x320000xi32, #tpu.memory_space<hbm>> -> memref<1x40xi32, #tpu.memory_space<hbm>>
    %dma_start3A_11 = tpu.memref_squeeze %dma_start3A_10 : memref<1x40xi32, #tpu.memory_space<hbm>> -> memref<40xi32, #tpu.memory_space<hbm>>
    %dma_start3A_12 = arith.constant 0 : i32
    %dma_start3A_13 = tpu.memref_slice %arg7[%dma_start3A_5, %dma_start3A_6, %dma_start3A_12] : memref<2x5x40xi32, #tpu.memory_space<vmem>> -> memref<1x1x40xi32, #tpu.memory_space<vmem>>
    %dma_start3A_14 = tpu.memref_squeeze %dma_start3A_13 : memref<1x1x40xi32, #tpu.memory_space<vmem>> -> memref<40xi32, #tpu.memory_space<vmem>>
    %dma_start3A_15 = tpu.memref_slice %arg3[%dma_start3A, %add3A_4] : memref<2x320000xi32, #tpu.memory_space<hbm>> -> memref<1x40xi32, #tpu.memory_space<hbm>>
    %dma_start3A_16 = tpu.memref_squeeze %dma_start3A_15 : memref<1x40xi32, #tpu.memory_space<hbm>> -> memref<40xi32, #tpu.memory_space<hbm>>
    tpu.enqueue_dma source(%dma_start3A_16 : memref<40xi32, #tpu.memory_space<hbm>>) target(%dma_start3A_14 : memref<40xi32, #tpu.memory_space<vmem>>) target_semaphore(%arg12 : memref<!tpu.dma_semaphore, #tpu.memory_space<semaphore_mem>>)
    %add3A_17 = arith.constant 40 : i32
    %add3A_18 = arith.addi %mul3A_2, %add3A_17 : i32
    %dma_start3A_19 = arith.constant 1 : i32
    %dma_start3A_20 = arith.constant 0 : i32
    %dma_start3A_21 = arith.constant 1 : i32
    %dma_start3A_22 = arith.constant 0 : i32
    %dma_start3A_23 = tpu.memref_slice %arg7[%dma_start3A_20, %dma_start3A_21, %dma_start3A_22] : memref<2x5x40xi32, #tpu.memory_space<vmem>> -> memref<1x1x40xi32, #tpu.memory_space<vmem>>
    %dma_start3A_24 = tpu.memref_squeeze %dma_start3A_23 : memref<1x1x40xi32, #tpu.memory_space<vmem>> -> memref<40xi32, #tpu.memory_space<vmem>>
    %dma_start3A_25 = tpu.memref_slice %arg3[%dma_start3A_19, %add3A_18] : memref<2x320000xi32, #tpu.memory_space<hbm>> -> memref<1x40xi32, #tpu.memory_space<hbm>>
    %dma_start3A_26 = tpu.memref_squeeze %dma_start3A_25 : memref<1x40xi32, #tpu.memory_space<hbm>> -> memref<40xi32, #tpu.memory_space<hbm>>
    %dma_start3A_27 = arith.constant 0 : i32
    %dma_start3A_28 = tpu.memref_slice %arg7[%dma_start3A_20, %dma_start3A_21, %dma_start3A_27] : memref<2x5x40xi32, #tpu.memory_space<vmem>> -> memref<1x1x40xi32, #tpu.memory_space<vmem>>
    %dma_start3A_29 = tpu.memref_squeeze %dma_start3A_28 : memref<1x1x40xi32, #tpu.memory_space<vmem>> -> memref<40xi32, #tpu.memory_space<vmem>>
    %dma_start3A_30 = tpu.memref_slice %arg3[%dma_start3A_19, %add3A_18] : memref<2x320000xi32, #tpu.memory_space<hbm>> -> memref<1x40xi32, #tpu.memory_space<hbm>>
    %dma_start3A_31 = tpu.memref_squeeze %dma_start3A_30 : memref<1x40xi32, #tpu.memory_space<hbm>> -> memref<40xi32, #tpu.memory_space<hbm>>
    tpu.enqueue_dma source(%dma_start3A_31 : memref<40xi32, #tpu.memory_space<hbm>>) target(%dma_start3A_29 : memref<40xi32, #tpu.memory_space<vmem>>) target_semaphore(%arg12 : memref<!tpu.dma_semaphore, #tpu.memory_space<semaphore_mem>>)
    %add3A_32 = arith.constant 80 : i32
    %add3A_33 = arith.addi %mul3A_2, %add3A_32 : i32
    %dma_start3A_34 = arith.constant 1 : i32
    %dma_start3A_35 = arith.constant 0 : i32
    %dma_start3A_36 = arith.constant 2 : i32
    %dma_start3A_37 = arith.constant 0 : i32
    %dma_start3A_38 = tpu.memref_slice %arg7[%dma_start3A_35, %dma_start3A_36, %dma_start3A_37] : memref<2x5x40xi32, #tpu.memory_space<vmem>> -> memref<1x1x40xi32, #tpu.memory_space<vmem>>
    %dma_start3A_39 = tpu.memref_squeeze %dma_start3A_38 : memref<1x1x40xi32, #tpu.memory_space<vmem>> -> memref<40xi32, #tpu.memory_space<vmem>>
    %dma_start3A_40 = tpu.memref_slice %arg3[%dma_start3A_34, %add3A_33] : memref<2x320000xi32, #tpu.memory_space<hbm>> -> memref<1x40xi32, #tpu.memory_space<hbm>>
    %dma_start3A_41 = tpu.memref_squeeze %dma_start3A_40 : memref<1x40xi32, #tpu.memory_space<hbm>> -> memref<40xi32, #tpu.memory_space<hbm>>
    %dma_start3A_42 = arith.constant 0 : i32
    %dma_start3A_43 = tpu.memref_slice %arg7[%dma_start3A_35, %dma_start3A_36, %dma_start3A_42] : memref<2x5x40xi32, #tpu.memory_space<vmem>> -> memref<1x1x40xi32, #tpu.memory_space<vmem>>
    %dma_start3A_44 = tpu.memref_squeeze %dma_start3A_43 : memref<1x1x40xi32, #tpu.memory_space<vmem>> -> memref<40xi32, #tpu.memory_space<vmem>>
    %dma_start3A_45 = tpu.memref_slice %arg3[%dma_start3A_34, %add3A_33] : memref<2x320000xi32, #tpu.memory_space<hbm>> -> memref<1x40xi32, #tpu.memory_space<hbm>>
    %dma_start3A_46 = tpu.memref_squeeze %dma_start3A_45 : memref<1x40xi32, #tpu.memory_space<hbm>> -> memref<40xi32, #tpu.memory_space<hbm>>
    tpu.enqueue_dma source(%dma_start3A_46 : memref<40xi32, #tpu.memory_space<hbm>>) target(%dma_start3A_44 : memref<40xi32, #tpu.memory_space<vmem>>) target_semaphore(%arg12 : memref<!tpu.dma_semaphore, #tpu.memory_space<semaphore_mem>>)
    %add3A_47 = arith.constant 120 : i32
    %add3A_48 = arith.addi %mul3A_2, %add3A_47 : i32
    %dma_start3A_49 = arith.constant 1 : i32
    %dma_start3A_50 = arith.constant 0 : i32
    %dma_start3A_51 = arith.constant 3 : i32
    %dma_start3A_52 = arith.constant 0 : i32
    %dma_start3A_53 = tpu.memref_slice %arg7[%dma_start3A_50, %dma_start3A_51, %dma_start3A_52] : memref<2x5x40xi32, #tpu.memory_space<vmem>> -> memref<1x1x40xi32, #tpu.memory_space<vmem>>
    %dma_start3A_54 = tpu.memref_squeeze %dma_start3A_53 : memref<1x1x40xi32, #tpu.memory_space<vmem>> -> memref<40xi32, #tpu.memory_space<vmem>>
    %dma_start3A_55 = tpu.memref_slice %arg3[%dma_start3A_49, %add3A_48] : memref<2x320000xi32, #tpu.memory_space<hbm>> -> memref<1x40xi32, #tpu.memory_space<hbm>>
    %dma_start3A_56 = tpu.memref_squeeze %dma_start3A_55 : memref<1x40xi32, #tpu.memory_space<hbm>> -> memref<40xi32, #tpu.memory_space<hbm>>
    %dma_start3A_57 = arith.constant 0 : i32
    %dma_start3A_58 = tpu.memref_slice %arg7[%dma_start3A_50, %dma_start3A_51, %dma_start3A_57] : memref<2x5x40xi32, #tpu.memory_space<vmem>> -> memref<1x1x40xi32, #tpu.memory_space<vmem>>
    %dma_start3A_59 = tpu.memref_squeeze %dma_start3A_58 : memref<1x1x40xi32, #tpu.memory_space<vmem>> -> memref<40xi32, #tpu.memory_space<vmem>>
    %dma_start3A_60 = tpu.memref_slice %arg3[%dma_start3A_49, %add3A_48] : memref<2x320000xi32, #tpu.memory_space<hbm>> -> memref<1x40xi32, #tpu.memory_space<hbm>>
    %dma_start3A_61 = tpu.memref_squeeze %dma_start3A_60 : memref<1x40xi32, #tpu.memory_space<hbm>> -> memref<40xi32, #tpu.memory_space<hbm>>
    tpu.enqueue_dma source(%dma_start3A_61 : memref<40xi32, #tpu.memory_space<hbm>>) target(%dma_start3A_59 : memref<40xi32, #tpu.memory_space<vmem>>) target_semaphore(%arg12 : memref<!tpu.dma_semaphore, #tpu.memory_space<semaphore_mem>>)
    %add3A_62 = arith.constant 160 : i32
    %add3A_63 = arith.addi %mul3A_2, %add3A_62 : i32
    %dma_start3A_64 = arith.constant 1 : i32
    %dma_start3A_65 = arith.constant 0 : i32
    %dma_start3A_66 = arith.constant 4 : i32
    %dma_start3A_67 = arith.constant 0 : i32
    %dma_start3A_68 = tpu.memref_slice %arg7[%dma_start3A_65, %dma_start3A_66, %dma_start3A_67] : memref<2x5x40xi32, #tpu.memory_space<vmem>> -> memref<1x1x40xi32, #tpu.memory_space<vmem>>
    %dma_start3A_69 = tpu.memref_squeeze %dma_start3A_68 : memref<1x1x40xi32, #tpu.memory_space<vmem>> -> memref<40xi32, #tpu.memory_space<vmem>>
    %dma_start3A_70 = tpu.memref_slice %arg3[%dma_start3A_64, %add3A_63] : memref<2x320000xi32, #tpu.memory_space<hbm>> -> memref<1x40xi32, #tpu.memory_space<hbm>>
    %dma_start3A_71 = tpu.memref_squeeze %dma_start3A_70 : memref<1x40xi32, #tpu.memory_space<hbm>> -> memref<40xi32, #tpu.memory_space<hbm>>
    %dma_start3A_72 = arith.constant 0 : i32
    %dma_start3A_73 = tpu.memref_slice %arg7[%dma_start3A_65, %dma_start3A_66, %dma_start3A_72] : memref<2x5x40xi32, #tpu.memory_space<vmem>> -> memref<1x1x40xi32, #tpu.memory_space<vmem>>
    %dma_start3A_74 = tpu.memref_squeeze %dma_start3A_73 : memref<1x1x40xi32, #tpu.memory_space<vmem>> -> memref<40xi32, #tpu.memory_space<vmem>>
    %dma_start3A_75 = tpu.memref_slice %arg3[%dma_start3A_64, %add3A_63] : memref<2x320000xi32, #tpu.memory_space<hbm>> -> memref<1x40xi32, #tpu.memory_space<hbm>>
    %dma_start3A_76 = tpu.memref_squeeze %dma_start3A_75 : memref<1x40xi32, #tpu.memory_space<hbm>> -> memref<40xi32, #tpu.memory_space<hbm>>
    tpu.enqueue_dma source(%dma_start3A_76 : memref<40xi32, #tpu.memory_space<hbm>>) target(%dma_start3A_74 : memref<40xi32, #tpu.memory_space<vmem>>) target_semaphore(%arg12 : memref<!tpu.dma_semaphore, #tpu.memory_space<semaphore_mem>>)
    %dma_start3A_77 = arith.constant 0 : i32
    %dma_start3A_78 = arith.constant 0 : i32
    %dma_start3A_79 = arith.constant 0 : i32
    %dma_start3A_80 = arith.constant 0 : i32
    %dma_start3A_81 = tpu.memref_slice %arg8[%dma_start3A_77, %dma_start3A_78, %dma_start3A_79, %dma_start3A_80] : memref<2x5x40x64xf32, #tpu.memory_space<vmem>> -> memref<1x1x40x64xf32, #tpu.memory_space<vmem>>
    %dma_start3A_82 = tpu.memref_squeeze %dma_start3A_81 : memref<1x1x40x64xf32, #tpu.memory_space<vmem>> -> memref<40x64xf32, #tpu.memory_space<vmem>>
    %dma_start3A_83 = arith.constant 0 : i32
    %dma_start3A_84 = tpu.memref_slice %arg6[%dma_start3A_83] : memref<10000xi32, #tpu.memory_space<vmem>> -> memref<40xi32, #tpu.memory_space<vmem>>
    %dma_start3A_85 = arith.constant 0 : i32
    %dma_start3A_86 = arith.constant 0 : i32
    %dma_start3A_87 = tpu.memref_slice %arg2[%dma_start3A_85, %dma_start3A_86] : memref<10000x64xf32, #tpu.memory_space<hbm>> -> memref<10000x64xf32, #tpu.memory_space<hbm>>
    tpu.enqueue_indirect_dma source(%dma_start3A_87 : memref<10000x64xf32, #tpu.memory_space<hbm>>) target(%dma_start3A_82 : memref<40x64xf32, #tpu.memory_space<vmem>>) offsets(%dma_start3A_84 : memref<40xi32, #tpu.memory_space<vmem>>) semaphore(%arg10 : memref<!tpu.dma_semaphore, #tpu.memory_space<semaphore_mem>>)
    %dma_start3A_88 = arith.constant 0 : i32
    %dma_start3A_89 = arith.constant 1 : i32
    %dma_start3A_90 = arith.constant 0 : i32
    %dma_start3A_91 = arith.constant 0 : i32
    %dma_start3A_92 = tpu.memref_slice %arg8[%dma_start3A_88, %dma_start3A_89, %dma_start3A_90, %dma_start3A_91] : memref<2x5x40x64xf32, #tpu.memory_space<vmem>> -> memref<1x1x40x64xf32, #tpu.memory_space<vmem>>
    %dma_start3A_93 = tpu.memref_squeeze %dma_start3A_92 : memref<1x1x40x64xf32, #tpu.memory_space<vmem>> -> memref<40x64xf32, #tpu.memory_space<vmem>>
    %dma_start3A_94 = arith.constant 40 : i32
    %dma_start3A_95 = tpu.memref_slice %arg6[%dma_start3A_94] : memref<10000xi32, #tpu.memory_space<vmem>> -> memref<40xi32, #tpu.memory_space<vmem>>
    %dma_start3A_96 = arith.constant 0 : i32
    %dma_start3A_97 = arith.constant 0 : i32
    %dma_start3A_98 = tpu.memref_slice %arg2[%dma_start3A_96, %dma_start3A_97] : memref<10000x64xf32, #tpu.memory_space<hbm>> -> memref<10000x64xf32, #tpu.memory_space<hbm>>
    tpu.enqueue_indirect_dma source(%dma_start3A_98 : memref<10000x64xf32, #tpu.memory_space<hbm>>) target(%dma_start3A_93 : memref<40x64xf32, #tpu.memory_space<vmem>>) offsets(%dma_start3A_95 : memref<40xi32, #tpu.memory_space<vmem>>) semaphore(%arg10 : memref<!tpu.dma_semaphore, #tpu.memory_space<semaphore_mem>>)
    %dma_start3A_99 = arith.constant 0 : i32
    %dma_start3A_100 = arith.constant 2 : i32
    %dma_start3A_101 = arith.constant 0 : i32
    %dma_start3A_102 = arith.constant 0 : i32
    %dma_start3A_103 = tpu.memref_slice %arg8[%dma_start3A_99, %dma_start3A_100, %dma_start3A_101, %dma_start3A_102] : memref<2x5x40x64xf32, #tpu.memory_space<vmem>> -> memref<1x1x40x64xf32, #tpu.memory_space<vmem>>
    %dma_start3A_104 = tpu.memref_squeeze %dma_start3A_103 : memref<1x1x40x64xf32, #tpu.memory_space<vmem>> -> memref<40x64xf32, #tpu.memory_space<vmem>>
    %dma_start3A_105 = arith.constant 80 : i32
    %dma_start3A_106 = tpu.memref_slice %arg6[%dma_start3A_105] : memref<10000xi32, #tpu.memory_space<vmem>> -> memref<40xi32, #tpu.memory_space<vmem>>
    %dma_start3A_107 = arith.constant 0 : i32
    %dma_start3A_108 = arith.constant 0 : i32
    %dma_start3A_109 = tpu.memref_slice %arg2[%dma_start3A_107, %dma_start3A_108] : memref<10000x64xf32, #tpu.memory_space<hbm>> -> memref<10000x64xf32, #tpu.memory_space<hbm>>
    tpu.enqueue_indirect_dma source(%dma_start3A_109 : memref<10000x64xf32, #tpu.memory_space<hbm>>) target(%dma_start3A_104 : memref<40x64xf32, #tpu.memory_space<vmem>>) offsets(%dma_start3A_106 : memref<40xi32, #tpu.memory_space<vmem>>) semaphore(%arg10 : memref<!tpu.dma_semaphore, #tpu.memory_space<semaphore_mem>>)
    %dma_start3A_110 = arith.constant 0 : i32
    %dma_start3A_111 = arith.constant 3 : i32
    %dma_start3A_112 = arith.constant 0 : i32
    %dma_start3A_113 = arith.constant 0 : i32
    %dma_start3A_114 = tpu.memref_slice %arg8[%dma_start3A_110, %dma_start3A_111, %dma_start3A_112, %dma_start3A_113] : memref<2x5x40x64xf32, #tpu.memory_space<vmem>> -> memref<1x1x40x64xf32, #tpu.memory_space<vmem>>
    %dma_start3A_115 = tpu.memref_squeeze %dma_start3A_114 : memref<1x1x40x64xf32, #tpu.memory_space<vmem>> -> memref<40x64xf32, #tpu.memory_space<vmem>>
    %dma_start3A_116 = arith.constant 120 : i32
    %dma_start3A_117 = tpu.memref_slice %arg6[%dma_start3A_116] : memref<10000xi32, #tpu.memory_space<vmem>> -> memref<40xi32, #tpu.memory_space<vmem>>
    %dma_start3A_118 = arith.constant 0 : i32
    %dma_start3A_119 = arith.constant 0 : i32
    %dma_start3A_120 = tpu.memref_slice %arg2[%dma_start3A_118, %dma_start3A_119] : memref<10000x64xf32, #tpu.memory_space<hbm>> -> memref<10000x64xf32, #tpu.memory_space<hbm>>
    tpu.enqueue_indirect_dma source(%dma_start3A_120 : memref<10000x64xf32, #tpu.memory_space<hbm>>) target(%dma_start3A_115 : memref<40x64xf32, #tpu.memory_space<vmem>>) offsets(%dma_start3A_117 : memref<40xi32, #tpu.memory_space<vmem>>) semaphore(%arg10 : memref<!tpu.dma_semaphore, #tpu.memory_space<semaphore_mem>>)
    %dma_start3A_121 = arith.constant 0 : i32
    %dma_start3A_122 = arith.constant 4 : i32
    %dma_start3A_123 = arith.constant 0 : i32
    %dma_start3A_124 = arith.constant 0 : i32
    %dma_start3A_125 = tpu.memref_slice %arg8[%dma_start3A_121, %dma_start3A_122, %dma_start3A_123, %dma_start3A_124] : memref<2x5x40x64xf32, #tpu.memory_space<vmem>> -> memref<1x1x40x64xf32, #tpu.memory_space<vmem>>
    %dma_start3A_126 = tpu.memref_squeeze %dma_start3A_125 : memref<1x1x40x64xf32, #tpu.memory_space<vmem>> -> memref<40x64xf32, #tpu.memory_space<vmem>>
    %dma_start3A_127 = arith.constant 160 : i32
    %dma_start3A_128 = tpu.memref_slice %arg6[%dma_start3A_127] : memref<10000xi32, #tpu.memory_space<vmem>> -> memref<40xi32, #tpu.memory_space<vmem>>
    %dma_start3A_129 = arith.constant 0 : i32
    %dma_start3A_130 = arith.constant 0 : i32
    %dma_start3A_131 = tpu.memref_slice %arg2[%dma_start3A_129, %dma_start3A_130] : memref<10000x64xf32, #tpu.memory_space<hbm>> -> memref<10000x64xf32, #tpu.memory_space<hbm>>
    tpu.enqueue_indirect_dma source(%dma_start3A_131 : memref<10000x64xf32, #tpu.memory_space<hbm>>) target(%dma_start3A_126 : memref<40x64xf32, #tpu.memory_space<vmem>>) offsets(%dma_start3A_128 : memref<40xi32, #tpu.memory_space<vmem>>) semaphore(%arg10 : memref<!tpu.dma_semaphore, #tpu.memory_space<semaphore_mem>>)
    %mul3A_132 = arith.constant 625 : i32
    %mul3A_133 = arith.muli %arg1, %mul3A_132 : i32
    %mul3A_134 = arith.constant 625 : i32
    %mul3A_135 = arith.muli %arg1, %mul3A_134 : i32
    "tpu.region"() ({
      %run_scoped3A_155 = tpu.sem_alloc : memref<!tpu.dma_semaphore, #tpu.memory_space<semaphore_mem>>
      %dma_start3A_156 = arith.constant 0 : i32
      %dma_start3A_157 = tpu.memref_slice %arg9[%mul3A_135, %dma_start3A_156] : memref<10000x64xf32, #tpu.memory_space<vmem_shared>> -> memref<625x64xf32, #tpu.memory_space<vmem_shared>>
      %dma_start3A_158 = arith.constant 0 : i32
      %dma_start3A_159 = tpu.memref_slice %arg2[%mul3A_133, %dma_start3A_158] : memref<10000x64xf32, #tpu.memory_space<hbm>> -> memref<625x64xf32, #tpu.memory_space<hbm>>
      tpu.enqueue_dma source(%dma_start3A_159 : memref<625x64xf32, #tpu.memory_space<hbm>>) target(%dma_start3A_157 : memref<625x64xf32, #tpu.memory_space<vmem_shared>>) target_semaphore(%run_scoped3A_155 : memref<!tpu.dma_semaphore, #tpu.memory_space<semaphore_mem>>)
      %dma_wait3A_160 = arith.constant 0 : i32
      %dma_wait3A_161 = tpu.memref_slice %arg9[%mul3A_135, %dma_wait3A_160] : memref<10000x64xf32, #tpu.memory_space<vmem_shared>> -> memref<625x64xf32, #tpu.memory_space<vmem_shared>>
      %dma_wait3A_162 = arith.constant 0 : i32
      %dma_wait3A_163 = tpu.memref_slice %arg2[%mul3A_133, %dma_wait3A_162] : memref<10000x64xf32, #tpu.memory_space<hbm>> -> memref<625x64xf32, #tpu.memory_space<hbm>>
      tpu.wait_dma2 semaphore(%run_scoped3A_155 : memref<!tpu.dma_semaphore, #tpu.memory_space<semaphore_mem>>) src(%dma_wait3A_163 : memref<625x64xf32, #tpu.memory_space<hbm>>) dst(%dma_wait3A_161 : memref<625x64xf32, #tpu.memory_space<vmem_shared>>)
      tpu.yield
    }) : () -> ()
    %barrier3A = arith.constant 0 : index
    tpu.barrier barrier_id(%barrier3A)
    %scan3A = arith.constant 0 : i32
    %scan3A_136 = arith.constant 25 : i32
    %scan3A_137 = arith.addi %scan3A, %scan3A_136 : i32
    %scan3A_138 = arith.constant 1 : i32
    scf.for %scan3A_155 = %scan3A to %scan3A_137 step %scan3A_138  : i32 {
      %mul3A_156 = arith.constant 2 : i32
      %mul3A_157 = arith.muli %scan3A_155, %mul3A_156 : i32
      %add3A_158 = arith.constant 0 : i32
      %add3A_159 = arith.addi %add3A_158, %mul3A_157 : i32
      %ge3A = arith.constant 2 : i32
      %ge3A_160 = arith.cmpi sge, %add3A_159, %ge3A : i32
      %convert_element_type3A = arith.extui %ge3A_160 : i1 to i32
      %cond3A = arith.constant 0 : i32
      %cond3A_161 = arith.cmpi ne, %convert_element_type3A, %cond3A : i32
      scf.if %cond3A_161 {
        %sub3A = arith.constant 1 : i32
        %sub3A_677 = arith.subi %add3A_159, %sub3A : i32
        %dma_wait3A_678 = arith.constant 1 : i32
        %dma_wait3A_679 = arith.constant 0 : i32
        %dma_wait3A_680 = arith.constant 0 : i32
        %dma_wait3A_681 = arith.constant 0 : i32
        %dma_wait3A_682 = tpu.memref_slice %arg8[%dma_wait3A_678, %dma_wait3A_679, %dma_wait3A_680, %dma_wait3A_681] : memref<2x5x40x64xf32, #tpu.memory_space<vmem>> -> memref<1x5x40x64xf32, #tpu.memory_space<vmem>>
        %dma_wait3A_683 = tpu.memref_squeeze %dma_wait3A_682 : memref<1x5x40x64xf32, #tpu.memory_space<vmem>> -> memref<5x40x64xf32, #tpu.memory_space<vmem>>
        %dma_wait3A_684 = arith.constant 0 : i32
        %dma_wait3A_685 = arith.constant 0 : i32
        %dma_wait3A_686 = arith.constant 0 : i32
        %dma_wait3A_687 = tpu.memref_slice %arg8[%dma_wait3A_678, %dma_wait3A_684, %dma_wait3A_685, %dma_wait3A_686] : memref<2x5x40x64xf32, #tpu.memory_space<vmem>> -> memref<1x5x40x64xf32, #tpu.memory_space<vmem>>
        %dma_wait3A_688 = tpu.memref_squeeze %dma_wait3A_687 : memref<1x5x40x64xf32, #tpu.memory_space<vmem>> -> memref<5x40x64xf32, #tpu.memory_space<vmem>>
        tpu.wait_dma2 semaphore(%arg11 : memref<!tpu.dma_semaphore, #tpu.memory_space<semaphore_mem>>) src(%arg4 : memref<5x40x64xf32, #tpu.memory_space<hbm>>) dst(%dma_wait3A_688 : memref<5x40x64xf32, #tpu.memory_space<vmem>>)
      } else {
      }
      %dma_wait3A_162 = arith.constant 0 : i32
      %dma_wait3A_163 = arith.constant 0 : i32
      %dma_wait3A_164 = arith.constant 0 : i32
      %dma_wait3A_165 = arith.constant 0 : i32
      %dma_wait3A_166 = tpu.memref_slice %arg8[%dma_wait3A_162, %dma_wait3A_163, %dma_wait3A_164, %dma_wait3A_165] : memref<2x5x40x64xf32, #tpu.memory_space<vmem>> -> memref<1x5x40x64xf32, #tpu.memory_space<vmem>>
      %dma_wait3A_167 = tpu.memref_squeeze %dma_wait3A_166 : memref<1x5x40x64xf32, #tpu.memory_space<vmem>> -> memref<5x40x64xf32, #tpu.memory_space<vmem>>
      %dma_wait3A_168 = arith.constant 0 : i32
      %dma_wait3A_169 = arith.constant 0 : i32
      %dma_wait3A_170 = arith.constant 0 : i32
      %dma_wait3A_171 = tpu.memref_slice %arg8[%dma_wait3A_162, %dma_wait3A_168, %dma_wait3A_169, %dma_wait3A_170] : memref<2x5x40x64xf32, #tpu.memory_space<vmem>> -> memref<1x5x40x64xf32, #tpu.memory_space<vmem>>
      %dma_wait3A_172 = tpu.memref_squeeze %dma_wait3A_171 : memref<1x5x40x64xf32, #tpu.memory_space<vmem>> -> memref<5x40x64xf32, #tpu.memory_space<vmem>>
      tpu.wait_dma2 semaphore(%arg10 : memref<!tpu.dma_semaphore, #tpu.memory_space<semaphore_mem>>) src(%arg4 : memref<5x40x64xf32, #tpu.memory_space<hbm>>) dst(%dma_wait3A_172 : memref<5x40x64xf32, #tpu.memory_space<vmem>>)
      %dma_wait3A_173 = arith.constant 1 : i32
      %dma_wait3A_174 = arith.constant 0 : i32
      %dma_wait3A_175 = arith.constant 0 : i32
      %dma_wait3A_176 = arith.constant 0 : i32
      %dma_wait3A_177 = tpu.memref_slice %arg7[%dma_wait3A_174, %dma_wait3A_175, %dma_wait3A_176] : memref<2x5x40xi32, #tpu.memory_space<vmem>> -> memref<1x1x40xi32, #tpu.memory_space<vmem>>
      %dma_wait3A_178 = tpu.memref_squeeze %dma_wait3A_177 : memref<1x1x40xi32, #tpu.memory_space<vmem>> -> memref<40xi32, #tpu.memory_space<vmem>>
      %dma_wait3A_179 = arith.constant 0 : i32
      %dma_wait3A_180 = tpu.memref_slice %arg3[%dma_wait3A_173, %dma_wait3A_179] : memref<2x320000xi32, #tpu.memory_space<hbm>> -> memref<1x40xi32, #tpu.memory_space<hbm>>
      %dma_wait3A_181 = tpu.memref_squeeze %dma_wait3A_180 : memref<1x40xi32, #tpu.memory_space<hbm>> -> memref<40xi32, #tpu.memory_space<hbm>>
      %dma_wait3A_182 = arith.constant 0 : i32
      %dma_wait3A_183 = tpu.memref_slice %arg7[%dma_wait3A_174, %dma_wait3A_175, %dma_wait3A_182] : memref<2x5x40xi32, #tpu.memory_space<vmem>> -> memref<1x1x40xi32, #tpu.memory_space<vmem>>
      %dma_wait3A_184 = tpu.memref_squeeze %dma_wait3A_183 : memref<1x1x40xi32, #tpu.memory_space<vmem>> -> memref<40xi32, #tpu.memory_space<vmem>>
      %dma_wait3A_185 = arith.constant 0 : i32
      %dma_wait3A_186 = tpu.memref_slice %arg3[%dma_wait3A_173, %dma_wait3A_185] : memref<2x320000xi32, #tpu.memory_space<hbm>> -> memref<1x40xi32, #tpu.memory_space<hbm>>
      %dma_wait3A_187 = tpu.memref_squeeze %dma_wait3A_186 : memref<1x40xi32, #tpu.memory_space<hbm>> -> memref<40xi32, #tpu.memory_space<hbm>>
      tpu.wait_dma2 semaphore(%arg12 : memref<!tpu.dma_semaphore, #tpu.memory_space<semaphore_mem>>) src(%dma_wait3A_187 : memref<40xi32, #tpu.memory_space<hbm>>) dst(%dma_wait3A_184 : memref<40xi32, #tpu.memory_space<vmem>>)
      %dma_wait3A_188 = arith.constant 1 : i32
      %dma_wait3A_189 = arith.constant 0 : i32
      %dma_wait3A_190 = arith.constant 1 : i32
      %dma_wait3A_191 = arith.constant 0 : i32
      %dma_wait3A_192 = tpu.memref_slice %arg7[%dma_wait3A_189, %dma_wait3A_190, %dma_wait3A_191] : memref<2x5x40xi32, #tpu.memory_space<vmem>> -> memref<1x1x40xi32, #tpu.memory_space<vmem>>
      %dma_wait3A_193 = tpu.memref_squeeze %dma_wait3A_192 : memref<1x1x40xi32, #tpu.memory_space<vmem>> -> memref<40xi32, #tpu.memory_space<vmem>>
      %dma_wait3A_194 = arith.constant 0 : i32
      %dma_wait3A_195 = tpu.memref_slice %arg3[%dma_wait3A_188, %dma_wait3A_194] : memref<2x320000xi32, #tpu.memory_space<hbm>> -> memref<1x40xi32, #tpu.memory_space<hbm>>
      %dma_wait3A_196 = tpu.memref_squeeze %dma_wait3A_195 : memref<1x40xi32, #tpu.memory_space<hbm>> -> memref<40xi32, #tpu.memory_space<hbm>>
      %dma_wait3A_197 = arith.constant 0 : i32
      %dma_wait3A_198 = tpu.memref_slice %arg7[%dma_wait3A_189, %dma_wait3A_190, %dma_wait3A_197] : memref<2x5x40xi32, #tpu.memory_space<vmem>> -> memref<1x1x40xi32, #tpu.memory_space<vmem>>
      %dma_wait3A_199 = tpu.memref_squeeze %dma_wait3A_198 : memref<1x1x40xi32, #tpu.memory_space<vmem>> -> memref<40xi32, #tpu.memory_space<vmem>>
      %dma_wait3A_200 = arith.constant 0 : i32
      %dma_wait3A_201 = tpu.memref_slice %arg3[%dma_wait3A_188, %dma_wait3A_200] : memref<2x320000xi32, #tpu.memory_space<hbm>> -> memref<1x40xi32, #tpu.memory_space<hbm>>
      %dma_wait3A_202 = tpu.memref_squeeze %dma_wait3A_201 : memref<1x40xi32, #tpu.memory_space<hbm>> -> memref<40xi32, #tpu.memory_space<hbm>>
      tpu.wait_dma2 semaphore(%arg12 : memref<!tpu.dma_semaphore, #tpu.memory_space<semaphore_mem>>) src(%dma_wait3A_202 : memref<40xi32, #tpu.memory_space<hbm>>) dst(%dma_wait3A_199 : memref<40xi32, #tpu.memory_space<vmem>>)
      %dma_wait3A_203 = arith.constant 1 : i32
      %dma_wait3A_204 = arith.constant 0 : i32
      %dma_wait3A_205 = arith.constant 2 : i32
      %dma_wait3A_206 = arith.constant 0 : i32
      %dma_wait3A_207 = tpu.memref_slice %arg7[%dma_wait3A_204, %dma_wait3A_205, %dma_wait3A_206] : memref<2x5x40xi32, #tpu.memory_space<vmem>> -> memref<1x1x40xi32, #tpu.memory_space<vmem>>
      %dma_wait3A_208 = tpu.memref_squeeze %dma_wait3A_207 : memref<1x1x40xi32, #tpu.memory_space<vmem>> -> memref<40xi32, #tpu.memory_space<vmem>>
      %dma_wait3A_209 = arith.constant 0 : i32
      %dma_wait3A_210 = tpu.memref_slice %arg3[%dma_wait3A_203, %dma_wait3A_209] : memref<2x320000xi32, #tpu.memory_space<hbm>> -> memref<1x40xi32, #tpu.memory_space<hbm>>
      %dma_wait3A_211 = tpu.memref_squeeze %dma_wait3A_210 : memref<1x40xi32, #tpu.memory_space<hbm>> -> memref<40xi32, #tpu.memory_space<hbm>>
      %dma_wait3A_212 = arith.constant 0 : i32
      %dma_wait3A_213 = tpu.memref_slice %arg7[%dma_wait3A_204, %dma_wait3A_205, %dma_wait3A_212] : memref<2x5x40xi32, #tpu.memory_space<vmem>> -> memref<1x1x40xi32, #tpu.memory_space<vmem>>
      %dma_wait3A_214 = tpu.memref_squeeze %dma_wait3A_213 : memref<1x1x40xi32, #tpu.memory_space<vmem>> -> memref<40xi32, #tpu.memory_space<vmem>>
      %dma_wait3A_215 = arith.constant 0 : i32
      %dma_wait3A_216 = tpu.memref_slice %arg3[%dma_wait3A_203, %dma_wait3A_215] : memref<2x320000xi32, #tpu.memory_space<hbm>> -> memref<1x40xi32, #tpu.memory_space<hbm>>
      %dma_wait3A_217 = tpu.memref_squeeze %dma_wait3A_216 : memref<1x40xi32, #tpu.memory_space<hbm>> -> memref<40xi32, #tpu.memory_space<hbm>>
      tpu.wait_dma2 semaphore(%arg12 : memref<!tpu.dma_semaphore, #tpu.memory_space<semaphore_mem>>) src(%dma_wait3A_217 : memref<40xi32, #tpu.memory_space<hbm>>) dst(%dma_wait3A_214 : memref<40xi32, #tpu.memory_space<vmem>>)
      %dma_wait3A_218 = arith.constant 1 : i32
      %dma_wait3A_219 = arith.constant 0 : i32
      %dma_wait3A_220 = arith.constant 3 : i32
      %dma_wait3A_221 = arith.constant 0 : i32
      %dma_wait3A_222 = tpu.memref_slice %arg7[%dma_wait3A_219, %dma_wait3A_220, %dma_wait3A_221] : memref<2x5x40xi32, #tpu.memory_space<vmem>> -> memref<1x1x40xi32, #tpu.memory_space<vmem>>
      %dma_wait3A_223 = tpu.memref_squeeze %dma_wait3A_222 : memref<1x1x40xi32, #tpu.memory_space<vmem>> -> memref<40xi32, #tpu.memory_space<vmem>>
      %dma_wait3A_224 = arith.constant 0 : i32
      %dma_wait3A_225 = tpu.memref_slice %arg3[%dma_wait3A_218, %dma_wait3A_224] : memref<2x320000xi32, #tpu.memory_space<hbm>> -> memref<1x40xi32, #tpu.memory_space<hbm>>
      %dma_wait3A_226 = tpu.memref_squeeze %dma_wait3A_225 : memref<1x40xi32, #tpu.memory_space<hbm>> -> memref<40xi32, #tpu.memory_space<hbm>>
      %dma_wait3A_227 = arith.constant 0 : i32
      %dma_wait3A_228 = tpu.memref_slice %arg7[%dma_wait3A_219, %dma_wait3A_220, %dma_wait3A_227] : memref<2x5x40xi32, #tpu.memory_space<vmem>> -> memref<1x1x40xi32, #tpu.memory_space<vmem>>
      %dma_wait3A_229 = tpu.memref_squeeze %dma_wait3A_228 : memref<1x1x40xi32, #tpu.memory_space<vmem>> -> memref<40xi32, #tpu.memory_space<vmem>>
      %dma_wait3A_230 = arith.constant 0 : i32
      %dma_wait3A_231 = tpu.memref_slice %arg3[%dma_wait3A_218, %dma_wait3A_230] : memref<2x320000xi32, #tpu.memory_space<hbm>> -> memref<1x40xi32, #tpu.memory_space<hbm>>
      %dma_wait3A_232 = tpu.memref_squeeze %dma_wait3A_231 : memref<1x40xi32, #tpu.memory_space<hbm>> -> memref<40xi32, #tpu.memory_space<hbm>>
      tpu.wait_dma2 semaphore(%arg12 : memref<!tpu.dma_semaphore, #tpu.memory_space<semaphore_mem>>) src(%dma_wait3A_232 : memref<40xi32, #tpu.memory_space<hbm>>) dst(%dma_wait3A_229 : memref<40xi32, #tpu.memory_space<vmem>>)
      %dma_wait3A_233 = arith.constant 1 : i32
      %dma_wait3A_234 = arith.constant 0 : i32
      %dma_wait3A_235 = arith.constant 4 : i32
      %dma_wait3A_236 = arith.constant 0 : i32
      %dma_wait3A_237 = tpu.memref_slice %arg7[%dma_wait3A_234, %dma_wait3A_235, %dma_wait3A_236] : memref<2x5x40xi32, #tpu.memory_space<vmem>> -> memref<1x1x40xi32, #tpu.memory_space<vmem>>
      %dma_wait3A_238 = tpu.memref_squeeze %dma_wait3A_237 : memref<1x1x40xi32, #tpu.memory_space<vmem>> -> memref<40xi32, #tpu.memory_space<vmem>>
      %dma_wait3A_239 = arith.constant 0 : i32
      %dma_wait3A_240 = tpu.memref_slice %arg3[%dma_wait3A_233, %dma_wait3A_239] : memref<2x320000xi32, #tpu.memory_space<hbm>> -> memref<1x40xi32, #tpu.memory_space<hbm>>
      %dma_wait3A_241 = tpu.memref_squeeze %dma_wait3A_240 : memref<1x40xi32, #tpu.memory_space<hbm>> -> memref<40xi32, #tpu.memory_space<hbm>>
      %dma_wait3A_242 = arith.constant 0 : i32
      %dma_wait3A_243 = tpu.memref_slice %arg7[%dma_wait3A_234, %dma_wait3A_235, %dma_wait3A_242] : memref<2x5x40xi32, #tpu.memory_space<vmem>> -> memref<1x1x40xi32, #tpu.memory_space<vmem>>
      %dma_wait3A_244 = tpu.memref_squeeze %dma_wait3A_243 : memref<1x1x40xi32, #tpu.memory_space<vmem>> -> memref<40xi32, #tpu.memory_space<vmem>>
      %dma_wait3A_245 = arith.constant 0 : i32
      %dma_wait3A_246 = tpu.memref_slice %arg3[%dma_wait3A_233, %dma_wait3A_245] : memref<2x320000xi32, #tpu.memory_space<hbm>> -> memref<1x40xi32, #tpu.memory_space<hbm>>
      %dma_wait3A_247 = tpu.memref_squeeze %dma_wait3A_246 : memref<1x40xi32, #tpu.memory_space<hbm>> -> memref<40xi32, #tpu.memory_space<hbm>>
      tpu.wait_dma2 semaphore(%arg12 : memref<!tpu.dma_semaphore, #tpu.memory_space<semaphore_mem>>) src(%dma_wait3A_247 : memref<40xi32, #tpu.memory_space<hbm>>) dst(%dma_wait3A_244 : memref<40xi32, #tpu.memory_space<vmem>>)
      %dma_start3A_248 = arith.constant 0 : i32
      %dma_start3A_249 = arith.constant 0 : i32
      %dma_start3A_250 = arith.constant 0 : i32
      %dma_start3A_251 = arith.constant 0 : i32
      %dma_start3A_252 = arith.constant 0 : i32
      %dma_start3A_253 = arith.constant 0 : i32
      %dma_start3A_254 = tpu.memref_slice %arg8[%dma_start3A_248, %dma_start3A_249, %dma_start3A_252, %dma_start3A_253] : memref<2x5x40x64xf32, #tpu.memory_space<vmem>> -> memref<1x1x40x64xf32, #tpu.memory_space<vmem>>
      %dma_start3A_255 = tpu.memref_squeeze %dma_start3A_254 : memref<1x1x40x64xf32, #tpu.memory_space<vmem>> -> memref<40x64xf32, #tpu.memory_space<vmem>>
      %dma_start3A_256 = arith.constant 0 : i32
      %dma_start3A_257 = tpu.memref_slice %arg7[%dma_start3A_250, %dma_start3A_251, %dma_start3A_256] : memref<2x5x40xi32, #tpu.memory_space<vmem>> -> memref<1x1x40xi32, #tpu.memory_space<vmem>>
      %dma_start3A_258 = tpu.memref_squeeze %dma_start3A_257 : memref<1x1x40xi32, #tpu.memory_space<vmem>> -> memref<40xi32, #tpu.memory_space<vmem>>
      %dma_start3A_259 = arith.constant 0 : i32
      %dma_start3A_260 = arith.constant 0 : i32
      %dma_start3A_261 = tpu.memref_slice %arg9[%dma_start3A_259, %dma_start3A_260] : memref<10000x64xf32, #tpu.memory_space<vmem_shared>> -> memref<10000x64xf32, #tpu.memory_space<vmem_shared>>
      tpu.enqueue_indirect_dma source(%dma_start3A_255 : memref<40x64xf32, #tpu.memory_space<vmem>>) target(%dma_start3A_261 : memref<10000x64xf32, #tpu.memory_space<vmem_shared>>) offsets(%dma_start3A_258 : memref<40xi32, #tpu.memory_space<vmem>>) semaphore(%arg11 : memref<!tpu.dma_semaphore, #tpu.memory_space<semaphore_mem>>) {add = true}
      %dma_start3A_262 = arith.constant 0 : i32
      %dma_start3A_263 = arith.constant 1 : i32
      %dma_start3A_264 = arith.constant 0 : i32
      %dma_start3A_265 = arith.constant 1 : i32
      %dma_start3A_266 = arith.constant 0 : i32
      %dma_start3A_267 = arith.constant 0 : i32
      %dma_start3A_268 = tpu.memref_slice %arg8[%dma_start3A_262, %dma_start3A_263, %dma_start3A_266, %dma_start3A_267] : memref<2x5x40x64xf32, #tpu.memory_space<vmem>> -> memref<1x1x40x64xf32, #tpu.memory_space<vmem>>
      %dma_start3A_269 = tpu.memref_squeeze %dma_start3A_268 : memref<1x1x40x64xf32, #tpu.memory_space<vmem>> -> memref<40x64xf32, #tpu.memory_space<vmem>>
      %dma_start3A_270 = arith.constant 0 : i32
      %dma_start3A_271 = tpu.memref_slice %arg7[%dma_start3A_264, %dma_start3A_265, %dma_start3A_270] : memref<2x5x40xi32, #tpu.memory_space<vmem>> -> memref<1x1x40xi32, #tpu.memory_space<vmem>>
      %dma_start3A_272 = tpu.memref_squeeze %dma_start3A_271 : memref<1x1x40xi32, #tpu.memory_space<vmem>> -> memref<40xi32, #tpu.memory_space<vmem>>
      %dma_start3A_273 = arith.constant 0 : i32
      %dma_start3A_274 = arith.constant 0 : i32
      %dma_start3A_275 = tpu.memref_slice %arg9[%dma_start3A_273, %dma_start3A_274] : memref<10000x64xf32, #tpu.memory_space<vmem_shared>> -> memref<10000x64xf32, #tpu.memory_space<vmem_shared>>
      tpu.enqueue_indirect_dma source(%dma_start3A_269 : memref<40x64xf32, #tpu.memory_space<vmem>>) target(%dma_start3A_275 : memref<10000x64xf32, #tpu.memory_space<vmem_shared>>) offsets(%dma_start3A_272 : memref<40xi32, #tpu.memory_space<vmem>>) semaphore(%arg11 : memref<!tpu.dma_semaphore, #tpu.memory_space<semaphore_mem>>) {add = true}
      %dma_start3A_276 = arith.constant 0 : i32
      %dma_start3A_277 = arith.constant 2 : i32
      %dma_start3A_278 = arith.constant 0 : i32
      %dma_start3A_279 = arith.constant 2 : i32
      %dma_start3A_280 = arith.constant 0 : i32
      %dma_start3A_281 = arith.constant 0 : i32
      %dma_start3A_282 = tpu.memref_slice %arg8[%dma_start3A_276, %dma_start3A_277, %dma_start3A_280, %dma_start3A_281] : memref<2x5x40x64xf32, #tpu.memory_space<vmem>> -> memref<1x1x40x64xf32, #tpu.memory_space<vmem>>
      %dma_start3A_283 = tpu.memref_squeeze %dma_start3A_282 : memref<1x1x40x64xf32, #tpu.memory_space<vmem>> -> memref<40x64xf32, #tpu.memory_space<vmem>>
      %dma_start3A_284 = arith.constant 0 : i32
      %dma_start3A_285 = tpu.memref_slice %arg7[%dma_start3A_278, %dma_start3A_279, %dma_start3A_284] : memref<2x5x40xi32, #tpu.memory_space<vmem>> -> memref<1x1x40xi32, #tpu.memory_space<vmem>>
      %dma_start3A_286 = tpu.memref_squeeze %dma_start3A_285 : memref<1x1x40xi32, #tpu.memory_space<vmem>> -> memref<40xi32, #tpu.memory_space<vmem>>
      %dma_start3A_287 = arith.constant 0 : i32
      %dma_start3A_288 = arith.constant 0 : i32
      %dma_start3A_289 = tpu.memref_slice %arg9[%dma_start3A_287, %dma_start3A_288] : memref<10000x64xf32, #tpu.memory_space<vmem_shared>> -> memref<10000x64xf32, #tpu.memory_space<vmem_shared>>
      tpu.enqueue_indirect_dma source(%dma_start3A_283 : memref<40x64xf32, #tpu.memory_space<vmem>>) target(%dma_start3A_289 : memref<10000x64xf32, #tpu.memory_space<vmem_shared>>) offsets(%dma_start3A_286 : memref<40xi32, #tpu.memory_space<vmem>>) semaphore(%arg11 : memref<!tpu.dma_semaphore, #tpu.memory_space<semaphore_mem>>) {add = true}
      %dma_start3A_290 = arith.constant 0 : i32
      %dma_start3A_291 = arith.constant 3 : i32
      %dma_start3A_292 = arith.constant 0 : i32
      %dma_start3A_293 = arith.constant 3 : i32
      %dma_start3A_294 = arith.constant 0 : i32
      %dma_start3A_295 = arith.constant 0 : i32
      %dma_start3A_296 = tpu.memref_slice %arg8[%dma_start3A_290, %dma_start3A_291, %dma_start3A_294, %dma_start3A_295] : memref<2x5x40x64xf32, #tpu.memory_space<vmem>> -> memref<1x1x40x64xf32, #tpu.memory_space<vmem>>
      %dma_start3A_297 = tpu.memref_squeeze %dma_start3A_296 : memref<1x1x40x64xf32, #tpu.memory_space<vmem>> -> memref<40x64xf32, #tpu.memory_space<vmem>>
      %dma_start3A_298 = arith.constant 0 : i32
      %dma_start3A_299 = tpu.memref_slice %arg7[%dma_start3A_292, %dma_start3A_293, %dma_start3A_298] : memref<2x5x40xi32, #tpu.memory_space<vmem>> -> memref<1x1x40xi32, #tpu.memory_space<vmem>>
      %dma_start3A_300 = tpu.memref_squeeze %dma_start3A_299 : memref<1x1x40xi32, #tpu.memory_space<vmem>> -> memref<40xi32, #tpu.memory_space<vmem>>
      %dma_start3A_301 = arith.constant 0 : i32
      %dma_start3A_302 = arith.constant 0 : i32
      %dma_start3A_303 = tpu.memref_slice %arg9[%dma_start3A_301, %dma_start3A_302] : memref<10000x64xf32, #tpu.memory_space<vmem_shared>> -> memref<10000x64xf32, #tpu.memory_space<vmem_shared>>
      tpu.enqueue_indirect_dma source(%dma_start3A_297 : memref<40x64xf32, #tpu.memory_space<vmem>>) target(%dma_start3A_303 : memref<10000x64xf32, #tpu.memory_space<vmem_shared>>) offsets(%dma_start3A_300 : memref<40xi32, #tpu.memory_space<vmem>>) semaphore(%arg11 : memref<!tpu.dma_semaphore, #tpu.memory_space<semaphore_mem>>) {add = true}
      %dma_start3A_304 = arith.constant 0 : i32
      %dma_start3A_305 = arith.constant 4 : i32
      %dma_start3A_306 = arith.constant 0 : i32
      %dma_start3A_307 = arith.constant 4 : i32
      %dma_start3A_308 = arith.constant 0 : i32
      %dma_start3A_309 = arith.constant 0 : i32
      %dma_start3A_310 = tpu.memref_slice %arg8[%dma_start3A_304, %dma_start3A_305, %dma_start3A_308, %dma_start3A_309] : memref<2x5x40x64xf32, #tpu.memory_space<vmem>> -> memref<1x1x40x64xf32, #tpu.memory_space<vmem>>
      %dma_start3A_311 = tpu.memref_squeeze %dma_start3A_310 : memref<1x1x40x64xf32, #tpu.memory_space<vmem>> -> memref<40x64xf32, #tpu.memory_space<vmem>>
      %dma_start3A_312 = arith.constant 0 : i32
      %dma_start3A_313 = tpu.memref_slice %arg7[%dma_start3A_306, %dma_start3A_307, %dma_start3A_312] : memref<2x5x40xi32, #tpu.memory_space<vmem>> -> memref<1x1x40xi32, #tpu.memory_space<vmem>>
      %dma_start3A_314 = tpu.memref_squeeze %dma_start3A_313 : memref<1x1x40xi32, #tpu.memory_space<vmem>> -> memref<40xi32, #tpu.memory_space<vmem>>
      %dma_start3A_315 = arith.constant 0 : i32
      %dma_start3A_316 = arith.constant 0 : i32
      %dma_start3A_317 = tpu.memref_slice %arg9[%dma_start3A_315, %dma_start3A_316] : memref<10000x64xf32, #tpu.memory_space<vmem_shared>> -> memref<10000x64xf32, #tpu.memory_space<vmem_shared>>
      tpu.enqueue_indirect_dma source(%dma_start3A_311 : memref<40x64xf32, #tpu.memory_space<vmem>>) target(%dma_start3A_317 : memref<10000x64xf32, #tpu.memory_space<vmem_shared>>) offsets(%dma_start3A_314 : memref<40xi32, #tpu.memory_space<vmem>>) semaphore(%arg11 : memref<!tpu.dma_semaphore, #tpu.memory_space<semaphore_mem>>) {add = true}
      %add3A_318 = arith.constant 1 : i32
      %add3A_319 = arith.addi %add3A_159, %add3A_318 : i32
      %mul3A_320 = arith.constant 5 : i32
      %mul3A_321 = arith.muli %add3A_319, %mul3A_320 : i32
      %add3A_322 = arith.constant 0 : i32
      %add3A_323 = arith.addi %mul3A_321, %add3A_322 : i32
      %mul3A_324 = arith.constant 40 : i32
      %mul3A_325 = arith.muli %add3A_323, %mul3A_324 : i32
      %add3A_326 = arith.addi %mul3A_2, %mul3A_325 : i32
      %dma_start3A_327 = arith.constant 1 : i32
      %dma_start3A_328 = arith.constant 1 : i32
      %dma_start3A_329 = arith.constant 0 : i32
      %dma_start3A_330 = arith.constant 0 : i32
      %dma_start3A_331 = tpu.memref_slice %arg7[%dma_start3A_328, %dma_start3A_329, %dma_start3A_330] : memref<2x5x40xi32, #tpu.memory_space<vmem>> -> memref<1x1x40xi32, #tpu.memory_space<vmem>>
      %dma_start3A_332 = tpu.memref_squeeze %dma_start3A_331 : memref<1x1x40xi32, #tpu.memory_space<vmem>> -> memref<40xi32, #tpu.memory_space<vmem>>
      %dma_start3A_333 = tpu.memref_slice %arg3[%dma_start3A_327, %add3A_326] : memref<2x320000xi32, #tpu.memory_space<hbm>> -> memref<1x40xi32, #tpu.memory_space<hbm>>
      %dma_start3A_334 = tpu.memref_squeeze %dma_start3A_333 : memref<1x40xi32, #tpu.memory_space<hbm>> -> memref<40xi32, #tpu.memory_space<hbm>>
      %dma_start3A_335 = arith.constant 0 : i32
      %dma_start3A_336 = tpu.memref_slice %arg7[%dma_start3A_328, %dma_start3A_329, %dma_start3A_335] : memref<2x5x40xi32, #tpu.memory_space<vmem>> -> memref<1x1x40xi32, #tpu.memory_space<vmem>>
      %dma_start3A_337 = tpu.memref_squeeze %dma_start3A_336 : memref<1x1x40xi32, #tpu.memory_space<vmem>> -> memref<40xi32, #tpu.memory_space<vmem>>
      %dma_start3A_338 = tpu.memref_slice %arg3[%dma_start3A_327, %add3A_326] : memref<2x320000xi32, #tpu.memory_space<hbm>> -> memref<1x40xi32, #tpu.memory_space<hbm>>
      %dma_start3A_339 = tpu.memref_squeeze %dma_start3A_338 : memref<1x40xi32, #tpu.memory_space<hbm>> -> memref<40xi32, #tpu.memory_space<hbm>>
      tpu.enqueue_dma source(%dma_start3A_339 : memref<40xi32, #tpu.memory_space<hbm>>) target(%dma_start3A_337 : memref<40xi32, #tpu.memory_space<vmem>>) target_semaphore(%arg12 : memref<!tpu.dma_semaphore, #tpu.memory_space<semaphore_mem>>)
      %mul3A_340 = arith.constant 5 : i32
      %mul3A_341 = arith.muli %add3A_319, %mul3A_340 : i32
      %add3A_342 = arith.constant 1 : i32
      %add3A_343 = arith.addi %mul3A_341, %add3A_342 : i32
      %mul3A_344 = arith.constant 40 : i32
      %mul3A_345 = arith.muli %add3A_343, %mul3A_344 : i32
      %add3A_346 = arith.addi %mul3A_2, %mul3A_345 : i32
      %dma_start3A_347 = arith.constant 1 : i32
      %dma_start3A_348 = arith.constant 1 : i32
      %dma_start3A_349 = arith.constant 1 : i32
      %dma_start3A_350 = arith.constant 0 : i32
      %dma_start3A_351 = tpu.memref_slice %arg7[%dma_start3A_348, %dma_start3A_349, %dma_start3A_350] : memref<2x5x40xi32, #tpu.memory_space<vmem>> -> memref<1x1x40xi32, #tpu.memory_space<vmem>>
      %dma_start3A_352 = tpu.memref_squeeze %dma_start3A_351 : memref<1x1x40xi32, #tpu.memory_space<vmem>> -> memref<40xi32, #tpu.memory_space<vmem>>
      %dma_start3A_353 = tpu.memref_slice %arg3[%dma_start3A_347, %add3A_346] : memref<2x320000xi32, #tpu.memory_space<hbm>> -> memref<1x40xi32, #tpu.memory_space<hbm>>
      %dma_start3A_354 = tpu.memref_squeeze %dma_start3A_353 : memref<1x40xi32, #tpu.memory_space<hbm>> -> memref<40xi32, #tpu.memory_space<hbm>>
      %dma_start3A_355 = arith.constant 0 : i32
      %dma_start3A_356 = tpu.memref_slice %arg7[%dma_start3A_348, %dma_start3A_349, %dma_start3A_355] : memref<2x5x40xi32, #tpu.memory_space<vmem>> -> memref<1x1x40xi32, #tpu.memory_space<vmem>>
      %dma_start3A_357 = tpu.memref_squeeze %dma_start3A_356 : memref<1x1x40xi32, #tpu.memory_space<vmem>> -> memref<40xi32, #tpu.memory_space<vmem>>
      %dma_start3A_358 = tpu.memref_slice %arg3[%dma_start3A_347, %add3A_346] : memref<2x320000xi32, #tpu.memory_space<hbm>> -> memref<1x40xi32, #tpu.memory_space<hbm>>
      %dma_start3A_359 = tpu.memref_squeeze %dma_start3A_358 : memref<1x40xi32, #tpu.memory_space<hbm>> -> memref<40xi32, #tpu.memory_space<hbm>>
      tpu.enqueue_dma source(%dma_start3A_359 : memref<40xi32, #tpu.memory_space<hbm>>) target(%dma_start3A_357 : memref<40xi32, #tpu.memory_space<vmem>>) target_semaphore(%arg12 : memref<!tpu.dma_semaphore, #tpu.memory_space<semaphore_mem>>)
      %mul3A_360 = arith.constant 5 : i32
      %mul3A_361 = arith.muli %add3A_319, %mul3A_360 : i32
      %add3A_362 = arith.constant 2 : i32
      %add3A_363 = arith.addi %mul3A_361, %add3A_362 : i32
      %mul3A_364 = arith.constant 40 : i32
      %mul3A_365 = arith.muli %add3A_363, %mul3A_364 : i32
      %add3A_366 = arith.addi %mul3A_2, %mul3A_365 : i32
      %dma_start3A_367 = arith.constant 1 : i32
      %dma_start3A_368 = arith.constant 1 : i32
      %dma_start3A_369 = arith.constant 2 : i32
      %dma_start3A_370 = arith.constant 0 : i32
      %dma_start3A_371 = tpu.memref_slice %arg7[%dma_start3A_368, %dma_start3A_369, %dma_start3A_370] : memref<2x5x40xi32, #tpu.memory_space<vmem>> -> memref<1x1x40xi32, #tpu.memory_space<vmem>>
      %dma_start3A_372 = tpu.memref_squeeze %dma_start3A_371 : memref<1x1x40xi32, #tpu.memory_space<vmem>> -> memref<40xi32, #tpu.memory_space<vmem>>
      %dma_start3A_373 = tpu.memref_slice %arg3[%dma_start3A_367, %add3A_366] : memref<2x320000xi32, #tpu.memory_space<hbm>> -> memref<1x40xi32, #tpu.memory_space<hbm>>
      %dma_start3A_374 = tpu.memref_squeeze %dma_start3A_373 : memref<1x40xi32, #tpu.memory_space<hbm>> -> memref<40xi32, #tpu.memory_space<hbm>>
      %dma_start3A_375 = arith.constant 0 : i32
      %dma_start3A_376 = tpu.memref_slice %arg7[%dma_start3A_368, %dma_start3A_369, %dma_start3A_375] : memref<2x5x40xi32, #tpu.memory_space<vmem>> -> memref<1x1x40xi32, #tpu.memory_space<vmem>>
      %dma_start3A_377 = tpu.memref_squeeze %dma_start3A_376 : memref<1x1x40xi32, #tpu.memory_space<vmem>> -> memref<40xi32, #tpu.memory_space<vmem>>
      %dma_start3A_378 = tpu.memref_slice %arg3[%dma_start3A_367, %add3A_366] : memref<2x320000xi32, #tpu.memory_space<hbm>> -> memref<1x40xi32, #tpu.memory_space<hbm>>
      %dma_start3A_379 = tpu.memref_squeeze %dma_start3A_378 : memref<1x40xi32, #tpu.memory_space<hbm>> -> memref<40xi32, #tpu.memory_space<hbm>>
      tpu.enqueue_dma source(%dma_start3A_379 : memref<40xi32, #tpu.memory_space<hbm>>) target(%dma_start3A_377 : memref<40xi32, #tpu.memory_space<vmem>>) target_semaphore(%arg12 : memref<!tpu.dma_semaphore, #tpu.memory_space<semaphore_mem>>)
      %mul3A_380 = arith.constant 5 : i32
      %mul3A_381 = arith.muli %add3A_319, %mul3A_380 : i32
      %add3A_382 = arith.constant 3 : i32
      %add3A_383 = arith.addi %mul3A_381, %add3A_382 : i32
      %mul3A_384 = arith.constant 40 : i32
      %mul3A_385 = arith.muli %add3A_383, %mul3A_384 : i32
      %add3A_386 = arith.addi %mul3A_2, %mul3A_385 : i32
      %dma_start3A_387 = arith.constant 1 : i32
      %dma_start3A_388 = arith.constant 1 : i32
      %dma_start3A_389 = arith.constant 3 : i32
      %dma_start3A_390 = arith.constant 0 : i32
      %dma_start3A_391 = tpu.memref_slice %arg7[%dma_start3A_388, %dma_start3A_389, %dma_start3A_390] : memref<2x5x40xi32, #tpu.memory_space<vmem>> -> memref<1x1x40xi32, #tpu.memory_space<vmem>>
      %dma_start3A_392 = tpu.memref_squeeze %dma_start3A_391 : memref<1x1x40xi32, #tpu.memory_space<vmem>> -> memref<40xi32, #tpu.memory_space<vmem>>
      %dma_start3A_393 = tpu.memref_slice %arg3[%dma_start3A_387, %add3A_386] : memref<2x320000xi32, #tpu.memory_space<hbm>> -> memref<1x40xi32, #tpu.memory_space<hbm>>
      %dma_start3A_394 = tpu.memref_squeeze %dma_start3A_393 : memref<1x40xi32, #tpu.memory_space<hbm>> -> memref<40xi32, #tpu.memory_space<hbm>>
      %dma_start3A_395 = arith.constant 0 : i32
      %dma_start3A_396 = tpu.memref_slice %arg7[%dma_start3A_388, %dma_start3A_389, %dma_start3A_395] : memref<2x5x40xi32, #tpu.memory_space<vmem>> -> memref<1x1x40xi32, #tpu.memory_space<vmem>>
      %dma_start3A_397 = tpu.memref_squeeze %dma_start3A_396 : memref<1x1x40xi32, #tpu.memory_space<vmem>> -> memref<40xi32, #tpu.memory_space<vmem>>
      %dma_start3A_398 = tpu.memref_slice %arg3[%dma_start3A_387, %add3A_386] : memref<2x320000xi32, #tpu.memory_space<hbm>> -> memref<1x40xi32, #tpu.memory_space<hbm>>
      %dma_start3A_399 = tpu.memref_squeeze %dma_start3A_398 : memref<1x40xi32, #tpu.memory_space<hbm>> -> memref<40xi32, #tpu.memory_space<hbm>>
      tpu.enqueue_dma source(%dma_start3A_399 : memref<40xi32, #tpu.memory_space<hbm>>) target(%dma_start3A_397 : memref<40xi32, #tpu.memory_space<vmem>>) target_semaphore(%arg12 : memref<!tpu.dma_semaphore, #tpu.memory_space<semaphore_mem>>)
      %mul3A_400 = arith.constant 5 : i32
      %mul3A_401 = arith.muli %add3A_319, %mul3A_400 : i32
      %add3A_402 = arith.constant 4 : i32
      %add3A_403 = arith.addi %mul3A_401, %add3A_402 : i32
      %mul3A_404 = arith.constant 40 : i32
      %mul3A_405 = arith.muli %add3A_403, %mul3A_404 : i32
      %add3A_406 = arith.addi %mul3A_2, %mul3A_405 : i32
      %dma_start3A_407 = arith.constant 1 : i32
      %dma_start3A_408 = arith.constant 1 : i32
      %dma_start3A_409 = arith.constant 4 : i32
      %dma_start3A_410 = arith.constant 0 : i32
      %dma_start3A_411 = tpu.memref_slice %arg7[%dma_start3A_408, %dma_start3A_409, %dma_start3A_410] : memref<2x5x40xi32, #tpu.memory_space<vmem>> -> memref<1x1x40xi32, #tpu.memory_space<vmem>>
      %dma_start3A_412 = tpu.memref_squeeze %dma_start3A_411 : memref<1x1x40xi32, #tpu.memory_space<vmem>> -> memref<40xi32, #tpu.memory_space<vmem>>
      %dma_start3A_413 = tpu.memref_slice %arg3[%dma_start3A_407, %add3A_406] : memref<2x320000xi32, #tpu.memory_space<hbm>> -> memref<1x40xi32, #tpu.memory_space<hbm>>
      %dma_start3A_414 = tpu.memref_squeeze %dma_start3A_413 : memref<1x40xi32, #tpu.memory_space<hbm>> -> memref<40xi32, #tpu.memory_space<hbm>>
      %dma_start3A_415 = arith.constant 0 : i32
      %dma_start3A_416 = tpu.memref_slice %arg7[%dma_start3A_408, %dma_start3A_409, %dma_start3A_415] : memref<2x5x40xi32, #tpu.memory_space<vmem>> -> memref<1x1x40xi32, #tpu.memory_space<vmem>>
      %dma_start3A_417 = tpu.memref_squeeze %dma_start3A_416 : memref<1x1x40xi32, #tpu.memory_space<vmem>> -> memref<40xi32, #tpu.memory_space<vmem>>
      %dma_start3A_418 = tpu.memref_slice %arg3[%dma_start3A_407, %add3A_406] : memref<2x320000xi32, #tpu.memory_space<hbm>> -> memref<1x40xi32, #tpu.memory_space<hbm>>
      %dma_start3A_419 = tpu.memref_squeeze %dma_start3A_418 : memref<1x40xi32, #tpu.memory_space<hbm>> -> memref<40xi32, #tpu.memory_space<hbm>>
      tpu.enqueue_dma source(%dma_start3A_419 : memref<40xi32, #tpu.memory_space<hbm>>) target(%dma_start3A_417 : memref<40xi32, #tpu.memory_space<vmem>>) target_semaphore(%arg12 : memref<!tpu.dma_semaphore, #tpu.memory_space<semaphore_mem>>)
      %mul3A_420 = arith.constant 5 : i32
      %mul3A_421 = arith.muli %add3A_319, %mul3A_420 : i32
      %add3A_422 = arith.constant 0 : i32
      %add3A_423 = arith.addi %mul3A_421, %add3A_422 : i32
      %mul3A_424 = arith.constant 40 : i32
      %mul3A_425 = arith.muli %add3A_423, %mul3A_424 : i32
      %dma_start3A_426 = arith.constant 1 : i32
      %dma_start3A_427 = arith.constant 0 : i32
      %dma_start3A_428 = arith.constant 0 : i32
      %dma_start3A_429 = arith.constant 0 : i32
      %dma_start3A_430 = tpu.memref_slice %arg8[%dma_start3A_426, %dma_start3A_427, %dma_start3A_428, %dma_start3A_429] : memref<2x5x40x64xf32, #tpu.memory_space<vmem>> -> memref<1x1x40x64xf32, #tpu.memory_space<vmem>>
      %dma_start3A_431 = tpu.memref_squeeze %dma_start3A_430 : memref<1x1x40x64xf32, #tpu.memory_space<vmem>> -> memref<40x64xf32, #tpu.memory_space<vmem>>
      %dma_start3A_432 = tpu.memref_slice %arg6[%mul3A_425] : memref<10000xi32, #tpu.memory_space<vmem>> -> memref<40xi32, #tpu.memory_space<vmem>>
      %dma_start3A_433 = arith.constant 0 : i32
      %dma_start3A_434 = arith.constant 0 : i32
      %dma_start3A_435 = tpu.memref_slice %arg2[%dma_start3A_433, %dma_start3A_434] : memref<10000x64xf32, #tpu.memory_space<hbm>> -> memref<10000x64xf32, #tpu.memory_space<hbm>>
      tpu.enqueue_indirect_dma source(%dma_start3A_435 : memref<10000x64xf32, #tpu.memory_space<hbm>>) target(%dma_start3A_431 : memref<40x64xf32, #tpu.memory_space<vmem>>) offsets(%dma_start3A_432 : memref<40xi32, #tpu.memory_space<vmem>>) semaphore(%arg10 : memref<!tpu.dma_semaphore, #tpu.memory_space<semaphore_mem>>)
      %mul3A_436 = arith.constant 5 : i32
      %mul3A_437 = arith.muli %add3A_319, %mul3A_436 : i32
      %add3A_438 = arith.constant 1 : i32
      %add3A_439 = arith.addi %mul3A_437, %add3A_438 : i32
      %mul3A_440 = arith.constant 40 : i32
      %mul3A_441 = arith.muli %add3A_439, %mul3A_440 : i32
      %dma_start3A_442 = arith.constant 1 : i32
      %dma_start3A_443 = arith.constant 1 : i32
      %dma_start3A_444 = arith.constant 0 : i32
      %dma_start3A_445 = arith.constant 0 : i32
      %dma_start3A_446 = tpu.memref_slice %arg8[%dma_start3A_442, %dma_start3A_443, %dma_start3A_444, %dma_start3A_445] : memref<2x5x40x64xf32, #tpu.memory_space<vmem>> -> memref<1x1x40x64xf32, #tpu.memory_space<vmem>>
      %dma_start3A_447 = tpu.memref_squeeze %dma_start3A_446 : memref<1x1x40x64xf32, #tpu.memory_space<vmem>> -> memref<40x64xf32, #tpu.memory_space<vmem>>
      %dma_start3A_448 = tpu.memref_slice %arg6[%mul3A_441] : memref<10000xi32, #tpu.memory_space<vmem>> -> memref<40xi32, #tpu.memory_space<vmem>>
      %dma_start3A_449 = arith.constant 0 : i32
      %dma_start3A_450 = arith.constant 0 : i32
      %dma_start3A_451 = tpu.memref_slice %arg2[%dma_start3A_449, %dma_start3A_450] : memref<10000x64xf32, #tpu.memory_space<hbm>> -> memref<10000x64xf32, #tpu.memory_space<hbm>>
      tpu.enqueue_indirect_dma source(%dma_start3A_451 : memref<10000x64xf32, #tpu.memory_space<hbm>>) target(%dma_start3A_447 : memref<40x64xf32, #tpu.memory_space<vmem>>) offsets(%dma_start3A_448 : memref<40xi32, #tpu.memory_space<vmem>>) semaphore(%arg10 : memref<!tpu.dma_semaphore, #tpu.memory_space<semaphore_mem>>)
      %mul3A_452 = arith.constant 5 : i32
      %mul3A_453 = arith.muli %add3A_319, %mul3A_452 : i32
      %add3A_454 = arith.constant 2 : i32
      %add3A_455 = arith.addi %mul3A_453, %add3A_454 : i32
      %mul3A_456 = arith.constant 40 : i32
      %mul3A_457 = arith.muli %add3A_455, %mul3A_456 : i32
      %dma_start3A_458 = arith.constant 1 : i32
      %dma_start3A_459 = arith.constant 2 : i32
      %dma_start3A_460 = arith.constant 0 : i32
      %dma_start3A_461 = arith.constant 0 : i32
      %dma_start3A_462 = tpu.memref_slice %arg8[%dma_start3A_458, %dma_start3A_459, %dma_start3A_460, %dma_start3A_461] : memref<2x5x40x64xf32, #tpu.memory_space<vmem>> -> memref<1x1x40x64xf32, #tpu.memory_space<vmem>>
      %dma_start3A_463 = tpu.memref_squeeze %dma_start3A_462 : memref<1x1x40x64xf32, #tpu.memory_space<vmem>> -> memref<40x64xf32, #tpu.memory_space<vmem>>
      %dma_start3A_464 = tpu.memref_slice %arg6[%mul3A_457] : memref<10000xi32, #tpu.memory_space<vmem>> -> memref<40xi32, #tpu.memory_space<vmem>>
      %dma_start3A_465 = arith.constant 0 : i32
      %dma_start3A_466 = arith.constant 0 : i32
      %dma_start3A_467 = tpu.memref_slice %arg2[%dma_start3A_465, %dma_start3A_466] : memref<10000x64xf32, #tpu.memory_space<hbm>> -> memref<10000x64xf32, #tpu.memory_space<hbm>>
      tpu.enqueue_indirect_dma source(%dma_start3A_467 : memref<10000x64xf32, #tpu.memory_space<hbm>>) target(%dma_start3A_463 : memref<40x64xf32, #tpu.memory_space<vmem>>) offsets(%dma_start3A_464 : memref<40xi32, #tpu.memory_space<vmem>>) semaphore(%arg10 : memref<!tpu.dma_semaphore, #tpu.memory_space<semaphore_mem>>)
      %mul3A_468 = arith.constant 5 : i32
      %mul3A_469 = arith.muli %add3A_319, %mul3A_468 : i32
      %add3A_470 = arith.constant 3 : i32
      %add3A_471 = arith.addi %mul3A_469, %add3A_470 : i32
      %mul3A_472 = arith.constant 40 : i32
      %mul3A_473 = arith.muli %add3A_471, %mul3A_472 : i32
      %dma_start3A_474 = arith.constant 1 : i32
      %dma_start3A_475 = arith.constant 3 : i32
      %dma_start3A_476 = arith.constant 0 : i32
      %dma_start3A_477 = arith.constant 0 : i32
      %dma_start3A_478 = tpu.memref_slice %arg8[%dma_start3A_474, %dma_start3A_475, %dma_start3A_476, %dma_start3A_477] : memref<2x5x40x64xf32, #tpu.memory_space<vmem>> -> memref<1x1x40x64xf32, #tpu.memory_space<vmem>>
      %dma_start3A_479 = tpu.memref_squeeze %dma_start3A_478 : memref<1x1x40x64xf32, #tpu.memory_space<vmem>> -> memref<40x64xf32, #tpu.memory_space<vmem>>
      %dma_start3A_480 = tpu.memref_slice %arg6[%mul3A_473] : memref<10000xi32, #tpu.memory_space<vmem>> -> memref<40xi32, #tpu.memory_space<vmem>>
      %dma_start3A_481 = arith.constant 0 : i32
      %dma_start3A_482 = arith.constant 0 : i32
      %dma_start3A_483 = tpu.memref_slice %arg2[%dma_start3A_481, %dma_start3A_482] : memref<10000x64xf32, #tpu.memory_space<hbm>> -> memref<10000x64xf32, #tpu.memory_space<hbm>>
      tpu.enqueue_indirect_dma source(%dma_start3A_483 : memref<10000x64xf32, #tpu.memory_space<hbm>>) target(%dma_start3A_479 : memref<40x64xf32, #tpu.memory_space<vmem>>) offsets(%dma_start3A_480 : memref<40xi32, #tpu.memory_space<vmem>>) semaphore(%arg10 : memref<!tpu.dma_semaphore, #tpu.memory_space<semaphore_mem>>)
      %mul3A_484 = arith.constant 5 : i32
      %mul3A_485 = arith.muli %add3A_319, %mul3A_484 : i32
      %add3A_486 = arith.constant 4 : i32
      %add3A_487 = arith.addi %mul3A_485, %add3A_486 : i32
      %mul3A_488 = arith.constant 40 : i32
      %mul3A_489 = arith.muli %add3A_487, %mul3A_488 : i32
      %dma_start3A_490 = arith.constant 1 : i32
      %dma_start3A_491 = arith.constant 4 : i32
      %dma_start3A_492 = arith.constant 0 : i32
      %dma_start3A_493 = arith.constant 0 : i32
      %dma_start3A_494 = tpu.memref_slice %arg8[%dma_start3A_490, %dma_start3A_491, %dma_start3A_492, %dma_start3A_493] : memref<2x5x40x64xf32, #tpu.memory_space<vmem>> -> memref<1x1x40x64xf32, #tpu.memory_space<vmem>>
      %dma_start3A_495 = tpu.memref_squeeze %dma_start3A_494 : memref<1x1x40x64xf32, #tpu.memory_space<vmem>> -> memref<40x64xf32, #tpu.memory_space<vmem>>
      %dma_start3A_496 = tpu.memref_slice %arg6[%mul3A_489] : memref<10000xi32, #tpu.memory_space<vmem>> -> memref<40xi32, #tpu.memory_space<vmem>>
      %dma_start3A_497 = arith.constant 0 : i32
      %dma_start3A_498 = arith.constant 0 : i32
      %dma_start3A_499 = tpu.memref_slice %arg2[%dma_start3A_497, %dma_start3A_498] : memref<10000x64xf32, #tpu.memory_space<hbm>> -> memref<10000x64xf32, #tpu.memory_space<hbm>>
      tpu.enqueue_indirect_dma source(%dma_start3A_499 : memref<10000x64xf32, #tpu.memory_space<hbm>>) target(%dma_start3A_495 : memref<40x64xf32, #tpu.memory_space<vmem>>) offsets(%dma_start3A_496 : memref<40xi32, #tpu.memory_space<vmem>>) semaphore(%arg10 : memref<!tpu.dma_semaphore, #tpu.memory_space<semaphore_mem>>)
      %add3A_500 = arith.constant 1 : i32
      %add3A_501 = arith.addi %add3A_159, %add3A_500 : i32
      %dma_wait3A_502 = arith.constant 1 : i32
      %dma_wait3A_503 = arith.constant 0 : i32
      %dma_wait3A_504 = arith.constant 0 : i32
      %dma_wait3A_505 = arith.constant 0 : i32
      %dma_wait3A_506 = tpu.memref_slice %arg8[%dma_wait3A_502, %dma_wait3A_503, %dma_wait3A_504, %dma_wait3A_505] : memref<2x5x40x64xf32, #tpu.memory_space<vmem>> -> memref<1x5x40x64xf32, #tpu.memory_space<vmem>>
      %dma_wait3A_507 = tpu.memref_squeeze %dma_wait3A_506 : memref<1x5x40x64xf32, #tpu.memory_space<vmem>> -> memref<5x40x64xf32, #tpu.memory_space<vmem>>
      %dma_wait3A_508 = arith.constant 0 : i32
      %dma_wait3A_509 = arith.constant 0 : i32
      %dma_wait3A_510 = arith.constant 0 : i32
      %dma_wait3A_511 = tpu.memref_slice %arg8[%dma_wait3A_502, %dma_wait3A_508, %dma_wait3A_509, %dma_wait3A_510] : memref<2x5x40x64xf32, #tpu.memory_space<vmem>> -> memref<1x5x40x64xf32, #tpu.memory_space<vmem>>
      %dma_wait3A_512 = tpu.memref_squeeze %dma_wait3A_511 : memref<1x5x40x64xf32, #tpu.memory_space<vmem>> -> memref<5x40x64xf32, #tpu.memory_space<vmem>>
      tpu.wait_dma2 semaphore(%arg10 : memref<!tpu.dma_semaphore, #tpu.memory_space<semaphore_mem>>) src(%arg4 : memref<5x40x64xf32, #tpu.memory_space<hbm>>) dst(%dma_wait3A_512 : memref<5x40x64xf32, #tpu.memory_space<vmem>>)
      %dma_wait3A_513 = arith.constant 1 : i32
      %dma_wait3A_514 = arith.constant 1 : i32
      %dma_wait3A_515 = arith.constant 0 : i32
      %dma_wait3A_516 = arith.constant 0 : i32
      %dma_wait3A_517 = tpu.memref_slice %arg7[%dma_wait3A_514, %dma_wait3A_515, %dma_wait3A_516] : memref<2x5x40xi32, #tpu.memory_space<vmem>> -> memref<1x1x40xi32, #tpu.memory_space<vmem>>
      %dma_wait3A_518 = tpu.memref_squeeze %dma_wait3A_517 : memref<1x1x40xi32, #tpu.memory_space<vmem>> -> memref<40xi32, #tpu.memory_space<vmem>>
      %dma_wait3A_519 = arith.constant 0 : i32
      %dma_wait3A_520 = tpu.memref_slice %arg3[%dma_wait3A_513, %dma_wait3A_519] : memref<2x320000xi32, #tpu.memory_space<hbm>> -> memref<1x40xi32, #tpu.memory_space<hbm>>
      %dma_wait3A_521 = tpu.memref_squeeze %dma_wait3A_520 : memref<1x40xi32, #tpu.memory_space<hbm>> -> memref<40xi32, #tpu.memory_space<hbm>>
      %dma_wait3A_522 = arith.constant 0 : i32
      %dma_wait3A_523 = tpu.memref_slice %arg7[%dma_wait3A_514, %dma_wait3A_515, %dma_wait3A_522] : memref<2x5x40xi32, #tpu.memory_space<vmem>> -> memref<1x1x40xi32, #tpu.memory_space<vmem>>
      %dma_wait3A_524 = tpu.memref_squeeze %dma_wait3A_523 : memref<1x1x40xi32, #tpu.memory_space<vmem>> -> memref<40xi32, #tpu.memory_space<vmem>>
      %dma_wait3A_525 = arith.constant 0 : i32
      %dma_wait3A_526 = tpu.memref_slice %arg3[%dma_wait3A_513, %dma_wait3A_525] : memref<2x320000xi32, #tpu.memory_space<hbm>> -> memref<1x40xi32, #tpu.memory_space<hbm>>
      %dma_wait3A_527 = tpu.memref_squeeze %dma_wait3A_526 : memref<1x40xi32, #tpu.memory_space<hbm>> -> memref<40xi32, #tpu.memory_space<hbm>>
      tpu.wait_dma2 semaphore(%arg12 : memref<!tpu.dma_semaphore, #tpu.memory_space<semaphore_mem>>) src(%dma_wait3A_527 : memref<40xi32, #tpu.memory_space<hbm>>) dst(%dma_wait3A_524 : memref<40xi32, #tpu.memory_space<vmem>>)
      %dma_wait3A_528 = arith.constant 1 : i32
      %dma_wait3A_529 = arith.constant 1 : i32
      %dma_wait3A_530 = arith.constant 1 : i32
      %dma_wait3A_531 = arith.constant 0 : i32
      %dma_wait3A_532 = tpu.memref_slice %arg7[%dma_wait3A_529, %dma_wait3A_530, %dma_wait3A_531] : memref<2x5x40xi32, #tpu.memory_space<vmem>> -> memref<1x1x40xi32, #tpu.memory_space<vmem>>
      %dma_wait3A_533 = tpu.memref_squeeze %dma_wait3A_532 : memref<1x1x40xi32, #tpu.memory_space<vmem>> -> memref<40xi32, #tpu.memory_space<vmem>>
      %dma_wait3A_534 = arith.constant 0 : i32
      %dma_wait3A_535 = tpu.memref_slice %arg3[%dma_wait3A_528, %dma_wait3A_534] : memref<2x320000xi32, #tpu.memory_space<hbm>> -> memref<1x40xi32, #tpu.memory_space<hbm>>
      %dma_wait3A_536 = tpu.memref_squeeze %dma_wait3A_535 : memref<1x40xi32, #tpu.memory_space<hbm>> -> memref<40xi32, #tpu.memory_space<hbm>>
      %dma_wait3A_537 = arith.constant 0 : i32
      %dma_wait3A_538 = tpu.memref_slice %arg7[%dma_wait3A_529, %dma_wait3A_530, %dma_wait3A_537] : memref<2x5x40xi32, #tpu.memory_space<vmem>> -> memref<1x1x40xi32, #tpu.memory_space<vmem>>
      %dma_wait3A_539 = tpu.memref_squeeze %dma_wait3A_538 : memref<1x1x40xi32, #tpu.memory_space<vmem>> -> memref<40xi32, #tpu.memory_space<vmem>>
      %dma_wait3A_540 = arith.constant 0 : i32
      %dma_wait3A_541 = tpu.memref_slice %arg3[%dma_wait3A_528, %dma_wait3A_540] : memref<2x320000xi32, #tpu.memory_space<hbm>> -> memref<1x40xi32, #tpu.memory_space<hbm>>
      %dma_wait3A_542 = tpu.memref_squeeze %dma_wait3A_541 : memref<1x40xi32, #tpu.memory_space<hbm>> -> memref<40xi32, #tpu.memory_space<hbm>>
      tpu.wait_dma2 semaphore(%arg12 : memref<!tpu.dma_semaphore, #tpu.memory_space<semaphore_mem>>) src(%dma_wait3A_542 : memref<40xi32, #tpu.memory_space<hbm>>) dst(%dma_wait3A_539 : memref<40xi32, #tpu.memory_space<vmem>>)
      %dma_wait3A_543 = arith.constant 1 : i32
      %dma_wait3A_544 = arith.constant 1 : i32
      %dma_wait3A_545 = arith.constant 2 : i32
      %dma_wait3A_546 = arith.constant 0 : i32
      %dma_wait3A_547 = tpu.memref_slice %arg7[%dma_wait3A_544, %dma_wait3A_545, %dma_wait3A_546] : memref<2x5x40xi32, #tpu.memory_space<vmem>> -> memref<1x1x40xi32, #tpu.memory_space<vmem>>
      %dma_wait3A_548 = tpu.memref_squeeze %dma_wait3A_547 : memref<1x1x40xi32, #tpu.memory_space<vmem>> -> memref<40xi32, #tpu.memory_space<vmem>>
      %dma_wait3A_549 = arith.constant 0 : i32
      %dma_wait3A_550 = tpu.memref_slice %arg3[%dma_wait3A_543, %dma_wait3A_549] : memref<2x320000xi32, #tpu.memory_space<hbm>> -> memref<1x40xi32, #tpu.memory_space<hbm>>
      %dma_wait3A_551 = tpu.memref_squeeze %dma_wait3A_550 : memref<1x40xi32, #tpu.memory_space<hbm>> -> memref<40xi32, #tpu.memory_space<hbm>>
      %dma_wait3A_552 = arith.constant 0 : i32
      %dma_wait3A_553 = tpu.memref_slice %arg7[%dma_wait3A_544, %dma_wait3A_545, %dma_wait3A_552] : memref<2x5x40xi32, #tpu.memory_space<vmem>> -> memref<1x1x40xi32, #tpu.memory_space<vmem>>
      %dma_wait3A_554 = tpu.memref_squeeze %dma_wait3A_553 : memref<1x1x40xi32, #tpu.memory_space<vmem>> -> memref<40xi32, #tpu.memory_space<vmem>>
      %dma_wait3A_555 = arith.constant 0 : i32
      %dma_wait3A_556 = tpu.memref_slice %arg3[%dma_wait3A_543, %dma_wait3A_555] : memref<2x320000xi32, #tpu.memory_space<hbm>> -> memref<1x40xi32, #tpu.memory_space<hbm>>
      %dma_wait3A_557 = tpu.memref_squeeze %dma_wait3A_556 : memref<1x40xi32, #tpu.memory_space<hbm>> -> memref<40xi32, #tpu.memory_space<hbm>>
      tpu.wait_dma2 semaphore(%arg12 : memref<!tpu.dma_semaphore, #tpu.memory_space<semaphore_mem>>) src(%dma_wait3A_557 : memref<40xi32, #tpu.memory_space<hbm>>) dst(%dma_wait3A_554 : memref<40xi32, #tpu.memory_space<vmem>>)
      %dma_wait3A_558 = arith.constant 1 : i32
      %dma_wait3A_559 = arith.constant 1 : i32
      %dma_wait3A_560 = arith.constant 3 : i32
      %dma_wait3A_561 = arith.constant 0 : i32
      %dma_wait3A_562 = tpu.memref_slice %arg7[%dma_wait3A_559, %dma_wait3A_560, %dma_wait3A_561] : memref<2x5x40xi32, #tpu.memory_space<vmem>> -> memref<1x1x40xi32, #tpu.memory_space<vmem>>
      %dma_wait3A_563 = tpu.memref_squeeze %dma_wait3A_562 : memref<1x1x40xi32, #tpu.memory_space<vmem>> -> memref<40xi32, #tpu.memory_space<vmem>>
      %dma_wait3A_564 = arith.constant 0 : i32
      %dma_wait3A_565 = tpu.memref_slice %arg3[%dma_wait3A_558, %dma_wait3A_564] : memref<2x320000xi32, #tpu.memory_space<hbm>> -> memref<1x40xi32, #tpu.memory_space<hbm>>
      %dma_wait3A_566 = tpu.memref_squeeze %dma_wait3A_565 : memref<1x40xi32, #tpu.memory_space<hbm>> -> memref<40xi32, #tpu.memory_space<hbm>>
      %dma_wait3A_567 = arith.constant 0 : i32
      %dma_wait3A_568 = tpu.memref_slice %arg7[%dma_wait3A_559, %dma_wait3A_560, %dma_wait3A_567] : memref<2x5x40xi32, #tpu.memory_space<vmem>> -> memref<1x1x40xi32, #tpu.memory_space<vmem>>
      %dma_wait3A_569 = tpu.memref_squeeze %dma_wait3A_568 : memref<1x1x40xi32, #tpu.memory_space<vmem>> -> memref<40xi32, #tpu.memory_space<vmem>>
      %dma_wait3A_570 = arith.constant 0 : i32
      %dma_wait3A_571 = tpu.memref_slice %arg3[%dma_wait3A_558, %dma_wait3A_570] : memref<2x320000xi32, #tpu.memory_space<hbm>> -> memref<1x40xi32, #tpu.memory_space<hbm>>
      %dma_wait3A_572 = tpu.memref_squeeze %dma_wait3A_571 : memref<1x40xi32, #tpu.memory_space<hbm>> -> memref<40xi32, #tpu.memory_space<hbm>>
      tpu.wait_dma2 semaphore(%arg12 : memref<!tpu.dma_semaphore, #tpu.memory_space<semaphore_mem>>) src(%dma_wait3A_572 : memref<40xi32, #tpu.memory_space<hbm>>) dst(%dma_wait3A_569 : memref<40xi32, #tpu.memory_space<vmem>>)
      %dma_wait3A_573 = arith.constant 1 : i32
      %dma_wait3A_574 = arith.constant 1 : i32
      %dma_wait3A_575 = arith.constant 4 : i32
      %dma_wait3A_576 = arith.constant 0 : i32
      %dma_wait3A_577 = tpu.memref_slice %arg7[%dma_wait3A_574, %dma_wait3A_575, %dma_wait3A_576] : memref<2x5x40xi32, #tpu.memory_space<vmem>> -> memref<1x1x40xi32, #tpu.memory_space<vmem>>
      %dma_wait3A_578 = tpu.memref_squeeze %dma_wait3A_577 : memref<1x1x40xi32, #tpu.memory_space<vmem>> -> memref<40xi32, #tpu.memory_space<vmem>>
      %dma_wait3A_579 = arith.constant 0 : i32
      %dma_wait3A_580 = tpu.memref_slice %arg3[%dma_wait3A_573, %dma_wait3A_579] : memref<2x320000xi32, #tpu.memory_space<hbm>> -> memref<1x40xi32, #tpu.memory_space<hbm>>
      %dma_wait3A_581 = tpu.memref_squeeze %dma_wait3A_580 : memref<1x40xi32, #tpu.memory_space<hbm>> -> memref<40xi32, #tpu.memory_space<hbm>>
      %dma_wait3A_582 = arith.constant 0 : i32
      %dma_wait3A_583 = tpu.memref_slice %arg7[%dma_wait3A_574, %dma_wait3A_575, %dma_wait3A_582] : memref<2x5x40xi32, #tpu.memory_space<vmem>> -> memref<1x1x40xi32, #tpu.memory_space<vmem>>
      %dma_wait3A_584 = tpu.memref_squeeze %dma_wait3A_583 : memref<1x1x40xi32, #tpu.memory_space<vmem>> -> memref<40xi32, #tpu.memory_space<vmem>>
      %dma_wait3A_585 = arith.constant 0 : i32
      %dma_wait3A_586 = tpu.memref_slice %arg3[%dma_wait3A_573, %dma_wait3A_585] : memref<2x320000xi32, #tpu.memory_space<hbm>> -> memref<1x40xi32, #tpu.memory_space<hbm>>
      %dma_wait3A_587 = tpu.memref_squeeze %dma_wait3A_586 : memref<1x40xi32, #tpu.memory_space<hbm>> -> memref<40xi32, #tpu.memory_space<hbm>>
      tpu.wait_dma2 semaphore(%arg12 : memref<!tpu.dma_semaphore, #tpu.memory_space<semaphore_mem>>) src(%dma_wait3A_587 : memref<40xi32, #tpu.memory_space<hbm>>) dst(%dma_wait3A_584 : memref<40xi32, #tpu.memory_space<vmem>>)
      %dma_wait3A_588 = arith.constant 0 : i32
      %dma_wait3A_589 = arith.constant 0 : i32
      %dma_wait3A_590 = arith.constant 0 : i32
      %dma_wait3A_591 = arith.constant 0 : i32
      %dma_wait3A_592 = tpu.memref_slice %arg8[%dma_wait3A_588, %dma_wait3A_589, %dma_wait3A_590, %dma_wait3A_591] : memref<2x5x40x64xf32, #tpu.memory_space<vmem>> -> memref<1x5x40x64xf32, #tpu.memory_space<vmem>>
      %dma_wait3A_593 = tpu.memref_squeeze %dma_wait3A_592 : memref<1x5x40x64xf32, #tpu.memory_space<vmem>> -> memref<5x40x64xf32, #tpu.memory_space<vmem>>
      %dma_wait3A_594 = arith.constant 0 : i32
      %dma_wait3A_595 = arith.constant 0 : i32
      %dma_wait3A_596 = arith.constant 0 : i32
      %dma_wait3A_597 = tpu.memref_slice %arg8[%dma_wait3A_588, %dma_wait3A_594, %dma_wait3A_595, %dma_wait3A_596] : memref<2x5x40x64xf32, #tpu.memory_space<vmem>> -> memref<1x5x40x64xf32, #tpu.memory_space<vmem>>
      %dma_wait3A_598 = tpu.memref_squeeze %dma_wait3A_597 : memref<1x5x40x64xf32, #tpu.memory_space<vmem>> -> memref<5x40x64xf32, #tpu.memory_space<vmem>>
      tpu.wait_dma2 semaphore(%arg11 : memref<!tpu.dma_semaphore, #tpu.memory_space<semaphore_mem>>) src(%arg4 : memref<5x40x64xf32, #tpu.memory_space<hbm>>) dst(%dma_wait3A_598 : memref<5x40x64xf32, #tpu.memory_space<vmem>>)
      %add3A_599 = arith.constant 1 : i32
      %add3A_600 = arith.addi %add3A_159, %add3A_599 : i32
      %dma_start3A_601 = arith.constant 1 : i32
      %dma_start3A_602 = arith.constant 0 : i32
      %dma_start3A_603 = arith.constant 1 : i32
      %dma_start3A_604 = arith.constant 0 : i32
      %dma_start3A_605 = arith.constant 0 : i32
      %dma_start3A_606 = arith.constant 0 : i32
      %dma_start3A_607 = tpu.memref_slice %arg8[%dma_start3A_601, %dma_start3A_602, %dma_start3A_605, %dma_start3A_606] : memref<2x5x40x64xf32, #tpu.memory_space<vmem>> -> memref<1x1x40x64xf32, #tpu.memory_space<vmem>>
      %dma_start3A_608 = tpu.memref_squeeze %dma_start3A_607 : memref<1x1x40x64xf32, #tpu.memory_space<vmem>> -> memref<40x64xf32, #tpu.memory_space<vmem>>
      %dma_start3A_609 = arith.constant 0 : i32
      %dma_start3A_610 = tpu.memref_slice %arg7[%dma_start3A_603, %dma_start3A_604, %dma_start3A_609] : memref<2x5x40xi32, #tpu.memory_space<vmem>> -> memref<1x1x40xi32, #tpu.memory_space<vmem>>
      %dma_start3A_611 = tpu.memref_squeeze %dma_start3A_610 : memref<1x1x40xi32, #tpu.memory_space<vmem>> -> memref<40xi32, #tpu.memory_space<vmem>>
      %dma_start3A_612 = arith.constant 0 : i32
      %dma_start3A_613 = arith.constant 0 : i32
      %dma_start3A_614 = tpu.memref_slice %arg9[%dma_start3A_612, %dma_start3A_613] : memref<10000x64xf32, #tpu.memory_space<vmem_shared>> -> memref<10000x64xf32, #tpu.memory_space<vmem_shared>>
      tpu.enqueue_indirect_dma source(%dma_start3A_608 : memref<40x64xf32, #tpu.memory_space<vmem>>) target(%dma_start3A_614 : memref<10000x64xf32, #tpu.memory_space<vmem_shared>>) offsets(%dma_start3A_611 : memref<40xi32, #tpu.memory_space<vmem>>) semaphore(%arg11 : memref<!tpu.dma_semaphore, #tpu.memory_space<semaphore_mem>>) {add = true}
      %dma_start3A_615 = arith.constant 1 : i32
      %dma_start3A_616 = arith.constant 1 : i32
      %dma_start3A_617 = arith.constant 1 : i32
      %dma_start3A_618 = arith.constant 1 : i32
      %dma_start3A_619 = arith.constant 0 : i32
      %dma_start3A_620 = arith.constant 0 : i32
      %dma_start3A_621 = tpu.memref_slice %arg8[%dma_start3A_615, %dma_start3A_616, %dma_start3A_619, %dma_start3A_620] : memref<2x5x40x64xf32, #tpu.memory_space<vmem>> -> memref<1x1x40x64xf32, #tpu.memory_space<vmem>>
      %dma_start3A_622 = tpu.memref_squeeze %dma_start3A_621 : memref<1x1x40x64xf32, #tpu.memory_space<vmem>> -> memref<40x64xf32, #tpu.memory_space<vmem>>
      %dma_start3A_623 = arith.constant 0 : i32
      %dma_start3A_624 = tpu.memref_slice %arg7[%dma_start3A_617, %dma_start3A_618, %dma_start3A_623] : memref<2x5x40xi32, #tpu.memory_space<vmem>> -> memref<1x1x40xi32, #tpu.memory_space<vmem>>
      %dma_start3A_625 = tpu.memref_squeeze %dma_start3A_624 : memref<1x1x40xi32, #tpu.memory_space<vmem>> -> memref<40xi32, #tpu.memory_space<vmem>>
      %dma_start3A_626 = arith.constant 0 : i32
      %dma_start3A_627 = arith.constant 0 : i32
      %dma_start3A_628 = tpu.memref_slice %arg9[%dma_start3A_626, %dma_start3A_627] : memref<10000x64xf32, #tpu.memory_space<vmem_shared>> -> memref<10000x64xf32, #tpu.memory_space<vmem_shared>>
      tpu.enqueue_indirect_dma source(%dma_start3A_622 : memref<40x64xf32, #tpu.memory_space<vmem>>) target(%dma_start3A_628 : memref<10000x64xf32, #tpu.memory_space<vmem_shared>>) offsets(%dma_start3A_625 : memref<40xi32, #tpu.memory_space<vmem>>) semaphore(%arg11 : memref<!tpu.dma_semaphore, #tpu.memory_space<semaphore_mem>>) {add = true}
      %dma_start3A_629 = arith.constant 1 : i32
      %dma_start3A_630 = arith.constant 2 : i32
      %dma_start3A_631 = arith.constant 1 : i32
      %dma_start3A_632 = arith.constant 2 : i32
      %dma_start3A_633 = arith.constant 0 : i32
      %dma_start3A_634 = arith.constant 0 : i32
      %dma_start3A_635 = tpu.memref_slice %arg8[%dma_start3A_629, %dma_start3A_630, %dma_start3A_633, %dma_start3A_634] : memref<2x5x40x64xf32, #tpu.memory_space<vmem>> -> memref<1x1x40x64xf32, #tpu.memory_space<vmem>>
      %dma_start3A_636 = tpu.memref_squeeze %dma_start3A_635 : memref<1x1x40x64xf32, #tpu.memory_space<vmem>> -> memref<40x64xf32, #tpu.memory_space<vmem>>
      %dma_start3A_637 = arith.constant 0 : i32
      %dma_start3A_638 = tpu.memref_slice %arg7[%dma_start3A_631, %dma_start3A_632, %dma_start3A_637] : memref<2x5x40xi32, #tpu.memory_space<vmem>> -> memref<1x1x40xi32, #tpu.memory_space<vmem>>
      %dma_start3A_639 = tpu.memref_squeeze %dma_start3A_638 : memref<1x1x40xi32, #tpu.memory_space<vmem>> -> memref<40xi32, #tpu.memory_space<vmem>>
      %dma_start3A_640 = arith.constant 0 : i32
      %dma_start3A_641 = arith.constant 0 : i32
      %dma_start3A_642 = tpu.memref_slice %arg9[%dma_start3A_640, %dma_start3A_641] : memref<10000x64xf32, #tpu.memory_space<vmem_shared>> -> memref<10000x64xf32, #tpu.memory_space<vmem_shared>>
      tpu.enqueue_indirect_dma source(%dma_start3A_636 : memref<40x64xf32, #tpu.memory_space<vmem>>) target(%dma_start3A_642 : memref<10000x64xf32, #tpu.memory_space<vmem_shared>>) offsets(%dma_start3A_639 : memref<40xi32, #tpu.memory_space<vmem>>) semaphore(%arg11 : memref<!tpu.dma_semaphore, #tpu.memory_space<semaphore_mem>>) {add = true}
      %dma_start3A_643 = arith.constant 1 : i32
      %dma_start3A_644 = arith.constant 3 : i32
      %dma_start3A_645 = arith.constant 1 : i32
      %dma_start3A_646 = arith.constant 3 : i32
      %dma_start3A_647 = arith.constant 0 : i32
      %dma_start3A_648 = arith.constant 0 : i32
      %dma_start3A_649 = tpu.memref_slice %arg8[%dma_start3A_643, %dma_start3A_644, %dma_start3A_647, %dma_start3A_648] : memref<2x5x40x64xf32, #tpu.memory_space<vmem>> -> memref<1x1x40x64xf32, #tpu.memory_space<vmem>>
      %dma_start3A_650 = tpu.memref_squeeze %dma_start3A_649 : memref<1x1x40x64xf32, #tpu.memory_space<vmem>> -> memref<40x64xf32, #tpu.memory_space<vmem>>
      %dma_start3A_651 = arith.constant 0 : i32
      %dma_start3A_652 = tpu.memref_slice %arg7[%dma_start3A_645, %dma_start3A_646, %dma_start3A_651] : memref<2x5x40xi32, #tpu.memory_space<vmem>> -> memref<1x1x40xi32, #tpu.memory_space<vmem>>
      %dma_start3A_653 = tpu.memref_squeeze %dma_start3A_652 : memref<1x1x40xi32, #tpu.memory_space<vmem>> -> memref<40xi32, #tpu.memory_space<vmem>>
      %dma_start3A_654 = arith.constant 0 : i32
      %dma_start3A_655 = arith.constant 0 : i32
      %dma_start3A_656 = tpu.memref_slice %arg9[%dma_start3A_654, %dma_start3A_655] : memref<10000x64xf32, #tpu.memory_space<vmem_shared>> -> memref<10000x64xf32, #tpu.memory_space<vmem_shared>>
      tpu.enqueue_indirect_dma source(%dma_start3A_650 : memref<40x64xf32, #tpu.memory_space<vmem>>) target(%dma_start3A_656 : memref<10000x64xf32, #tpu.memory_space<vmem_shared>>) offsets(%dma_start3A_653 : memref<40xi32, #tpu.memory_space<vmem>>) semaphore(%arg11 : memref<!tpu.dma_semaphore, #tpu.memory_space<semaphore_mem>>) {add = true}
      %dma_start3A_657 = arith.constant 1 : i32
      %dma_start3A_658 = arith.constant 4 : i32
      %dma_start3A_659 = arith.constant 1 : i32
      %dma_start3A_660 = arith.constant 4 : i32
      %dma_start3A_661 = arith.constant 0 : i32
      %dma_start3A_662 = arith.constant 0 : i32
      %dma_start3A_663 = tpu.memref_slice %arg8[%dma_start3A_657, %dma_start3A_658, %dma_start3A_661, %dma_start3A_662] : memref<2x5x40x64xf32, #tpu.memory_space<vmem>> -> memref<1x1x40x64xf32, #tpu.memory_space<vmem>>
      %dma_start3A_664 = tpu.memref_squeeze %dma_start3A_663 : memref<1x1x40x64xf32, #tpu.memory_space<vmem>> -> memref<40x64xf32, #tpu.memory_space<vmem>>
      %dma_start3A_665 = arith.constant 0 : i32
      %dma_start3A_666 = tpu.memref_slice %arg7[%dma_start3A_659, %dma_start3A_660, %dma_start3A_665] : memref<2x5x40xi32, #tpu.memory_space<vmem>> -> memref<1x1x40xi32, #tpu.memory_space<vmem>>
      %dma_start3A_667 = tpu.memref_squeeze %dma_start3A_666 : memref<1x1x40xi32, #tpu.memory_space<vmem>> -> memref<40xi32, #tpu.memory_space<vmem>>
      %dma_start3A_668 = arith.constant 0 : i32
      %dma_start3A_669 = arith.constant 0 : i32
      %dma_start3A_670 = tpu.memref_slice %arg9[%dma_start3A_668, %dma_start3A_669] : memref<10000x64xf32, #tpu.memory_space<vmem_shared>> -> memref<10000x64xf32, #tpu.memory_space<vmem_shared>>
      tpu.enqueue_indirect_dma source(%dma_start3A_664 : memref<40x64xf32, #tpu.memory_space<vmem>>) target(%dma_start3A_670 : memref<10000x64xf32, #tpu.memory_space<vmem_shared>>) offsets(%dma_start3A_667 : memref<40xi32, #tpu.memory_space<vmem>>) semaphore(%arg11 : memref<!tpu.dma_semaphore, #tpu.memory_space<semaphore_mem>>) {add = true}
      %add3A_671 = arith.constant 2 : i32
      %add3A_672 = arith.addi %add3A_159, %add3A_671 : i32
      %lt3A = arith.constant 50 : i32
      %lt3A_673 = arith.cmpi slt, %add3A_672, %lt3A : i32
      %convert_element_type3A_674 = arith.extui %lt3A_673 : i1 to i32
      %cond3A_675 = arith.constant 0 : i32
      %cond3A_676 = arith.cmpi ne, %convert_element_type3A_674, %cond3A_675 : i32
      scf.if %cond3A_676 {
        %add3A_677 = arith.constant 2 : i32
        %add3A_678 = arith.addi %add3A_159, %add3A_677 : i32
        %mul3A_679 = arith.constant 5 : i32
        %mul3A_680 = arith.muli %add3A_678, %mul3A_679 : i32
        %add3A_681 = arith.constant 0 : i32
        %add3A_682 = arith.addi %mul3A_680, %add3A_681 : i32
        %mul3A_683 = arith.constant 40 : i32
        %mul3A_684 = arith.muli %add3A_682, %mul3A_683 : i32
        %add3A_685 = arith.addi %mul3A_2, %mul3A_684 : i32
        %dma_start3A_686 = arith.constant 1 : i32
        %dma_start3A_687 = arith.constant 0 : i32
        %dma_start3A_688 = arith.constant 0 : i32
        %dma_start3A_689 = arith.constant 0 : i32
        %dma_start3A_690 = tpu.memref_slice %arg7[%dma_start3A_687, %dma_start3A_688, %dma_start3A_689] : memref<2x5x40xi32, #tpu.memory_space<vmem>> -> memref<1x1x40xi32, #tpu.memory_space<vmem>>
        %dma_start3A_691 = tpu.memref_squeeze %dma_start3A_690 : memref<1x1x40xi32, #tpu.memory_space<vmem>> -> memref<40xi32, #tpu.memory_space<vmem>>
        %dma_start3A_692 = tpu.memref_slice %arg3[%dma_start3A_686, %add3A_685] : memref<2x320000xi32, #tpu.memory_space<hbm>> -> memref<1x40xi32, #tpu.memory_space<hbm>>
        %dma_start3A_693 = tpu.memref_squeeze %dma_start3A_692 : memref<1x40xi32, #tpu.memory_space<hbm>> -> memref<40xi32, #tpu.memory_space<hbm>>
        %dma_start3A_694 = arith.constant 0 : i32
        %dma_start3A_695 = tpu.memref_slice %arg7[%dma_start3A_687, %dma_start3A_688, %dma_start3A_694] : memref<2x5x40xi32, #tpu.memory_space<vmem>> -> memref<1x1x40xi32, #tpu.memory_space<vmem>>
        %dma_start3A_696 = tpu.memref_squeeze %dma_start3A_695 : memref<1x1x40xi32, #tpu.memory_space<vmem>> -> memref<40xi32, #tpu.memory_space<vmem>>
        %dma_start3A_697 = tpu.memref_slice %arg3[%dma_start3A_686, %add3A_685] : memref<2x320000xi32, #tpu.memory_space<hbm>> -> memref<1x40xi32, #tpu.memory_space<hbm>>
        %dma_start3A_698 = tpu.memref_squeeze %dma_start3A_697 : memref<1x40xi32, #tpu.memory_space<hbm>> -> memref<40xi32, #tpu.memory_space<hbm>>
        tpu.enqueue_dma source(%dma_start3A_698 : memref<40xi32, #tpu.memory_space<hbm>>) target(%dma_start3A_696 : memref<40xi32, #tpu.memory_space<vmem>>) target_semaphore(%arg12 : memref<!tpu.dma_semaphore, #tpu.memory_space<semaphore_mem>>)
        %mul3A_699 = arith.constant 5 : i32
        %mul3A_700 = arith.muli %add3A_678, %mul3A_699 : i32
        %add3A_701 = arith.constant 1 : i32
        %add3A_702 = arith.addi %mul3A_700, %add3A_701 : i32
        %mul3A_703 = arith.constant 40 : i32
        %mul3A_704 = arith.muli %add3A_702, %mul3A_703 : i32
        %add3A_705 = arith.addi %mul3A_2, %mul3A_704 : i32
        %dma_start3A_706 = arith.constant 1 : i32
        %dma_start3A_707 = arith.constant 0 : i32
        %dma_start3A_708 = arith.constant 1 : i32
        %dma_start3A_709 = arith.constant 0 : i32
        %dma_start3A_710 = tpu.memref_slice %arg7[%dma_start3A_707, %dma_start3A_708, %dma_start3A_709] : memref<2x5x40xi32, #tpu.memory_space<vmem>> -> memref<1x1x40xi32, #tpu.memory_space<vmem>>
        %dma_start3A_711 = tpu.memref_squeeze %dma_start3A_710 : memref<1x1x40xi32, #tpu.memory_space<vmem>> -> memref<40xi32, #tpu.memory_space<vmem>>
        %dma_start3A_712 = tpu.memref_slice %arg3[%dma_start3A_706, %add3A_705] : memref<2x320000xi32, #tpu.memory_space<hbm>> -> memref<1x40xi32, #tpu.memory_space<hbm>>
        %dma_start3A_713 = tpu.memref_squeeze %dma_start3A_712 : memref<1x40xi32, #tpu.memory_space<hbm>> -> memref<40xi32, #tpu.memory_space<hbm>>
        %dma_start3A_714 = arith.constant 0 : i32
        %dma_start3A_715 = tpu.memref_slice %arg7[%dma_start3A_707, %dma_start3A_708, %dma_start3A_714] : memref<2x5x40xi32, #tpu.memory_space<vmem>> -> memref<1x1x40xi32, #tpu.memory_space<vmem>>
        %dma_start3A_716 = tpu.memref_squeeze %dma_start3A_715 : memref<1x1x40xi32, #tpu.memory_space<vmem>> -> memref<40xi32, #tpu.memory_space<vmem>>
        %dma_start3A_717 = tpu.memref_slice %arg3[%dma_start3A_706, %add3A_705] : memref<2x320000xi32, #tpu.memory_space<hbm>> -> memref<1x40xi32, #tpu.memory_space<hbm>>
        %dma_start3A_718 = tpu.memref_squeeze %dma_start3A_717 : memref<1x40xi32, #tpu.memory_space<hbm>> -> memref<40xi32, #tpu.memory_space<hbm>>
        tpu.enqueue_dma source(%dma_start3A_718 : memref<40xi32, #tpu.memory_space<hbm>>) target(%dma_start3A_716 : memref<40xi32, #tpu.memory_space<vmem>>) target_semaphore(%arg12 : memref<!tpu.dma_semaphore, #tpu.memory_space<semaphore_mem>>)
        %mul3A_719 = arith.constant 5 : i32
        %mul3A_720 = arith.muli %add3A_678, %mul3A_719 : i32
        %add3A_721 = arith.constant 2 : i32
        %add3A_722 = arith.addi %mul3A_720, %add3A_721 : i32
        %mul3A_723 = arith.constant 40 : i32
        %mul3A_724 = arith.muli %add3A_722, %mul3A_723 : i32
        %add3A_725 = arith.addi %mul3A_2, %mul3A_724 : i32
        %dma_start3A_726 = arith.constant 1 : i32
        %dma_start3A_727 = arith.constant 0 : i32
        %dma_start3A_728 = arith.constant 2 : i32
        %dma_start3A_729 = arith.constant 0 : i32
        %dma_start3A_730 = tpu.memref_slice %arg7[%dma_start3A_727, %dma_start3A_728, %dma_start3A_729] : memref<2x5x40xi32, #tpu.memory_space<vmem>> -> memref<1x1x40xi32, #tpu.memory_space<vmem>>
        %dma_start3A_731 = tpu.memref_squeeze %dma_start3A_730 : memref<1x1x40xi32, #tpu.memory_space<vmem>> -> memref<40xi32, #tpu.memory_space<vmem>>
        %dma_start3A_732 = tpu.memref_slice %arg3[%dma_start3A_726, %add3A_725] : memref<2x320000xi32, #tpu.memory_space<hbm>> -> memref<1x40xi32, #tpu.memory_space<hbm>>
        %dma_start3A_733 = tpu.memref_squeeze %dma_start3A_732 : memref<1x40xi32, #tpu.memory_space<hbm>> -> memref<40xi32, #tpu.memory_space<hbm>>
        %dma_start3A_734 = arith.constant 0 : i32
        %dma_start3A_735 = tpu.memref_slice %arg7[%dma_start3A_727, %dma_start3A_728, %dma_start3A_734] : memref<2x5x40xi32, #tpu.memory_space<vmem>> -> memref<1x1x40xi32, #tpu.memory_space<vmem>>
        %dma_start3A_736 = tpu.memref_squeeze %dma_start3A_735 : memref<1x1x40xi32, #tpu.memory_space<vmem>> -> memref<40xi32, #tpu.memory_space<vmem>>
        %dma_start3A_737 = tpu.memref_slice %arg3[%dma_start3A_726, %add3A_725] : memref<2x320000xi32, #tpu.memory_space<hbm>> -> memref<1x40xi32, #tpu.memory_space<hbm>>
        %dma_start3A_738 = tpu.memref_squeeze %dma_start3A_737 : memref<1x40xi32, #tpu.memory_space<hbm>> -> memref<40xi32, #tpu.memory_space<hbm>>
        tpu.enqueue_dma source(%dma_start3A_738 : memref<40xi32, #tpu.memory_space<hbm>>) target(%dma_start3A_736 : memref<40xi32, #tpu.memory_space<vmem>>) target_semaphore(%arg12 : memref<!tpu.dma_semaphore, #tpu.memory_space<semaphore_mem>>)
        %mul3A_739 = arith.constant 5 : i32
        %mul3A_740 = arith.muli %add3A_678, %mul3A_739 : i32
        %add3A_741 = arith.constant 3 : i32
        %add3A_742 = arith.addi %mul3A_740, %add3A_741 : i32
        %mul3A_743 = arith.constant 40 : i32
        %mul3A_744 = arith.muli %add3A_742, %mul3A_743 : i32
        %add3A_745 = arith.addi %mul3A_2, %mul3A_744 : i32
        %dma_start3A_746 = arith.constant 1 : i32
        %dma_start3A_747 = arith.constant 0 : i32
        %dma_start3A_748 = arith.constant 3 : i32
        %dma_start3A_749 = arith.constant 0 : i32
        %dma_start3A_750 = tpu.memref_slice %arg7[%dma_start3A_747, %dma_start3A_748, %dma_start3A_749] : memref<2x5x40xi32, #tpu.memory_space<vmem>> -> memref<1x1x40xi32, #tpu.memory_space<vmem>>
        %dma_start3A_751 = tpu.memref_squeeze %dma_start3A_750 : memref<1x1x40xi32, #tpu.memory_space<vmem>> -> memref<40xi32, #tpu.memory_space<vmem>>
        %dma_start3A_752 = tpu.memref_slice %arg3[%dma_start3A_746, %add3A_745] : memref<2x320000xi32, #tpu.memory_space<hbm>> -> memref<1x40xi32, #tpu.memory_space<hbm>>
        %dma_start3A_753 = tpu.memref_squeeze %dma_start3A_752 : memref<1x40xi32, #tpu.memory_space<hbm>> -> memref<40xi32, #tpu.memory_space<hbm>>
        %dma_start3A_754 = arith.constant 0 : i32
        %dma_start3A_755 = tpu.memref_slice %arg7[%dma_start3A_747, %dma_start3A_748, %dma_start3A_754] : memref<2x5x40xi32, #tpu.memory_space<vmem>> -> memref<1x1x40xi32, #tpu.memory_space<vmem>>
        %dma_start3A_756 = tpu.memref_squeeze %dma_start3A_755 : memref<1x1x40xi32, #tpu.memory_space<vmem>> -> memref<40xi32, #tpu.memory_space<vmem>>
        %dma_start3A_757 = tpu.memref_slice %arg3[%dma_start3A_746, %add3A_745] : memref<2x320000xi32, #tpu.memory_space<hbm>> -> memref<1x40xi32, #tpu.memory_space<hbm>>
        %dma_start3A_758 = tpu.memref_squeeze %dma_start3A_757 : memref<1x40xi32, #tpu.memory_space<hbm>> -> memref<40xi32, #tpu.memory_space<hbm>>
        tpu.enqueue_dma source(%dma_start3A_758 : memref<40xi32, #tpu.memory_space<hbm>>) target(%dma_start3A_756 : memref<40xi32, #tpu.memory_space<vmem>>) target_semaphore(%arg12 : memref<!tpu.dma_semaphore, #tpu.memory_space<semaphore_mem>>)
        %mul3A_759 = arith.constant 5 : i32
        %mul3A_760 = arith.muli %add3A_678, %mul3A_759 : i32
        %add3A_761 = arith.constant 4 : i32
        %add3A_762 = arith.addi %mul3A_760, %add3A_761 : i32
        %mul3A_763 = arith.constant 40 : i32
        %mul3A_764 = arith.muli %add3A_762, %mul3A_763 : i32
        %add3A_765 = arith.addi %mul3A_2, %mul3A_764 : i32
        %dma_start3A_766 = arith.constant 1 : i32
        %dma_start3A_767 = arith.constant 0 : i32
        %dma_start3A_768 = arith.constant 4 : i32
        %dma_start3A_769 = arith.constant 0 : i32
        %dma_start3A_770 = tpu.memref_slice %arg7[%dma_start3A_767, %dma_start3A_768, %dma_start3A_769] : memref<2x5x40xi32, #tpu.memory_space<vmem>> -> memref<1x1x40xi32, #tpu.memory_space<vmem>>
        %dma_start3A_771 = tpu.memref_squeeze %dma_start3A_770 : memref<1x1x40xi32, #tpu.memory_space<vmem>> -> memref<40xi32, #tpu.memory_space<vmem>>
        %dma_start3A_772 = tpu.memref_slice %arg3[%dma_start3A_766, %add3A_765] : memref<2x320000xi32, #tpu.memory_space<hbm>> -> memref<1x40xi32, #tpu.memory_space<hbm>>
        %dma_start3A_773 = tpu.memref_squeeze %dma_start3A_772 : memref<1x40xi32, #tpu.memory_space<hbm>> -> memref<40xi32, #tpu.memory_space<hbm>>
        %dma_start3A_774 = arith.constant 0 : i32
        %dma_start3A_775 = tpu.memref_slice %arg7[%dma_start3A_767, %dma_start3A_768, %dma_start3A_774] : memref<2x5x40xi32, #tpu.memory_space<vmem>> -> memref<1x1x40xi32, #tpu.memory_space<vmem>>
        %dma_start3A_776 = tpu.memref_squeeze %dma_start3A_775 : memref<1x1x40xi32, #tpu.memory_space<vmem>> -> memref<40xi32, #tpu.memory_space<vmem>>
        %dma_start3A_777 = tpu.memref_slice %arg3[%dma_start3A_766, %add3A_765] : memref<2x320000xi32, #tpu.memory_space<hbm>> -> memref<1x40xi32, #tpu.memory_space<hbm>>
        %dma_start3A_778 = tpu.memref_squeeze %dma_start3A_777 : memref<1x40xi32, #tpu.memory_space<hbm>> -> memref<40xi32, #tpu.memory_space<hbm>>
        tpu.enqueue_dma source(%dma_start3A_778 : memref<40xi32, #tpu.memory_space<hbm>>) target(%dma_start3A_776 : memref<40xi32, #tpu.memory_space<vmem>>) target_semaphore(%arg12 : memref<!tpu.dma_semaphore, #tpu.memory_space<semaphore_mem>>)
        %mul3A_779 = arith.constant 5 : i32
        %mul3A_780 = arith.muli %add3A_678, %mul3A_779 : i32
        %add3A_781 = arith.constant 0 : i32
        %add3A_782 = arith.addi %mul3A_780, %add3A_781 : i32
        %mul3A_783 = arith.constant 40 : i32
        %mul3A_784 = arith.muli %add3A_782, %mul3A_783 : i32
        %dma_start3A_785 = arith.constant 0 : i32
        %dma_start3A_786 = arith.constant 0 : i32
        %dma_start3A_787 = arith.constant 0 : i32
        %dma_start3A_788 = arith.constant 0 : i32
        %dma_start3A_789 = tpu.memref_slice %arg8[%dma_start3A_785, %dma_start3A_786, %dma_start3A_787, %dma_start3A_788] : memref<2x5x40x64xf32, #tpu.memory_space<vmem>> -> memref<1x1x40x64xf32, #tpu.memory_space<vmem>>
        %dma_start3A_790 = tpu.memref_squeeze %dma_start3A_789 : memref<1x1x40x64xf32, #tpu.memory_space<vmem>> -> memref<40x64xf32, #tpu.memory_space<vmem>>
        %dma_start3A_791 = tpu.memref_slice %arg6[%mul3A_784] : memref<10000xi32, #tpu.memory_space<vmem>> -> memref<40xi32, #tpu.memory_space<vmem>>
        %dma_start3A_792 = arith.constant 0 : i32
        %dma_start3A_793 = arith.constant 0 : i32
        %dma_start3A_794 = tpu.memref_slice %arg2[%dma_start3A_792, %dma_start3A_793] : memref<10000x64xf32, #tpu.memory_space<hbm>> -> memref<10000x64xf32, #tpu.memory_space<hbm>>
        tpu.enqueue_indirect_dma source(%dma_start3A_794 : memref<10000x64xf32, #tpu.memory_space<hbm>>) target(%dma_start3A_790 : memref<40x64xf32, #tpu.memory_space<vmem>>) offsets(%dma_start3A_791 : memref<40xi32, #tpu.memory_space<vmem>>) semaphore(%arg10 : memref<!tpu.dma_semaphore, #tpu.memory_space<semaphore_mem>>)
        %mul3A_795 = arith.constant 5 : i32
        %mul3A_796 = arith.muli %add3A_678, %mul3A_795 : i32
        %add3A_797 = arith.constant 1 : i32
        %add3A_798 = arith.addi %mul3A_796, %add3A_797 : i32
        %mul3A_799 = arith.constant 40 : i32
        %mul3A_800 = arith.muli %add3A_798, %mul3A_799 : i32
        %dma_start3A_801 = arith.constant 0 : i32
        %dma_start3A_802 = arith.constant 1 : i32
        %dma_start3A_803 = arith.constant 0 : i32
        %dma_start3A_804 = arith.constant 0 : i32
        %dma_start3A_805 = tpu.memref_slice %arg8[%dma_start3A_801, %dma_start3A_802, %dma_start3A_803, %dma_start3A_804] : memref<2x5x40x64xf32, #tpu.memory_space<vmem>> -> memref<1x1x40x64xf32, #tpu.memory_space<vmem>>
        %dma_start3A_806 = tpu.memref_squeeze %dma_start3A_805 : memref<1x1x40x64xf32, #tpu.memory_space<vmem>> -> memref<40x64xf32, #tpu.memory_space<vmem>>
        %dma_start3A_807 = tpu.memref_slice %arg6[%mul3A_800] : memref<10000xi32, #tpu.memory_space<vmem>> -> memref<40xi32, #tpu.memory_space<vmem>>
        %dma_start3A_808 = arith.constant 0 : i32
        %dma_start3A_809 = arith.constant 0 : i32
        %dma_start3A_810 = tpu.memref_slice %arg2[%dma_start3A_808, %dma_start3A_809] : memref<10000x64xf32, #tpu.memory_space<hbm>> -> memref<10000x64xf32, #tpu.memory_space<hbm>>
        tpu.enqueue_indirect_dma source(%dma_start3A_810 : memref<10000x64xf32, #tpu.memory_space<hbm>>) target(%dma_start3A_806 : memref<40x64xf32, #tpu.memory_space<vmem>>) offsets(%dma_start3A_807 : memref<40xi32, #tpu.memory_space<vmem>>) semaphore(%arg10 : memref<!tpu.dma_semaphore, #tpu.memory_space<semaphore_mem>>)
        %mul3A_811 = arith.constant 5 : i32
        %mul3A_812 = arith.muli %add3A_678, %mul3A_811 : i32
        %add3A_813 = arith.constant 2 : i32
        %add3A_814 = arith.addi %mul3A_812, %add3A_813 : i32
        %mul3A_815 = arith.constant 40 : i32
        %mul3A_816 = arith.muli %add3A_814, %mul3A_815 : i32
        %dma_start3A_817 = arith.constant 0 : i32
        %dma_start3A_818 = arith.constant 2 : i32
        %dma_start3A_819 = arith.constant 0 : i32
        %dma_start3A_820 = arith.constant 0 : i32
        %dma_start3A_821 = tpu.memref_slice %arg8[%dma_start3A_817, %dma_start3A_818, %dma_start3A_819, %dma_start3A_820] : memref<2x5x40x64xf32, #tpu.memory_space<vmem>> -> memref<1x1x40x64xf32, #tpu.memory_space<vmem>>
        %dma_start3A_822 = tpu.memref_squeeze %dma_start3A_821 : memref<1x1x40x64xf32, #tpu.memory_space<vmem>> -> memref<40x64xf32, #tpu.memory_space<vmem>>
        %dma_start3A_823 = tpu.memref_slice %arg6[%mul3A_816] : memref<10000xi32, #tpu.memory_space<vmem>> -> memref<40xi32, #tpu.memory_space<vmem>>
        %dma_start3A_824 = arith.constant 0 : i32
        %dma_start3A_825 = arith.constant 0 : i32
        %dma_start3A_826 = tpu.memref_slice %arg2[%dma_start3A_824, %dma_start3A_825] : memref<10000x64xf32, #tpu.memory_space<hbm>> -> memref<10000x64xf32, #tpu.memory_space<hbm>>
        tpu.enqueue_indirect_dma source(%dma_start3A_826 : memref<10000x64xf32, #tpu.memory_space<hbm>>) target(%dma_start3A_822 : memref<40x64xf32, #tpu.memory_space<vmem>>) offsets(%dma_start3A_823 : memref<40xi32, #tpu.memory_space<vmem>>) semaphore(%arg10 : memref<!tpu.dma_semaphore, #tpu.memory_space<semaphore_mem>>)
        %mul3A_827 = arith.constant 5 : i32
        %mul3A_828 = arith.muli %add3A_678, %mul3A_827 : i32
        %add3A_829 = arith.constant 3 : i32
        %add3A_830 = arith.addi %mul3A_828, %add3A_829 : i32
        %mul3A_831 = arith.constant 40 : i32
        %mul3A_832 = arith.muli %add3A_830, %mul3A_831 : i32
        %dma_start3A_833 = arith.constant 0 : i32
        %dma_start3A_834 = arith.constant 3 : i32
        %dma_start3A_835 = arith.constant 0 : i32
        %dma_start3A_836 = arith.constant 0 : i32
        %dma_start3A_837 = tpu.memref_slice %arg8[%dma_start3A_833, %dma_start3A_834, %dma_start3A_835, %dma_start3A_836] : memref<2x5x40x64xf32, #tpu.memory_space<vmem>> -> memref<1x1x40x64xf32, #tpu.memory_space<vmem>>
        %dma_start3A_838 = tpu.memref_squeeze %dma_start3A_837 : memref<1x1x40x64xf32, #tpu.memory_space<vmem>> -> memref<40x64xf32, #tpu.memory_space<vmem>>
        %dma_start3A_839 = tpu.memref_slice %arg6[%mul3A_832] : memref<10000xi32, #tpu.memory_space<vmem>> -> memref<40xi32, #tpu.memory_space<vmem>>
        %dma_start3A_840 = arith.constant 0 : i32
        %dma_start3A_841 = arith.constant 0 : i32
        %dma_start3A_842 = tpu.memref_slice %arg2[%dma_start3A_840, %dma_start3A_841] : memref<10000x64xf32, #tpu.memory_space<hbm>> -> memref<10000x64xf32, #tpu.memory_space<hbm>>
        tpu.enqueue_indirect_dma source(%dma_start3A_842 : memref<10000x64xf32, #tpu.memory_space<hbm>>) target(%dma_start3A_838 : memref<40x64xf32, #tpu.memory_space<vmem>>) offsets(%dma_start3A_839 : memref<40xi32, #tpu.memory_space<vmem>>) semaphore(%arg10 : memref<!tpu.dma_semaphore, #tpu.memory_space<semaphore_mem>>)
        %mul3A_843 = arith.constant 5 : i32
        %mul3A_844 = arith.muli %add3A_678, %mul3A_843 : i32
        %add3A_845 = arith.constant 4 : i32
        %add3A_846 = arith.addi %mul3A_844, %add3A_845 : i32
        %mul3A_847 = arith.constant 40 : i32
        %mul3A_848 = arith.muli %add3A_846, %mul3A_847 : i32
        %dma_start3A_849 = arith.constant 0 : i32
        %dma_start3A_850 = arith.constant 4 : i32
        %dma_start3A_851 = arith.constant 0 : i32
        %dma_start3A_852 = arith.constant 0 : i32
        %dma_start3A_853 = tpu.memref_slice %arg8[%dma_start3A_849, %dma_start3A_850, %dma_start3A_851, %dma_start3A_852] : memref<2x5x40x64xf32, #tpu.memory_space<vmem>> -> memref<1x1x40x64xf32, #tpu.memory_space<vmem>>
        %dma_start3A_854 = tpu.memref_squeeze %dma_start3A_853 : memref<1x1x40x64xf32, #tpu.memory_space<vmem>> -> memref<40x64xf32, #tpu.memory_space<vmem>>
        %dma_start3A_855 = tpu.memref_slice %arg6[%mul3A_848] : memref<10000xi32, #tpu.memory_space<vmem>> -> memref<40xi32, #tpu.memory_space<vmem>>
        %dma_start3A_856 = arith.constant 0 : i32
        %dma_start3A_857 = arith.constant 0 : i32
        %dma_start3A_858 = tpu.memref_slice %arg2[%dma_start3A_856, %dma_start3A_857] : memref<10000x64xf32, #tpu.memory_space<hbm>> -> memref<10000x64xf32, #tpu.memory_space<hbm>>
        tpu.enqueue_indirect_dma source(%dma_start3A_858 : memref<10000x64xf32, #tpu.memory_space<hbm>>) target(%dma_start3A_854 : memref<40x64xf32, #tpu.memory_space<vmem>>) offsets(%dma_start3A_855 : memref<40xi32, #tpu.memory_space<vmem>>) semaphore(%arg10 : memref<!tpu.dma_semaphore, #tpu.memory_space<semaphore_mem>>)
      } else {
      }
    }
    %scan3A_139 = arith.constant 25 : i32
    %dma_wait3A = arith.constant 1 : i32
    %dma_wait3A_140 = arith.constant 0 : i32
    %dma_wait3A_141 = arith.constant 0 : i32
    %dma_wait3A_142 = arith.constant 0 : i32
    %dma_wait3A_143 = tpu.memref_slice %arg8[%dma_wait3A, %dma_wait3A_140, %dma_wait3A_141, %dma_wait3A_142] : memref<2x5x40x64xf32, #tpu.memory_space<vmem>> -> memref<1x5x40x64xf32, #tpu.memory_space<vmem>>
    %dma_wait3A_144 = tpu.memref_squeeze %dma_wait3A_143 : memref<1x5x40x64xf32, #tpu.memory_space<vmem>> -> memref<5x40x64xf32, #tpu.memory_space<vmem>>
    %dma_wait3A_145 = arith.constant 0 : i32
    %dma_wait3A_146 = arith.constant 0 : i32
    %dma_wait3A_147 = arith.constant 0 : i32
    %dma_wait3A_148 = tpu.memref_slice %arg8[%dma_wait3A, %dma_wait3A_145, %dma_wait3A_146, %dma_wait3A_147] : memref<2x5x40x64xf32, #tpu.memory_space<vmem>> -> memref<1x5x40x64xf32, #tpu.memory_space<vmem>>
    %dma_wait3A_149 = tpu.memref_squeeze %dma_wait3A_148 : memref<1x5x40x64xf32, #tpu.memory_space<vmem>> -> memref<5x40x64xf32, #tpu.memory_space<vmem>>
    tpu.wait_dma2 semaphore(%arg11 : memref<!tpu.dma_semaphore, #tpu.memory_space<semaphore_mem>>) src(%arg4 : memref<5x40x64xf32, #tpu.memory_space<hbm>>) dst(%dma_wait3A_149 : memref<5x40x64xf32, #tpu.memory_space<vmem>>)
    %barrier3A_150 = arith.constant 0 : index
    tpu.barrier barrier_id(%barrier3A_150)
    %mul3A_151 = arith.constant 625 : i32
    %mul3A_152 = arith.muli %arg1, %mul3A_151 : i32
    %mul3A_153 = arith.constant 625 : i32
    %mul3A_154 = arith.muli %arg1, %mul3A_153 : i32
    "tpu.region"() ({
      %run_scoped3A_155 = tpu.sem_alloc : memref<!tpu.dma_semaphore, #tpu.memory_space<semaphore_mem>>
      %dma_start3A_156 = arith.constant 0 : i32
      %dma_start3A_157 = tpu.memref_slice %arg5[%arg0, %mul3A_154, %dma_start3A_156] : memref<2x10000x64xf32, #tpu.memory_space<hbm>> -> memref<1x625x64xf32, #tpu.memory_space<hbm>>
      %dma_start3A_158 = tpu.memref_squeeze %dma_start3A_157 : memref<1x625x64xf32, #tpu.memory_space<hbm>> -> memref<625x64xf32, #tpu.memory_space<hbm>>
      %dma_start3A_159 = arith.constant 0 : i32
      %dma_start3A_160 = tpu.memref_slice %arg9[%mul3A_152, %dma_start3A_159] : memref<10000x64xf32, #tpu.memory_space<vmem_shared>> -> memref<625x64xf32, #tpu.memory_space<vmem_shared>>
      tpu.enqueue_dma source(%dma_start3A_160 : memref<625x64xf32, #tpu.memory_space<vmem_shared>>) target(%dma_start3A_158 : memref<625x64xf32, #tpu.memory_space<hbm>>) target_semaphore(%run_scoped3A_155 : memref<!tpu.dma_semaphore, #tpu.memory_space<semaphore_mem>>)
      %dma_wait3A_161 = arith.constant 0 : i32
      %dma_wait3A_162 = tpu.memref_slice %arg5[%arg0, %mul3A_154, %dma_wait3A_161] : memref<2x10000x64xf32, #tpu.memory_space<hbm>> -> memref<1x625x64xf32, #tpu.memory_space<hbm>>
      %dma_wait3A_163 = tpu.memref_squeeze %dma_wait3A_162 : memref<1x625x64xf32, #tpu.memory_space<hbm>> -> memref<625x64xf32, #tpu.memory_space<hbm>>
      %dma_wait3A_164 = arith.constant 0 : i32
      %dma_wait3A_165 = tpu.memref_slice %arg9[%mul3A_152, %dma_wait3A_164] : memref<10000x64xf32, #tpu.memory_space<vmem_shared>> -> memref<625x64xf32, #tpu.memory_space<vmem_shared>>
      tpu.wait_dma2 semaphore(%run_scoped3A_155 : memref<!tpu.dma_semaphore, #tpu.memory_space<semaphore_mem>>) src(%dma_wait3A_165 : memref<625x64xf32, #tpu.memory_space<vmem_shared>>) dst(%dma_wait3A_163 : memref<625x64xf32, #tpu.memory_space<hbm>>)
      tpu.yield
    }) : () -> ()
    return
  }
}

module attributes {stable_mosaic.version = 14 : i64} {
  func.func @_tc1_body(%arg0: i32, %arg1: memref<2000x128xf32, #tpu.memory_space<vmem>>, %arg2: memref<128x128xf32, #tpu.memory_space<vmem>>, %arg3: memref<2x2000x16xf32, #tpu.memory_space<vmem>>, %arg4: memref<2000x64xf32, #tpu.memory_space<vmem>>, %arg5: memref<2000x64xf32, #tpu.memory_space<vmem>>, %arg6: memref<2000x1xf32, #tpu.memory_space<vmem>>) attributes {dimension_semantics = [#tpu.dimension_semantics<arbitrary>], iteration_bounds = array<i64: 5>, scalar_prefetch = 0 : i64, scratch_operands = 0 : i64, tpu.core_type = #tpu.core_type<tc>, window_params = [{transform_indices = @transform_0, window_bounds = array<i64: 2000, 128>}, {pipeline_mode = #tpu.pipeline_mode<synchronous>, transform_indices = @transform_1, window_bounds = array<i64: 128, 128>}, {transform_indices = @transform_2, window_bounds = array<i64: 2, 2000, 16>}, {transform_indices = @transform_3, window_bounds = array<i64: 2000, 64>}, {transform_indices = @transform_4, window_bounds = array<i64: 2000, 64>}, {transform_indices = @transform_5, window_bounds = array<i64: 2000, 1>}]} {
    %get3A = arith.constant 0 : index
    %get3A_0 = arith.constant 0 : index
    %get3A_1 = arith.constant 0 : index
    %get3A_2 = vector.load %arg3[%get3A, %get3A_0, %get3A_1] : memref<2x2000x16xf32, #tpu.memory_space<vmem>>, vector<1x2000x1xf32>
    %get3A_3 = vector.shape_cast %get3A_2 : vector<1x2000x1xf32> to vector<2000x1xf32>
    %get3A_4 = arith.constant 1 : index
    %get3A_5 = arith.constant 0 : index
    %get3A_6 = arith.constant 0 : index
    %get3A_7 = vector.load %arg3[%get3A_4, %get3A_5, %get3A_6] : memref<2x2000x16xf32, #tpu.memory_space<vmem>>, vector<1x2000x1xf32>
    %get3A_8 = vector.shape_cast %get3A_7 : vector<1x2000x1xf32> to vector<2000x1xf32>
    %add3A = arith.addf %get3A_3, %get3A_8 : vector<2000x1xf32>
    %sub3A = arith.constant 1.000000e+00 : f32
    %sub3A_9 = vector.broadcast %sub3A : f32 to vector<2000x1xf32>
    %sub3A_10 = arith.subf %add3A, %sub3A_9 : vector<2000x1xf32>
    %rsqrt3A = math.rsqrt %sub3A_10 : vector<2000x1xf32>
    %get3A_11 = arith.constant 0 : index
    %get3A_12 = arith.constant 0 : index
    %get3A_13 = vector.load %arg1[%get3A_11, %get3A_12] : memref<2000x128xf32, #tpu.memory_space<vmem>>, vector<2000x128xf32>
    %get3A_14 = arith.constant 0 : index
    %get3A_15 = arith.constant 0 : index
    %get3A_16 = vector.load %arg2[%get3A_14, %get3A_15] : memref<128x128xf32, #tpu.memory_space<vmem>>, vector<128x128xf32>
    %dot_general3A = arith.constant dense<0.000000e+00> : vector<2000x128xf32>
    %dot_general3A_17 = tpu.matmul %get3A_13, %get3A_16, %dot_general3A {dimension_numbers = #tpu.dot_dimension_numbers<[1], [0], [0], [1], [0, 0, 1, 1], [], []>, transpose_lhs_hint = false} : vector<2000x128xf32>, vector<128x128xf32>, vector<2000x128xf32> -> vector<2000x128xf32>
    %mul3A = vector.broadcast %rsqrt3A : vector<2000x1xf32> to vector<2000x128xf32>
    %mul3A_18 = arith.mulf %dot_general3A_17, %mul3A : vector<2000x128xf32>
    %slice3A = vector.extract_strided_slice %mul3A_18 {offsets = [0, 0], sizes = [2000, 64], strides = [1, 1]} : vector<2000x128xf32> to vector<2000x64xf32>
    %swap3A = arith.constant 0 : index
    %swap3A_19 = arith.constant 0 : index
    %swap3A_20 = vector.load %arg4[%swap3A, %swap3A_19] : memref<2000x64xf32, #tpu.memory_space<vmem>>, vector<2000x64xf32>
    tpu.vector_store %arg4[%swap3A, %swap3A_19], %slice3A {strides = array<i32>} : memref<2000x64xf32, #tpu.memory_space<vmem>>, vector<2000x64xf32>,
    %slice3A_21 = vector.extract_strided_slice %mul3A_18 {offsets = [0, 64], sizes = [2000, 64], strides = [1, 1]} : vector<2000x128xf32> to vector<2000x64xf32>
    %swap3A_22 = arith.constant 0 : index
    %swap3A_23 = arith.constant 0 : index
    %swap3A_24 = vector.load %arg5[%swap3A_22, %swap3A_23] : memref<2000x64xf32, #tpu.memory_space<vmem>>, vector<2000x64xf32>
    tpu.vector_store %arg5[%swap3A_22, %swap3A_23], %slice3A_21 {strides = array<i32>} : memref<2000x64xf32, #tpu.memory_space<vmem>>, vector<2000x64xf32>,
    %swap3A_25 = arith.constant 0 : index
    %swap3A_26 = arith.constant 0 : index
    %swap3A_27 = vector.load %arg6[%swap3A_25, %swap3A_26] : memref<2000x1xf32, #tpu.memory_space<vmem>>, vector<2000x1xf32>
    tpu.vector_store %arg6[%swap3A_25, %swap3A_26], %rsqrt3A {strides = array<i32>} : memref<2000x1xf32, #tpu.memory_space<vmem>>, vector<2000x1xf32>,
    return
  }
  func.func @transform_0(%arg0: i32) -> (i32, i32) {
    %c0_i32 = arith.constant 0 : i32
    %c0_i32_0 = arith.constant 0 : i32
    return %arg0, %c0_i32 : i32, i32
  }
  func.func @transform_1(%arg0: i32) -> (i32, i32) {
    %c0_i32 = arith.constant 0 : i32
    %c0_i32_0 = arith.constant 0 : i32
    %c0_i32_1 = arith.constant 0 : i32
    return %c0_i32, %c0_i32_0 : i32, i32
  }
  func.func @transform_2(%arg0: i32) -> (i32, i32, i32) {
    %c0_i32 = arith.constant 0 : i32
    %c0_i32_0 = arith.constant 0 : i32
    %c0_i32_1 = arith.constant 0 : i32
    return %c0_i32, %arg0, %c0_i32_0 : i32, i32, i32
  }
  func.func @transform_3(%arg0: i32) -> (i32, i32) {
    %c0_i32 = arith.constant 0 : i32
    %c0_i32_0 = arith.constant 0 : i32
    return %arg0, %c0_i32 : i32, i32
  }
  func.func @transform_4(%arg0: i32) -> (i32, i32) {
    %c0_i32 = arith.constant 0 : i32
    %c0_i32_0 = arith.constant 0 : i32
    return %arg0, %c0_i32 : i32, i32
  }
  func.func @transform_5(%arg0: i32) -> (i32, i32) {
    %c0_i32 = arith.constant 0 : i32
    %c0_i32_0 = arith.constant 0 : i32
    return %arg0, %c0_i32 : i32, i32
  }
}

module attributes {stable_mosaic.version = 14 : i64} {
  func.func @_tc2_body(%arg0: i32, %arg1: memref<2x2000x64xf32, #tpu.memory_space<vmem>>, %arg2: memref<2000x1xf32, #tpu.memory_space<vmem>>, %arg3: memref<1x128xf32, #tpu.memory_space<vmem>>, %arg4: memref<128x64xf32, #tpu.memory_space<vmem>>, %arg5: memref<2000x64xf32, #tpu.memory_space<vmem>>) attributes {dimension_semantics = [#tpu.dimension_semantics<arbitrary>], iteration_bounds = array<i64: 5>, scalar_prefetch = 0 : i64, scratch_operands = 0 : i64, tpu.core_type = #tpu.core_type<tc>, window_params = [{transform_indices = @transform_0, window_bounds = array<i64: 2, 2000, 64>}, {transform_indices = @transform_1, window_bounds = array<i64: 2000, 1>}, {pipeline_mode = #tpu.pipeline_mode<synchronous>, transform_indices = @transform_2, window_bounds = array<i64: 1, 128>}, {pipeline_mode = #tpu.pipeline_mode<synchronous>, transform_indices = @transform_3, window_bounds = array<i64: 128, 64>}, {transform_indices = @transform_4, window_bounds = array<i64: 2000, 64>}]} {
    %get3A = arith.constant 0 : index
    %get3A_0 = arith.constant 0 : index
    %get3A_1 = vector.load %arg2[%get3A, %get3A_0] : memref<2000x1xf32, #tpu.memory_space<vmem>>, vector<2000x1xf32>
    %get3A_2 = arith.constant 0 : index
    %get3A_3 = arith.constant 0 : index
    %get3A_4 = arith.constant 0 : index
    %get3A_5 = vector.load %arg1[%get3A_2, %get3A_3, %get3A_4] : memref<2x2000x64xf32, #tpu.memory_space<vmem>>, vector<1x2000x64xf32>
    %get3A_6 = vector.shape_cast %get3A_5 : vector<1x2000x64xf32> to vector<2000x64xf32>
    %get3A_7 = arith.constant 1 : index
    %get3A_8 = arith.constant 0 : index
    %get3A_9 = arith.constant 0 : index
    %get3A_10 = vector.load %arg1[%get3A_7, %get3A_8, %get3A_9] : memref<2x2000x64xf32, #tpu.memory_space<vmem>>, vector<1x2000x64xf32>
    %get3A_11 = vector.shape_cast %get3A_10 : vector<1x2000x64xf32> to vector<2000x64xf32>
    %concatenate3A = tpu.concatenate %get3A_6, %get3A_11 in 1 : vector<2000x64xf32>, vector<2000x64xf32> -> vector<2000x128xf32>
    %mul3A = vector.broadcast %get3A_1 : vector<2000x1xf32> to vector<2000x128xf32>
    %mul3A_12 = arith.mulf %mul3A, %concatenate3A : vector<2000x128xf32>
    %get3A_13 = arith.constant 0 : index
    %get3A_14 = arith.constant 0 : index
    %get3A_15 = vector.load %arg3[%get3A_13, %get3A_14] : memref<1x128xf32, #tpu.memory_space<vmem>>, vector<1x128xf32>
    %add3A = vector.broadcast %get3A_15 : vector<1x128xf32> to vector<2000x128xf32>
    %add3A_16 = arith.addf %mul3A_12, %add3A : vector<2000x128xf32>
    %max3A = arith.constant 0.000000e+00 : f32
    %max3A_17 = vector.broadcast %max3A : f32 to vector<2000x128xf32>
    %max3A_18 = arith.maximumf %add3A_16, %max3A_17 : vector<2000x128xf32>
    %get3A_19 = arith.constant 0 : index
    %get3A_20 = arith.constant 0 : index
    %get3A_21 = vector.load %arg4[%get3A_19, %get3A_20] : memref<128x64xf32, #tpu.memory_space<vmem>>, vector<128x64xf32>
    %dot_general3A = arith.constant dense<0.000000e+00> : vector<2000x64xf32>
    %dot_general3A_22 = tpu.matmul %max3A_18, %get3A_21, %dot_general3A {dimension_numbers = #tpu.dot_dimension_numbers<[1], [0], [0], [1], [0, 0, 1, 1], [], []>, transpose_lhs_hint = false} : vector<2000x128xf32>, vector<128x64xf32>, vector<2000x64xf32> -> vector<2000x64xf32>
    %mul3A_23 = vector.broadcast %get3A_1 : vector<2000x1xf32> to vector<2000x64xf32>
    %mul3A_24 = arith.mulf %dot_general3A_22, %mul3A_23 : vector<2000x64xf32>
    %swap3A = arith.constant 0 : index
    %swap3A_25 = arith.constant 0 : index
    %swap3A_26 = vector.load %arg5[%swap3A, %swap3A_25] : memref<2000x64xf32, #tpu.memory_space<vmem>>, vector<2000x64xf32>
    tpu.vector_store %arg5[%swap3A, %swap3A_25], %mul3A_24 {strides = array<i32>} : memref<2000x64xf32, #tpu.memory_space<vmem>>, vector<2000x64xf32>,
    return
  }
  func.func @transform_0(%arg0: i32) -> (i32, i32, i32) {
    %c0_i32 = arith.constant 0 : i32
    %c0_i32_0 = arith.constant 0 : i32
    %c0_i32_1 = arith.constant 0 : i32
    return %c0_i32, %arg0, %c0_i32_0 : i32, i32, i32
  }
  func.func @transform_1(%arg0: i32) -> (i32, i32) {
    %c0_i32 = arith.constant 0 : i32
    %c0_i32_0 = arith.constant 0 : i32
    return %arg0, %c0_i32 : i32, i32
  }
  func.func @transform_2(%arg0: i32) -> (i32, i32) {
    %c0_i32 = arith.constant 0 : i32
    %c0_i32_0 = arith.constant 0 : i32
    %c0_i32_1 = arith.constant 0 : i32
    return %c0_i32, %c0_i32_0 : i32, i32
  }
  func.func @transform_3(%arg0: i32) -> (i32, i32) {
    %c0_i32 = arith.constant 0 : i32
    %c0_i32_0 = arith.constant 0 : i32
    %c0_i32_1 = arith.constant 0 : i32
    return %c0_i32, %c0_i32_0 : i32, i32
  }
  func.func @transform_4(%arg0: i32) -> (i32, i32) {
    %c0_i32 = arith.constant 0 : i32
    %c0_i32_0 = arith.constant 0 : i32
    return %arg0, %c0_i32 : i32, i32
  }
}

module attributes {stable_mosaic.version = 14 : i64} {
  func.func @_tc3_body(%arg0: i32, %arg1: memref<2x2000x64xf32, #tpu.memory_space<vmem>>, %arg2: memref<2000x64xf32, #tpu.memory_space<vmem>>, %arg3: memref<2000x1xf32, #tpu.memory_space<vmem>>, %arg4: memref<1x40xf32, #tpu.memory_space<vmem>>, %arg5: memref<2000x40xf32, #tpu.memory_space<vmem>>) attributes {dimension_semantics = [#tpu.dimension_semantics<arbitrary>], iteration_bounds = array<i64: 5>, scalar_prefetch = 0 : i64, scratch_operands = 0 : i64, tpu.core_type = #tpu.core_type<tc>, window_params = [{transform_indices = @transform_0, window_bounds = array<i64: 2, 2000, 64>}, {transform_indices = @transform_1, window_bounds = array<i64: 2000, 64>}, {transform_indices = @transform_2, window_bounds = array<i64: 2000, 1>}, {pipeline_mode = #tpu.pipeline_mode<synchronous>, transform_indices = @transform_3, window_bounds = array<i64: 1, 40>}, {transform_indices = @transform_4, window_bounds = array<i64: 2000, 40>}]} {
    %get3A = arith.constant 0 : index
    %get3A_0 = arith.constant 0 : index
    %get3A_1 = arith.constant 0 : index
    %get3A_2 = vector.load %arg1[%get3A, %get3A_0, %get3A_1] : memref<2x2000x64xf32, #tpu.memory_space<vmem>>, vector<1x2000x64xf32>
    %get3A_3 = vector.shape_cast %get3A_2 : vector<1x2000x64xf32> to vector<2000x64xf32>
    %get3A_4 = arith.constant 1 : index
    %get3A_5 = arith.constant 0 : index
    %get3A_6 = arith.constant 0 : index
    %get3A_7 = vector.load %arg1[%get3A_4, %get3A_5, %get3A_6] : memref<2x2000x64xf32, #tpu.memory_space<vmem>>, vector<1x2000x64xf32>
    %get3A_8 = vector.shape_cast %get3A_7 : vector<1x2000x64xf32> to vector<2000x64xf32>
    %add3A = arith.addf %get3A_3, %get3A_8 : vector<2000x64xf32>
    %get3A_9 = arith.constant 0 : index
    %get3A_10 = arith.constant 0 : index
    %get3A_11 = vector.load %arg2[%get3A_9, %get3A_10] : memref<2000x64xf32, #tpu.memory_space<vmem>>, vector<2000x64xf32>
    %sub3A = arith.subf %add3A, %get3A_11 : vector<2000x64xf32>
    %get3A_12 = arith.constant 0 : index
    %get3A_13 = arith.constant 0 : index
    %get3A_14 = vector.load %arg3[%get3A_12, %get3A_13] : memref<2000x1xf32, #tpu.memory_space<vmem>>, vector<2000x1xf32>
    %mul3A = vector.broadcast %get3A_14 : vector<2000x1xf32> to vector<2000x64xf32>
    %mul3A_15 = arith.mulf %mul3A, %sub3A : vector<2000x64xf32>
    %slice3A = vector.extract_strided_slice %mul3A_15 {offsets = [0, 0], sizes = [2000, 40], strides = [1, 1]} : vector<2000x64xf32> to vector<2000x40xf32>
    %get3A_16 = arith.constant 0 : index
    %get3A_17 = arith.constant 0 : index
    %get3A_18 = vector.load %arg4[%get3A_16, %get3A_17] : memref<1x40xf32, #tpu.memory_space<vmem>>, vector<1x40xf32>
    %add3A_19 = vector.broadcast %get3A_18 : vector<1x40xf32> to vector<2000x40xf32>
    %add3A_20 = arith.addf %slice3A, %add3A_19 : vector<2000x40xf32>
    %swap3A = arith.constant 0 : index
    %swap3A_21 = arith.constant 0 : index
    %swap3A_22 = vector.load %arg5[%swap3A, %swap3A_21] : memref<2000x40xf32, #tpu.memory_space<vmem>>, vector<2000x40xf32>
    tpu.vector_store %arg5[%swap3A, %swap3A_21], %add3A_20 {strides = array<i32>} : memref<2000x40xf32, #tpu.memory_space<vmem>>, vector<2000x40xf32>,
    return
  }
  func.func @transform_0(%arg0: i32) -> (i32, i32, i32) {
    %c0_i32 = arith.constant 0 : i32
    %c0_i32_0 = arith.constant 0 : i32
    %c0_i32_1 = arith.constant 0 : i32
    return %c0_i32, %arg0, %c0_i32_0 : i32, i32, i32
  }
  func.func @transform_1(%arg0: i32) -> (i32, i32) {
    %c0_i32 = arith.constant 0 : i32
    %c0_i32_0 = arith.constant 0 : i32
    return %arg0, %c0_i32 : i32, i32
  }
  func.func @transform_2(%arg0: i32) -> (i32, i32) {
    %c0_i32 = arith.constant 0 : i32
    %c0_i32_0 = arith.constant 0 : i32
    return %arg0, %c0_i32 : i32, i32
  }
  func.func @transform_3(%arg0: i32) -> (i32, i32) {
    %c0_i32 = arith.constant 0 : i32
    %c0_i32_0 = arith.constant 0 : i32
    %c0_i32_1 = arith.constant 0 : i32
    return %c0_i32, %c0_i32_0 : i32, i32
  }
  func.func @transform_4(%arg0: i32) -> (i32, i32) {
    %c0_i32 = arith.constant 0 : i32
    %c0_i32_0 = arith.constant 0 : i32
    return %arg0, %c0_i32 : i32, i32
  }
}

</mosaic_0001>

<sc_bundles>
// kernel: _run.11.cloned.1.call-start
scs
__scs_entry_jumppad:
0x0: {  	(pc) =	sbr.rel $0x88, $3  }
0x1: {  	(tag) =	ssettag $0x0;
	lr =	simm.s32 $0x1  }
0x2: {  	[smem:$0x3F9B] =	sst lr;
	_ =	strace $0xD0000000  }
0x3: {  	_ = 	snop  }
0x4: {  	_ = 	snop  }
0x5: {  	_ = 	snop  }
0x6: {  	_ = 	snop  }
0x7: {  	_ = 	snop  }
__scs_overlays_trampoline_lowered:
0x8: {  	[smem:$0x3FAA] =	sst s0  }
0x9: {  	[smem:$0x3FAB] =	sst s1  }
0xa: {  	[smem:$0x3FAC] =	sst s2  }
0xb: {  	[smem:$0x3FAD] =	sst s3  }
0xc: {  	[smem:$0x3FAE] =	sst s4  }
0xd: {  	[smem:$0x3FAF] =	sst s5  }
0xe: {  	[smem:$0x3FB0] =	sst s6  }
0xf: {  	[smem:$0x3FB1] =	sst s7  }
0x10: {  	[smem:$0x3FB2] =	sst s8  }
0x11: {  	[smem:$0x3FB3] =	sst s9;
	s0 =	simm.s32 @!p0 $0x0  }
0x12: {  	s1 =	sld [smem:$0x3F99];
	s0 =	simm.s32 @p0 $0x1  }
0x13: {  	[smem:$0x3FB4] =	sst s0;
	s0 =	simm.s32 @!p1 $0x0  }
0x14: {  	s2 =	sld [smem:$0x3F98];
	s0 =	simm.s32 @p1 $0x1  }
0x15: {  	[smem:$0x3FB5] =	sst s0;
	s0 =	simm.s32 @!p2 $0x0  }
0x16: {  	s3 =	sld [smem:$0x3FDB];
	s0 =	simm.s32 @p2 $0x1  }
0x17: {  	s4 =	simm.s32 $0x1BF5;
	[smem:$0x3FB7] =	sst s0  }
0x18: {  	s0 =	sld [smem:$0x3F9A];
	_ =	swait.ge [sflag:s4], $0x0  }
0x19: {  	s7 =	sld [smem:$0x3F9B]  }
0x1a: {  	s8 =	sadd.s32 $0xFFFFE003, lr  }
0x1b: {  	s9 =	sadd.s32 $0xFFFFFEF7, lr;
	s5 =	simm.s32 $0xFFFFFFFF;
	p2 =	slt.u32 s8, $0xFFFFF086  }
0x1c: {  	p1 =	slt.u32 s9, $0xF7A;
	s5 =	simm.s32 @!p2 $0x0  }
0x1d: {  	s5 =	simm.s32 @p1 $0x1;
	p0 =	seq.s32 s7, s2  }
0x1e: {  	s7 =	smul.u32 @!p0 $0xF7A, s2;
	p2 =	seq.s32 @!p0 s5, $0x0  }
0x1f: {  	s9 =	smul.u32 $0xF7A, s1;
	s8 =	simm.s32 @!p0 $0x1BF5;
	p2 =	por !p2, p0  }
0x20: {  	[sflag:s8] =	ssyncset.s32 @!p0 $0xFFFFF086;
	s6 =	sadd.s32 @!p0 s3, s7;
	s7 =	simm.s32 @!p0 $0x108  }
0x21: {  	s3 =	sadd.s32 s3, s9;
	s6 =	sadd.s32 @!p0 $0x88, s6;
	s7 =	simm.s32 @p2 $0x1082  }
0x22: {  	[simem:s7], [sflag:s8] =	dma.local @!p0 [hbm:s6], $0xF7A  }
0x23: {  	s9 =	sor.u32 $0xD0000000, s2;
	s6 =	simm.s32 $0x108;
	_ =	swait.ge @!p0 [sflag:s8], $0x0  }
0x24: {  	s3 =	sadd.s32 $0x88, s3;
	s6 =	simm.s32 @!p1 $0x1082;
	[sflag:s4] =	ssyncset.s32 $0xFFFFF086  }
0x25: {  	[simem:s6], [sflag:s4] =	dma.local [hbm:s3], $0xF7A  }
0x26: {  	[smem:$0x3F9B] =	sst s1;
	(tag) =	ssettag s2;
	_ =	strace s9  }
0x27: {  	s1 =	sld [smem:$0x3FAB]  }
0x28: {  	s2 =	sld [smem:$0x3FAC]  }
0x29: {  	s4 =	sld [smem:$0x3FAE]  }
0x2a: {  	p0 =	seq.s32 s5, $0x0;
	s5 =	sld [smem:$0x3FAF]  }
0x2b: {  	s6 =	sld [smem:$0x3FB0]  }
0x2c: {  	s7 =	sld [smem:$0x3FB1]  }
0x2d: {  	s3 =	simm.s32 $0x108;
	s8 =	sld [smem:$0x3FB2]  }
0x2e: {  	s3 =	simm.s32 @!p0 $0x1082;
	s9 =	sld [smem:$0x3FB3]  }
0x2f: {  	lr =	sadd.s32 s0, s3;
	s0 =	sld [smem:$0x3FAA]  }
0x30: {  	s3 =	sld [smem:$0x3FAD]  }
0x31: {  	[smem:$0x3FB6] =	sst s10  }
0x32: {  	s10 =	sld [smem:$0x3FB4];
	_ =	sdelay $0x3  }
0x33: {  	p0 =	seq.s32 s10, $0x1;
	s10 =	sld [smem:$0x3FB6];
	_ =	sdelay $0x3  }
0x34: {  	[smem:$0x3FB6] =	sst s10  }
0x35: {  	s10 =	sld [smem:$0x3FB5];
	_ =	sdelay $0x3  }
0x36: {  	p1 =	seq.s32 s10, $0x1;
	s10 =	sld [smem:$0x3FB6];
	_ =	sdelay $0x3  }
0x37: {  	[smem:$0x3FB6] =	sst s10  }
0x38: {  	s10 =	sld [smem:$0x3FB7]  }
0x39: {  	_ = 	snop;
	(pc) =	sbr.ind lr, $3  }
0x3a: {  	_ = 	snop  }
0x3b: {  	_ = 	snop  }
0x3c: {  	p2 =	seq.s32 s10, $0x1;
	s10 =	sld [smem:$0x3FB6]  }
0x3d: {  	_ =	shalt  }
0x3e: {  	_ =	shalt  }
0x3f: {  	_ =	shalt  }
0x40: {  	_ =	shalt  }
0x41: {  	_ =	shalt  }
0x42: {  	_ =	shalt  }
0x43: {  	_ =	shalt  }
0x44: {  	_ =	shalt  }
0x45: {  	_ =	shalt  }
0x46: {  	_ =	shalt  }
0x47: {  	_ =	shalt  }
0x48: {  	_ =	shalt  }
0x49: {  	_ =	shalt  }
0x4a: {  	_ =	shalt  }
0x4b: {  	_ =	shalt  }
0x4c: {  	_ =	shalt  }
0x4d: {  	_ =	shalt  }
0x4e: {  	_ =	shalt  }
0x4f: {  	_ =	shalt  }
0x50: {  	_ =	shalt  }
0x51: {  	_ =	shalt  }
0x52: {  	_ =	shalt  }
0x53: {  	_ =	shalt  }
0x54: {  	_ =	shalt  }
0x55: {  	_ =	shalt  }
0x56: {  	_ =	shalt  }
0x57: {  	_ =	shalt  }
0x58: {  	_ =	shalt  }
0x59: {  	_ =	shalt  }
0x5a: {  	_ =	shalt  }
0x5b: {  	_ =	shalt  }
0x5c: {  	_ =	shalt  }
0x5d: {  	_ =	shalt  }
0x5e: {  	_ =	shalt  }
0x5f: {  	_ =	shalt  }
0x60: {  	_ =	shalt  }
0x61: {  	_ =	shalt  }
0x62: {  	_ =	shalt  }
0x63: {  	_ =	shalt  }
0x64: {  	_ =	shalt  }
0x65: {  	_ =	shalt  }
0x66: {  	_ =	shalt  }
0x67: {  	_ =	shalt  }
0x68: {  	_ =	shalt  }
0x69: {  	_ =	shalt  }
0x6a: {  	_ =	shalt  }
0x6b: {  	_ =	shalt  }
0x6c: {  	_ =	shalt  }
0x6d: {  	_ =	shalt  }
0x6e: {  	_ =	shalt  }
0x6f: {  	_ =	shalt  }
0x70: {  	_ =	shalt  }
0x71: {  	_ =	shalt  }
0x72: {  	_ =	shalt  }
0x73: {  	_ =	shalt  }
0x74: {  	_ =	shalt  }
0x75: {  	_ =	shalt  }
0x76: {  	_ =	shalt  }
0x77: {  	_ =	shalt  }
0x78: {  	_ =	shalt  }
0x79: {  	_ =	shalt  }
0x7a: {  	_ =	shalt  }
0x7b: {  	_ =	shalt  }
0x7c: {  	_ =	shalt  }
0x7d: {  	_ =	shalt  }
0x7e: {  	_ =	shalt  }
0x7f: {  	_ =	shalt  }
0x80: {  	_ =	shalt  }
0x81: {  	_ =	shalt  }
0x82: {  	_ =	shalt  }
0x83: {  	_ =	shalt  }
0x84: {  	_ =	shalt  }
0x85: {  	_ =	shalt  }
0x86: {  	_ =	shalt  }
0x87: {  	_ =	shalt  }
.Lfunc_end0:
.L_simem_size_0:
called_computation.1_lowered:
.L_overlay_start_0:
0x88: {  	s2 =	sld [smem:$0x3FD9]  }
0x89: {  	s3 =	sld [smem:$0x3FFE];
	_ =	sdelay $0x1  }
0x8a: {  	s1 =	srdreg.scid  }
0x8b: {  	s0 =	sand.u32 $0x1, s1  }
0x8c: {  	s16 =	sshll.u32 s0, $0xA;
	s2 =	sadd.s32 s3, s2  }
0x8d: {  	s2 =	sadd.s32 s2, s16  }
0x8e: {  	[smem:$0x3FC2] =	sst s2  }
0x8f: {  	_ = 	snop  }
0x90: {  	(tm) =	ssettm $0x1  }
0x91: {  	s17 =	sld [smem:$0x3FFB];
	_ =	sdelay $0x3  }
0x92: {  	_ =	strace s17  }
0x93: {  	s2 =	sld [smem:$0x3FFC];
	_ =	sdelay $0x3  }
0x94: {  	_ =	strace s2  }
0x95: {  	s2 =	sld [smem:$0x3FFD];
	_ =	sdelay $0x3  }
0x96: {  	_ =	strace s2  }
0x97: {  	_ =	strace $0x8FFFFFFF  }
0x98: {  	s18 =	sld [smem:$0x3FDB];
	_ =	sdelay $0x1  }
0x99: {  	s19 =	simm.s32 $_scs_section_size  }
0x9a: {  	s4 =	simm.s32 $_size__tile_overlayer_lowered;
	s5 =	simm.s32 $_tile_overlayer_lowered  }
0x9b: {  	s22 =	simm.s32 $0x1BFF;
	s21 =	sshll.u32 s5, $0x1;
	s2 =	sadd.s32 s19, s18  }
0x9c: {  	s6 =	simm.s32 $0x0;
	s20 =	sshll.u32 s4, $0x1;
	s4 =	sadd.s32 s21, s2  }
0x9d: {  	[timem:s6], [sflag:s22] =	dma.local [hbm:s4], s20  }
0x9e: {  	_ =	swait.ge [sflag:s22], s20  }
0x9f: {  	s3 =	ssub.s32 $0x0, s20;
	[sflag:s22] =	ssyncset.done $0x0  }
0xa0: {  	[sflag:s22] =	ssyncadd.s32 s3;
	_ =	sdelay $0x1  }
0xa1: {  	s23 =	simm.s32 $0x1B8B  }
0xa2: {  	_ =	swait.ge [sflag:s23], $0x1  }
0xa3: {  	[sflag:s23] =	ssyncset.done $0x0  }
0xa4: {  	s25 =	simm.s32 $0x1B8E;
	s24 =	sld [smem:$0x3FFE];
	[sflag:s23] =	ssyncadd.s32 $0xFFFFFFFF  }
0xa5: {  	s26 =	simm.s32 $execute0_lowered;
	[smem:$0x3FD2] =	sst s25  }
0xa6: {  	s4 =	sshll.u32 s26, $0x1;
	_ =	strace $0x80000049;
	[dreg:$0x1] =	wrdreg $0xFFFFFFFF  }
0xa7: {  	s28 =	simm.s32 $_size_execute0_lowered;
	s2 =	sadd.s32 s2, s4;
	[dreg:$0x0] =	wrdreg $0x0  }
0xa8: {  	s4 =	sshll.u32 s28, $0x1;
	[dreg:$0x2] =	wrdreg s2  }
0xa9: {  	[dreg:$0x3] =	wrdreg s4  }
0xaa: {  	[dreg:$0x4] =	wrdreg $0xC0  }
0xab: {  	_ =	task [dreg:s6], $0x5FFFF  }
0xac: {  	[dreg:$0x1] =	wrdreg $0xFFFFFFFF  }
0xad: {  	[dreg:$0x0] =	wrdreg $0x60  }
0xae: {  	[dreg:$0x2] =	wrdreg s24  }
0xaf: {  	[dreg:$0x3] =	wrdreg $0x119400  }
0xb0: {  	[dreg:$0x4] =	wrdreg $0x9  }
0xb1: {  	_ =	task.clear_ibuf [dreg:s6], $0x5FFFF;
	_ =	strace $0x90000049  }
0xb2: {  	s29 =	simm.s32 $0x9;
	_ =	strace $0x8000004B  }
0xb3: {  	_ =	swait.ge [sflag:s29], $0x1  }
0xb4: {  	[sflag:s29] =	ssyncadd.s32 $0xFFFFFFFF  }
0xb5: {  	_ =	strace $0x9000004B  }
0xb6: {  	_ =	sfence  }
0xb7: {  	s30 =	sld [smem:$0x0];
	_ =	sdelay $0x2  }
0xb8: {  	s31 =	sshll.u32 s1, $0xD;
	s1 =	sshrl.u32 s1, $0x2  }
0xb9: {  	s3 =	sand.u32 $0x4000, s31;
	s1 =	sadd.s32 s1, s30  }
0xba: {  	s0 =	sor.u32 s3, s0;
	s1 =	sshll.u32 s1, $0x11  }
0xbb: {  	s0 =	sor.u32 s1, s0  }
0xbc: {  	s0 =	sadd.s32 $0x8F2B, s0  }
0xbd: {  	[sflag:s0] =	ssyncadd.remote.s32 $0x1  }
0xbe: {  	_ =	sfence.sel $0xFFFF  }
0xbf: {  	[dreg:$0x0] =	wrdreg $0xFFFFFFFF;
	(pc) =	sbr.abs _section_cstart, $3  }
0xc0: {  	[dreg:$0x1] =	wrdreg $0xFFFFFFFF  }
0xc1: {  	_ =	task.clear_ibuf [dreg:s6], $0x2FFFF;
	_ =	strace $0x9FFFFFFF  }
0xc2: {  	(tm) =	ssettm $0x7FFFFFFF  }
0xc3: {  	_ =	shalt  }
tec
execute0_lowered:
.L_overlay_start_1:
0x0: {  	(tag) =	ssettag $0x1  }
0x1: {  	s0 =	rddreg [dreg:$0x0]  }
0x2: {  	s1 =	rddreg [dreg:$0x1];
	s3 =	simm.s32 $0x0  }
0x3: {  	s2 =	srdreg.scid;
	s10 =	stileid.u32;
	s28 =	simm.s32 $0x5140  }
0x4: {  	s29 =	simm.s32 $0x6540;
	s31 =	simm.s32 $0x7940;
	s30 =	simm.s32 $0x1  }
0x5: {  	[smem:$0x7FF] =	sst s3;
	s2 =	sand.u32 $0x1, s2;
	s7 =	smul.u32 $0x4E20, s10  }
0x6: {  	s4 =	sadd.s32 $0x29200, s0;
	s5 =	sadd.s32 $0x15800, s0;
	s17 =	smul.u32 $0x9C40, s10  }
0x7: {  	s8 =	sadd.s32 $0x1E00, s0;
	s0 =	sadd.s32 $0x3CC00, s0;
	s24 =	smul.u32 $0x9C4, s10  }
0x8: {  	_ =	strace $0x8000004A;
	s6 =	ssub.s32 $0x2, s2;
	[dreg:$0x3] =	wrdreg s0  }
0x9: {  	p0 =	seq.s32 s2, $0x1;
	s9 =	sshrl.u32 s6, $0x1;
	s22 =	sshrl.u32 s17, $0x3  }
0xa: {  	s16 =	sshrl.u32 s7, $0x3;
	s26 =	sadd.s32 s24, s8;
	[dreg:$0xa] =	wrdreg s22  }
0xb: {  	s15 =	ssub.s32 s6, s9;
	s6 =	sadd.s32 s8, s16;
	[dreg:$0x10] =	wrdreg s26  }
0xc: {  	s24 =	simm.s32 $0x4F10;
	s23 =	sadd.s32 s4, s22;
	[dreg:$0x4] =	wrdreg s6  }
0xd: {  	s7 =	simm.s32 $0x2;
	s25 =	sadd.s32 s5, s22;
	[dreg:$0xc] =	wrdreg s23  }
0xe: {  	s26 =	simm.s32 $0x50;
	s18 =	sadd.s32 $0x9C40, s6;
	[dreg:$0xd] =	wrdreg s25  }
0xf: {  	s19 =	sadd.s32 $0x9C4A, s6;
	s20 =	sadd.s32 $0x9C54, s6;
	[dreg:$0x5] =	wrdreg s18  }
0x10: {  	s21 =	sadd.s32 $0x9C5E, s6;
	s6 =	sadd.s32 $0x9C68, s6;
	[dreg:$0x6] =	wrdreg s19  }
0x11: {  	s0 =	smax.u32 s15, $0x1;
	s23 =	simm.s32 $0x4EC0;
	[dreg:$0x7] =	wrdreg s20  }
.Ltmp0:
0x12: {  	s25 =	simm.s32 $0x4F60;
	[dreg:$0x8] =	wrdreg s21;
	(pc) =	sbr.rel .LBB2_1-.Ltmp0, $4  }
0x13: {  	s15 =	simm.s32 $0x8D40;
	[dreg:$0x9] =	wrdreg s6;
	s21 =	sadd.s32 s17, s1  }
0x14: {  	s6 =	sadd.s32 $0x13880, s22;
	[dreg:$0xf] =	wrdreg s0;
	s19 =	simm.s32 $0x4  }
0x15: {  	s20 =	simm.s32 $0x4E20;
	s22 =	simm.s32 $0x4E70;
	[dreg:$0xe] =	wrdreg s6  }
0x16: {  	s17 =	simm.s32 $0x3;
	s0 =	simm.s32 $0x0;
	[dreg:$0xb] =	wrdreg s21  }
.LBB2_8:
0x17: {  	s14 =	rddreg [dreg:$0xe]  }
0x18: {  	s24 =	simm.s32 $0x4F10;
	s0 =	rddreg [dreg:$0x11]  }
.LBB2_9:
0x19: {  	_ =	swait.ge [sflag:s7], $0x6400  }
0x1a: {  	[sflag:s7] =	ssyncset.done $0x0  }
0x1b: {  	[sflag:s7] =	ssyncadd.s32 $0xFFFF9C00  }
0x1c: {  	s19 =	rddreg [dreg:$0x3];
	[bflag:$0x0] =	sbarrier.arrive $0xFFFF  }
0x1d: {  	s14 =	sadd.s32 s19, s14;
	s21 =	rddreg [dreg:$0xb]  }
0x1e: {  	s19 =	simm.s32 $0x4;
	s2 =	rddreg [dreg:$0x12];
	s23 =	sshrl.u32 s21, $0x3  }
0x1f: {  	[hbm:s14], [sflag:s2] =	dma.local [spmem:s23], $0x1388  }
0x20: {  	_ =	swait.ge [sflag:s19], $0x1388  }
0x21: {  	s0 =	sadd.s32 $0x1, s0;
	s25 =	rddreg [dreg:$0xf]  }
0x22: {  	p1 =	sne.s32 s0, s25  }
.Ltmp1:
0x23: {  	_ = 	snop;
	(pc) =	sbr.rel @!p1 .LBB2_10-.Ltmp1, $4  }
0x24: {  	s20 =	simm.s32 $0x4E20  }
0x25: {  	s22 =	simm.s32 $0x4E70;
	s28 =	simm.s32 $0x5140;
	s29 =	simm.s32 $0x6540  }
0x26: {  	s31 =	simm.s32 $0x7940;
	s15 =	simm.s32 $0x8D40;
	[sflag:s19] =	ssyncset.done $0x0  }
0x27: {  	s23 =	simm.s32 $0x4EC0;
	[sflag:s19] =	ssyncadd.s32 $0xFFFFEC78;
	s25 =	simm.s32 $0x4F60  }
.LBB2_1:
0x28: {  	[dreg:$0x11] =	wrdreg s0  }
0x29: {  	s14 =	rddreg [dreg:$0x4]  }
0x2a: {  	[tilespmem:s3], [sflag:$0x4] =	stream.linear.gather [hbm4b:s14+s3], $0x4E20, $0x38;
	[tilespmem:$0x1B580] =	vst v63  }
0x2b: {  	_ =	swait.ge [sflag:s19], $0x4E20  }
0x2c: {  	[sflag:s19] =	ssyncset.done $0x0  }
0x2d: {  	[sflag:s19] =	ssyncadd.s32 $0xFFFFB1E0;
	s19 =	rddreg [dreg:$0x5]  }
0x2e: {  	[tilespmem:s20], [sflag:$0x3] =	stream.linear.gather [hbm4b:s19+s3], $0x50, $0x38;
	[tilespmem:$0x1B580] =	vst v63  }
0x2f: {  	s20 =	rddreg [dreg:$0x6]  }
0x30: {  	[tilespmem:s22], [sflag:$0x3] =	stream.linear.gather [hbm4b:s20+s3], $0x50, $0x38;
	[tilespmem:$0x1B580] =	vst v63  }
0x31: {  	s22 =	rddreg [dreg:$0x7]  }
0x32: {  	[tilespmem:s23], [sflag:$0x3] =	stream.linear.gather [hbm4b:s22+s3], $0x50, $0x38;
	[tilespmem:$0x1B580] =	vst v63  }
.Ltmp2:
0x33: {  	_ = 	snop;
	(pc) =	sbr.rel @!p0 .LBB2_2-.Ltmp2, $4  }
0x34: {  	s23 =	rddreg [dreg:$0x8]  }
0x35: {  	[tilespmem:s24], [sflag:$0x3] =	stream.linear.gather [hbm4b:s23+s3], $0x50, $0x38;
	[tilespmem:$0x1B580] =	vst v63  }
0x36: {  	s6 =	simm.s32 $0x4;
	s20 =	simm.s32 $0x0;
	s24 =	rddreg [dreg:$0x9]  }
0x37: {  	[tilespmem:s25], [sflag:$0x3] =	stream.linear.gather [hbm4b:s24+s3], $0x50, $0x38;
	[tilespmem:$0x1B580] =	vst v63  }
0x38: {  	[tilespmem:s28], [sflag:$0x1] =	stream.indirect.gather [hbm4b:s5+s26], $0x40, s20, s26, $0xb8;
	[tilespmem:$0x1B580] =	vst v63  }
0x39: {  	_ = 	snop  }
0x3a: {  	[tilespmem:s29], [sflag:$0x1] =	stream.indirect.gather [hbm4b:s5+s26], $0x40, s26, s26, $0xb8;
	[tilespmem:$0x1B580] =	vst v63  }
0x3b: {  	s14 =	simm.s32 $0xA0;
	s22 =	stileid.u32  }
0x3c: {  	[tilespmem:s31], [sflag:$0x1] =	stream.indirect.gather [hbm4b:s5+s26], $0x40, s14, s26, $0xb8;
	[tilespmem:$0x1B580] =	vst v63  }
0x3d: {  	s14 =	sshll.u32 s22, $0x6  }
0x3e: {  	s2 =	simm.s32 $0xF0;
	s23 =	sor.u32 $0x1C04, s14  }
0x3f: {  	[tilespmem:s15], [sflag:$0x1] =	stream.indirect.gather [hbm4b:s5+s26], $0x40, s2, s26, $0xb8;
	[tilespmem:$0x1B580] =	vst v63  }
0x40: {  	s0 =	simm.s32 $0xA140;
	s19 =	simm.s32 $0x140;
	[dreg:$0x12] =	wrdreg s23  }
0x41: {  	[tilespmem:s0], [sflag:$0x1] =	stream.indirect.gather [hbm4b:s5+s26], $0x40, s19, s26, $0xb8;
	[tilespmem:$0x1B580] =	vst v63  }
0x42: {  	s24 =	sshrl.u32 s21, $0x3;
	s19 =	rddreg [dreg:$0xd]  }
0x43: {  	[spmem:s24], [sflag:s23] =	dma.local [hbm:s19], $0x1388  }
0x44: {  	_ =	swait.ge [sflag:s6], $0x1388  }
0x45: {  	s21 =	simm.s32 $0x4F10;
	[sflag:s6] =	ssyncset.done $0x0  }
0x46: {  	s14 =	simm.s32 $0x460;
	s23 =	simm.s32 $0x4E70;
	[sflag:s6] =	ssyncadd.s32 $0xFFFFEC78  }
0x47: {  	s24 =	simm.s32 $0x4EC0;
	s6 =	simm.s32 $0x4E20;
	[bflag:$0x0] =	sbarrier.arrive $0xFFFF  }
.LBB2_7:
0x48: {  	p1 =	seq.s32 s20, $0x0  }
0x49: {  	s19 =	simm.s32 @!p1 $0x2  }
0x4a: {  	_ =	swait.ge @!p1 [sflag:s19], $0x6400  }
0x4b: {  	[sflag:s19] =	ssyncset.done @!p1 $0x0  }
0x4c: {  	[sflag:s19] =	ssyncadd.s32 @!p1 $0xFFFF9C00  }
0x4d: {  	_ =	swait.ge [sflag:s30], $0x6400  }
0x4e: {  	[sflag:s30] =	ssyncset.done $0x0  }
0x4f: {  	[sflag:s30] =	ssyncadd.s32 $0xFFFF9C00  }
0x50: {  	_ =	swait.ge [sflag:s17], $0x50  }
0x51: {  	[sflag:s17] =	ssyncset.done $0x0  }
0x52: {  	[sflag:s17] =	ssyncadd.s32 $0xFFFFFFB0  }
0x53: {  	_ =	swait.ge [sflag:s17], $0x50  }
0x54: {  	[sflag:s17] =	ssyncset.done $0x0  }
0x55: {  	[sflag:s17] =	ssyncadd.s32 $0xFFFFFFB0  }
0x56: {  	_ =	swait.ge [sflag:s17], $0x50  }
0x57: {  	[sflag:s17] =	ssyncset.done $0x0  }
0x58: {  	[sflag:s17] =	ssyncadd.s32 $0xFFFFFFB0  }
0x59: {  	_ =	swait.ge [sflag:s17], $0x50  }
0x5a: {  	[sflag:s17] =	ssyncset.done $0x0  }
0x5b: {  	[sflag:s17] =	ssyncadd.s32 $0xFFFFFFB0  }
0x5c: {  	_ =	swait.ge [sflag:s17], $0x50  }
0x5d: {  	[sflag:s17] =	ssyncset.done $0x0  }
0x5e: {  	[sflag:s17] =	ssyncadd.s32 $0xFFFFFFB0  }
0x5f: {  	[spmem:s1] =	stream.indirect.scatter.add.f32 [tilespmem:s28], [sflag:$0x2], $0x40, s6, s26, $0xb8;
	[tilespmem:$0x1B580] =	vst v63  }
0x60: {  	_ = 	snop  }
0x61: {  	[spmem:s1] =	stream.indirect.scatter.add.f32 [tilespmem:s29], [sflag:$0x2], $0x40, s23, s26, $0xb8;
	[tilespmem:$0x1B580] =	vst v63  }
0x62: {  	_ = 	snop  }
0x63: {  	[spmem:s1] =	stream.indirect.scatter.add.f32 [tilespmem:s31], [sflag:$0x2], $0x40, s24, s26, $0xb8;
	[tilespmem:$0x1B580] =	vst v63  }
0x64: {  	_ = 	snop  }
0x65: {  	[spmem:s1] =	stream.indirect.scatter.add.f32 [tilespmem:s15], [sflag:$0x2], $0x40, s21, s26, $0xb8;
	[tilespmem:$0x1B580] =	vst v63  }
0x66: {  	s21 =	rddreg [dreg:$0x10]  }
0x67: {  	s19 =	sadd.s32 s20, s21  }
0x68: {  	[spmem:s1] =	stream.indirect.scatter.add.f32 [tilespmem:s0], [sflag:$0x2], $0x40, s25, s26, $0xb8;
	[tilespmem:$0x1B580] =	vst v63  }
0x69: {  	s16 =	simm.s32 $0x4FB0;
	s22 =	sadd.s32 $0x9C72, s19  }
0x6a: {  	[tilespmem:s16], [sflag:$0x3] =	stream.linear.gather [hbm4b:s22+s3], $0x50, $0x38;
	[tilespmem:$0x1B580] =	vst v63  }
0x6b: {  	s13 =	simm.s32 $0x5000;
	s6 =	sadd.s32 $0x9C7C, s19  }
0x6c: {  	[tilespmem:s13], [sflag:$0x3] =	stream.linear.gather [hbm4b:s6+s3], $0x50, $0x38;
	[tilespmem:$0x1B580] =	vst v63  }
0x6d: {  	s8 =	sadd.s32 $0x9C86, s19;
	s6 =	simm.s32 $0x5050  }
0x6e: {  	[tilespmem:s6], [sflag:$0x3] =	stream.linear.gather [hbm4b:s8+s3], $0x50, $0x38;
	[tilespmem:$0x1B580] =	vst v63  }
0x6f: {  	s9 =	sadd.s32 $0x9C90, s19;
	s8 =	simm.s32 $0x50A0  }
0x70: {  	[tilespmem:s8], [sflag:$0x3] =	stream.linear.gather [hbm4b:s9+s3], $0x50, $0x38;
	[tilespmem:$0x1B580] =	vst v63  }
0x71: {  	s10 =	sadd.s32 $0x9C9A, s19;
	s9 =	simm.s32 $0x50F0  }
0x72: {  	[tilespmem:s9], [sflag:$0x3] =	stream.linear.gather [hbm4b:s10+s3], $0x50, $0x38;
	[tilespmem:$0x1B580] =	vst v63  }
0x73: {  	s11 =	sadd.s32 $0xFFFFFD30, s14;
	s10 =	simm.s32 $0xB540  }
0x74: {  	[tilespmem:s10], [sflag:$0x1] =	stream.indirect.gather [hbm4b:s5+s26], $0x40, s11, s26, $0xb8;
	[tilespmem:$0x1B580] =	vst v63  }
0x75: {  	s12 =	sadd.s32 $0xFFFFFD80, s14;
	s11 =	simm.s32 $0xC940  }
0x76: {  	[tilespmem:s11], [sflag:$0x1] =	stream.indirect.gather [hbm4b:s5+s26], $0x40, s12, s26, $0xb8;
	[tilespmem:$0x1B580] =	vst v63  }
0x77: {  	s18 =	sadd.s32 $0xFFFFFDD0, s14;
	s12 =	simm.s32 $0xDD40  }
0x78: {  	[tilespmem:s12], [sflag:$0x1] =	stream.indirect.gather [hbm4b:s5+s26], $0x40, s18, s26, $0xb8;
	[tilespmem:$0x1B580] =	vst v63  }
0x79: {  	s22 =	sadd.s32 $0xFFFFFE20, s14;
	s18 =	simm.s32 $0xF140  }
0x7a: {  	[tilespmem:s18], [sflag:$0x1] =	stream.indirect.gather [hbm4b:s5+s26], $0x40, s22, s26, $0xb8;
	[tilespmem:$0x1B580] =	vst v63  }
0x7b: {  	s21 =	sadd.s32 $0xFFFFFE70, s14;
	s22 =	simm.s32 $0x10540  }
0x7c: {  	[tilespmem:s22], [sflag:$0x1] =	stream.indirect.gather [hbm4b:s5+s26], $0x40, s21, s26, $0xb8;
	[tilespmem:$0x1B580] =	vst v63  }
0x7d: {  	_ =	swait.ge [sflag:s30], $0x6400  }
0x7e: {  	[sflag:s30] =	ssyncset.done $0x0  }
0x7f: {  	[sflag:s30] =	ssyncadd.s32 $0xFFFF9C00  }
0x80: {  	_ =	swait.ge [sflag:s17], $0x50  }
0x81: {  	[sflag:s17] =	ssyncset.done $0x0  }
0x82: {  	[sflag:s17] =	ssyncadd.s32 $0xFFFFFFB0  }
0x83: {  	_ =	swait.ge [sflag:s17], $0x50  }
0x84: {  	[sflag:s17] =	ssyncset.done $0x0  }
0x85: {  	[sflag:s17] =	ssyncadd.s32 $0xFFFFFFB0  }
0x86: {  	_ =	swait.ge [sflag:s17], $0x50  }
0x87: {  	[sflag:s17] =	ssyncset.done $0x0  }
0x88: {  	[sflag:s17] =	ssyncadd.s32 $0xFFFFFFB0  }
0x89: {  	_ =	swait.ge [sflag:s17], $0x50  }
0x8a: {  	[sflag:s17] =	ssyncset.done $0x0  }
0x8b: {  	[sflag:s17] =	ssyncadd.s32 $0xFFFFFFB0  }
0x8c: {  	_ =	swait.ge [sflag:s17], $0x50  }
0x8d: {  	[sflag:s17] =	ssyncset.done $0x0  }
0x8e: {  	[sflag:s17] =	ssyncadd.s32 $0xFFFFFFB0  }
0x8f: {  	_ =	swait.ge [sflag:s7], $0x6400  }
0x90: {  	[sflag:s7] =	ssyncset.done $0x0  }
0x91: {  	[sflag:s7] =	ssyncadd.s32 $0xFFFF9C00  }
0x92: {  	[spmem:s1] =	stream.indirect.scatter.add.f32 [tilespmem:s10], [sflag:$0x2], $0x40, s16, s26, $0xb8;
	[tilespmem:$0x1B580] =	vst v63  }
0x93: {  	_ = 	snop  }
0x94: {  	[spmem:s1] =	stream.indirect.scatter.add.f32 [tilespmem:s11], [sflag:$0x2], $0x40, s13, s26, $0xb8;
	[tilespmem:$0x1B580] =	vst v63  }
0x95: {  	p1 =	seq.s32 s20, $0x960  }
0x96: {  	[spmem:s1] =	stream.indirect.scatter.add.f32 [tilespmem:s12], [sflag:$0x2], $0x40, s6, s26, $0xb8;
	[tilespmem:$0x1B580] =	vst v63  }
.Ltmp3:
0x97: {  	s2 =	simm.s32 $0x8D40;
	(pc) =	sbr.rel @p1 .LBB2_8-.Ltmp3, $4  }
0x98: {  	s28 =	simm.s32 $0x4F60;
	s29 =	simm.s32 $0x5140;
	s31 =	simm.s32 $0x6540  }
0x99: {  	[spmem:s1] =	stream.indirect.scatter.add.f32 [tilespmem:s18], [sflag:$0x2], $0x40, s8, s26, $0xb8;
	[tilespmem:$0x1B580] =	vst v63  }
0x9a: {  	s15 =	simm.s32 $0x7940;
	s0 =	simm.s32 $0xA140;
	s25 =	simm.s32 $0x4F10  }
0x9b: {  	[spmem:s1] =	stream.indirect.scatter.add.f32 [tilespmem:s22], [sflag:$0x2], $0x40, s9, s26, $0xb8;
	[tilespmem:$0x1B580] =	vst v63  }
0x9c: {  	s21 =	sadd.s32 $0x9CA4, s19;
	s6 =	simm.s32 $0x4E20  }
0x9d: {  	[tilespmem:s6], [sflag:$0x3] =	stream.linear.gather [hbm4b:s21+s3], $0x50, $0x38;
	[tilespmem:$0x1B580] =	vst v63  }
0x9e: {  	s11 =	sadd.s32 $0x9CAE, s19  }
0x9f: {  	[tilespmem:s23], [sflag:$0x3] =	stream.linear.gather [hbm4b:s11+s3], $0x50, $0x38;
	[tilespmem:$0x1B580] =	vst v63  }
0xa0: {  	s12 =	sadd.s32 $0x9CB8, s19  }
0xa1: {  	[tilespmem:s24], [sflag:$0x3] =	stream.linear.gather [hbm4b:s12+s3], $0x50, $0x38;
	[tilespmem:$0x1B580] =	vst v63  }
0xa2: {  	s13 =	sadd.s32 $0x9CC2, s19  }
0xa3: {  	[tilespmem:s25], [sflag:$0x3] =	stream.linear.gather [hbm4b:s13+s3], $0x50, $0x38;
	[tilespmem:$0x1B580] =	vst v63  }
0xa4: {  	s16 =	sadd.s32 $0x9CCC, s19  }
0xa5: {  	[tilespmem:s28], [sflag:$0x3] =	stream.linear.gather [hbm4b:s16+s3], $0x50, $0x38;
	[tilespmem:$0x1B580] =	vst v63  }
0xa6: {  	s18 =	sadd.s32 $0xFFFFFEC0, s14  }
0xa7: {  	[tilespmem:s29], [sflag:$0x1] =	stream.indirect.gather [hbm4b:s5+s26], $0x40, s18, s26, $0xb8;
	[tilespmem:$0x1B580] =	vst v63  }
0xa8: {  	s21 =	sadd.s32 $0xFFFFFF10, s14  }
0xa9: {  	[tilespmem:s31], [sflag:$0x1] =	stream.indirect.gather [hbm4b:s5+s26], $0x40, s21, s26, $0xb8;
	[tilespmem:$0x1B580] =	vst v63  }
0xaa: {  	s22 =	sadd.s32 $0xFFFFFF60, s14;
	s20 =	sadd.s32 $0x64, s20;
	s25 =	sadd.s32 $0xFFFFFFB0, s14  }
0xab: {  	[tilespmem:s15], [sflag:$0x1] =	stream.indirect.gather [hbm4b:s5+s26], $0x40, s22, s26, $0xb8;
	[tilespmem:$0x1B580] =	vst v63  }
.Ltmp4:
0xac: {  	s28 =	simm.s32 $0x5140;
	s29 =	simm.s32 $0x6540;
	(pc) =	sbr.rel .LBB2_7-.Ltmp4, $4  }
0xad: {  	[tilespmem:s2], [sflag:$0x1] =	stream.indirect.gather [hbm4b:s5+s26], $0x40, s25, s26, $0xb8;
	[tilespmem:$0x1B580] =	vst v63  }
0xae: {  	s21 =	simm.s32 $0x4F10;
	s31 =	simm.s32 $0x7940;
	s15 =	simm.s32 $0x8D40  }
0xaf: {  	[tilespmem:s0], [sflag:$0x1] =	stream.indirect.gather [hbm4b:s5+s26], $0x40, s14, s26, $0xb8;
	[tilespmem:$0x1B580] =	vst v63  }
0xb0: {  	s25 =	simm.s32 $0x4F60;
	s14 =	sadd.s32 $0x320, s14;
	s0 =	simm.s32 $0xA140  }
.LBB2_2:
0xb1: {  	[tilespmem:s28], [sflag:$0x1] =	stream.indirect.gather [hbm4b:s4+s26], $0x40, s20, s26, $0xb8;
	[tilespmem:$0x1B580] =	vst v63  }
0xb2: {  	_ = 	snop  }
0xb3: {  	[tilespmem:s29], [sflag:$0x1] =	stream.indirect.gather [hbm4b:s4+s26], $0x40, s26, s26, $0xb8;
	[tilespmem:$0x1B580] =	vst v63  }
0xb4: {  	s14 =	simm.s32 $0xA0;
	s22 =	stileid.u32  }
0xb5: {  	[tilespmem:s31], [sflag:$0x1] =	stream.indirect.gather [hbm4b:s4+s26], $0x40, s14, s26, $0xb8;
	[tilespmem:$0x1B580] =	vst v63  }
0xb6: {  	s14 =	sshll.u32 s22, $0x6  }
0xb7: {  	s2 =	simm.s32 $0xF0;
	s23 =	sor.u32 $0x1C04, s14  }
0xb8: {  	[tilespmem:s15], [sflag:$0x1] =	stream.indirect.gather [hbm4b:s4+s26], $0x40, s2, s26, $0xb8;
	[tilespmem:$0x1B580] =	vst v63  }
0xb9: {  	s0 =	simm.s32 $0xA140;
	s19 =	simm.s32 $0x140;
	[dreg:$0x12] =	wrdreg s23  }
0xba: {  	[tilespmem:s0], [sflag:$0x1] =	stream.indirect.gather [hbm4b:s4+s26], $0x40, s19, s26, $0xb8;
	[tilespmem:$0x1B580] =	vst v63  }
0xbb: {  	s24 =	sshrl.u32 s21, $0x3;
	s19 =	rddreg [dreg:$0xc]  }
0xbc: {  	[spmem:s24], [sflag:s23] =	dma.local [hbm:s19], $0x1388  }
0xbd: {  	_ =	swait.ge [sflag:s6], $0x1388  }
0xbe: {  	s21 =	simm.s32 $0x4F10;
	[sflag:s6] =	ssyncset.done $0x0  }
0xbf: {  	s14 =	simm.s32 $0x460;
	s23 =	simm.s32 $0x4E70;
	[sflag:s6] =	ssyncadd.s32 $0xFFFFEC78  }
0xc0: {  	s24 =	simm.s32 $0x4EC0;
	s6 =	simm.s32 $0x4E20;
	[bflag:$0x0] =	sbarrier.arrive $0xFFFF  }
.LBB2_3:
0xc1: {  	p1 =	seq.s32 s20, $0x0  }
0xc2: {  	s19 =	simm.s32 @!p1 $0x2  }
0xc3: {  	_ =	swait.ge @!p1 [sflag:s19], $0x6400  }
0xc4: {  	[sflag:s19] =	ssyncset.done @!p1 $0x0  }
0xc5: {  	[sflag:s19] =	ssyncadd.s32 @!p1 $0xFFFF9C00  }
0xc6: {  	_ =	swait.ge [sflag:s30], $0x6400  }
0xc7: {  	[sflag:s30] =	ssyncset.done $0x0  }
0xc8: {  	[sflag:s30] =	ssyncadd.s32 $0xFFFF9C00  }
0xc9: {  	_ =	swait.ge [sflag:s17], $0x50  }
0xca: {  	[sflag:s17] =	ssyncset.done $0x0  }
0xcb: {  	[sflag:s17] =	ssyncadd.s32 $0xFFFFFFB0  }
0xcc: {  	_ =	swait.ge [sflag:s17], $0x50  }
0xcd: {  	[sflag:s17] =	ssyncset.done $0x0  }
0xce: {  	[sflag:s17] =	ssyncadd.s32 $0xFFFFFFB0  }
0xcf: {  	_ =	swait.ge [sflag:s17], $0x50  }
0xd0: {  	[sflag:s17] =	ssyncset.done $0x0  }
0xd1: {  	[sflag:s17] =	ssyncadd.s32 $0xFFFFFFB0  }
0xd2: {  	_ =	swait.ge [sflag:s17], $0x50  }
0xd3: {  	[sflag:s17] =	ssyncset.done $0x0  }
0xd4: {  	[sflag:s17] =	ssyncadd.s32 $0xFFFFFFB0  }
0xd5: {  	_ =	swait.ge [sflag:s17], $0x50  }
0xd6: {  	[sflag:s17] =	ssyncset.done $0x0  }
0xd7: {  	[sflag:s17] =	ssyncadd.s32 $0xFFFFFFB0  }
0xd8: {  	[spmem:s1] =	stream.indirect.scatter.add.f32 [tilespmem:s28], [sflag:$0x2], $0x40, s6, s26, $0xb8;
	[tilespmem:$0x1B580] =	vst v63  }
0xd9: {  	_ = 	snop  }
0xda: {  	[spmem:s1] =	stream.indirect.scatter.add.f32 [tilespmem:s29], [sflag:$0x2], $0x40, s23, s26, $0xb8;
	[tilespmem:$0x1B580] =	vst v63  }
0xdb: {  	_ = 	snop  }
0xdc: {  	[spmem:s1] =	stream.indirect.scatter.add.f32 [tilespmem:s31], [sflag:$0x2], $0x40, s24, s26, $0xb8;
	[tilespmem:$0x1B580] =	vst v63  }
0xdd: {  	_ = 	snop  }
0xde: {  	[spmem:s1] =	stream.indirect.scatter.add.f32 [tilespmem:s15], [sflag:$0x2], $0x40, s21, s26, $0xb8;
	[tilespmem:$0x1B580] =	vst v63  }
0xdf: {  	s21 =	rddreg [dreg:$0x10]  }
0xe0: {  	s19 =	sadd.s32 s20, s21  }
0xe1: {  	[spmem:s1] =	stream.indirect.scatter.add.f32 [tilespmem:s0], [sflag:$0x2], $0x40, s25, s26, $0xb8;
	[tilespmem:$0x1B580] =	vst v63  }
0xe2: {  	s16 =	simm.s32 $0x4FB0;
	s22 =	sadd.s32 $0x9C72, s19  }
0xe3: {  	[tilespmem:s16], [sflag:$0x3] =	stream.linear.gather [hbm4b:s22+s3], $0x50, $0x38;
	[tilespmem:$0x1B580] =	vst v63  }
0xe4: {  	s13 =	simm.s32 $0x5000;
	s6 =	sadd.s32 $0x9C7C, s19  }
0xe5: {  	[tilespmem:s13], [sflag:$0x3] =	stream.linear.gather [hbm4b:s6+s3], $0x50, $0x38;
	[tilespmem:$0x1B580] =	vst v63  }
0xe6: {  	s8 =	sadd.s32 $0x9C86, s19;
	s6 =	simm.s32 $0x5050  }
0xe7: {  	[tilespmem:s6], [sflag:$0x3] =	stream.linear.gather [hbm4b:s8+s3], $0x50, $0x38;
	[tilespmem:$0x1B580] =	vst v63  }
0xe8: {  	s9 =	sadd.s32 $0x9C90, s19;
	s8 =	simm.s32 $0x50A0  }
0xe9: {  	[tilespmem:s8], [sflag:$0x3] =	stream.linear.gather [hbm4b:s9+s3], $0x50, $0x38;
	[tilespmem:$0x1B580] =	vst v63  }
0xea: {  	s10 =	sadd.s32 $0x9C9A, s19;
	s9 =	simm.s32 $0x50F0  }
0xeb: {  	[tilespmem:s9], [sflag:$0x3] =	stream.linear.gather [hbm4b:s10+s3], $0x50, $0x38;
	[tilespmem:$0x1B580] =	vst v63  }
0xec: {  	s11 =	sadd.s32 $0xFFFFFD30, s14;
	s10 =	simm.s32 $0xB540  }
0xed: {  	[tilespmem:s10], [sflag:$0x1] =	stream.indirect.gather [hbm4b:s4+s26], $0x40, s11, s26, $0xb8;
	[tilespmem:$0x1B580] =	vst v63  }
0xee: {  	s12 =	sadd.s32 $0xFFFFFD80, s14;
	s11 =	simm.s32 $0xC940  }
0xef: {  	[tilespmem:s11], [sflag:$0x1] =	stream.indirect.gather [hbm4b:s4+s26], $0x40, s12, s26, $0xb8;
	[tilespmem:$0x1B580] =	vst v63  }
0xf0: {  	s18 =	sadd.s32 $0xFFFFFDD0, s14;
	s12 =	simm.s32 $0xDD40  }
0xf1: {  	[tilespmem:s12], [sflag:$0x1] =	stream.indirect.gather [hbm4b:s4+s26], $0x40, s18, s26, $0xb8;
	[tilespmem:$0x1B580] =	vst v63  }
0xf2: {  	s22 =	sadd.s32 $0xFFFFFE20, s14;
	s18 =	simm.s32 $0xF140  }
0xf3: {  	[tilespmem:s18], [sflag:$0x1] =	stream.indirect.gather [hbm4b:s4+s26], $0x40, s22, s26, $0xb8;
	[tilespmem:$0x1B580] =	vst v63  }
0xf4: {  	s21 =	sadd.s32 $0xFFFFFE70, s14;
	s22 =	simm.s32 $0x10540  }
0xf5: {  	[tilespmem:s22], [sflag:$0x1] =	stream.indirect.gather [hbm4b:s4+s26], $0x40, s21, s26, $0xb8;
	[tilespmem:$0x1B580] =	vst v63  }
0xf6: {  	_ =	swait.ge [sflag:s30], $0x6400  }
0xf7: {  	[sflag:s30] =	ssyncset.done $0x0  }
0xf8: {  	[sflag:s30] =	ssyncadd.s32 $0xFFFF9C00  }
0xf9: {  	_ =	swait.ge [sflag:s17], $0x50  }
0xfa: {  	[sflag:s17] =	ssyncset.done $0x0  }
0xfb: {  	[sflag:s17] =	ssyncadd.s32 $0xFFFFFFB0  }
0xfc: {  	_ =	swait.ge [sflag:s17], $0x50  }
0xfd: {  	[sflag:s17] =	ssyncset.done $0x0  }
0xfe: {  	[sflag:s17] =	ssyncadd.s32 $0xFFFFFFB0  }
0xff: {  	_ =	swait.ge [sflag:s17], $0x50  }
0x100: {  	[sflag:s17] =	ssyncset.done $0x0  }
0x101: {  	[sflag:s17] =	ssyncadd.s32 $0xFFFFFFB0  }
0x102: {  	_ =	swait.ge [sflag:s17], $0x50  }
0x103: {  	[sflag:s17] =	ssyncset.done $0x0  }
0x104: {  	[sflag:s17] =	ssyncadd.s32 $0xFFFFFFB0  }
0x105: {  	_ =	swait.ge [sflag:s17], $0x50  }
0x106: {  	[sflag:s17] =	ssyncset.done $0x0  }
0x107: {  	[sflag:s17] =	ssyncadd.s32 $0xFFFFFFB0  }
0x108: {  	_ =	swait.ge [sflag:s7], $0x6400  }
0x109: {  	[sflag:s7] =	ssyncset.done $0x0  }
0x10a: {  	[sflag:s7] =	ssyncadd.s32 $0xFFFF9C00  }
0x10b: {  	[spmem:s1] =	stream.indirect.scatter.add.f32 [tilespmem:s10], [sflag:$0x2], $0x40, s16, s26, $0xb8;
	[tilespmem:$0x1B580] =	vst v63  }
0x10c: {  	_ = 	snop  }
0x10d: {  	[spmem:s1] =	stream.indirect.scatter.add.f32 [tilespmem:s11], [sflag:$0x2], $0x40, s13, s26, $0xb8;
	[tilespmem:$0x1B580] =	vst v63  }
0x10e: {  	p1 =	seq.s32 s20, $0x960  }
0x10f: {  	[spmem:s1] =	stream.indirect.scatter.add.f32 [tilespmem:s12], [sflag:$0x2], $0x40, s6, s26, $0xb8;
	[tilespmem:$0x1B580] =	vst v63  }
.Ltmp5:
0x110: {  	s2 =	simm.s32 $0x8D40;
	(pc) =	sbr.rel @p1 .LBB2_4-.Ltmp5, $4  }
0x111: {  	s28 =	simm.s32 $0x4F60;
	s29 =	simm.s32 $0x5140;
	s31 =	simm.s32 $0x6540  }
0x112: {  	[spmem:s1] =	stream.indirect.scatter.add.f32 [tilespmem:s18], [sflag:$0x2], $0x40, s8, s26, $0xb8;
	[tilespmem:$0x1B580] =	vst v63  }
0x113: {  	s15 =	simm.s32 $0x7940;
	s0 =	simm.s32 $0xA140;
	s25 =	simm.s32 $0x4F10  }
0x114: {  	[spmem:s1] =	stream.indirect.scatter.add.f32 [tilespmem:s22], [sflag:$0x2], $0x40, s9, s26, $0xb8;
	[tilespmem:$0x1B580] =	vst v63  }
0x115: {  	s21 =	sadd.s32 $0x9CA4, s19;
	s6 =	simm.s32 $0x4E20  }
0x116: {  	[tilespmem:s6], [sflag:$0x3] =	stream.linear.gather [hbm4b:s21+s3], $0x50, $0x38;
	[tilespmem:$0x1B580] =	vst v63  }
0x117: {  	s11 =	sadd.s32 $0x9CAE, s19  }
0x118: {  	[tilespmem:s23], [sflag:$0x3] =	stream.linear.gather [hbm4b:s11+s3], $0x50, $0x38;
	[tilespmem:$0x1B580] =	vst v63  }
0x119: {  	s12 =	sadd.s32 $0x9CB8, s19  }
0x11a: {  	[tilespmem:s24], [sflag:$0x3] =	stream.linear.gather [hbm4b:s12+s3], $0x50, $0x38;
	[tilespmem:$0x1B580] =	vst v63  }
0x11b: {  	s13 =	sadd.s32 $0x9CC2, s19  }
0x11c: {  	[tilespmem:s25], [sflag:$0x3] =	stream.linear.gather [hbm4b:s13+s3], $0x50, $0x38;
	[tilespmem:$0x1B580] =	vst v63  }
0x11d: {  	s16 =	sadd.s32 $0x9CCC, s19  }
0x11e: {  	[tilespmem:s28], [sflag:$0x3] =	stream.linear.gather [hbm4b:s16+s3], $0x50, $0x38;
	[tilespmem:$0x1B580] =	vst v63  }
0x11f: {  	s18 =	sadd.s32 $0xFFFFFEC0, s14  }
0x120: {  	[tilespmem:s29], [sflag:$0x1] =	stream.indirect.gather [hbm4b:s4+s26], $0x40, s18, s26, $0xb8;
	[tilespmem:$0x1B580] =	vst v63  }
0x121: {  	s21 =	sadd.s32 $0xFFFFFF10, s14  }
0x122: {  	[tilespmem:s31], [sflag:$0x1] =	stream.indirect.gather [hbm4b:s4+s26], $0x40, s21, s26, $0xb8;
	[tilespmem:$0x1B580] =	vst v63  }
0x123: {  	s22 =	sadd.s32 $0xFFFFFF60, s14;
	s20 =	sadd.s32 $0x64, s20;
	s25 =	sadd.s32 $0xFFFFFFB0, s14  }
0x124: {  	[tilespmem:s15], [sflag:$0x1] =	stream.indirect.gather [hbm4b:s4+s26], $0x40, s22, s26, $0xb8;
	[tilespmem:$0x1B580] =	vst v63  }
.Ltmp6:
0x125: {  	s28 =	simm.s32 $0x5140;
	s29 =	simm.s32 $0x6540;
	(pc) =	sbr.rel .LBB2_3-.Ltmp6, $4  }
0x126: {  	[tilespmem:s2], [sflag:$0x1] =	stream.indirect.gather [hbm4b:s4+s26], $0x40, s25, s26, $0xb8;
	[tilespmem:$0x1B580] =	vst v63  }
0x127: {  	s21 =	simm.s32 $0x4F10;
	s31 =	simm.s32 $0x7940;
	s15 =	simm.s32 $0x8D40  }
0x128: {  	[tilespmem:s0], [sflag:$0x1] =	stream.indirect.gather [hbm4b:s4+s26], $0x40, s14, s26, $0xb8;
	[tilespmem:$0x1B580] =	vst v63  }
0x129: {  	s25 =	simm.s32 $0x4F60;
	s14 =	sadd.s32 $0x320, s14;
	s0 =	simm.s32 $0xA140  }
.LBB2_4:
.Ltmp7:
0x12a: {  	(pc) =	sbr.rel .LBB2_9-.Ltmp7, $3  }
0x12b: {  	_ =	sdelay $0x1  }
0x12c: {  	s14 =	rddreg [dreg:$0xa]  }
0x12d: {  	s24 =	simm.s32 $0x4F10;
	s0 =	rddreg [dreg:$0x11]  }
.LBB2_10:
0x12e: {  	_ =	sfence.sel $0x180000  }
0x12f: {  	[bflag:$0x0] =	sbarrier.arrive $0xFFFF  }
0x130: {  	_ =	strace $0x9000004A  }
0x131: {  	s0 =	stileid.u32;
	[bflag:$0x2] =	sbarrier.arrive $0xFFFF  }
0x132: {  	p0 =	sne.s32 s0, $0x0;
	s0 =	rddreg [dreg:$0x2]  }
0x133: {  	s0 =	sadd.s32 @!p0 $0x100000, s0  }
0x134: {  	[sflag:s0] =	ssyncadd.tile.s32 @!p0 $0x1;
	_ =	shalt  }
.Lfunc_end2:
_tile_overlayer_lowered:
.L_overlay_start_2:
0x135: {  	(tag) =	ssettag $0x2  }
0x136: {  	s0 =	rddreg [dreg:$0x0];
	s2 =	stileid.u32  }
0x137: {  	s1 =	rddreg [dreg:$0x1];
	p0 =	sne.s32 s2, $0x0  }
0x138: {  	s3 =	rddreg [dreg:$0x2];
	[bflag:$0x3] =	sbarrier.arrive $0xFFFF;
	s2 =	simm.s32 @!p0 $0x1C04  }
0x139: {  	[timem:s3], [sflag:s2] =	dma.local @!p0 [hbm:s0], s1  }
0x13a: {  	s0 =	simm.s32 @!p0 $0x4  }
0x13b: {  	_ =	swait.ge @!p0 [sflag:s0], s1  }
0x13c: {  	s1 =	ssub.s32 @!p0 $0x0, s1;
	[sflag:s0] =	ssyncset.done @!p0 $0x0  }
0x13d: {  	[sflag:s0] =	ssyncadd.s32 @!p0 s1  }
0x13e: {  	[bflag:$0x3] =	sbarrier.arrive $0xFFFF  }
0x13f: {  	_ =	shalt  }

// kernel: _run.14.cloned.1.call-start
scs
__scs_entry_jumppad:
0x0: {  	(pc) =	sbr.rel $0x88, $3  }
0x1: {  	(tag) =	ssettag $0x0;
	lr =	simm.s32 $0x1  }
0x2: {  	[smem:$0x3F9B] =	sst lr;
	_ =	strace $0xD0000000  }
0x3: {  	_ = 	snop  }
0x4: {  	_ = 	snop  }
0x5: {  	_ = 	snop  }
0x6: {  	_ = 	snop  }
0x7: {  	_ = 	snop  }
__scs_overlays_trampoline_lowered:
0x8: {  	[smem:$0x3FAA] =	sst s0  }
0x9: {  	[smem:$0x3FAB] =	sst s1  }
0xa: {  	[smem:$0x3FAC] =	sst s2  }
0xb: {  	[smem:$0x3FAD] =	sst s3  }
0xc: {  	[smem:$0x3FAE] =	sst s4  }
0xd: {  	[smem:$0x3FAF] =	sst s5  }
0xe: {  	[smem:$0x3FB0] =	sst s6  }
0xf: {  	[smem:$0x3FB1] =	sst s7  }
0x10: {  	[smem:$0x3FB2] =	sst s8  }
0x11: {  	[smem:$0x3FB3] =	sst s9;
	s0 =	simm.s32 @!p0 $0x0  }
0x12: {  	s1 =	sld [smem:$0x3F99];
	s0 =	simm.s32 @p0 $0x1  }
0x13: {  	[smem:$0x3FB4] =	sst s0;
	s0 =	simm.s32 @!p1 $0x0  }
0x14: {  	s2 =	sld [smem:$0x3F98];
	s0 =	simm.s32 @p1 $0x1  }
0x15: {  	[smem:$0x3FB5] =	sst s0;
	s0 =	simm.s32 @!p2 $0x0  }
0x16: {  	s3 =	sld [smem:$0x3FDB];
	s0 =	simm.s32 @p2 $0x1  }
0x17: {  	s4 =	simm.s32 $0x1BF5;
	[smem:$0x3FB7] =	sst s0  }
0x18: {  	s0 =	sld [smem:$0x3F9A];
	_ =	swait.ge [sflag:s4], $0x0  }
0x19: {  	s7 =	sld [smem:$0x3F9B]  }
0x1a: {  	s8 =	sadd.s32 $0xFFFFE003, lr  }
0x1b: {  	s9 =	sadd.s32 $0xFFFFFEF7, lr;
	s5 =	simm.s32 $0xFFFFFFFF;
	p2 =	slt.u32 s8, $0xFFFFF086  }
0x1c: {  	p1 =	slt.u32 s9, $0xF7A;
	s5 =	simm.s32 @!p2 $0x0  }
0x1d: {  	s5 =	simm.s32 @p1 $0x1;
	p0 =	seq.s32 s7, s2  }
0x1e: {  	s7 =	smul.u32 @!p0 $0xF7A, s2;
	p2 =	seq.s32 @!p0 s5, $0x0  }
0x1f: {  	s9 =	smul.u32 $0xF7A, s1;
	s8 =	simm.s32 @!p0 $0x1BF5;
	p2 =	por !p2, p0  }
0x20: {  	[sflag:s8] =	ssyncset.s32 @!p0 $0xFFFFF086;
	s6 =	sadd.s32 @!p0 s3, s7;
	s7 =	simm.s32 @!p0 $0x108  }
0x21: {  	s3 =	sadd.s32 s3, s9;
	s6 =	sadd.s32 @!p0 $0x88, s6;
	s7 =	simm.s32 @p2 $0x1082  }
0x22: {  	[simem:s7], [sflag:s8] =	dma.local @!p0 [hbm:s6], $0xF7A  }
0x23: {  	s9 =	sor.u32 $0xD0000000, s2;
	s6 =	simm.s32 $0x108;
	_ =	swait.ge @!p0 [sflag:s8], $0x0  }
0x24: {  	s3 =	sadd.s32 $0x88, s3;
	s6 =	simm.s32 @!p1 $0x1082;
	[sflag:s4] =	ssyncset.s32 $0xFFFFF086  }
0x25: {  	[simem:s6], [sflag:s4] =	dma.local [hbm:s3], $0xF7A  }
0x26: {  	[smem:$0x3F9B] =	sst s1;
	(tag) =	ssettag s2;
	_ =	strace s9  }
0x27: {  	s1 =	sld [smem:$0x3FAB]  }
0x28: {  	s2 =	sld [smem:$0x3FAC]  }
0x29: {  	s4 =	sld [smem:$0x3FAE]  }
0x2a: {  	p0 =	seq.s32 s5, $0x0;
	s5 =	sld [smem:$0x3FAF]  }
0x2b: {  	s6 =	sld [smem:$0x3FB0]  }
0x2c: {  	s7 =	sld [smem:$0x3FB1]  }
0x2d: {  	s3 =	simm.s32 $0x108;
	s8 =	sld [smem:$0x3FB2]  }
0x2e: {  	s3 =	simm.s32 @!p0 $0x1082;
	s9 =	sld [smem:$0x3FB3]  }
0x2f: {  	lr =	sadd.s32 s0, s3;
	s0 =	sld [smem:$0x3FAA]  }
0x30: {  	s3 =	sld [smem:$0x3FAD]  }
0x31: {  	[smem:$0x3FB6] =	sst s10  }
0x32: {  	s10 =	sld [smem:$0x3FB4];
	_ =	sdelay $0x3  }
0x33: {  	p0 =	seq.s32 s10, $0x1;
	s10 =	sld [smem:$0x3FB6];
	_ =	sdelay $0x3  }
0x34: {  	[smem:$0x3FB6] =	sst s10  }
0x35: {  	s10 =	sld [smem:$0x3FB5];
	_ =	sdelay $0x3  }
0x36: {  	p1 =	seq.s32 s10, $0x1;
	s10 =	sld [smem:$0x3FB6];
	_ =	sdelay $0x3  }
0x37: {  	[smem:$0x3FB6] =	sst s10  }
0x38: {  	s10 =	sld [smem:$0x3FB7]  }
0x39: {  	_ = 	snop;
	(pc) =	sbr.ind lr, $3  }
0x3a: {  	_ = 	snop  }
0x3b: {  	_ = 	snop  }
0x3c: {  	p2 =	seq.s32 s10, $0x1;
	s10 =	sld [smem:$0x3FB6]  }
0x3d: {  	_ =	shalt  }
0x3e: {  	_ =	shalt  }
0x3f: {  	_ =	shalt  }
0x40: {  	_ =	shalt  }
0x41: {  	_ =	shalt  }
0x42: {  	_ =	shalt  }
0x43: {  	_ =	shalt  }
0x44: {  	_ =	shalt  }
0x45: {  	_ =	shalt  }
0x46: {  	_ =	shalt  }
0x47: {  	_ =	shalt  }
0x48: {  	_ =	shalt  }
0x49: {  	_ =	shalt  }
0x4a: {  	_ =	shalt  }
0x4b: {  	_ =	shalt  }
0x4c: {  	_ =	shalt  }
0x4d: {  	_ =	shalt  }
0x4e: {  	_ =	shalt  }
0x4f: {  	_ =	shalt  }
0x50: {  	_ =	shalt  }
0x51: {  	_ =	shalt  }
0x52: {  	_ =	shalt  }
0x53: {  	_ =	shalt  }
0x54: {  	_ =	shalt  }
0x55: {  	_ =	shalt  }
0x56: {  	_ =	shalt  }
0x57: {  	_ =	shalt  }
0x58: {  	_ =	shalt  }
0x59: {  	_ =	shalt  }
0x5a: {  	_ =	shalt  }
0x5b: {  	_ =	shalt  }
0x5c: {  	_ =	shalt  }
0x5d: {  	_ =	shalt  }
0x5e: {  	_ =	shalt  }
0x5f: {  	_ =	shalt  }
0x60: {  	_ =	shalt  }
0x61: {  	_ =	shalt  }
0x62: {  	_ =	shalt  }
0x63: {  	_ =	shalt  }
0x64: {  	_ =	shalt  }
0x65: {  	_ =	shalt  }
0x66: {  	_ =	shalt  }
0x67: {  	_ =	shalt  }
0x68: {  	_ =	shalt  }
0x69: {  	_ =	shalt  }
0x6a: {  	_ =	shalt  }
0x6b: {  	_ =	shalt  }
0x6c: {  	_ =	shalt  }
0x6d: {  	_ =	shalt  }
0x6e: {  	_ =	shalt  }
0x6f: {  	_ =	shalt  }
0x70: {  	_ =	shalt  }
0x71: {  	_ =	shalt  }
0x72: {  	_ =	shalt  }
0x73: {  	_ =	shalt  }
0x74: {  	_ =	shalt  }
0x75: {  	_ =	shalt  }
0x76: {  	_ =	shalt  }
0x77: {  	_ =	shalt  }
0x78: {  	_ =	shalt  }
0x79: {  	_ =	shalt  }
0x7a: {  	_ =	shalt  }
0x7b: {  	_ =	shalt  }
0x7c: {  	_ =	shalt  }
0x7d: {  	_ =	shalt  }
0x7e: {  	_ =	shalt  }
0x7f: {  	_ =	shalt  }
0x80: {  	_ =	shalt  }
0x81: {  	_ =	shalt  }
0x82: {  	_ =	shalt  }
0x83: {  	_ =	shalt  }
0x84: {  	_ =	shalt  }
0x85: {  	_ =	shalt  }
0x86: {  	_ =	shalt  }
0x87: {  	_ =	shalt  }
.Lfunc_end0:
.L_simem_size_0:
called_computation.2_lowered:
.L_overlay_start_0:
0x88: {  	s2 =	sld [smem:$0x3FD9]  }
0x89: {  	s3 =	sld [smem:$0x3FFE];
	_ =	sdelay $0x1  }
0x8a: {  	s1 =	srdreg.scid  }
0x8b: {  	s0 =	sand.u32 $0x1, s1  }
0x8c: {  	s16 =	sshll.u32 s0, $0xA;
	s2 =	sadd.s32 s3, s2  }
0x8d: {  	s2 =	sadd.s32 s2, s16  }
0x8e: {  	[smem:$0x3FC2] =	sst s2  }
0x8f: {  	_ = 	snop  }
0x90: {  	(tm) =	ssettm $0x1  }
0x91: {  	s17 =	sld [smem:$0x3FFB];
	_ =	sdelay $0x3  }
0x92: {  	_ =	strace s17  }
0x93: {  	s2 =	sld [smem:$0x3FFC];
	_ =	sdelay $0x3  }
0x94: {  	_ =	strace s2  }
0x95: {  	s2 =	sld [smem:$0x3FFD];
	_ =	sdelay $0x3  }
0x96: {  	_ =	strace s2  }
0x97: {  	_ =	strace $0x8FFFFFFF  }
0x98: {  	s18 =	sld [smem:$0x3FDB];
	_ =	sdelay $0x1  }
0x99: {  	s19 =	simm.s32 $_scs_section_size  }
0x9a: {  	s4 =	simm.s32 $_size__tile_overlayer_lowered;
	s5 =	simm.s32 $_tile_overlayer_lowered  }
0x9b: {  	s22 =	simm.s32 $0x1BFF;
	s21 =	sshll.u32 s5, $0x1;
	s2 =	sadd.s32 s19, s18  }
0x9c: {  	s6 =	simm.s32 $0x0;
	s20 =	sshll.u32 s4, $0x1;
	s4 =	sadd.s32 s21, s2  }
0x9d: {  	[timem:s6], [sflag:s22] =	dma.local [hbm:s4], s20  }
0x9e: {  	_ =	swait.ge [sflag:s22], s20  }
0x9f: {  	s3 =	ssub.s32 $0x0, s20;
	[sflag:s22] =	ssyncset.done $0x0  }
0xa0: {  	[sflag:s22] =	ssyncadd.s32 s3;
	_ =	sdelay $0x1  }
0xa1: {  	s23 =	simm.s32 $0x1B8B  }
0xa2: {  	_ =	swait.ge [sflag:s23], $0x1  }
0xa3: {  	[sflag:s23] =	ssyncset.done $0x0  }
0xa4: {  	s25 =	simm.s32 $0x1B8E;
	s24 =	sld [smem:$0x3FFE];
	[sflag:s23] =	ssyncadd.s32 $0xFFFFFFFF  }
0xa5: {  	s26 =	simm.s32 $execute0_lowered;
	[smem:$0x3FD2] =	sst s25  }
0xa6: {  	s4 =	sshll.u32 s26, $0x1;
	_ =	strace $0x8000004C;
	[dreg:$0x1] =	wrdreg $0xFFFFFFFF  }
0xa7: {  	s28 =	simm.s32 $_size_execute0_lowered;
	s2 =	sadd.s32 s2, s4;
	[dreg:$0x0] =	wrdreg $0x0  }
0xa8: {  	s4 =	sshll.u32 s28, $0x1;
	[dreg:$0x2] =	wrdreg s2  }
0xa9: {  	[dreg:$0x3] =	wrdreg s4  }
0xaa: {  	[dreg:$0x4] =	wrdreg $0xC0  }
0xab: {  	_ =	task [dreg:s6], $0x5FFFF  }
0xac: {  	[dreg:$0x1] =	wrdreg $0xFFFFFFFF  }
0xad: {  	[dreg:$0x0] =	wrdreg $0x60  }
0xae: {  	[dreg:$0x2] =	wrdreg s24  }
0xaf: {  	[dreg:$0x3] =	wrdreg $0x8CA00  }
0xb0: {  	[dreg:$0x4] =	wrdreg $0x9  }
0xb1: {  	_ =	task.clear_ibuf [dreg:s6], $0x5FFFF;
	_ =	strace $0x9000004C  }
0xb2: {  	s29 =	simm.s32 $0x9;
	_ =	strace $0x8000004E  }
0xb3: {  	_ =	swait.ge [sflag:s29], $0x1  }
0xb4: {  	[sflag:s29] =	ssyncadd.s32 $0xFFFFFFFF  }
0xb5: {  	_ =	strace $0x9000004E  }
0xb6: {  	_ =	sfence  }
0xb7: {  	s30 =	sld [smem:$0x0];
	_ =	sdelay $0x2  }
0xb8: {  	s31 =	sshll.u32 s1, $0xD;
	s1 =	sshrl.u32 s1, $0x2  }
0xb9: {  	s3 =	sand.u32 $0x4000, s31;
	s1 =	sadd.s32 s1, s30  }
0xba: {  	s0 =	sor.u32 s3, s0;
	s1 =	sshll.u32 s1, $0x11  }
0xbb: {  	s0 =	sor.u32 s1, s0  }
0xbc: {  	s0 =	sadd.s32 $0x8F2B, s0  }
0xbd: {  	[sflag:s0] =	ssyncadd.remote.s32 $0x1  }
0xbe: {  	_ =	sfence.sel $0xFFFF  }
0xbf: {  	[dreg:$0x0] =	wrdreg $0xFFFFFFFF;
	(pc) =	sbr.abs _section_cstart, $3  }
0xc0: {  	[dreg:$0x1] =	wrdreg $0xFFFFFFFF  }
0xc1: {  	_ =	task.clear_ibuf [dreg:s6], $0x2FFFF;
	_ =	strace $0x9FFFFFFF  }
0xc2: {  	(tm) =	ssettm $0x7FFFFFFF  }
0xc3: {  	_ =	shalt  }
tec
execute0_lowered:
.L_overlay_start_1:
0x0: {  	(tag) =	ssettag $0x1  }
0x1: {  	s0 =	rddreg [dreg:$0x0]  }
0x2: {  	s2 =	rddreg [dreg:$0x1]  }
0x3: {  	s1 =	srdreg.scid;
	s12 =	stileid.u32;
	s3 =	simm.s32 $0x0  }
0x4: {  	s28 =	simm.s32 $0x2738;
	s29 =	simm.s32 $0x2760;
	s30 =	simm.s32 $0x2788  }
0x5: {  	s31 =	simm.s32 $0x27B0;
	s1 =	sand.u32 $0x1, s1;
	s5 =	smul.u32 $0x9C40, s12  }
0x6: {  	s4 =	sshll.u32 s12, $0x1;
	[smem:$0x7FF] =	sst s3;
	s23 =	smul.u32 $0x4E20, s12  }
0x7: {  	s8 =	sadd.s32 $0x1E00, s0;
	s6 =	smul.u32 $0x9C400, s1;
	s4 =	sor.u32 s1, s4  }
0x8: {  	_ =	strace $0x8000004D;
	s9 =	ssub.s32 $0x2, s1;
	s1 =	smul.u32 $0x2710, s1  }
0x9: {  	s7 =	smul.u32 $0x2710, s4;
	s4 =	sadd.s32 $0x15800, s0;
	s11 =	sshrl.u32 s9, $0x1  }
0xa: {  	s26 =	sshrl.u32 s5, $0x3;
	s6 =	sadd.s32 s5, s6;
	s20 =	ssub.s32 s9, s11  }
0xb: {  	s1 =	sadd.s32 s1, s23;
	s5 =	sadd.s32 s5, s2;
	s10 =	sshrl.u32 s7, $0x3  }
0xc: {  	s6 =	sshrl.u32 s6, $0x3;
	s22 =	sadd.s32 $0x4E228, s7;
	s7 =	sadd.s32 $0x4E278, s7  }
0xd: {  	[dreg:$0x9] =	wrdreg s5;
	s11 =	smax.u32 s20, $0x1;
	s14 =	sadd.s32 $0x4E3E0, s1  }
0xe: {  	s15 =	sadd.s32 $0x4E408, s1;
	s18 =	sadd.s32 $0x4E430, s1;
	s19 =	sadd.s32 $0x4E368, s1  }
0xf: {  	s20 =	sadd.s32 $0x4E340, s1;
	s23 =	sadd.s32 $0x4E318, s1;
	s13 =	sadd.s32 s8, s10  }
0x10: {  	s0 =	sadd.s32 s6, s0;
	s9 =	sshrl.u32 s22, $0x3;
	s7 =	sshrl.u32 s7, $0x3  }
0x11: {  	s10 =	sadd.s32 $0x4E390, s1;
	[dreg:$0xc] =	wrdreg s11;
	s5 =	sshrl.u32 s14, $0x3  }
0x12: {  	s17 =	sshrl.u32 s15, $0x3;
	s22 =	sshrl.u32 s20, $0x3;
	s6 =	simm.s32 $0x32A0  }
0x13: {  	s11 =	simm.s32 $0x3;
	s14 =	simm.s32 $0x2828;
	s15 =	simm.s32 $0x5AA0  }
0x14: {  	s20 =	simm.s32 $0x2;
	s21 =	sadd.s32 $0x9C40, s13;
	[dreg:$0x3] =	wrdreg s13  }
0x15: {  	s9 =	sadd.s32 s8, s9;
	s24 =	sadd.s32 $0x9C4A, s13;
	[dreg:$0x4] =	wrdreg s21  }
0x16: {  	s7 =	sadd.s32 s8, s7;
	s25 =	sadd.s32 $0x9C54, s13;
	[dreg:$0x5] =	wrdreg s9  }
0x17: {  	s0 =	sadd.s32 $0x29200, s0;
	s12 =	sshrl.u32 s10, $0x3;
	[dreg:$0x6] =	wrdreg s24  }
0x18: {  	s13 =	sadd.s32 $0x4E3B8, s1;
	s16 =	sadd.s32 s5, s8;
	[dreg:$0x7] =	wrdreg s7  }
0x19: {  	s5 =	sshrl.u32 s19, $0x3;
	s10 =	simm.s32 $0x1;
	[dreg:$0x8] =	wrdreg s25  }
0x1a: {  	s19 =	simm.s32 $0x82A0;
	s9 =	sadd.s32 s4, s26;
	[dreg:$0xb] =	wrdreg s0  }
0x1b: {  	s0 =	sadd.s32 s12, s8;
	[dreg:$0xf] =	wrdreg s16;
	s21 =	sadd.s32 s5, s8  }
0x1c: {  	s24 =	sadd.s32 $0x4E2F0, s1;
	s1 =	sadd.s32 $0x4E2C8, s1;
	[dreg:$0xa] =	wrdreg s9  }
0x1d: {  	s7 =	simm.s32 $0x3CA0;
	s12 =	simm.s32 $0x27D8;
	[dreg:$0xd] =	wrdreg s0  }
0x1e: {  	s16 =	simm.s32 $0x64A0;
	s0 =	sshrl.u32 s13, $0x3;
	[dreg:$0x12] =	wrdreg s21  }
0x1f: {  	s5 =	sshrl.u32 s24, $0x3;
	s26 =	sshrl.u32 s1, $0x3;
	s1 =	simm.s32 $0x28A0  }
0x20: {  	s9 =	simm.s32 $0x50A0;
	s13 =	simm.s32 $0x2800;
	s0 =	sadd.s32 s0, s8  }
0x21: {  	s25 =	sadd.s32 s5, s8;
	s24 =	sadd.s32 s26, s8;
	[dreg:$0xe] =	wrdreg s0  }
0x22: {  	s26 =	simm.s32 $0x2710;
	s0 =	sadd.s32 s17, s8;
	[dreg:$0x15] =	wrdreg s25  }
0x23: {  	s5 =	simm.s32 $0x2850;
	[dreg:$0x10] =	wrdreg s0;
	s0 =	sshrl.u32 s18, $0x3  }
.Ltmp0:
0x24: {  	s25 =	simm.s32 $0x2878;
	s0 =	sadd.s32 s0, s8;
	(pc) =	sbr.rel .LBB2_1-.Ltmp0, $4  }
0x25: {  	s17 =	simm.s32 $0x6EA0;
	[dreg:$0x11] =	wrdreg s0;
	s0 =	sadd.s32 s22, s8  }
0x26: {  	s18 =	simm.s32 $0x78A0;
	[dreg:$0x13] =	wrdreg s0;
	s0 =	sshrl.u32 s23, $0x3  }
0x27: {  	s22 =	simm.s32 $0x4;
	s23 =	simm.s32 $0x0;
	s0 =	sadd.s32 s0, s8  }
0x28: {  	s8 =	simm.s32 $0x46A0;
	[dreg:$0x14] =	wrdreg s0;
	s0 =	simm.s32 $0x28  }
.LBB2_4:
0x29: {  	_ =	swait.ge [sflag:s20], $0x3200  }
0x2a: {  	[sflag:s20] =	ssyncset.done $0x0  }
0x2b: {  	[sflag:s20] =	ssyncadd.s32 $0xFFFFCE00  }
0x2c: {  	[bflag:$0x0] =	sbarrier.arrive $0xFFFF  }
0x2d: {  	s21 =	rddreg [dreg:$0xb]  }
0x2e: {  	s22 =	rddreg [dreg:$0x17]  }
0x2f: {  	s23 =	rddreg [dreg:$0x18]  }
0x30: {  	[hbm:s21], [sflag:s22] =	dma.local [spmem:s23], $0x1388  }
0x31: {  	s22 =	simm.s32 $0x4  }
0x32: {  	_ =	swait.ge [sflag:s22], $0x1388  }
0x33: {  	s21 =	rddreg [dreg:$0x16]  }
0x34: {  	s23 =	sadd.s32 $0x1, s21;
	s21 =	rddreg [dreg:$0xc]  }
0x35: {  	p0 =	sne.s32 s23, s21  }
.Ltmp1:
0x36: {  	_ = 	snop;
	(pc) =	sbr.rel @!p0 .LBB2_5-.Ltmp1, $3  }
0x37: {  	_ =	sdelay $0x1  }
0x38: {  	[sflag:s22] =	ssyncset.done $0x0  }
0x39: {  	[sflag:s22] =	ssyncadd.s32 $0xFFFFEC78  }
.LBB2_1:
0x3a: {  	[dreg:$0x16] =	wrdreg s23  }
0x3b: {  	s21 =	rddreg [dreg:$0x3]  }
0x3c: {  	[tilespmem:s3], [sflag:$0x4] =	stream.linear.gather [hbm4b:s21+s3], $0x2710, $0x38;
	[tilespmem:$0x128E0] =	vst v63  }
0x3d: {  	_ =	swait.ge [sflag:s22], $0x2710  }
0x3e: {  	[sflag:s22] =	ssyncset.done $0x0  }
0x3f: {  	s23 =	rddreg [dreg:$0x4];
	[sflag:s22] =	ssyncadd.s32 $0xFFFFD8F0  }
0x40: {  	[tilespmem:s26], [sflag:$0x3] =	stream.linear.gather [hbm4b:s23+s3], $0x28, $0x38;
	[tilespmem:$0x128E0] =	vst v63  }
0x41: {  	s22 =	rddreg [dreg:$0x5]  }
0x42: {  	[tilespmem:s28], [sflag:$0x3] =	stream.linear.gather [hbm4b:s22+s3], $0x28, $0x38;
	[tilespmem:$0x128E0] =	vst v63  }
0x43: {  	s23 =	rddreg [dreg:$0x6]  }
0x44: {  	[tilespmem:s29], [sflag:$0x3] =	stream.linear.gather [hbm4b:s23+s3], $0x28, $0x38;
	[tilespmem:$0x128E0] =	vst v63  }
0x45: {  	s22 =	rddreg [dreg:$0x7]  }
0x46: {  	[tilespmem:s30], [sflag:$0x3] =	stream.linear.gather [hbm4b:s22+s3], $0x28, $0x38;
	[tilespmem:$0x128E0] =	vst v63  }
0x47: {  	s23 =	rddreg [dreg:$0x8]  }
0x48: {  	[tilespmem:s31], [sflag:$0x3] =	stream.linear.gather [hbm4b:s23+s3], $0x28, $0x38;
	[tilespmem:$0x128E0] =	vst v63  }
0x49: {  	_ = 	snop  }
0x4a: {  	[tilespmem:s1], [sflag:$0x1] =	stream.indirect.gather [hbm4b:s4+s0], $0x40, s3, s0, $0xb8;
	[tilespmem:$0x128E0] =	vst v63  }
0x4b: {  	_ = 	snop  }
0x4c: {  	[tilespmem:s6], [sflag:$0x1] =	stream.indirect.gather [hbm4b:s4+s0], $0x40, s0, s0, $0xb8;
	[tilespmem:$0x128E0] =	vst v63  }
0x4d: {  	s22 =	simm.s32 $0x50  }
0x4e: {  	[tilespmem:s7], [sflag:$0x1] =	stream.indirect.gather [hbm4b:s4+s0], $0x40, s22, s0, $0xb8;
	[tilespmem:$0x128E0] =	vst v63  }
0x4f: {  	s23 =	simm.s32 $0x78  }
0x50: {  	[tilespmem:s8], [sflag:$0x1] =	stream.indirect.gather [hbm4b:s4+s0], $0x40, s23, s0, $0xb8;
	[tilespmem:$0x128E0] =	vst v63  }
0x51: {  	s23 =	stileid.u32  }
0x52: {  	s22 =	simm.s32 $0xA0;
	s21 =	sshll.u32 s23, $0x6  }
0x53: {  	[tilespmem:s9], [sflag:$0x1] =	stream.indirect.gather [hbm4b:s4+s0], $0x40, s22, s0, $0xb8;
	[tilespmem:$0x128E0] =	vst v63  }
0x54: {  	s21 =	sor.u32 $0x1C04, s21;
	s22 =	rddreg [dreg:$0x9]  }
0x55: {  	[dreg:$0x17] =	wrdreg s21;
	s21 =	sshrl.u32 s22, $0x3  }
0x56: {  	[dreg:$0x18] =	wrdreg s21  }
0x57: {  	s21 =	rddreg [dreg:$0xa]  }
0x58: {  	s23 =	rddreg [dreg:$0x17]  }
0x59: {  	s22 =	rddreg [dreg:$0x18]  }
0x5a: {  	[spmem:s22], [sflag:s23] =	dma.local [hbm:s21], $0x1388  }
0x5b: {  	s23 =	simm.s32 $0x4  }
0x5c: {  	_ =	swait.ge [sflag:s23], $0x1388  }
0x5d: {  	[sflag:s23] =	ssyncset.done $0x0  }
0x5e: {  	[sflag:s23] =	ssyncadd.s32 $0xFFFFEC78  }
0x5f: {  	s21 =	simm.s32 $0x230;
	s22 =	simm.s32 $0x0;
	[bflag:$0x0] =	sbarrier.arrive $0xFFFF  }
.LBB2_2:
0x60: {  	p0 =	seq.s32 s22, $0x0  }
0x61: {  	s23 =	simm.s32 @!p0 $0x2  }
0x62: {  	_ =	swait.ge @!p0 [sflag:s23], $0x3200  }
0x63: {  	[sflag:s23] =	ssyncset.done @!p0 $0x0  }
0x64: {  	[sflag:s23] =	ssyncadd.s32 @!p0 $0xFFFFCE00  }
0x65: {  	_ =	swait.ge [sflag:s10], $0x3200  }
0x66: {  	[sflag:s10] =	ssyncset.done $0x0  }
0x67: {  	[sflag:s10] =	ssyncadd.s32 $0xFFFFCE00  }
0x68: {  	_ =	swait.ge [sflag:s11], $0x28  }
0x69: {  	[sflag:s11] =	ssyncset.done $0x0  }
0x6a: {  	[sflag:s11] =	ssyncadd.s32 $0xFFFFFFD8  }
0x6b: {  	_ =	swait.ge [sflag:s11], $0x28  }
0x6c: {  	[sflag:s11] =	ssyncset.done $0x0  }
0x6d: {  	[sflag:s11] =	ssyncadd.s32 $0xFFFFFFD8  }
0x6e: {  	_ =	swait.ge [sflag:s11], $0x28  }
0x6f: {  	[sflag:s11] =	ssyncset.done $0x0  }
0x70: {  	[sflag:s11] =	ssyncadd.s32 $0xFFFFFFD8  }
0x71: {  	_ =	swait.ge [sflag:s11], $0x28  }
0x72: {  	[sflag:s11] =	ssyncset.done $0x0  }
0x73: {  	[sflag:s11] =	ssyncadd.s32 $0xFFFFFFD8  }
0x74: {  	_ =	swait.ge [sflag:s11], $0x28  }
0x75: {  	[sflag:s11] =	ssyncset.done $0x0  }
0x76: {  	[sflag:s11] =	ssyncadd.s32 $0xFFFFFFD8  }
0x77: {  	[spmem:s2] =	stream.indirect.scatter.add.f32 [tilespmem:s1], [sflag:$0x2], $0x40, s26, s0, $0xb8;
	[tilespmem:$0x128E0] =	vst v63  }
0x78: {  	_ = 	snop  }
0x79: {  	[spmem:s2] =	stream.indirect.scatter.add.f32 [tilespmem:s6], [sflag:$0x2], $0x40, s28, s0, $0xb8;
	[tilespmem:$0x128E0] =	vst v63  }
0x7a: {  	_ = 	snop  }
0x7b: {  	[spmem:s2] =	stream.indirect.scatter.add.f32 [tilespmem:s7], [sflag:$0x2], $0x40, s29, s0, $0xb8;
	[tilespmem:$0x128E0] =	vst v63  }
0x7c: {  	_ = 	snop  }
0x7d: {  	[spmem:s2] =	stream.indirect.scatter.add.f32 [tilespmem:s8], [sflag:$0x2], $0x40, s30, s0, $0xb8;
	[tilespmem:$0x128E0] =	vst v63  }
0x7e: {  	_ = 	snop  }
0x7f: {  	[spmem:s2] =	stream.indirect.scatter.add.f32 [tilespmem:s9], [sflag:$0x2], $0x40, s31, s0, $0xb8;
	[tilespmem:$0x128E0] =	vst v63  }
0x80: {  	s23 =	sadd.s32 s22, s24  }
0x81: {  	[tilespmem:s12], [sflag:$0x3] =	stream.linear.gather [hbm4b:s23+s3], $0x28, $0x38;
	[tilespmem:$0x128E0] =	vst v63  }
0x82: {  	s23 =	rddreg [dreg:$0x15]  }
0x83: {  	s23 =	sadd.s32 s22, s23  }
0x84: {  	[tilespmem:s13], [sflag:$0x3] =	stream.linear.gather [hbm4b:s23+s3], $0x28, $0x38;
	[tilespmem:$0x128E0] =	vst v63  }
0x85: {  	s23 =	rddreg [dreg:$0x14]  }
0x86: {  	s23 =	sadd.s32 s22, s23  }
0x87: {  	[tilespmem:s14], [sflag:$0x3] =	stream.linear.gather [hbm4b:s23+s3], $0x28, $0x38;
	[tilespmem:$0x128E0] =	vst v63  }
0x88: {  	s23 =	rddreg [dreg:$0x13]  }
0x89: {  	s23 =	sadd.s32 s22, s23  }
0x8a: {  	[tilespmem:s5], [sflag:$0x3] =	stream.linear.gather [hbm4b:s23+s3], $0x28, $0x38;
	[tilespmem:$0x128E0] =	vst v63  }
0x8b: {  	s23 =	rddreg [dreg:$0x12]  }
0x8c: {  	s23 =	sadd.s32 s22, s23  }
0x8d: {  	[tilespmem:s25], [sflag:$0x3] =	stream.linear.gather [hbm4b:s23+s3], $0x28, $0x38;
	[tilespmem:$0x128E0] =	vst v63  }
0x8e: {  	s23 =	sadd.s32 $0xFFFFFE98, s21  }
0x8f: {  	[tilespmem:s15], [sflag:$0x1] =	stream.indirect.gather [hbm4b:s4+s0], $0x40, s23, s0, $0xb8;
	[tilespmem:$0x128E0] =	vst v63  }
0x90: {  	s23 =	sadd.s32 $0xFFFFFEC0, s21  }
0x91: {  	[tilespmem:s16], [sflag:$0x1] =	stream.indirect.gather [hbm4b:s4+s0], $0x40, s23, s0, $0xb8;
	[tilespmem:$0x128E0] =	vst v63  }
0x92: {  	s23 =	sadd.s32 $0xFFFFFEE8, s21  }
0x93: {  	[tilespmem:s17], [sflag:$0x1] =	stream.indirect.gather [hbm4b:s4+s0], $0x40, s23, s0, $0xb8;
	[tilespmem:$0x128E0] =	vst v63  }
0x94: {  	s23 =	sadd.s32 $0xFFFFFF10, s21  }
0x95: {  	[tilespmem:s18], [sflag:$0x1] =	stream.indirect.gather [hbm4b:s4+s0], $0x40, s23, s0, $0xb8;
	[tilespmem:$0x128E0] =	vst v63  }
0x96: {  	s23 =	sadd.s32 $0xFFFFFF38, s21  }
0x97: {  	[tilespmem:s19], [sflag:$0x1] =	stream.indirect.gather [hbm4b:s4+s0], $0x40, s23, s0, $0xb8;
	[tilespmem:$0x128E0] =	vst v63  }
0x98: {  	_ =	swait.ge [sflag:s10], $0x3200  }
0x99: {  	[sflag:s10] =	ssyncset.done $0x0  }
0x9a: {  	[sflag:s10] =	ssyncadd.s32 $0xFFFFCE00  }
0x9b: {  	_ =	swait.ge [sflag:s11], $0x28  }
0x9c: {  	[sflag:s11] =	ssyncset.done $0x0  }
0x9d: {  	[sflag:s11] =	ssyncadd.s32 $0xFFFFFFD8  }
0x9e: {  	_ =	swait.ge [sflag:s11], $0x28  }
0x9f: {  	[sflag:s11] =	ssyncset.done $0x0  }
0xa0: {  	[sflag:s11] =	ssyncadd.s32 $0xFFFFFFD8  }
0xa1: {  	_ =	swait.ge [sflag:s11], $0x28  }
0xa2: {  	[sflag:s11] =	ssyncset.done $0x0  }
0xa3: {  	[sflag:s11] =	ssyncadd.s32 $0xFFFFFFD8  }
0xa4: {  	_ =	swait.ge [sflag:s11], $0x28  }
0xa5: {  	[sflag:s11] =	ssyncset.done $0x0  }
0xa6: {  	[sflag:s11] =	ssyncadd.s32 $0xFFFFFFD8  }
0xa7: {  	_ =	swait.ge [sflag:s11], $0x28  }
0xa8: {  	[sflag:s11] =	ssyncset.done $0x0  }
0xa9: {  	[sflag:s11] =	ssyncadd.s32 $0xFFFFFFD8  }
0xaa: {  	_ =	swait.ge [sflag:s20], $0x3200  }
0xab: {  	[sflag:s20] =	ssyncset.done $0x0  }
0xac: {  	[sflag:s20] =	ssyncadd.s32 $0xFFFFCE00  }
0xad: {  	[spmem:s2] =	stream.indirect.scatter.add.f32 [tilespmem:s15], [sflag:$0x2], $0x40, s12, s0, $0xb8;
	[tilespmem:$0x128E0] =	vst v63  }
0xae: {  	_ = 	snop  }
0xaf: {  	[spmem:s2] =	stream.indirect.scatter.add.f32 [tilespmem:s16], [sflag:$0x2], $0x40, s13, s0, $0xb8;
	[tilespmem:$0x128E0] =	vst v63  }
0xb0: {  	p0 =	seq.s32 s22, $0x4B0  }
0xb1: {  	[spmem:s2] =	stream.indirect.scatter.add.f32 [tilespmem:s17], [sflag:$0x2], $0x40, s14, s0, $0xb8;
	[tilespmem:$0x128E0] =	vst v63  }
.Ltmp2:
0xb2: {  	_ = 	snop;
	(pc) =	sbr.rel @p0 .LBB2_4-.Ltmp2, $4  }
0xb3: {  	_ = 	snop  }
0xb4: {  	[spmem:s2] =	stream.indirect.scatter.add.f32 [tilespmem:s18], [sflag:$0x2], $0x40, s5, s0, $0xb8;
	[tilespmem:$0x128E0] =	vst v63  }
0xb5: {  	_ = 	snop  }
0xb6: {  	[spmem:s2] =	stream.indirect.scatter.add.f32 [tilespmem:s19], [sflag:$0x2], $0x40, s25, s0, $0xb8;
	[tilespmem:$0x128E0] =	vst v63  }
0xb7: {  	s23 =	rddreg [dreg:$0xd]  }
0xb8: {  	s23 =	sadd.s32 s22, s23  }
0xb9: {  	[tilespmem:s26], [sflag:$0x3] =	stream.linear.gather [hbm4b:s23+s3], $0x28, $0x38;
	[tilespmem:$0x128E0] =	vst v63  }
0xba: {  	s23 =	rddreg [dreg:$0xe]  }
0xbb: {  	s23 =	sadd.s32 s22, s23  }
0xbc: {  	[tilespmem:s28], [sflag:$0x3] =	stream.linear.gather [hbm4b:s23+s3], $0x28, $0x38;
	[tilespmem:$0x128E0] =	vst v63  }
0xbd: {  	s23 =	rddreg [dreg:$0xf]  }
0xbe: {  	s23 =	sadd.s32 s22, s23  }
0xbf: {  	[tilespmem:s29], [sflag:$0x3] =	stream.linear.gather [hbm4b:s23+s3], $0x28, $0x38;
	[tilespmem:$0x128E0] =	vst v63  }
0xc0: {  	s23 =	rddreg [dreg:$0x10]  }
0xc1: {  	s23 =	sadd.s32 s22, s23  }
0xc2: {  	[tilespmem:s30], [sflag:$0x3] =	stream.linear.gather [hbm4b:s23+s3], $0x28, $0x38;
	[tilespmem:$0x128E0] =	vst v63  }
0xc3: {  	s23 =	rddreg [dreg:$0x11]  }
0xc4: {  	s23 =	sadd.s32 s22, s23  }
0xc5: {  	[tilespmem:s31], [sflag:$0x3] =	stream.linear.gather [hbm4b:s23+s3], $0x28, $0x38;
	[tilespmem:$0x128E0] =	vst v63  }
0xc6: {  	s23 =	sadd.s32 $0xFFFFFF60, s21  }
0xc7: {  	[tilespmem:s1], [sflag:$0x1] =	stream.indirect.gather [hbm4b:s4+s0], $0x40, s23, s0, $0xb8;
	[tilespmem:$0x128E0] =	vst v63  }
0xc8: {  	s23 =	sadd.s32 $0xFFFFFF88, s21  }
0xc9: {  	[tilespmem:s6], [sflag:$0x1] =	stream.indirect.gather [hbm4b:s4+s0], $0x40, s23, s0, $0xb8;
	[tilespmem:$0x128E0] =	vst v63  }
0xca: {  	s23 =	sadd.s32 $0xFFFFFFB0, s21  }
0xcb: {  	[tilespmem:s7], [sflag:$0x1] =	stream.indirect.gather [hbm4b:s4+s0], $0x40, s23, s0, $0xb8;
	[tilespmem:$0x128E0] =	vst v63  }
.Ltmp3:
0xcc: {  	s23 =	sadd.s32 $0xFFFFFFD8, s21;
	(pc) =	sbr.rel .LBB2_2-.Ltmp3, $4  }
0xcd: {  	[tilespmem:s8], [sflag:$0x1] =	stream.indirect.gather [hbm4b:s4+s0], $0x40, s23, s0, $0xb8;
	[tilespmem:$0x128E0] =	vst v63  }
0xce: {  	_ = 	snop  }
0xcf: {  	[tilespmem:s9], [sflag:$0x1] =	stream.indirect.gather [hbm4b:s4+s0], $0x40, s21, s0, $0xb8;
	[tilespmem:$0x128E0] =	vst v63  }
0xd0: {  	s22 =	sadd.s32 $0x32, s22;
	s21 =	sadd.s32 $0x190, s21  }
.LBB2_5:
0xd1: {  	_ =	sfence.sel $0x180000  }
0xd2: {  	[bflag:$0x0] =	sbarrier.arrive $0xFFFF  }
0xd3: {  	_ =	strace $0x9000004D  }
0xd4: {  	s0 =	stileid.u32;
	[bflag:$0x2] =	sbarrier.arrive $0xFFFF  }
0xd5: {  	p0 =	sne.s32 s0, $0x0;
	s0 =	rddreg [dreg:$0x2]  }
0xd6: {  	s0 =	sadd.s32 @!p0 $0x100000, s0  }
0xd7: {  	[sflag:s0] =	ssyncadd.tile.s32 @!p0 $0x1;
	_ =	shalt  }
.Lfunc_end2:
_tile_overlayer_lowered:
.L_overlay_start_2:
0xd8: {  	(tag) =	ssettag $0x2  }
0xd9: {  	s0 =	rddreg [dreg:$0x0];
	s2 =	stileid.u32  }
0xda: {  	s1 =	rddreg [dreg:$0x1];
	p0 =	sne.s32 s2, $0x0  }
0xdb: {  	s3 =	rddreg [dreg:$0x2];
	[bflag:$0x3] =	sbarrier.arrive $0xFFFF;
	s2 =	simm.s32 @!p0 $0x1C04  }
0xdc: {  	[timem:s3], [sflag:s2] =	dma.local @!p0 [hbm:s0], s1  }
0xdd: {  	s0 =	simm.s32 @!p0 $0x4  }
0xde: {  	_ =	swait.ge @!p0 [sflag:s0], s1  }
0xdf: {  	s1 =	ssub.s32 @!p0 $0x0, s1;
	[sflag:s0] =	ssyncset.done @!p0 $0x0  }
0xe0: {  	[sflag:s0] =	ssyncadd.s32 @!p0 s1  }
0xe1: {  	[bflag:$0x3] =	sbarrier.arrive $0xFFFF  }
0xe2: {  	_ =	shalt  }

// kernel: _run.8.cloned.1.call-start
scs
__scs_entry_jumppad:
0x0: {  	(pc) =	sbr.rel $0x88, $3  }
0x1: {  	(tag) =	ssettag $0x0;
	lr =	simm.s32 $0x1  }
0x2: {  	[smem:$0x3F9B] =	sst lr;
	_ =	strace $0xD0000000  }
0x3: {  	_ = 	snop  }
0x4: {  	_ = 	snop  }
0x5: {  	_ = 	snop  }
0x6: {  	_ = 	snop  }
0x7: {  	_ = 	snop  }
__scs_overlays_trampoline_lowered:
0x8: {  	[smem:$0x3FAA] =	sst s0  }
0x9: {  	[smem:$0x3FAB] =	sst s1  }
0xa: {  	[smem:$0x3FAC] =	sst s2  }
0xb: {  	[smem:$0x3FAD] =	sst s3  }
0xc: {  	[smem:$0x3FAE] =	sst s4  }
0xd: {  	[smem:$0x3FAF] =	sst s5  }
0xe: {  	[smem:$0x3FB0] =	sst s6  }
0xf: {  	[smem:$0x3FB1] =	sst s7  }
0x10: {  	[smem:$0x3FB2] =	sst s8  }
0x11: {  	[smem:$0x3FB3] =	sst s9;
	s0 =	simm.s32 @!p0 $0x0  }
0x12: {  	s1 =	sld [smem:$0x3F99];
	s0 =	simm.s32 @p0 $0x1  }
0x13: {  	[smem:$0x3FB4] =	sst s0;
	s0 =	simm.s32 @!p1 $0x0  }
0x14: {  	s2 =	sld [smem:$0x3F98];
	s0 =	simm.s32 @p1 $0x1  }
0x15: {  	[smem:$0x3FB5] =	sst s0;
	s0 =	simm.s32 @!p2 $0x0  }
0x16: {  	s3 =	sld [smem:$0x3FDB];
	s0 =	simm.s32 @p2 $0x1  }
0x17: {  	s4 =	simm.s32 $0x1BF5;
	[smem:$0x3FB7] =	sst s0  }
0x18: {  	s0 =	sld [smem:$0x3F9A];
	_ =	swait.ge [sflag:s4], $0x0  }
0x19: {  	s7 =	sld [smem:$0x3F9B]  }
0x1a: {  	s8 =	sadd.s32 $0xFFFFE003, lr  }
0x1b: {  	s9 =	sadd.s32 $0xFFFFFEF7, lr;
	s5 =	simm.s32 $0xFFFFFFFF;
	p2 =	slt.u32 s8, $0xFFFFF086  }
0x1c: {  	p1 =	slt.u32 s9, $0xF7A;
	s5 =	simm.s32 @!p2 $0x0  }
0x1d: {  	s5 =	simm.s32 @p1 $0x1;
	p0 =	seq.s32 s7, s2  }
0x1e: {  	s7 =	smul.u32 @!p0 $0xF7A, s2;
	p2 =	seq.s32 @!p0 s5, $0x0  }
0x1f: {  	s9 =	smul.u32 $0xF7A, s1;
	s8 =	simm.s32 @!p0 $0x1BF5;
	p2 =	por !p2, p0  }
0x20: {  	[sflag:s8] =	ssyncset.s32 @!p0 $0xFFFFF086;
	s6 =	sadd.s32 @!p0 s3, s7;
	s7 =	simm.s32 @!p0 $0x108  }
0x21: {  	s3 =	sadd.s32 s3, s9;
	s6 =	sadd.s32 @!p0 $0x88, s6;
	s7 =	simm.s32 @p2 $0x1082  }
0x22: {  	[simem:s7], [sflag:s8] =	dma.local @!p0 [hbm:s6], $0xF7A  }
0x23: {  	s9 =	sor.u32 $0xD0000000, s2;
	s6 =	simm.s32 $0x108;
	_ =	swait.ge @!p0 [sflag:s8], $0x0  }
0x24: {  	s3 =	sadd.s32 $0x88, s3;
	s6 =	simm.s32 @!p1 $0x1082;
	[sflag:s4] =	ssyncset.s32 $0xFFFFF086  }
0x25: {  	[simem:s6], [sflag:s4] =	dma.local [hbm:s3], $0xF7A  }
0x26: {  	[smem:$0x3F9B] =	sst s1;
	(tag) =	ssettag s2;
	_ =	strace s9  }
0x27: {  	s1 =	sld [smem:$0x3FAB]  }
0x28: {  	s2 =	sld [smem:$0x3FAC]  }
0x29: {  	s4 =	sld [smem:$0x3FAE]  }
0x2a: {  	p0 =	seq.s32 s5, $0x0;
	s5 =	sld [smem:$0x3FAF]  }
0x2b: {  	s6 =	sld [smem:$0x3FB0]  }
0x2c: {  	s7 =	sld [smem:$0x3FB1]  }
0x2d: {  	s3 =	simm.s32 $0x108;
	s8 =	sld [smem:$0x3FB2]  }
0x2e: {  	s3 =	simm.s32 @!p0 $0x1082;
	s9 =	sld [smem:$0x3FB3]  }
0x2f: {  	lr =	sadd.s32 s0, s3;
	s0 =	sld [smem:$0x3FAA]  }
0x30: {  	s3 =	sld [smem:$0x3FAD]  }
0x31: {  	[smem:$0x3FB6] =	sst s10  }
0x32: {  	s10 =	sld [smem:$0x3FB4];
	_ =	sdelay $0x3  }
0x33: {  	p0 =	seq.s32 s10, $0x1;
	s10 =	sld [smem:$0x3FB6];
	_ =	sdelay $0x3  }
0x34: {  	[smem:$0x3FB6] =	sst s10  }
0x35: {  	s10 =	sld [smem:$0x3FB5];
	_ =	sdelay $0x3  }
0x36: {  	p1 =	seq.s32 s10, $0x1;
	s10 =	sld [smem:$0x3FB6];
	_ =	sdelay $0x3  }
0x37: {  	[smem:$0x3FB6] =	sst s10  }
0x38: {  	s10 =	sld [smem:$0x3FB7]  }
0x39: {  	_ = 	snop;
	(pc) =	sbr.ind lr, $3  }
0x3a: {  	_ = 	snop  }
0x3b: {  	_ = 	snop  }
0x3c: {  	p2 =	seq.s32 s10, $0x1;
	s10 =	sld [smem:$0x3FB6]  }
0x3d: {  	_ =	shalt  }
0x3e: {  	_ =	shalt  }
0x3f: {  	_ =	shalt  }
0x40: {  	_ =	shalt  }
0x41: {  	_ =	shalt  }
0x42: {  	_ =	shalt  }
0x43: {  	_ =	shalt  }
0x44: {  	_ =	shalt  }
0x45: {  	_ =	shalt  }
0x46: {  	_ =	shalt  }
0x47: {  	_ =	shalt  }
0x48: {  	_ =	shalt  }
0x49: {  	_ =	shalt  }
0x4a: {  	_ =	shalt  }
0x4b: {  	_ =	shalt  }
0x4c: {  	_ =	shalt  }
0x4d: {  	_ =	shalt  }
0x4e: {  	_ =	shalt  }
0x4f: {  	_ =	shalt  }
0x50: {  	_ =	shalt  }
0x51: {  	_ =	shalt  }
0x52: {  	_ =	shalt  }
0x53: {  	_ =	shalt  }
0x54: {  	_ =	shalt  }
0x55: {  	_ =	shalt  }
0x56: {  	_ =	shalt  }
0x57: {  	_ =	shalt  }
0x58: {  	_ =	shalt  }
0x59: {  	_ =	shalt  }
0x5a: {  	_ =	shalt  }
0x5b: {  	_ =	shalt  }
0x5c: {  	_ =	shalt  }
0x5d: {  	_ =	shalt  }
0x5e: {  	_ =	shalt  }
0x5f: {  	_ =	shalt  }
0x60: {  	_ =	shalt  }
0x61: {  	_ =	shalt  }
0x62: {  	_ =	shalt  }
0x63: {  	_ =	shalt  }
0x64: {  	_ =	shalt  }
0x65: {  	_ =	shalt  }
0x66: {  	_ =	shalt  }
0x67: {  	_ =	shalt  }
0x68: {  	_ =	shalt  }
0x69: {  	_ =	shalt  }
0x6a: {  	_ =	shalt  }
0x6b: {  	_ =	shalt  }
0x6c: {  	_ =	shalt  }
0x6d: {  	_ =	shalt  }
0x6e: {  	_ =	shalt  }
0x6f: {  	_ =	shalt  }
0x70: {  	_ =	shalt  }
0x71: {  	_ =	shalt  }
0x72: {  	_ =	shalt  }
0x73: {  	_ =	shalt  }
0x74: {  	_ =	shalt  }
0x75: {  	_ =	shalt  }
0x76: {  	_ =	shalt  }
0x77: {  	_ =	shalt  }
0x78: {  	_ =	shalt  }
0x79: {  	_ =	shalt  }
0x7a: {  	_ =	shalt  }
0x7b: {  	_ =	shalt  }
0x7c: {  	_ =	shalt  }
0x7d: {  	_ =	shalt  }
0x7e: {  	_ =	shalt  }
0x7f: {  	_ =	shalt  }
0x80: {  	_ =	shalt  }
0x81: {  	_ =	shalt  }
0x82: {  	_ =	shalt  }
0x83: {  	_ =	shalt  }
0x84: {  	_ =	shalt  }
0x85: {  	_ =	shalt  }
0x86: {  	_ =	shalt  }
0x87: {  	_ =	shalt  }
.Lfunc_end0:
.L_simem_size_0:
called_computation_lowered:
.L_overlay_start_0:
0x88: {  	s2 =	sld [smem:$0x3FD9]  }
0x89: {  	s3 =	sld [smem:$0x3FFE];
	_ =	sdelay $0x1  }
0x8a: {  	s1 =	srdreg.scid  }
0x8b: {  	s0 =	sand.u32 $0x1, s1  }
0x8c: {  	s17 =	sshll.u32 s0, $0xA;
	s2 =	sadd.s32 s3, s2  }
0x8d: {  	s2 =	sadd.s32 s2, s17  }
0x8e: {  	[smem:$0x3FC2] =	sst s2  }
0x8f: {  	_ = 	snop  }
0x90: {  	s2 =	sld [smem:$0x3FD0];
	(tm) =	ssettm $0x1  }
0x91: {  	s18 =	sld [smem:$0x3FFB];
	_ =	sdelay $0x3  }
0x92: {  	_ =	strace s18  }
0x93: {  	s3 =	sld [smem:$0x3FFC];
	_ =	sdelay $0x3  }
0x94: {  	_ =	strace s3  }
0x95: {  	s3 =	sld [smem:$0x3FFD];
	_ =	sdelay $0x3  }
0x96: {  	_ =	strace s3  }
0x97: {  	_ =	strace $0x8FFFFFFF  }
0x98: {  	s19 =	sld [smem:$0x3FDB];
	_ =	sdelay $0x1  }
0x99: {  	s4 =	simm.s32 $_scs_section_size  }
0x9a: {  	s5 =	simm.s32 $_size__tile_overlayer_lowered;
	s6 =	simm.s32 $_tile_overlayer_lowered  }
0x9b: {  	s22 =	simm.s32 $0x1BFF;
	s21 =	sshll.u32 s6, $0x1;
	s3 =	sadd.s32 s4, s19  }
0x9c: {  	s7 =	simm.s32 $0x0;
	s20 =	sshll.u32 s5, $0x1;
	s5 =	sadd.s32 s21, s3  }
0x9d: {  	[timem:s7], [sflag:s22] =	dma.local [hbm:s5], s20  }
0x9e: {  	_ =	swait.ge [sflag:s22], s20  }
0x9f: {  	s4 =	ssub.s32 $0x0, s20;
	[sflag:s22] =	ssyncset.done $0x0  }
0xa0: {  	[sflag:s22] =	ssyncadd.s32 s4;
	_ =	sdelay $0x1  }
0xa1: {  	s23 =	simm.s32 $0x1B8B  }
0xa2: {  	_ =	swait.ge [sflag:s23], $0x1  }
0xa3: {  	[sflag:s23] =	ssyncset.done $0x0  }
0xa4: {  	s25 =	simm.s32 $0x1B8E;
	s24 =	sld [smem:$0x3FFE];
	[sflag:s23] =	ssyncadd.s32 $0xFFFFFFFF  }
0xa5: {  	s26 =	simm.s32 $execute0_lowered;
	[smem:$0x3FD2] =	sst s25  }
0xa6: {  	s5 =	sshll.u32 s26, $0x1;
	_ =	strace $0x80000046;
	[dreg:$0x1] =	wrdreg $0xFFFFFFFF  }
0xa7: {  	s28 =	simm.s32 $_size_execute0_lowered;
	s3 =	sadd.s32 s3, s5;
	[dreg:$0x0] =	wrdreg $0x0  }
0xa8: {  	s5 =	sshll.u32 s28, $0x1;
	[dreg:$0x2] =	wrdreg s3  }
0xa9: {  	[dreg:$0x3] =	wrdreg s5  }
0xaa: {  	[dreg:$0x4] =	wrdreg $0xC0  }
0xab: {  	_ =	task [dreg:s7], $0x5FFFF  }
0xac: {  	[dreg:$0x1] =	wrdreg $0xFFFFFFFF  }
0xad: {  	[dreg:$0x0] =	wrdreg $0x60  }
0xae: {  	[dreg:$0x2] =	wrdreg s24  }
0xaf: {  	[dreg:$0x3] =	wrdreg s2  }
0xb0: {  	[dreg:$0x4] =	wrdreg $0x2C100  }
0xb1: {  	[dreg:$0x5] =	wrdreg $0x9  }
0xb2: {  	_ =	task.clear_ibuf [dreg:s7], $0x6FFFF;
	_ =	strace $0x90000046  }
0xb3: {  	s29 =	simm.s32 $0x9;
	_ =	strace $0x80000048  }
0xb4: {  	_ =	swait.ge [sflag:s29], $0x1  }
0xb5: {  	[sflag:s29] =	ssyncadd.s32 $0xFFFFFFFF  }
0xb6: {  	_ =	strace $0x90000048  }
0xb7: {  	_ =	sfence  }
0xb8: {  	s30 =	sld [smem:$0x0];
	_ =	sdelay $0x2  }
0xb9: {  	s31 =	sshll.u32 s1, $0xD;
	s1 =	sshrl.u32 s1, $0x2  }
0xba: {  	s3 =	sand.u32 $0x4000, s31;
	s1 =	sadd.s32 s1, s30  }
0xbb: {  	s0 =	sor.u32 s3, s0;
	s1 =	sshll.u32 s1, $0x11  }
0xbc: {  	s0 =	sor.u32 s1, s0  }
0xbd: {  	s0 =	sadd.s32 $0x8F2B, s0  }
0xbe: {  	[sflag:s0] =	ssyncadd.remote.s32 $0x1  }
0xbf: {  	_ =	sfence.sel $0xFFFF  }
0xc0: {  	[dreg:$0x0] =	wrdreg $0xFFFFFFFF;
	(pc) =	sbr.abs _section_cstart, $3  }
0xc1: {  	[dreg:$0x1] =	wrdreg $0xFFFFFFFF  }
0xc2: {  	_ =	task.clear_ibuf [dreg:s7], $0x2FFFF;
	_ =	strace $0x9FFFFFFF  }
0xc3: {  	(tm) =	ssettm $0x7FFFFFFF  }
tec
execute0_lowered:
.L_overlay_start_1:
0x0: {  	(tag) =	ssettag $0x1  }
0x1: {  	s4 =	rddreg [dreg:$0x0]  }
0x2: {  	s1 =	srdreg.scid;
	s7 =	rddreg [dreg:$0x1]  }
0x3: {  	s0 =	stileid.u32;
	s2 =	rddreg [dreg:$0x2]  }
0x4: {  	s3 =	simm.s32 $0x0;
	s11 =	simm.s32 $0x2;
	s14 =	simm.s32 $0x50  }
0x5: {  	s5 =	sand.u32 $0x1, s1;
	s6 =	smul.u32 $0x4E20, s0;
	s1 =	rddreg [dreg:$0x3]  }
0x6: {  	s15 =	simm.s32 $0x0;
	[smem:$0x7FF] =	sst s3;
	s28 =	smul.u32 $0x2710, s0  }
0x7: {  	s12 =	sshll.u32 s0, $0x6;
	s8 =	smul.u32 $0x2710, s5;
	s9 =	ssub.s32 $0x2, s5  }
0x8: {  	s5 =	smul.u32 $0x27100, s5;
	_ =	strace $0x80000047;
	s12 =	sor.u32 $0x1C02, s12  }
0x9: {  	s29 =	sshrl.u32 s9, $0x1;
	s13 =	sadd.s32 s28, s2;
	s6 =	sadd.s32 s8, s6  }
0xa: {  	s30 =	sshrl.u32 s28, $0x3;
	s9 =	ssub.s32 s9, s29;
	s6 =	sadd.s32 $0x4E200, s6  }
0xb: {  	s5 =	sadd.s32 s28, s5;
	s13 =	sshrl.u32 s13, $0x3;
	s6 =	sshrl.u32 s6, $0x3  }
0xc: {  	s31 =	sshrl.u32 s5, $0x3;
	s10 =	sadd.s32 s6, s4;
	s4 =	sadd.s32 $0x15800, s4  }
0xd: {  	s6 =	sadd.s32 s7, s31;
	s7 =	smax.u32 s9, $0x1;
	s9 =	simm.s32 $0x1  }
0xe: {  	s5 =	sadd.s32 s4, s30;
	s8 =	sadd.s32 $0x1E00, s10;
	s10 =	simm.s32 $0x2710  }
.LBB2_1:
0xf: {  	s16 =	simm.s32 $0x0;
	s17 =	simm.s32 $0x0  }
.LBB2_2:
0x10: {  	p0 =	sne.s32 s17, $0x4D8  }
.Ltmp0:
0x11: {  	_ = 	snop;
	(pc) =	sbr.rel @p0 .LBB2_2-.Ltmp0, $4  }
0x12: {  	_ = 	snop  }
0x13: {  	s18 =	sadd.s32 s17, s8  }
0x14: {  	[tilespmem:s16], [sflag:$0x1] =	stream.linear.gather [hbm4b:s18+s3], $0x50, $0x38;
	[tilespmem:$0x5320] =	vst v63  }
0x15: {  	s17 =	sadd.s32 $0xA, s17;
	s16 =	sadd.s32 $0x50, s16  }
0x16: {  	_ =	swait.ge [sflag:s9], $0x50  }
0x17: {  	s16 =	simm.s32 $0x7C;
	[sflag:s9] =	ssyncset.done $0x0  }
.LBB2_4:
0x18: {  	p0 =	sne.s32 s16, $0x1;
	s16 =	sadd.s32 $0xFFFFFFFF, s16;
	[sflag:s9] =	ssyncadd.s32 $0xFFFFFFB0  }
.Ltmp1:
0x19: {  	(pc) =	sbr.rel @p0 .LBB2_4-.Ltmp1, $3  }
0x1a: {  	_ =	sdelay $0x1  }
0x1b: {  	_ =	swait.ge [sflag:s9], $0x50  }
0x1c: {  	[sflag:s9] =	ssyncset.done $0x0  }
0x1d: {  	[sflag:s9] =	ssyncadd.s32 $0xFFFFFFB0;
	s16 =	simm.s32 $0x0  }
0x1e: {  	[tilespmem:s10], [sflag:$0x2] =	stream.linear.gather [hbm4b:s4+s16], $0x500, $0x38;
	[tilespmem:$0x5320] =	vst v63  }
0x1f: {  	_ =	swait.ge [sflag:s11], $0x500  }
0x20: {  	[sflag:s11] =	ssyncset.done $0x0  }
0x21: {  	[sflag:s11] =	ssyncadd.s32 $0xFFFFFB00  }
0x22: {  	[spmem:s13], [sflag:s12] =	dma.local [hbm:s5], $0x4E2  }
0x23: {  	_ =	swait.ge [sflag:s11], $0x4E2  }
0x24: {  	[sflag:s11] =	ssyncset.done $0x0  }
0x25: {  	[sflag:s11] =	ssyncadd.s32 $0xFFFFFB1E  }
0x26: {  	s26 =	simm.s32 $0x0;
	[bflag:$0x0] =	sbarrier.arrive $0xFFFF  }
0x27: {  	[spmem:s2] =	stream.indirect.scatter.add.f32 [tilespmem:s10], [sflag:$0x1], $0x10, s26, s14, $0xb8;
	[tilespmem:$0x5320] =	vst v63  }
0x28: {  	s28 =	simm.s32 $0x50  }
0x29: {  	[spmem:s2] =	stream.indirect.scatter.add.f32 [tilespmem:s10], [sflag:$0x1], $0x10, s28, s14, $0xb8;
	[tilespmem:$0x5320] =	vst v63  }
0x2a: {  	s29 =	simm.s32 $0xA0  }
0x2b: {  	[spmem:s2] =	stream.indirect.scatter.add.f32 [tilespmem:s10], [sflag:$0x1], $0x10, s29, s14, $0xb8;
	[tilespmem:$0x5320] =	vst v63  }
0x2c: {  	s30 =	simm.s32 $0xF0  }
0x2d: {  	[spmem:s2] =	stream.indirect.scatter.add.f32 [tilespmem:s10], [sflag:$0x1], $0x10, s30, s14, $0xb8;
	[tilespmem:$0x5320] =	vst v63  }
0x2e: {  	s31 =	simm.s32 $0x140  }
0x2f: {  	[spmem:s2] =	stream.indirect.scatter.add.f32 [tilespmem:s10], [sflag:$0x1], $0x10, s31, s14, $0xb8;
	[tilespmem:$0x5320] =	vst v63  }
0x30: {  	_ =	swait.ge [sflag:s9], $0x500  }
0x31: {  	[sflag:s9] =	ssyncset.done $0x0  }
0x32: {  	[sflag:s9] =	ssyncadd.s32 $0xFFFFFB00  }
0x33: {  	_ =	swait.ge [sflag:s9], $0x500  }
0x34: {  	[sflag:s9] =	ssyncset.done $0x0  }
0x35: {  	[sflag:s9] =	ssyncadd.s32 $0xFFFFFB00  }
0x36: {  	_ =	swait.ge [sflag:s9], $0x500  }
0x37: {  	[sflag:s9] =	ssyncset.done $0x0  }
0x38: {  	[sflag:s9] =	ssyncadd.s32 $0xFFFFFB00  }
0x39: {  	_ =	swait.ge [sflag:s9], $0x500  }
0x3a: {  	[sflag:s9] =	ssyncset.done $0x0  }
0x3b: {  	[sflag:s9] =	ssyncadd.s32 $0xFFFFFB00  }
0x3c: {  	_ =	swait.ge [sflag:s9], $0x500  }
0x3d: {  	s17 =	simm.s32 $0xC80;
	s16 =	simm.s32 $0x640;
	[sflag:s9] =	ssyncset.done $0x0  }
.LBB2_6:
0x3e: {  	s18 =	sshra.s32 s16, $0x2  }
0x3f: {  	[sflag:s9] =	ssyncadd.s32 $0xFFFFFB00;
	s16 =	smov.u32 s17;
	s19 =	sadd.s32 $0x640, s17  }
0x40: {  	[spmem:s2] =	stream.indirect.scatter.add.f32 [tilespmem:s10], [sflag:$0x1], $0x10, s18, s14, $0xb8;
	[tilespmem:$0x5320] =	vst v63  }
0x41: {  	p0 =	sne.s32 s17, $0x9600;
	s17 =	sadd.s32 $0x50, s18  }
0x42: {  	[spmem:s2] =	stream.indirect.scatter.add.f32 [tilespmem:s10], [sflag:$0x1], $0x10, s17, s14, $0xb8;
	[tilespmem:$0x5320] =	vst v63  }
0x43: {  	s17 =	sadd.s32 $0xA0, s18  }
0x44: {  	[spmem:s2] =	stream.indirect.scatter.add.f32 [tilespmem:s10], [sflag:$0x1], $0x10, s17, s14, $0xb8;
	[tilespmem:$0x5320] =	vst v63  }
0x45: {  	s17 =	sadd.s32 $0xF0, s18  }
0x46: {  	[spmem:s2] =	stream.indirect.scatter.add.f32 [tilespmem:s10], [sflag:$0x1], $0x10, s17, s14, $0xb8;
	[tilespmem:$0x5320] =	vst v63  }
0x47: {  	s17 =	sadd.s32 $0x140, s18  }
0x48: {  	[spmem:s2] =	stream.indirect.scatter.add.f32 [tilespmem:s10], [sflag:$0x1], $0x10, s17, s14, $0xb8;
	[tilespmem:$0x5320] =	vst v63  }
0x49: {  	_ =	swait.ge [sflag:s9], $0x500  }
0x4a: {  	[sflag:s9] =	ssyncset.done $0x0  }
0x4b: {  	[sflag:s9] =	ssyncadd.s32 $0xFFFFFB00  }
0x4c: {  	_ =	swait.ge [sflag:s9], $0x500  }
0x4d: {  	[sflag:s9] =	ssyncset.done $0x0  }
0x4e: {  	[sflag:s9] =	ssyncadd.s32 $0xFFFFFB00  }
0x4f: {  	_ =	swait.ge [sflag:s9], $0x500  }
0x50: {  	[sflag:s9] =	ssyncset.done $0x0  }
0x51: {  	[sflag:s9] =	ssyncadd.s32 $0xFFFFFB00  }
.Ltmp2:
0x52: {  	_ =	swait.ge [sflag:s9], $0x500;
	(pc) =	sbr.rel @p0 .LBB2_6-.Ltmp2, $4  }
0x53: {  	[sflag:s9] =	ssyncset.done $0x0  }
0x54: {  	[sflag:s9] =	ssyncadd.s32 $0xFFFFFB00  }
0x55: {  	_ =	swait.ge [sflag:s9], $0x500  }
0x56: {  	s17 =	smov.u32 s19;
	[sflag:s9] =	ssyncset.done $0x0  }
0x57: {  	s16 =	sshra.s32 s16, $0x2;
	[sflag:s9] =	ssyncadd.s32 $0xFFFFFB00  }
0x58: {  	[spmem:s2] =	stream.indirect.scatter.add.f32 [tilespmem:s10], [sflag:$0x1], $0x10, s16, s14, $0xb8;
	[tilespmem:$0x5320] =	vst v63  }
0x59: {  	s17 =	sadd.s32 $0x50, s16  }
0x5a: {  	[spmem:s2] =	stream.indirect.scatter.add.f32 [tilespmem:s10], [sflag:$0x1], $0x10, s17, s14, $0xb8;
	[tilespmem:$0x5320] =	vst v63  }
0x5b: {  	s30 =	sadd.s32 $0xA0, s16  }
0x5c: {  	[spmem:s2] =	stream.indirect.scatter.add.f32 [tilespmem:s10], [sflag:$0x1], $0x10, s30, s14, $0xb8;
	[tilespmem:$0x5320] =	vst v63  }
0x5d: {  	s31 =	sadd.s32 $0xF0, s16  }
0x5e: {  	[spmem:s2] =	stream.indirect.scatter.add.f32 [tilespmem:s10], [sflag:$0x1], $0x10, s31, s14, $0xb8;
	[tilespmem:$0x5320] =	vst v63  }
0x5f: {  	s16 =	sadd.s32 $0x140, s16  }
0x60: {  	[spmem:s2] =	stream.indirect.scatter.add.f32 [tilespmem:s10], [sflag:$0x1], $0x10, s16, s14, $0xb8;
	[tilespmem:$0x5320] =	vst v63  }
0x61: {  	_ =	swait.ge [sflag:s9], $0x500  }
0x62: {  	[sflag:s9] =	ssyncset.done $0x0  }
0x63: {  	[sflag:s9] =	ssyncadd.s32 $0xFFFFFB00  }
0x64: {  	_ =	swait.ge [sflag:s9], $0x500  }
0x65: {  	[sflag:s9] =	ssyncset.done $0x0  }
0x66: {  	[sflag:s9] =	ssyncadd.s32 $0xFFFFFB00  }
0x67: {  	_ =	swait.ge [sflag:s9], $0x500  }
0x68: {  	[sflag:s9] =	ssyncset.done $0x0  }
0x69: {  	[sflag:s9] =	ssyncadd.s32 $0xFFFFFB00  }
0x6a: {  	_ =	swait.ge [sflag:s9], $0x500  }
0x6b: {  	[sflag:s9] =	ssyncset.done $0x0  }
0x6c: {  	[sflag:s9] =	ssyncadd.s32 $0xFFFFFB00  }
0x6d: {  	_ =	swait.ge [sflag:s9], $0x500  }
0x6e: {  	s15 =	sadd.s32 $0x1, s15;
	[sflag:s9] =	ssyncset.done $0x0  }
0x6f: {  	p0 =	sne.s32 s15, s7;
	[sflag:s9] =	ssyncadd.s32 $0xFFFFFB00  }
.Ltmp3:
0x70: {  	[bflag:$0x0] =	sbarrier.arrive $0xFFFF;
	(pc) =	sbr.rel @p0 .LBB2_1-.Ltmp3, $4  }
0x71: {  	[hbm:s6], [sflag:s12] =	dma.local [spmem:s13], $0x4E2  }
0x72: {  	_ =	swait.ge [sflag:s11], $0x4E2  }
0x73: {  	[sflag:s11] =	ssyncset.done $0x0  }
0x74: {  	[sflag:s11] =	ssyncadd.s32 $0xFFFFFB1E  }
0x75: {  	_ =	sfence.sel $0x180000  }
0x76: {  	[bflag:$0x0] =	sbarrier.arrive $0xFFFF  }
0x77: {  	p0 =	sne.s32 s0, $0x0;
	_ =	strace $0x90000047  }
0x78: {  	s0 =	sadd.s32 @!p0 $0x100000, s1;
	[bflag:$0x2] =	sbarrier.arrive $0xFFFF  }
0x79: {  	[sflag:s0] =	ssyncadd.tile.s32 @!p0 $0x1;
	_ =	shalt  }
.Lfunc_end2:
_tile_overlayer_lowered:
.L_overlay_start_2:
0x7a: {  	(tag) =	ssettag $0x2  }
0x7b: {  	s0 =	rddreg [dreg:$0x0];
	s2 =	stileid.u32  }
0x7c: {  	s1 =	rddreg [dreg:$0x1];
	p0 =	sne.s32 s2, $0x0  }
0x7d: {  	s3 =	rddreg [dreg:$0x2];
	[bflag:$0x3] =	sbarrier.arrive $0xFFFF;
	s2 =	simm.s32 @!p0 $0x1C02  }
0x7e: {  	[timem:s3], [sflag:s2] =	dma.local @!p0 [hbm:s0], s1  }
0x7f: {  	s0 =	simm.s32 @!p0 $0x2  }
0x80: {  	_ =	swait.ge @!p0 [sflag:s0], s1  }
0x81: {  	s1 =	ssub.s32 @!p0 $0x0, s1;
	[sflag:s0] =	ssyncset.done @!p0 $0x0  }
0x82: {  	[sflag:s0] =	ssyncadd.s32 @!p0 s1  }
0x83: {  	[bflag:$0x3] =	sbarrier.arrive $0xFFFF  }
0x84: {  	_ =	shalt  }

</sc_bundles>
